<compile_context>
chip_gen: v7x
topology: tpu7x:2x2x1
jax: 0.10.2.dev20260603
libtpu: 0.0.44.dev20260713+nightly
codegen_flags: <defaults>
</compile_context>

<pallas_src>
import functools

import jax
import jax.numpy as jnp
from jax import lax
from jax.experimental import pallas as pl
from jax.experimental.pallas import tpu as pltpu
from jax.experimental.pallas import tpu_sc as plsc

N = 50000
V = 5143
W = 8
D = 32
K = 9
NG = 41
VP = NG * 128
R = 512
NPAD = 50176
NK = N * K
NKP = 450048
NSB = NKP // 128
NMC = 440
TOPC = 5
PAD_COORD = 1e4


def _knn_body(c0t_ref, m_ref, idx_ref):
    c0tn = c0t_ref[...]
    vsq = 0.25 * jnp.sum(c0tn * c0tn, axis=0, keepdims=True)
    m = m_ref[...]
    msq = jnp.sum(m * m, axis=1, keepdims=True)
    mm = lax.dot_general(m, c0tn, (((1,), (0,)), ((), ())),
                         preferred_element_type=jnp.float32)
    d = msq + mm + vsq
    INF = jnp.float32(jnp.inf)
    BIG = jnp.float32(1e9)

    planes = [d[:, j * 128:(j + 1) * 128] for j in range(NG)]
    lane = lax.broadcasted_iota(jnp.int32, (1, 128), 1).astype(jnp.float32)

    def tree_lexmin(items):
        while len(items) > 1:
            nxt = []
            for a, b in zip(items[0::2], items[1::2]):
                take_a = a[0] <= b[0]
                nxt.append((jnp.where(take_a, a[0], b[0]),
                            jnp.where(take_a, a[1], b[1])))
            if len(items) % 2:
                nxt.append(items[-1])
            items = nxt
        return items[0]

    cand_v, cand_i = [], []
    for r in range(TOPC):
        mv, wv = tree_lexmin([(p, jnp.float32(j))
                              for j, p in enumerate(planes)])
        cand_v.append(mv)
        cand_i.append(wv * 128.0 + lane)
        if r < TOPC - 1:
            planes = [jnp.where(wv == jnp.float32(j), INF, p)
                      for j, p in enumerate(planes)]

    idxs = []
    for _ in range(K):
        m4 = functools.reduce(jnp.minimum, cand_v)
        mn = jnp.min(m4, axis=1, keepdims=True)
        i4 = functools.reduce(jnp.minimum, [
            jnp.where(v == mn, i, BIG) for v, i in zip(cand_v, cand_i)])
        am = jnp.min(i4, axis=1, keepdims=True)
        idxs.append(am)
        cand_v = [jnp.where(i == am, INF, v) for v, i in zip(cand_v, cand_i)]
    idx_ref[...] = jnp.concatenate(idxs, axis=1).astype(jnp.int32)


_knn_call = pl.pallas_call(
    _knn_body,
    grid=(NPAD // R,),
    in_specs=[
        pl.BlockSpec((8, VP), lambda i: (0, 0)),
        pl.BlockSpec((R, 8), lambda i: (i, 0)),
    ],
    out_specs=pl.BlockSpec((R, K), lambda i: (i, 0)),
    out_shape=jax.ShapeDtypeStruct((NPAD, K), jnp.int32),
)


def _sqrt_body(x_ref, o_ref):
    o_ref[...] = jnp.sqrt(x_ref[...] + 1e-12)


_sqrt_call = pl.pallas_call(
    _sqrt_body,
    grid=(1,),
    in_specs=[pl.BlockSpec((NSB, 128), lambda i: (0, 0))],
    out_specs=pl.BlockSpec((NSB, 128), lambda i: (0, 0)),
    out_shape=jax.ShapeDtypeStruct((NSB, 128), jnp.float32),
)


def _emit_macro(mc, nsb, wrows, idx_hbm, ql_hbm, mot_hbm, lat_hbm, c8_hbm,
                means_hbm, out_mot, out_lat, out_d2,
                idx_v, ql_v, mot_v, lat_v, c8_v, mns_v, d2_v,
                sem_m, sem_l, sem_c):
    sb0 = pl.multiple_of(mc * 8, 8)
    base = pl.multiple_of(mc * 1024, 1024)
    pltpu.sync_copy(idx_hbm.at[pl.ds(sb0, nsb)], idx_v.at[pl.ds(0, nsb)])
    pltpu.sync_copy(ql_hbm.at[pl.ds(base, 1024)], ql_v)
    q0 = pl.multiple_of((base // K) & ~7, 8)
    pltpu.sync_copy(means_hbm.at[pl.ds(q0, 128)], mns_v)
    cps = []
    for j in range(nsb):
        cps.append(pltpu.async_copy(
            mot_hbm.at[idx_v.at[j]], mot_v.at[pl.ds(j * 128, 128)], sem_m))
        cps.append(pltpu.async_copy(
            lat_hbm.at[idx_v.at[j]], lat_v.at[pl.ds(j * 128, 128)], sem_l))
        cps.append(pltpu.async_copy(
            c8_hbm.at[idx_v.at[j]], c8_v.at[pl.ds(j * 128, 128)], sem_c))
    for cp in cps:
        cp.wait()

    def dist_body(t, carry):
        rloc = t * 16 + lax.iota(jnp.int32, 16)
        qloc = ql_v[pl.ds(t * 16, 16)]
        acc = jnp.zeros((16,), jnp.float32)
        for c in range(8):
            cvec = jnp.full((16,), c, jnp.int32)
            cc = plsc.load_gather(c8_v, [rloc, cvec])
            mmc = plsc.load_gather(mns_v, [qloc, cvec])
            df = mmc - cc
            acc = acc + df * df
        d2_v[pl.ds(t * 16, 16)] = acc
        return carry

    lax.fori_loop(0, wrows // 16, dist_body, 0)

    pltpu.sync_copy(mot_v.at[pl.ds(0, wrows)], out_mot.at[pl.ds(base, wrows)])
    pltpu.sync_copy(lat_v.at[pl.ds(0, wrows)], out_lat.at[pl.ds(base, wrows)])
    pltpu.sync_copy(d2_v.at[pl.ds(0, wrows)], out_d2.at[pl.ds(base, wrows)])


def _make_gather():
    info = plsc.get_sparse_core_info()
    nc = info.num_cores
    nw = nc * info.num_subcores

    mesh = plsc.VectorSubcoreMesh(core_axis_name="c", subcore_axis_name="s")

    @functools.partial(
        pl.kernel, mesh=mesh,
        compiler_params=pltpu.CompilerParams(use_tc_tiling_on_sc=False,
                                             needs_layout_passes=False),
        out_type=[
            jax.ShapeDtypeStruct((NK, W * 3), jnp.float32),
            jax.ShapeDtypeStruct((NK, D), jnp.float32),
            jax.ShapeDtypeStruct((NKP,), jnp.float32),
        ],
        scratch_types=[
            pltpu.VMEM((8, 128), jnp.int32),
            pltpu.VMEM((1024,), jnp.int32),
            pltpu.VMEM((1024, W * 3), jnp.float32),
            pltpu.VMEM((1024, D), jnp.float32),
            pltpu.VMEM((1024, 8), jnp.float32),
            pltpu.VMEM((128, 8), jnp.float32),
            pltpu.VMEM((1024,), jnp.float32),
            pltpu.SemaphoreType.DMA,
            pltpu.SemaphoreType.DMA,
            pltpu.SemaphoreType.DMA,
        ],
    )
    def gather(idx_hbm, ql_hbm, mot_hbm, lat_hbm, c8_hbm, means_hbm,
               out_mot, out_lat, out_d2,
               idx_v, ql_v, mot_v, lat_v, c8_v, mns_v, d2_v,
               sem_m, sem_l, sem_c):
        wid = lax.axis_index("s") * nc + lax.axis_index("c")

        def body(i, carry):
            mc = i * nw + wid
            args = (idx_hbm, ql_hbm, mot_hbm, lat_hbm, c8_hbm, means_hbm,
                    out_mot, out_lat, out_d2,
                    idx_v, ql_v, mot_v, lat_v, c8_v, mns_v, d2_v,
                    sem_m, sem_l, sem_c)

            @pl.when(mc < NMC - 1)
            def _():
                _emit_macro(mc, 8, 1024, *args)

            @pl.when(mc == NMC - 1)
            def _():
                _emit_macro(mc, 4, NK - (NMC - 1) * 1024, *args)

            return carry

        lax.fori_loop(0, (NMC + nw - 1) // nw, body, 0)

    return gather


def kernel(means, vertex_positions, canonical_vertex_positions, latents_table):
    c0 = canonical_vertex_positions[0]
    vm = vertex_positions - canonical_vertex_positions
    motion = jnp.transpose(vm, (1, 0, 2)).reshape(V, W * 3)
    c8 = jnp.zeros((V, 8), jnp.float32).at[:, :3].set(c0)

    c0t = jnp.zeros((8, VP), jnp.float32)
    c0t = c0t.at[:3, :V].set(c0.T)
    c0t = c0t.at[:3, V:].set(PAD_COORD)
    c0t = -2.0 * c0t
    means_p = jnp.zeros((NPAD, 8), jnp.float32).at[:N, :3].set(means)

    knn_idx = _knn_call(c0t, means_p)

    idx_flat = knn_idx[:N].reshape(NK)
    idx2d = jnp.pad(idx_flat, (0, NKP - NK)).reshape(NSB, 128)
    rows = jnp.arange(NKP, dtype=jnp.int32)
    qloc = rows // K - (((rows // 1024) * 1024) // K & ~7)

    out_mot, out_lat, d2 = _make_gather()(idx2d, qloc, motion, latents_table,
                                          c8, means_p)
    dists = _sqrt_call(d2.reshape(NSB, 128)).reshape(NKP)[:NK]

    return (out_mot.reshape(N, K, W * 3),
            out_lat.reshape(N, K, D),
            dists.reshape(N, K, 1))

# --- scband reference (transcript-rebuilt; emitter-appended) ---
"""Pipeline reference for scband-flame-latents-11295763988789 (READ-ONLY COPY).

The authoritative reference and input builder live on the scoring server;
editing this copy changes nothing except your own understanding.
"""

import jax, jax.numpy as jnp
import numpy as np

N_GAUSSIANS = 50000
N_VERTICES = 5143
WINDOW_SIZE = 8
LATENT_DIM = 32
K = 9  # receptive_field


def setup_inputs(seed: int = 0) -> dict:
    key = jax.random.key(seed)
    k1, k2, k3, k4 = jax.random.split(key, 4)
    means = jax.random.normal(k1, (N_GAUSSIANS, 3), dtype=jnp.float32)
    # vertex_positions stands in for self.flame_head.forward(flame_params),
    # repeated over the window: [window_size, n_vertices, 3]
    vertex_positions = jax.random.normal(k2, (WINDOW_SIZE, N_VERTICES, 3), dtype=jnp.float32)
    # canonical_vertex_positions buffer: [window_size, n_vertices, 3] (same canonical
    # positions repeated over window, but we allow arbitrary values)
    canonical_vertex_positions = jax.random.normal(k3, (WINDOW_SIZE, N_VERTICES, 3), dtype=jnp.float32)
    # nn.Embedding(n_vertices, flame_latent_dim) weight
    latents_table = jax.random.normal(k4, (N_VERTICES, LATENT_DIM), dtype=jnp.float32)
    return {
        "means": means,
        "vertex_positions": vertex_positions,
        "canonical_vertex_positions": canonical_vertex_positions,
        "latents_table": latents_table,
    }


def reference(means, vertex_positions, canonical_vertex_positions, latents_table):
    # --- knn(means) against canonical vertex positions (window dim is a repeat,
    # so use slice 0 as the key set) ---
    canon0 = canonical_vertex_positions[0]  # [V, 3]
    # squared euclidean distances [N, V]
    d2 = (
        jnp.sum(means * means, axis=1, keepdims=True)
        - 2.0 * (means @ canon0.T)
        + jnp.sum(canon0 * canon0, axis=1)[None, :]
    )
    _, knn_indices = jax.lax.top_k(-d2, K)  # [N, K]

    # --- vertex motion over the window ---
    vertex_motion = vertex_positions - canonical_vertex_positions  # [W, V, 3]
    # flatten window*xyz per vertex -> [V, W*3]
    motion_per_vertex = jnp.transpose(vertex_motion, (1, 0, 2)).reshape(N_VERTICES, WINDOW_SIZE * 3)

    # --- gather per-gaussian knn quantities ---
    knn_motion = jnp.take(motion_per_vertex, knn_indices, axis=0)  # [N, K, W*3]
    knn_latents = jnp.take(latents_table, knn_indices, axis=0)  # [N, K, latent_dim]
    diff = means[:, None, :] - jnp.take(canon0, knn_indices, axis=0)  # [N, K, 3]
    knn_dists = jnp.sqrt(jnp.sum(diff * diff, axis=-1, keepdims=True) + 1e-12)  # [N, K, 1]
    return knn_motion, knn_latents, knn_dists

if __name__ == "__main__":
    import jax
    _d = setup_inputs()
    print(jax.jit(kernel)(*tuple(_d.values())))

</pallas_src>

<mosaic_0001>
#map = affine_map<(d0, d1) -> (0, 0)>
#map1 = affine_map<(d0, d1) -> (0)>
module attributes {stable_mosaic.version = 14 : i64} {
  func.func @gather(%arg0: i32, %arg1: i32, %arg2: memref<3516x128xi32, #tpu.memory_space<hbm>>, %arg3: memref<450048xi32, #tpu.memory_space<hbm>>, %arg4: memref<5143x24xf32, #tpu.memory_space<hbm>>, %arg5: memref<5143x32xf32, #tpu.memory_space<hbm>>, %arg6: memref<5143x8xf32, #tpu.memory_space<hbm>>, %arg7: memref<50176x8xf32, #tpu.memory_space<hbm>>, %arg8: memref<450000x24xf32, #tpu.memory_space<hbm>>, %arg9: memref<450000x32xf32, #tpu.memory_space<hbm>>, %arg10: memref<450048xf32, #tpu.memory_space<hbm>>, %arg11: memref<8x128xi32, #tpu.memory_space<vmem>>, %arg12: memref<1024xi32, #tpu.memory_space<vmem>>, %arg13: memref<1024x24xf32, #tpu.memory_space<vmem>>, %arg14: memref<1024x32xf32, #tpu.memory_space<vmem>>, %arg15: memref<1024x8xf32, #tpu.memory_space<vmem>>, %arg16: memref<128x8xf32, #tpu.memory_space<vmem>>, %arg17: memref<1024xf32, #tpu.memory_space<vmem>>, %arg18: memref<!tpu.dma_semaphore, #tpu.memory_space<semaphore_mem>>, %arg19: memref<!tpu.dma_semaphore, #tpu.memory_space<semaphore_mem>>, %arg20: memref<!tpu.dma_semaphore, #tpu.memory_space<semaphore_mem>>) attributes {dimension_semantics = [#tpu.dimension_semantics<core_parallel>, #tpu.dimension_semantics<subcore_parallel>], iteration_bounds = array<i64: 2, 16>, scalar_prefetch = 0 : i64, scratch_operands = 10 : i64, tpu.core_type = #tpu.core_type<sc_vector_subcore>, window_params = [{transform_indices = #map}, {transform_indices = #map1}, {transform_indices = #map}, {transform_indices = #map}, {transform_indices = #map}, {transform_indices = #map}, {transform_indices = #map}, {transform_indices = #map}, {transform_indices = #map1}]} {
    %mul3A = arith.constant 2 : i32
    %mul3A_0 = arith.muli %arg1, %mul3A : i32
    %add3A = arith.addi %mul3A_0, %arg0 : i32
    %scan3A = arith.constant 0 : i32
    %scan3A_1 = arith.constant 0 : i32
    %scan3A_2 = arith.constant 14 : i32
    %scan3A_3 = arith.addi %scan3A_1, %scan3A_2 : i32
    %scan3A_4 = arith.constant 1 : i32
    scf.for %scan3A_6 = %scan3A_1 to %scan3A_3 step %scan3A_4  : i32 {
      %mul3A_7 = arith.constant 32 : i32
      %mul3A_8 = arith.muli %scan3A_6, %mul3A_7 : i32
      %add3A_9 = arith.addi %mul3A_8, %add3A : i32
      %lt3A = arith.constant 439 : i32
      %lt3A_10 = arith.cmpi slt, %add3A_9, %lt3A : i32
      %convert_element_type3A = arith.extui %lt3A_10 : i1 to i32
      %cond3A = arith.constant 0 : i32
      %cond3A_11 = arith.cmpi ne, %convert_element_type3A, %cond3A : i32
      scf.if %cond3A_11 {
        %mul3A_16 = arith.constant 8 : i32
        %mul3A_17 = arith.muli %add3A_9, %mul3A_16 : i32
        %multiple_of3A = tpu.assume_multiple %mul3A_17, 8 : i32
        %mul3A_18 = arith.constant 1024 : i32
        %mul3A_19 = arith.muli %add3A_9, %mul3A_18 : i32
        %multiple_of3A_20 = tpu.assume_multiple %mul3A_19, 1024 : i32
        "tpu.region"() ({
          %run_scoped3A = tpu.sem_alloc : memref<!tpu.dma_semaphore, #tpu.memory_space<semaphore_mem>>
          %dma_start3A_524 = arith.constant 0 : i32
          %dma_start3A_525 = arith.constant 0 : i32
          %dma_start3A_526 = tpu.memref_slice %arg11[%dma_start3A_524, %dma_start3A_525] : memref<8x128xi32, #tpu.memory_space<vmem>> -> memref<8x128xi32, #tpu.memory_space<vmem>>
          %dma_start3A_527 = arith.constant 0 : i32
          %dma_start3A_528 = tpu.memref_slice %arg2[%multiple_of3A, %dma_start3A_527] : memref<3516x128xi32, #tpu.memory_space<hbm>> -> memref<8x128xi32, #tpu.memory_space<hbm>>
          %dma_start3A_529 = arith.constant 0 : i32
          %dma_start3A_530 = arith.constant 0 : i32
          %dma_start3A_531 = tpu.memref_slice %arg11[%dma_start3A_529, %dma_start3A_530] : memref<8x128xi32, #tpu.memory_space<vmem>> -> memref<8x128xi32, #tpu.memory_space<vmem>>
          %dma_start3A_532 = arith.constant 0 : i32
          %dma_start3A_533 = tpu.memref_slice %arg2[%multiple_of3A, %dma_start3A_532] : memref<3516x128xi32, #tpu.memory_space<hbm>> -> memref<8x128xi32, #tpu.memory_space<hbm>>
          tpu.enqueue_dma source(%dma_start3A_533 : memref<8x128xi32, #tpu.memory_space<hbm>>) target(%dma_start3A_531 : memref<8x128xi32, #tpu.memory_space<vmem>>) target_semaphore(%run_scoped3A : memref<!tpu.dma_semaphore, #tpu.memory_space<semaphore_mem>>)
          %dma_wait3A_534 = arith.constant 0 : i32
          %dma_wait3A_535 = arith.constant 0 : i32
          %dma_wait3A_536 = tpu.memref_slice %arg11[%dma_wait3A_534, %dma_wait3A_535] : memref<8x128xi32, #tpu.memory_space<vmem>> -> memref<8x128xi32, #tpu.memory_space<vmem>>
          %dma_wait3A_537 = arith.constant 0 : i32
          %dma_wait3A_538 = tpu.memref_slice %arg2[%multiple_of3A, %dma_wait3A_537] : memref<3516x128xi32, #tpu.memory_space<hbm>> -> memref<8x128xi32, #tpu.memory_space<hbm>>
          %dma_wait3A_539 = arith.constant 0 : i32
          %dma_wait3A_540 = arith.constant 0 : i32
          %dma_wait3A_541 = tpu.memref_slice %arg11[%dma_wait3A_539, %dma_wait3A_540] : memref<8x128xi32, #tpu.memory_space<vmem>> -> memref<8x128xi32, #tpu.memory_space<vmem>>
          %dma_wait3A_542 = arith.constant 0 : i32
          %dma_wait3A_543 = tpu.memref_slice %arg2[%multiple_of3A, %dma_wait3A_542] : memref<3516x128xi32, #tpu.memory_space<hbm>> -> memref<8x128xi32, #tpu.memory_space<hbm>>
          tpu.wait_dma2 semaphore(%run_scoped3A : memref<!tpu.dma_semaphore, #tpu.memory_space<semaphore_mem>>) src(%dma_wait3A_543 : memref<8x128xi32, #tpu.memory_space<hbm>>) dst(%dma_wait3A_541 : memref<8x128xi32, #tpu.memory_space<vmem>>)
          tpu.yield
        }) : () -> ()
        "tpu.region"() ({
          %run_scoped3A = tpu.sem_alloc : memref<!tpu.dma_semaphore, #tpu.memory_space<semaphore_mem>>
          %dma_start3A_524 = tpu.memref_slice %arg3[%multiple_of3A_20] : memref<450048xi32, #tpu.memory_space<hbm>> -> memref<1024xi32, #tpu.memory_space<hbm>>
          %dma_start3A_525 = tpu.memref_slice %arg3[%multiple_of3A_20] : memref<450048xi32, #tpu.memory_space<hbm>> -> memref<1024xi32, #tpu.memory_space<hbm>>
          tpu.enqueue_dma source(%dma_start3A_525 : memref<1024xi32, #tpu.memory_space<hbm>>) target(%arg12 : memref<1024xi32, #tpu.memory_space<vmem>>) target_semaphore(%run_scoped3A : memref<!tpu.dma_semaphore, #tpu.memory_space<semaphore_mem>>)
          %dma_wait3A_526 = tpu.memref_slice %arg3[%multiple_of3A_20] : memref<450048xi32, #tpu.memory_space<hbm>> -> memref<1024xi32, #tpu.memory_space<hbm>>
          %dma_wait3A_527 = tpu.memref_slice %arg3[%multiple_of3A_20] : memref<450048xi32, #tpu.memory_space<hbm>> -> memref<1024xi32, #tpu.memory_space<hbm>>
          tpu.wait_dma2 semaphore(%run_scoped3A : memref<!tpu.dma_semaphore, #tpu.memory_space<semaphore_mem>>) src(%dma_wait3A_527 : memref<1024xi32, #tpu.memory_space<hbm>>) dst(%arg12 : memref<1024xi32, #tpu.memory_space<vmem>>)
          tpu.yield
        }) : () -> ()
        %jit3A = arith.constant 9 : i32
        %div3A = arith.divsi %multiple_of3A_20, %jit3A : i32
        %sign3A = arith.constant 0 : i32
        %sign3A_21 = arith.cmpi sgt, %multiple_of3A_20, %sign3A : i32
        %sign3A_22 = arith.extui %sign3A_21 : i1 to i32
        %sign3A_23 = arith.constant 0 : i32
        %sign3A_24 = arith.cmpi slt, %multiple_of3A_20, %sign3A_23 : i32
        %sign3A_25 = arith.extui %sign3A_24 : i1 to i32
        %sign3A_26 = arith.subi %sign3A_22, %sign3A_25 : i32
        %sign3A_27 = arith.constant 0 : i32
        %sign3A_28 = arith.cmpi sgt, %jit3A, %sign3A_27 : i32
        %sign3A_29 = arith.extui %sign3A_28 : i1 to i32
        %sign3A_30 = arith.constant 0 : i32
        %sign3A_31 = arith.cmpi slt, %jit3A, %sign3A_30 : i32
        %sign3A_32 = arith.extui %sign3A_31 : i1 to i32
        %sign3A_33 = arith.subi %sign3A_29, %sign3A_32 : i32
        %ne3A = arith.cmpi ne, %sign3A_26, %sign3A_33 : i32
        %rem3A = arith.remsi %multiple_of3A_20, %jit3A : i32
        %ne3A_34 = arith.constant 0 : i32
        %ne3A_35 = arith.cmpi ne, %rem3A, %ne3A_34 : i32
        %and3A = arith.andi %ne3A, %ne3A_35 : i1
        %sub3A = arith.constant 1 : i32
        %sub3A_36 = arith.subi %div3A, %sub3A : i32
        %select_n3A = arith.select %and3A, %sub3A_36, %div3A : i32
        %and3A_37 = arith.constant -8 : i32
        %and3A_38 = arith.andi %select_n3A, %and3A_37 : i32
        %multiple_of3A_39 = tpu.assume_multiple %and3A_38, 8 : i32
        "tpu.region"() ({
          %run_scoped3A = tpu.sem_alloc : memref<!tpu.dma_semaphore, #tpu.memory_space<semaphore_mem>>
          %dma_start3A_524 = arith.constant 0 : i32
          %dma_start3A_525 = tpu.memref_slice %arg7[%multiple_of3A_39, %dma_start3A_524] : memref<50176x8xf32, #tpu.memory_space<hbm>> -> memref<128x8xf32, #tpu.memory_space<hbm>>
          %dma_start3A_526 = arith.constant 0 : i32
          %dma_start3A_527 = tpu.memref_slice %arg7[%multiple_of3A_39, %dma_start3A_526] : memref<50176x8xf32, #tpu.memory_space<hbm>> -> memref<128x8xf32, #tpu.memory_space<hbm>>
          tpu.enqueue_dma source(%dma_start3A_527 : memref<128x8xf32, #tpu.memory_space<hbm>>) target(%arg16 : memref<128x8xf32, #tpu.memory_space<vmem>>) target_semaphore(%run_scoped3A : memref<!tpu.dma_semaphore, #tpu.memory_space<semaphore_mem>>)
          %dma_wait3A_528 = arith.constant 0 : i32
          %dma_wait3A_529 = tpu.memref_slice %arg7[%multiple_of3A_39, %dma_wait3A_528] : memref<50176x8xf32, #tpu.memory_space<hbm>> -> memref<128x8xf32, #tpu.memory_space<hbm>>
          %dma_wait3A_530 = arith.constant 0 : i32
          %dma_wait3A_531 = tpu.memref_slice %arg7[%multiple_of3A_39, %dma_wait3A_530] : memref<50176x8xf32, #tpu.memory_space<hbm>> -> memref<128x8xf32, #tpu.memory_space<hbm>>
          tpu.wait_dma2 semaphore(%run_scoped3A : memref<!tpu.dma_semaphore, #tpu.memory_space<semaphore_mem>>) src(%dma_wait3A_531 : memref<128x8xf32, #tpu.memory_space<hbm>>) dst(%arg16 : memref<128x8xf32, #tpu.memory_space<vmem>>)
          tpu.yield
        }) : () -> ()
        %dma_start3A = arith.constant 0 : i32
        %dma_start3A_40 = arith.constant 0 : i32
        %dma_start3A_41 = arith.constant 0 : i32
        %dma_start3A_42 = tpu.memref_slice %arg13[%dma_start3A_40, %dma_start3A_41] : memref<1024x24xf32, #tpu.memory_space<vmem>> -> memref<128x24xf32, #tpu.memory_space<vmem>>
        %dma_start3A_43 = arith.constant 0 : i32
        %dma_start3A_44 = tpu.memref_slice %arg11[%dma_start3A, %dma_start3A_43] : memref<8x128xi32, #tpu.memory_space<vmem>> -> memref<1x128xi32, #tpu.memory_space<vmem>>
        %dma_start3A_45 = tpu.memref_squeeze %dma_start3A_44 : memref<1x128xi32, #tpu.memory_space<vmem>> -> memref<128xi32, #tpu.memory_space<vmem>>
        %dma_start3A_46 = arith.constant 0 : i32
        %dma_start3A_47 = arith.constant 0 : i32
        %dma_start3A_48 = tpu.memref_slice %arg4[%dma_start3A_46, %dma_start3A_47] : memref<5143x24xf32, #tpu.memory_space<hbm>> -> memref<5143x24xf32, #tpu.memory_space<hbm>>
        tpu.enqueue_indirect_dma source(%dma_start3A_48 : memref<5143x24xf32, #tpu.memory_space<hbm>>) target(%dma_start3A_42 : memref<128x24xf32, #tpu.memory_space<vmem>>) offsets(%dma_start3A_45 : memref<128xi32, #tpu.memory_space<vmem>>) semaphore(%arg18 : memref<!tpu.dma_semaphore, #tpu.memory_space<semaphore_mem>>)
        %dma_start3A_49 = arith.constant 0 : i32
        %dma_start3A_50 = arith.constant 0 : i32
        %dma_start3A_51 = arith.constant 0 : i32
        %dma_start3A_52 = tpu.memref_slice %arg14[%dma_start3A_50, %dma_start3A_51] : memref<1024x32xf32, #tpu.memory_space<vmem>> -> memref<128x32xf32, #tpu.memory_space<vmem>>
        %dma_start3A_53 = arith.constant 0 : i32
        %dma_start3A_54 = tpu.memref_slice %arg11[%dma_start3A_49, %dma_start3A_53] : memref<8x128xi32, #tpu.memory_space<vmem>> -> memref<1x128xi32, #tpu.memory_space<vmem>>
        %dma_start3A_55 = tpu.memref_squeeze %dma_start3A_54 : memref<1x128xi32, #tpu.memory_space<vmem>> -> memref<128xi32, #tpu.memory_space<vmem>>
        %dma_start3A_56 = arith.constant 0 : i32
        %dma_start3A_57 = arith.constant 0 : i32
        %dma_start3A_58 = tpu.memref_slice %arg5[%dma_start3A_56, %dma_start3A_57] : memref<5143x32xf32, #tpu.memory_space<hbm>> -> memref<5143x32xf32, #tpu.memory_space<hbm>>
        tpu.enqueue_indirect_dma source(%dma_start3A_58 : memref<5143x32xf32, #tpu.memory_space<hbm>>) target(%dma_start3A_52 : memref<128x32xf32, #tpu.memory_space<vmem>>) offsets(%dma_start3A_55 : memref<128xi32, #tpu.memory_space<vmem>>) semaphore(%arg19 : memref<!tpu.dma_semaphore, #tpu.memory_space<semaphore_mem>>)
        %dma_start3A_59 = arith.constant 0 : i32
        %dma_start3A_60 = arith.constant 0 : i32
        %dma_start3A_61 = arith.constant 0 : i32
        %dma_start3A_62 = tpu.memref_slice %arg15[%dma_start3A_60, %dma_start3A_61] : memref<1024x8xf32, #tpu.memory_space<vmem>> -> memref<128x8xf32, #tpu.memory_space<vmem>>
        %dma_start3A_63 = arith.constant 0 : i32
        %dma_start3A_64 = tpu.memref_slice %arg11[%dma_start3A_59, %dma_start3A_63] : memref<8x128xi32, #tpu.memory_space<vmem>> -> memref<1x128xi32, #tpu.memory_space<vmem>>
        %dma_start3A_65 = tpu.memref_squeeze %dma_start3A_64 : memref<1x128xi32, #tpu.memory_space<vmem>> -> memref<128xi32, #tpu.memory_space<vmem>>
        %dma_start3A_66 = arith.constant 0 : i32
        %dma_start3A_67 = arith.constant 0 : i32
        %dma_start3A_68 = tpu.memref_slice %arg6[%dma_start3A_66, %dma_start3A_67] : memref<5143x8xf32, #tpu.memory_space<hbm>> -> memref<5143x8xf32, #tpu.memory_space<hbm>>
        tpu.enqueue_indirect_dma source(%dma_start3A_68 : memref<5143x8xf32, #tpu.memory_space<hbm>>) target(%dma_start3A_62 : memref<128x8xf32, #tpu.memory_space<vmem>>) offsets(%dma_start3A_65 : memref<128xi32, #tpu.memory_space<vmem>>) semaphore(%arg20 : memref<!tpu.dma_semaphore, #tpu.memory_space<semaphore_mem>>)
        %dma_start3A_69 = arith.constant 1 : i32
        %dma_start3A_70 = arith.constant 128 : i32
        %dma_start3A_71 = arith.constant 0 : i32
        %dma_start3A_72 = tpu.memref_slice %arg13[%dma_start3A_70, %dma_start3A_71] : memref<1024x24xf32, #tpu.memory_space<vmem>> -> memref<128x24xf32, #tpu.memory_space<vmem>>
        %dma_start3A_73 = arith.constant 0 : i32
        %dma_start3A_74 = tpu.memref_slice %arg11[%dma_start3A_69, %dma_start3A_73] : memref<8x128xi32, #tpu.memory_space<vmem>> -> memref<1x128xi32, #tpu.memory_space<vmem>>
        %dma_start3A_75 = tpu.memref_squeeze %dma_start3A_74 : memref<1x128xi32, #tpu.memory_space<vmem>> -> memref<128xi32, #tpu.memory_space<vmem>>
        %dma_start3A_76 = arith.constant 0 : i32
        %dma_start3A_77 = arith.constant 0 : i32
        %dma_start3A_78 = tpu.memref_slice %arg4[%dma_start3A_76, %dma_start3A_77] : memref<5143x24xf32, #tpu.memory_space<hbm>> -> memref<5143x24xf32, #tpu.memory_space<hbm>>
        tpu.enqueue_indirect_dma source(%dma_start3A_78 : memref<5143x24xf32, #tpu.memory_space<hbm>>) target(%dma_start3A_72 : memref<128x24xf32, #tpu.memory_space<vmem>>) offsets(%dma_start3A_75 : memref<128xi32, #tpu.memory_space<vmem>>) semaphore(%arg18 : memref<!tpu.dma_semaphore, #tpu.memory_space<semaphore_mem>>)
        %dma_start3A_79 = arith.constant 1 : i32
        %dma_start3A_80 = arith.constant 128 : i32
        %dma_start3A_81 = arith.constant 0 : i32
        %dma_start3A_82 = tpu.memref_slice %arg14[%dma_start3A_80, %dma_start3A_81] : memref<1024x32xf32, #tpu.memory_space<vmem>> -> memref<128x32xf32, #tpu.memory_space<vmem>>
        %dma_start3A_83 = arith.constant 0 : i32
        %dma_start3A_84 = tpu.memref_slice %arg11[%dma_start3A_79, %dma_start3A_83] : memref<8x128xi32, #tpu.memory_space<vmem>> -> memref<1x128xi32, #tpu.memory_space<vmem>>
        %dma_start3A_85 = tpu.memref_squeeze %dma_start3A_84 : memref<1x128xi32, #tpu.memory_space<vmem>> -> memref<128xi32, #tpu.memory_space<vmem>>
        %dma_start3A_86 = arith.constant 0 : i32
        %dma_start3A_87 = arith.constant 0 : i32
        %dma_start3A_88 = tpu.memref_slice %arg5[%dma_start3A_86, %dma_start3A_87] : memref<5143x32xf32, #tpu.memory_space<hbm>> -> memref<5143x32xf32, #tpu.memory_space<hbm>>
        tpu.enqueue_indirect_dma source(%dma_start3A_88 : memref<5143x32xf32, #tpu.memory_space<hbm>>) target(%dma_start3A_82 : memref<128x32xf32, #tpu.memory_space<vmem>>) offsets(%dma_start3A_85 : memref<128xi32, #tpu.memory_space<vmem>>) semaphore(%arg19 : memref<!tpu.dma_semaphore, #tpu.memory_space<semaphore_mem>>)
        %dma_start3A_89 = arith.constant 1 : i32
        %dma_start3A_90 = arith.constant 128 : i32
        %dma_start3A_91 = arith.constant 0 : i32
        %dma_start3A_92 = tpu.memref_slice %arg15[%dma_start3A_90, %dma_start3A_91] : memref<1024x8xf32, #tpu.memory_space<vmem>> -> memref<128x8xf32, #tpu.memory_space<vmem>>
        %dma_start3A_93 = arith.constant 0 : i32
        %dma_start3A_94 = tpu.memref_slice %arg11[%dma_start3A_89, %dma_start3A_93] : memref<8x128xi32, #tpu.memory_space<vmem>> -> memref<1x128xi32, #tpu.memory_space<vmem>>
        %dma_start3A_95 = tpu.memref_squeeze %dma_start3A_94 : memref<1x128xi32, #tpu.memory_space<vmem>> -> memref<128xi32, #tpu.memory_space<vmem>>
        %dma_start3A_96 = arith.constant 0 : i32
        %dma_start3A_97 = arith.constant 0 : i32
        %dma_start3A_98 = tpu.memref_slice %arg6[%dma_start3A_96, %dma_start3A_97] : memref<5143x8xf32, #tpu.memory_space<hbm>> -> memref<5143x8xf32, #tpu.memory_space<hbm>>
        tpu.enqueue_indirect_dma source(%dma_start3A_98 : memref<5143x8xf32, #tpu.memory_space<hbm>>) target(%dma_start3A_92 : memref<128x8xf32, #tpu.memory_space<vmem>>) offsets(%dma_start3A_95 : memref<128xi32, #tpu.memory_space<vmem>>) semaphore(%arg20 : memref<!tpu.dma_semaphore, #tpu.memory_space<semaphore_mem>>)
        %dma_start3A_99 = arith.constant 2 : i32
        %dma_start3A_100 = arith.constant 256 : i32
        %dma_start3A_101 = arith.constant 0 : i32
        %dma_start3A_102 = tpu.memref_slice %arg13[%dma_start3A_100, %dma_start3A_101] : memref<1024x24xf32, #tpu.memory_space<vmem>> -> memref<128x24xf32, #tpu.memory_space<vmem>>
        %dma_start3A_103 = arith.constant 0 : i32
        %dma_start3A_104 = tpu.memref_slice %arg11[%dma_start3A_99, %dma_start3A_103] : memref<8x128xi32, #tpu.memory_space<vmem>> -> memref<1x128xi32, #tpu.memory_space<vmem>>
        %dma_start3A_105 = tpu.memref_squeeze %dma_start3A_104 : memref<1x128xi32, #tpu.memory_space<vmem>> -> memref<128xi32, #tpu.memory_space<vmem>>
        %dma_start3A_106 = arith.constant 0 : i32
        %dma_start3A_107 = arith.constant 0 : i32
        %dma_start3A_108 = tpu.memref_slice %arg4[%dma_start3A_106, %dma_start3A_107] : memref<5143x24xf32, #tpu.memory_space<hbm>> -> memref<5143x24xf32, #tpu.memory_space<hbm>>
        tpu.enqueue_indirect_dma source(%dma_start3A_108 : memref<5143x24xf32, #tpu.memory_space<hbm>>) target(%dma_start3A_102 : memref<128x24xf32, #tpu.memory_space<vmem>>) offsets(%dma_start3A_105 : memref<128xi32, #tpu.memory_space<vmem>>) semaphore(%arg18 : memref<!tpu.dma_semaphore, #tpu.memory_space<semaphore_mem>>)
        %dma_start3A_109 = arith.constant 2 : i32
        %dma_start3A_110 = arith.constant 256 : i32
        %dma_start3A_111 = arith.constant 0 : i32
        %dma_start3A_112 = tpu.memref_slice %arg14[%dma_start3A_110, %dma_start3A_111] : memref<1024x32xf32, #tpu.memory_space<vmem>> -> memref<128x32xf32, #tpu.memory_space<vmem>>
        %dma_start3A_113 = arith.constant 0 : i32
        %dma_start3A_114 = tpu.memref_slice %arg11[%dma_start3A_109, %dma_start3A_113] : memref<8x128xi32, #tpu.memory_space<vmem>> -> memref<1x128xi32, #tpu.memory_space<vmem>>
        %dma_start3A_115 = tpu.memref_squeeze %dma_start3A_114 : memref<1x128xi32, #tpu.memory_space<vmem>> -> memref<128xi32, #tpu.memory_space<vmem>>
        %dma_start3A_116 = arith.constant 0 : i32
        %dma_start3A_117 = arith.constant 0 : i32
        %dma_start3A_118 = tpu.memref_slice %arg5[%dma_start3A_116, %dma_start3A_117] : memref<5143x32xf32, #tpu.memory_space<hbm>> -> memref<5143x32xf32, #tpu.memory_space<hbm>>
        tpu.enqueue_indirect_dma source(%dma_start3A_118 : memref<5143x32xf32, #tpu.memory_space<hbm>>) target(%dma_start3A_112 : memref<128x32xf32, #tpu.memory_space<vmem>>) offsets(%dma_start3A_115 : memref<128xi32, #tpu.memory_space<vmem>>) semaphore(%arg19 : memref<!tpu.dma_semaphore, #tpu.memory_space<semaphore_mem>>)
        %dma_start3A_119 = arith.constant 2 : i32
        %dma_start3A_120 = arith.constant 256 : i32
        %dma_start3A_121 = arith.constant 0 : i32
        %dma_start3A_122 = tpu.memref_slice %arg15[%dma_start3A_120, %dma_start3A_121] : memref<1024x8xf32, #tpu.memory_space<vmem>> -> memref<128x8xf32, #tpu.memory_space<vmem>>
        %dma_start3A_123 = arith.constant 0 : i32
        %dma_start3A_124 = tpu.memref_slice %arg11[%dma_start3A_119, %dma_start3A_123] : memref<8x128xi32, #tpu.memory_space<vmem>> -> memref<1x128xi32, #tpu.memory_space<vmem>>
        %dma_start3A_125 = tpu.memref_squeeze %dma_start3A_124 : memref<1x128xi32, #tpu.memory_space<vmem>> -> memref<128xi32, #tpu.memory_space<vmem>>
        %dma_start3A_126 = arith.constant 0 : i32
        %dma_start3A_127 = arith.constant 0 : i32
        %dma_start3A_128 = tpu.memref_slice %arg6[%dma_start3A_126, %dma_start3A_127] : memref<5143x8xf32, #tpu.memory_space<hbm>> -> memref<5143x8xf32, #tpu.memory_space<hbm>>
        tpu.enqueue_indirect_dma source(%dma_start3A_128 : memref<5143x8xf32, #tpu.memory_space<hbm>>) target(%dma_start3A_122 : memref<128x8xf32, #tpu.memory_space<vmem>>) offsets(%dma_start3A_125 : memref<128xi32, #tpu.memory_space<vmem>>) semaphore(%arg20 : memref<!tpu.dma_semaphore, #tpu.memory_space<semaphore_mem>>)
        %dma_start3A_129 = arith.constant 3 : i32
        %dma_start3A_130 = arith.constant 384 : i32
        %dma_start3A_131 = arith.constant 0 : i32
        %dma_start3A_132 = tpu.memref_slice %arg13[%dma_start3A_130, %dma_start3A_131] : memref<1024x24xf32, #tpu.memory_space<vmem>> -> memref<128x24xf32, #tpu.memory_space<vmem>>
        %dma_start3A_133 = arith.constant 0 : i32
        %dma_start3A_134 = tpu.memref_slice %arg11[%dma_start3A_129, %dma_start3A_133] : memref<8x128xi32, #tpu.memory_space<vmem>> -> memref<1x128xi32, #tpu.memory_space<vmem>>
        %dma_start3A_135 = tpu.memref_squeeze %dma_start3A_134 : memref<1x128xi32, #tpu.memory_space<vmem>> -> memref<128xi32, #tpu.memory_space<vmem>>
        %dma_start3A_136 = arith.constant 0 : i32
        %dma_start3A_137 = arith.constant 0 : i32
        %dma_start3A_138 = tpu.memref_slice %arg4[%dma_start3A_136, %dma_start3A_137] : memref<5143x24xf32, #tpu.memory_space<hbm>> -> memref<5143x24xf32, #tpu.memory_space<hbm>>
        tpu.enqueue_indirect_dma source(%dma_start3A_138 : memref<5143x24xf32, #tpu.memory_space<hbm>>) target(%dma_start3A_132 : memref<128x24xf32, #tpu.memory_space<vmem>>) offsets(%dma_start3A_135 : memref<128xi32, #tpu.memory_space<vmem>>) semaphore(%arg18 : memref<!tpu.dma_semaphore, #tpu.memory_space<semaphore_mem>>)
        %dma_start3A_139 = arith.constant 3 : i32
        %dma_start3A_140 = arith.constant 384 : i32
        %dma_start3A_141 = arith.constant 0 : i32
        %dma_start3A_142 = tpu.memref_slice %arg14[%dma_start3A_140, %dma_start3A_141] : memref<1024x32xf32, #tpu.memory_space<vmem>> -> memref<128x32xf32, #tpu.memory_space<vmem>>
        %dma_start3A_143 = arith.constant 0 : i32
        %dma_start3A_144 = tpu.memref_slice %arg11[%dma_start3A_139, %dma_start3A_143] : memref<8x128xi32, #tpu.memory_space<vmem>> -> memref<1x128xi32, #tpu.memory_space<vmem>>
        %dma_start3A_145 = tpu.memref_squeeze %dma_start3A_144 : memref<1x128xi32, #tpu.memory_space<vmem>> -> memref<128xi32, #tpu.memory_space<vmem>>
        %dma_start3A_146 = arith.constant 0 : i32
        %dma_start3A_147 = arith.constant 0 : i32
        %dma_start3A_148 = tpu.memref_slice %arg5[%dma_start3A_146, %dma_start3A_147] : memref<5143x32xf32, #tpu.memory_space<hbm>> -> memref<5143x32xf32, #tpu.memory_space<hbm>>
        tpu.enqueue_indirect_dma source(%dma_start3A_148 : memref<5143x32xf32, #tpu.memory_space<hbm>>) target(%dma_start3A_142 : memref<128x32xf32, #tpu.memory_space<vmem>>) offsets(%dma_start3A_145 : memref<128xi32, #tpu.memory_space<vmem>>) semaphore(%arg19 : memref<!tpu.dma_semaphore, #tpu.memory_space<semaphore_mem>>)
        %dma_start3A_149 = arith.constant 3 : i32
        %dma_start3A_150 = arith.constant 384 : i32
        %dma_start3A_151 = arith.constant 0 : i32
        %dma_start3A_152 = tpu.memref_slice %arg15[%dma_start3A_150, %dma_start3A_151] : memref<1024x8xf32, #tpu.memory_space<vmem>> -> memref<128x8xf32, #tpu.memory_space<vmem>>
        %dma_start3A_153 = arith.constant 0 : i32
        %dma_start3A_154 = tpu.memref_slice %arg11[%dma_start3A_149, %dma_start3A_153] : memref<8x128xi32, #tpu.memory_space<vmem>> -> memref<1x128xi32, #tpu.memory_space<vmem>>
        %dma_start3A_155 = tpu.memref_squeeze %dma_start3A_154 : memref<1x128xi32, #tpu.memory_space<vmem>> -> memref<128xi32, #tpu.memory_space<vmem>>
        %dma_start3A_156 = arith.constant 0 : i32
        %dma_start3A_157 = arith.constant 0 : i32
        %dma_start3A_158 = tpu.memref_slice %arg6[%dma_start3A_156, %dma_start3A_157] : memref<5143x8xf32, #tpu.memory_space<hbm>> -> memref<5143x8xf32, #tpu.memory_space<hbm>>
        tpu.enqueue_indirect_dma source(%dma_start3A_158 : memref<5143x8xf32, #tpu.memory_space<hbm>>) target(%dma_start3A_152 : memref<128x8xf32, #tpu.memory_space<vmem>>) offsets(%dma_start3A_155 : memref<128xi32, #tpu.memory_space<vmem>>) semaphore(%arg20 : memref<!tpu.dma_semaphore, #tpu.memory_space<semaphore_mem>>)
        %dma_start3A_159 = arith.constant 4 : i32
        %dma_start3A_160 = arith.constant 512 : i32
        %dma_start3A_161 = arith.constant 0 : i32
        %dma_start3A_162 = tpu.memref_slice %arg13[%dma_start3A_160, %dma_start3A_161] : memref<1024x24xf32, #tpu.memory_space<vmem>> -> memref<128x24xf32, #tpu.memory_space<vmem>>
        %dma_start3A_163 = arith.constant 0 : i32
        %dma_start3A_164 = tpu.memref_slice %arg11[%dma_start3A_159, %dma_start3A_163] : memref<8x128xi32, #tpu.memory_space<vmem>> -> memref<1x128xi32, #tpu.memory_space<vmem>>
        %dma_start3A_165 = tpu.memref_squeeze %dma_start3A_164 : memref<1x128xi32, #tpu.memory_space<vmem>> -> memref<128xi32, #tpu.memory_space<vmem>>
        %dma_start3A_166 = arith.constant 0 : i32
        %dma_start3A_167 = arith.constant 0 : i32
        %dma_start3A_168 = tpu.memref_slice %arg4[%dma_start3A_166, %dma_start3A_167] : memref<5143x24xf32, #tpu.memory_space<hbm>> -> memref<5143x24xf32, #tpu.memory_space<hbm>>
        tpu.enqueue_indirect_dma source(%dma_start3A_168 : memref<5143x24xf32, #tpu.memory_space<hbm>>) target(%dma_start3A_162 : memref<128x24xf32, #tpu.memory_space<vmem>>) offsets(%dma_start3A_165 : memref<128xi32, #tpu.memory_space<vmem>>) semaphore(%arg18 : memref<!tpu.dma_semaphore, #tpu.memory_space<semaphore_mem>>)
        %dma_start3A_169 = arith.constant 4 : i32
        %dma_start3A_170 = arith.constant 512 : i32
        %dma_start3A_171 = arith.constant 0 : i32
        %dma_start3A_172 = tpu.memref_slice %arg14[%dma_start3A_170, %dma_start3A_171] : memref<1024x32xf32, #tpu.memory_space<vmem>> -> memref<128x32xf32, #tpu.memory_space<vmem>>
        %dma_start3A_173 = arith.constant 0 : i32
        %dma_start3A_174 = tpu.memref_slice %arg11[%dma_start3A_169, %dma_start3A_173] : memref<8x128xi32, #tpu.memory_space<vmem>> -> memref<1x128xi32, #tpu.memory_space<vmem>>
        %dma_start3A_175 = tpu.memref_squeeze %dma_start3A_174 : memref<1x128xi32, #tpu.memory_space<vmem>> -> memref<128xi32, #tpu.memory_space<vmem>>
        %dma_start3A_176 = arith.constant 0 : i32
        %dma_start3A_177 = arith.constant 0 : i32
        %dma_start3A_178 = tpu.memref_slice %arg5[%dma_start3A_176, %dma_start3A_177] : memref<5143x32xf32, #tpu.memory_space<hbm>> -> memref<5143x32xf32, #tpu.memory_space<hbm>>
        tpu.enqueue_indirect_dma source(%dma_start3A_178 : memref<5143x32xf32, #tpu.memory_space<hbm>>) target(%dma_start3A_172 : memref<128x32xf32, #tpu.memory_space<vmem>>) offsets(%dma_start3A_175 : memref<128xi32, #tpu.memory_space<vmem>>) semaphore(%arg19 : memref<!tpu.dma_semaphore, #tpu.memory_space<semaphore_mem>>)
        %dma_start3A_179 = arith.constant 4 : i32
        %dma_start3A_180 = arith.constant 512 : i32
        %dma_start3A_181 = arith.constant 0 : i32
        %dma_start3A_182 = tpu.memref_slice %arg15[%dma_start3A_180, %dma_start3A_181] : memref<1024x8xf32, #tpu.memory_space<vmem>> -> memref<128x8xf32, #tpu.memory_space<vmem>>
        %dma_start3A_183 = arith.constant 0 : i32
        %dma_start3A_184 = tpu.memref_slice %arg11[%dma_start3A_179, %dma_start3A_183] : memref<8x128xi32, #tpu.memory_space<vmem>> -> memref<1x128xi32, #tpu.memory_space<vmem>>
        %dma_start3A_185 = tpu.memref_squeeze %dma_start3A_184 : memref<1x128xi32, #tpu.memory_space<vmem>> -> memref<128xi32, #tpu.memory_space<vmem>>
        %dma_start3A_186 = arith.constant 0 : i32
        %dma_start3A_187 = arith.constant 0 : i32
        %dma_start3A_188 = tpu.memref_slice %arg6[%dma_start3A_186, %dma_start3A_187] : memref<5143x8xf32, #tpu.memory_space<hbm>> -> memref<5143x8xf32, #tpu.memory_space<hbm>>
        tpu.enqueue_indirect_dma source(%dma_start3A_188 : memref<5143x8xf32, #tpu.memory_space<hbm>>) target(%dma_start3A_182 : memref<128x8xf32, #tpu.memory_space<vmem>>) offsets(%dma_start3A_185 : memref<128xi32, #tpu.memory_space<vmem>>) semaphore(%arg20 : memref<!tpu.dma_semaphore, #tpu.memory_space<semaphore_mem>>)
        %dma_start3A_189 = arith.constant 5 : i32
        %dma_start3A_190 = arith.constant 640 : i32
        %dma_start3A_191 = arith.constant 0 : i32
        %dma_start3A_192 = tpu.memref_slice %arg13[%dma_start3A_190, %dma_start3A_191] : memref<1024x24xf32, #tpu.memory_space<vmem>> -> memref<128x24xf32, #tpu.memory_space<vmem>>
        %dma_start3A_193 = arith.constant 0 : i32
        %dma_start3A_194 = tpu.memref_slice %arg11[%dma_start3A_189, %dma_start3A_193] : memref<8x128xi32, #tpu.memory_space<vmem>> -> memref<1x128xi32, #tpu.memory_space<vmem>>
        %dma_start3A_195 = tpu.memref_squeeze %dma_start3A_194 : memref<1x128xi32, #tpu.memory_space<vmem>> -> memref<128xi32, #tpu.memory_space<vmem>>
        %dma_start3A_196 = arith.constant 0 : i32
        %dma_start3A_197 = arith.constant 0 : i32
        %dma_start3A_198 = tpu.memref_slice %arg4[%dma_start3A_196, %dma_start3A_197] : memref<5143x24xf32, #tpu.memory_space<hbm>> -> memref<5143x24xf32, #tpu.memory_space<hbm>>
        tpu.enqueue_indirect_dma source(%dma_start3A_198 : memref<5143x24xf32, #tpu.memory_space<hbm>>) target(%dma_start3A_192 : memref<128x24xf32, #tpu.memory_space<vmem>>) offsets(%dma_start3A_195 : memref<128xi32, #tpu.memory_space<vmem>>) semaphore(%arg18 : memref<!tpu.dma_semaphore, #tpu.memory_space<semaphore_mem>>)
        %dma_start3A_199 = arith.constant 5 : i32
        %dma_start3A_200 = arith.constant 640 : i32
        %dma_start3A_201 = arith.constant 0 : i32
        %dma_start3A_202 = tpu.memref_slice %arg14[%dma_start3A_200, %dma_start3A_201] : memref<1024x32xf32, #tpu.memory_space<vmem>> -> memref<128x32xf32, #tpu.memory_space<vmem>>
        %dma_start3A_203 = arith.constant 0 : i32
        %dma_start3A_204 = tpu.memref_slice %arg11[%dma_start3A_199, %dma_start3A_203] : memref<8x128xi32, #tpu.memory_space<vmem>> -> memref<1x128xi32, #tpu.memory_space<vmem>>
        %dma_start3A_205 = tpu.memref_squeeze %dma_start3A_204 : memref<1x128xi32, #tpu.memory_space<vmem>> -> memref<128xi32, #tpu.memory_space<vmem>>
        %dma_start3A_206 = arith.constant 0 : i32
        %dma_start3A_207 = arith.constant 0 : i32
        %dma_start3A_208 = tpu.memref_slice %arg5[%dma_start3A_206, %dma_start3A_207] : memref<5143x32xf32, #tpu.memory_space<hbm>> -> memref<5143x32xf32, #tpu.memory_space<hbm>>
        tpu.enqueue_indirect_dma source(%dma_start3A_208 : memref<5143x32xf32, #tpu.memory_space<hbm>>) target(%dma_start3A_202 : memref<128x32xf32, #tpu.memory_space<vmem>>) offsets(%dma_start3A_205 : memref<128xi32, #tpu.memory_space<vmem>>) semaphore(%arg19 : memref<!tpu.dma_semaphore, #tpu.memory_space<semaphore_mem>>)
        %dma_start3A_209 = arith.constant 5 : i32
        %dma_start3A_210 = arith.constant 640 : i32
        %dma_start3A_211 = arith.constant 0 : i32
        %dma_start3A_212 = tpu.memref_slice %arg15[%dma_start3A_210, %dma_start3A_211] : memref<1024x8xf32, #tpu.memory_space<vmem>> -> memref<128x8xf32, #tpu.memory_space<vmem>>
        %dma_start3A_213 = arith.constant 0 : i32
        %dma_start3A_214 = tpu.memref_slice %arg11[%dma_start3A_209, %dma_start3A_213] : memref<8x128xi32, #tpu.memory_space<vmem>> -> memref<1x128xi32, #tpu.memory_space<vmem>>
        %dma_start3A_215 = tpu.memref_squeeze %dma_start3A_214 : memref<1x128xi32, #tpu.memory_space<vmem>> -> memref<128xi32, #tpu.memory_space<vmem>>
        %dma_start3A_216 = arith.constant 0 : i32
        %dma_start3A_217 = arith.constant 0 : i32
        %dma_start3A_218 = tpu.memref_slice %arg6[%dma_start3A_216, %dma_start3A_217] : memref<5143x8xf32, #tpu.memory_space<hbm>> -> memref<5143x8xf32, #tpu.memory_space<hbm>>
        tpu.enqueue_indirect_dma source(%dma_start3A_218 : memref<5143x8xf32, #tpu.memory_space<hbm>>) target(%dma_start3A_212 : memref<128x8xf32, #tpu.memory_space<vmem>>) offsets(%dma_start3A_215 : memref<128xi32, #tpu.memory_space<vmem>>) semaphore(%arg20 : memref<!tpu.dma_semaphore, #tpu.memory_space<semaphore_mem>>)
        %dma_start3A_219 = arith.constant 6 : i32
        %dma_start3A_220 = arith.constant 768 : i32
        %dma_start3A_221 = arith.constant 0 : i32
        %dma_start3A_222 = tpu.memref_slice %arg13[%dma_start3A_220, %dma_start3A_221] : memref<1024x24xf32, #tpu.memory_space<vmem>> -> memref<128x24xf32, #tpu.memory_space<vmem>>
        %dma_start3A_223 = arith.constant 0 : i32
        %dma_start3A_224 = tpu.memref_slice %arg11[%dma_start3A_219, %dma_start3A_223] : memref<8x128xi32, #tpu.memory_space<vmem>> -> memref<1x128xi32, #tpu.memory_space<vmem>>
        %dma_start3A_225 = tpu.memref_squeeze %dma_start3A_224 : memref<1x128xi32, #tpu.memory_space<vmem>> -> memref<128xi32, #tpu.memory_space<vmem>>
        %dma_start3A_226 = arith.constant 0 : i32
        %dma_start3A_227 = arith.constant 0 : i32
        %dma_start3A_228 = tpu.memref_slice %arg4[%dma_start3A_226, %dma_start3A_227] : memref<5143x24xf32, #tpu.memory_space<hbm>> -> memref<5143x24xf32, #tpu.memory_space<hbm>>
        tpu.enqueue_indirect_dma source(%dma_start3A_228 : memref<5143x24xf32, #tpu.memory_space<hbm>>) target(%dma_start3A_222 : memref<128x24xf32, #tpu.memory_space<vmem>>) offsets(%dma_start3A_225 : memref<128xi32, #tpu.memory_space<vmem>>) semaphore(%arg18 : memref<!tpu.dma_semaphore, #tpu.memory_space<semaphore_mem>>)
        %dma_start3A_229 = arith.constant 6 : i32
        %dma_start3A_230 = arith.constant 768 : i32
        %dma_start3A_231 = arith.constant 0 : i32
        %dma_start3A_232 = tpu.memref_slice %arg14[%dma_start3A_230, %dma_start3A_231] : memref<1024x32xf32, #tpu.memory_space<vmem>> -> memref<128x32xf32, #tpu.memory_space<vmem>>
        %dma_start3A_233 = arith.constant 0 : i32
        %dma_start3A_234 = tpu.memref_slice %arg11[%dma_start3A_229, %dma_start3A_233] : memref<8x128xi32, #tpu.memory_space<vmem>> -> memref<1x128xi32, #tpu.memory_space<vmem>>
        %dma_start3A_235 = tpu.memref_squeeze %dma_start3A_234 : memref<1x128xi32, #tpu.memory_space<vmem>> -> memref<128xi32, #tpu.memory_space<vmem>>
        %dma_start3A_236 = arith.constant 0 : i32
        %dma_start3A_237 = arith.constant 0 : i32
        %dma_start3A_238 = tpu.memref_slice %arg5[%dma_start3A_236, %dma_start3A_237] : memref<5143x32xf32, #tpu.memory_space<hbm>> -> memref<5143x32xf32, #tpu.memory_space<hbm>>
        tpu.enqueue_indirect_dma source(%dma_start3A_238 : memref<5143x32xf32, #tpu.memory_space<hbm>>) target(%dma_start3A_232 : memref<128x32xf32, #tpu.memory_space<vmem>>) offsets(%dma_start3A_235 : memref<128xi32, #tpu.memory_space<vmem>>) semaphore(%arg19 : memref<!tpu.dma_semaphore, #tpu.memory_space<semaphore_mem>>)
        %dma_start3A_239 = arith.constant 6 : i32
        %dma_start3A_240 = arith.constant 768 : i32
        %dma_start3A_241 = arith.constant 0 : i32
        %dma_start3A_242 = tpu.memref_slice %arg15[%dma_start3A_240, %dma_start3A_241] : memref<1024x8xf32, #tpu.memory_space<vmem>> -> memref<128x8xf32, #tpu.memory_space<vmem>>
        %dma_start3A_243 = arith.constant 0 : i32
        %dma_start3A_244 = tpu.memref_slice %arg11[%dma_start3A_239, %dma_start3A_243] : memref<8x128xi32, #tpu.memory_space<vmem>> -> memref<1x128xi32, #tpu.memory_space<vmem>>
        %dma_start3A_245 = tpu.memref_squeeze %dma_start3A_244 : memref<1x128xi32, #tpu.memory_space<vmem>> -> memref<128xi32, #tpu.memory_space<vmem>>
        %dma_start3A_246 = arith.constant 0 : i32
        %dma_start3A_247 = arith.constant 0 : i32
        %dma_start3A_248 = tpu.memref_slice %arg6[%dma_start3A_246, %dma_start3A_247] : memref<5143x8xf32, #tpu.memory_space<hbm>> -> memref<5143x8xf32, #tpu.memory_space<hbm>>
        tpu.enqueue_indirect_dma source(%dma_start3A_248 : memref<5143x8xf32, #tpu.memory_space<hbm>>) target(%dma_start3A_242 : memref<128x8xf32, #tpu.memory_space<vmem>>) offsets(%dma_start3A_245 : memref<128xi32, #tpu.memory_space<vmem>>) semaphore(%arg20 : memref<!tpu.dma_semaphore, #tpu.memory_space<semaphore_mem>>)
        %dma_start3A_249 = arith.constant 7 : i32
        %dma_start3A_250 = arith.constant 896 : i32
        %dma_start3A_251 = arith.constant 0 : i32
        %dma_start3A_252 = tpu.memref_slice %arg13[%dma_start3A_250, %dma_start3A_251] : memref<1024x24xf32, #tpu.memory_space<vmem>> -> memref<128x24xf32, #tpu.memory_space<vmem>>
        %dma_start3A_253 = arith.constant 0 : i32
        %dma_start3A_254 = tpu.memref_slice %arg11[%dma_start3A_249, %dma_start3A_253] : memref<8x128xi32, #tpu.memory_space<vmem>> -> memref<1x128xi32, #tpu.memory_space<vmem>>
        %dma_start3A_255 = tpu.memref_squeeze %dma_start3A_254 : memref<1x128xi32, #tpu.memory_space<vmem>> -> memref<128xi32, #tpu.memory_space<vmem>>
        %dma_start3A_256 = arith.constant 0 : i32
        %dma_start3A_257 = arith.constant 0 : i32
        %dma_start3A_258 = tpu.memref_slice %arg4[%dma_start3A_256, %dma_start3A_257] : memref<5143x24xf32, #tpu.memory_space<hbm>> -> memref<5143x24xf32, #tpu.memory_space<hbm>>
        tpu.enqueue_indirect_dma source(%dma_start3A_258 : memref<5143x24xf32, #tpu.memory_space<hbm>>) target(%dma_start3A_252 : memref<128x24xf32, #tpu.memory_space<vmem>>) offsets(%dma_start3A_255 : memref<128xi32, #tpu.memory_space<vmem>>) semaphore(%arg18 : memref<!tpu.dma_semaphore, #tpu.memory_space<semaphore_mem>>)
        %dma_start3A_259 = arith.constant 7 : i32
        %dma_start3A_260 = arith.constant 896 : i32
        %dma_start3A_261 = arith.constant 0 : i32
        %dma_start3A_262 = tpu.memref_slice %arg14[%dma_start3A_260, %dma_start3A_261] : memref<1024x32xf32, #tpu.memory_space<vmem>> -> memref<128x32xf32, #tpu.memory_space<vmem>>
        %dma_start3A_263 = arith.constant 0 : i32
        %dma_start3A_264 = tpu.memref_slice %arg11[%dma_start3A_259, %dma_start3A_263] : memref<8x128xi32, #tpu.memory_space<vmem>> -> memref<1x128xi32, #tpu.memory_space<vmem>>
        %dma_start3A_265 = tpu.memref_squeeze %dma_start3A_264 : memref<1x128xi32, #tpu.memory_space<vmem>> -> memref<128xi32, #tpu.memory_space<vmem>>
        %dma_start3A_266 = arith.constant 0 : i32
        %dma_start3A_267 = arith.constant 0 : i32
        %dma_start3A_268 = tpu.memref_slice %arg5[%dma_start3A_266, %dma_start3A_267] : memref<5143x32xf32, #tpu.memory_space<hbm>> -> memref<5143x32xf32, #tpu.memory_space<hbm>>
        tpu.enqueue_indirect_dma source(%dma_start3A_268 : memref<5143x32xf32, #tpu.memory_space<hbm>>) target(%dma_start3A_262 : memref<128x32xf32, #tpu.memory_space<vmem>>) offsets(%dma_start3A_265 : memref<128xi32, #tpu.memory_space<vmem>>) semaphore(%arg19 : memref<!tpu.dma_semaphore, #tpu.memory_space<semaphore_mem>>)
        %dma_start3A_269 = arith.constant 7 : i32
        %dma_start3A_270 = arith.constant 896 : i32
        %dma_start3A_271 = arith.constant 0 : i32
        %dma_start3A_272 = tpu.memref_slice %arg15[%dma_start3A_270, %dma_start3A_271] : memref<1024x8xf32, #tpu.memory_space<vmem>> -> memref<128x8xf32, #tpu.memory_space<vmem>>
        %dma_start3A_273 = arith.constant 0 : i32
        %dma_start3A_274 = tpu.memref_slice %arg11[%dma_start3A_269, %dma_start3A_273] : memref<8x128xi32, #tpu.memory_space<vmem>> -> memref<1x128xi32, #tpu.memory_space<vmem>>
        %dma_start3A_275 = tpu.memref_squeeze %dma_start3A_274 : memref<1x128xi32, #tpu.memory_space<vmem>> -> memref<128xi32, #tpu.memory_space<vmem>>
        %dma_start3A_276 = arith.constant 0 : i32
        %dma_start3A_277 = arith.constant 0 : i32
        %dma_start3A_278 = tpu.memref_slice %arg6[%dma_start3A_276, %dma_start3A_277] : memref<5143x8xf32, #tpu.memory_space<hbm>> -> memref<5143x8xf32, #tpu.memory_space<hbm>>
        tpu.enqueue_indirect_dma source(%dma_start3A_278 : memref<5143x8xf32, #tpu.memory_space<hbm>>) target(%dma_start3A_272 : memref<128x8xf32, #tpu.memory_space<vmem>>) offsets(%dma_start3A_275 : memref<128xi32, #tpu.memory_space<vmem>>) semaphore(%arg20 : memref<!tpu.dma_semaphore, #tpu.memory_space<semaphore_mem>>)
        %dma_wait3A = arith.constant 0 : i32
        %dma_wait3A_279 = arith.constant 0 : i32
        %dma_wait3A_280 = arith.constant 0 : i32
        %dma_wait3A_281 = tpu.memref_slice %arg13[%dma_wait3A_279, %dma_wait3A_280] : memref<1024x24xf32, #tpu.memory_space<vmem>> -> memref<128x24xf32, #tpu.memory_space<vmem>>
        %dma_wait3A_282 = arith.constant 0 : i32
        %dma_wait3A_283 = tpu.memref_slice %arg11[%dma_wait3A, %dma_wait3A_282] : memref<8x128xi32, #tpu.memory_space<vmem>> -> memref<1x128xi32, #tpu.memory_space<vmem>>
        %dma_wait3A_284 = tpu.memref_squeeze %dma_wait3A_283 : memref<1x128xi32, #tpu.memory_space<vmem>> -> memref<128xi32, #tpu.memory_space<vmem>>
        %dma_wait3A_285 = arith.constant 0 : i32
        %dma_wait3A_286 = arith.constant 0 : i32
        %dma_wait3A_287 = tpu.memref_slice %arg4[%dma_wait3A_285, %dma_wait3A_286] : memref<5143x24xf32, #tpu.memory_space<hbm>> -> memref<5143x24xf32, #tpu.memory_space<hbm>>
        tpu.wait_indirect_dma semaphore(%arg18 : memref<!tpu.dma_semaphore, #tpu.memory_space<semaphore_mem>>) src(%dma_wait3A_287 : memref<5143x24xf32, #tpu.memory_space<hbm>>) dst(%dma_wait3A_281 : memref<128x24xf32, #tpu.memory_space<vmem>>)
        %dma_wait3A_288 = arith.constant 0 : i32
        %dma_wait3A_289 = arith.constant 0 : i32
        %dma_wait3A_290 = arith.constant 0 : i32
        %dma_wait3A_291 = tpu.memref_slice %arg14[%dma_wait3A_289, %dma_wait3A_290] : memref<1024x32xf32, #tpu.memory_space<vmem>> -> memref<128x32xf32, #tpu.memory_space<vmem>>
        %dma_wait3A_292 = arith.constant 0 : i32
        %dma_wait3A_293 = tpu.memref_slice %arg11[%dma_wait3A_288, %dma_wait3A_292] : memref<8x128xi32, #tpu.memory_space<vmem>> -> memref<1x128xi32, #tpu.memory_space<vmem>>
        %dma_wait3A_294 = tpu.memref_squeeze %dma_wait3A_293 : memref<1x128xi32, #tpu.memory_space<vmem>> -> memref<128xi32, #tpu.memory_space<vmem>>
        %dma_wait3A_295 = arith.constant 0 : i32
        %dma_wait3A_296 = arith.constant 0 : i32
        %dma_wait3A_297 = tpu.memref_slice %arg5[%dma_wait3A_295, %dma_wait3A_296] : memref<5143x32xf32, #tpu.memory_space<hbm>> -> memref<5143x32xf32, #tpu.memory_space<hbm>>
        tpu.wait_indirect_dma semaphore(%arg19 : memref<!tpu.dma_semaphore, #tpu.memory_space<semaphore_mem>>) src(%dma_wait3A_297 : memref<5143x32xf32, #tpu.memory_space<hbm>>) dst(%dma_wait3A_291 : memref<128x32xf32, #tpu.memory_space<vmem>>)
        %dma_wait3A_298 = arith.constant 0 : i32
        %dma_wait3A_299 = arith.constant 0 : i32
        %dma_wait3A_300 = arith.constant 0 : i32
        %dma_wait3A_301 = tpu.memref_slice %arg15[%dma_wait3A_299, %dma_wait3A_300] : memref<1024x8xf32, #tpu.memory_space<vmem>> -> memref<128x8xf32, #tpu.memory_space<vmem>>
        %dma_wait3A_302 = arith.constant 0 : i32
        %dma_wait3A_303 = tpu.memref_slice %arg11[%dma_wait3A_298, %dma_wait3A_302] : memref<8x128xi32, #tpu.memory_space<vmem>> -> memref<1x128xi32, #tpu.memory_space<vmem>>
        %dma_wait3A_304 = tpu.memref_squeeze %dma_wait3A_303 : memref<1x128xi32, #tpu.memory_space<vmem>> -> memref<128xi32, #tpu.memory_space<vmem>>
        %dma_wait3A_305 = arith.constant 0 : i32
        %dma_wait3A_306 = arith.constant 0 : i32
        %dma_wait3A_307 = tpu.memref_slice %arg6[%dma_wait3A_305, %dma_wait3A_306] : memref<5143x8xf32, #tpu.memory_space<hbm>> -> memref<5143x8xf32, #tpu.memory_space<hbm>>
        tpu.wait_indirect_dma semaphore(%arg20 : memref<!tpu.dma_semaphore, #tpu.memory_space<semaphore_mem>>) src(%dma_wait3A_307 : memref<5143x8xf32, #tpu.memory_space<hbm>>) dst(%dma_wait3A_301 : memref<128x8xf32, #tpu.memory_space<vmem>>)
        %dma_wait3A_308 = arith.constant 1 : i32
        %dma_wait3A_309 = arith.constant 128 : i32
        %dma_wait3A_310 = arith.constant 0 : i32
        %dma_wait3A_311 = tpu.memref_slice %arg13[%dma_wait3A_309, %dma_wait3A_310] : memref<1024x24xf32, #tpu.memory_space<vmem>> -> memref<128x24xf32, #tpu.memory_space<vmem>>
        %dma_wait3A_312 = arith.constant 0 : i32
        %dma_wait3A_313 = tpu.memref_slice %arg11[%dma_wait3A_308, %dma_wait3A_312] : memref<8x128xi32, #tpu.memory_space<vmem>> -> memref<1x128xi32, #tpu.memory_space<vmem>>
        %dma_wait3A_314 = tpu.memref_squeeze %dma_wait3A_313 : memref<1x128xi32, #tpu.memory_space<vmem>> -> memref<128xi32, #tpu.memory_space<vmem>>
        %dma_wait3A_315 = arith.constant 0 : i32
        %dma_wait3A_316 = arith.constant 0 : i32
        %dma_wait3A_317 = tpu.memref_slice %arg4[%dma_wait3A_315, %dma_wait3A_316] : memref<5143x24xf32, #tpu.memory_space<hbm>> -> memref<5143x24xf32, #tpu.memory_space<hbm>>
        tpu.wait_indirect_dma semaphore(%arg18 : memref<!tpu.dma_semaphore, #tpu.memory_space<semaphore_mem>>) src(%dma_wait3A_317 : memref<5143x24xf32, #tpu.memory_space<hbm>>) dst(%dma_wait3A_311 : memref<128x24xf32, #tpu.memory_space<vmem>>)
        %dma_wait3A_318 = arith.constant 1 : i32
        %dma_wait3A_319 = arith.constant 128 : i32
        %dma_wait3A_320 = arith.constant 0 : i32
        %dma_wait3A_321 = tpu.memref_slice %arg14[%dma_wait3A_319, %dma_wait3A_320] : memref<1024x32xf32, #tpu.memory_space<vmem>> -> memref<128x32xf32, #tpu.memory_space<vmem>>
        %dma_wait3A_322 = arith.constant 0 : i32
        %dma_wait3A_323 = tpu.memref_slice %arg11[%dma_wait3A_318, %dma_wait3A_322] : memref<8x128xi32, #tpu.memory_space<vmem>> -> memref<1x128xi32, #tpu.memory_space<vmem>>
        %dma_wait3A_324 = tpu.memref_squeeze %dma_wait3A_323 : memref<1x128xi32, #tpu.memory_space<vmem>> -> memref<128xi32, #tpu.memory_space<vmem>>
        %dma_wait3A_325 = arith.constant 0 : i32
        %dma_wait3A_326 = arith.constant 0 : i32
        %dma_wait3A_327 = tpu.memref_slice %arg5[%dma_wait3A_325, %dma_wait3A_326] : memref<5143x32xf32, #tpu.memory_space<hbm>> -> memref<5143x32xf32, #tpu.memory_space<hbm>>
        tpu.wait_indirect_dma semaphore(%arg19 : memref<!tpu.dma_semaphore, #tpu.memory_space<semaphore_mem>>) src(%dma_wait3A_327 : memref<5143x32xf32, #tpu.memory_space<hbm>>) dst(%dma_wait3A_321 : memref<128x32xf32, #tpu.memory_space<vmem>>)
        %dma_wait3A_328 = arith.constant 1 : i32
        %dma_wait3A_329 = arith.constant 128 : i32
        %dma_wait3A_330 = arith.constant 0 : i32
        %dma_wait3A_331 = tpu.memref_slice %arg15[%dma_wait3A_329, %dma_wait3A_330] : memref<1024x8xf32, #tpu.memory_space<vmem>> -> memref<128x8xf32, #tpu.memory_space<vmem>>
        %dma_wait3A_332 = arith.constant 0 : i32
        %dma_wait3A_333 = tpu.memref_slice %arg11[%dma_wait3A_328, %dma_wait3A_332] : memref<8x128xi32, #tpu.memory_space<vmem>> -> memref<1x128xi32, #tpu.memory_space<vmem>>
        %dma_wait3A_334 = tpu.memref_squeeze %dma_wait3A_333 : memref<1x128xi32, #tpu.memory_space<vmem>> -> memref<128xi32, #tpu.memory_space<vmem>>
        %dma_wait3A_335 = arith.constant 0 : i32
        %dma_wait3A_336 = arith.constant 0 : i32
        %dma_wait3A_337 = tpu.memref_slice %arg6[%dma_wait3A_335, %dma_wait3A_336] : memref<5143x8xf32, #tpu.memory_space<hbm>> -> memref<5143x8xf32, #tpu.memory_space<hbm>>
        tpu.wait_indirect_dma semaphore(%arg20 : memref<!tpu.dma_semaphore, #tpu.memory_space<semaphore_mem>>) src(%dma_wait3A_337 : memref<5143x8xf32, #tpu.memory_space<hbm>>) dst(%dma_wait3A_331 : memref<128x8xf32, #tpu.memory_space<vmem>>)
        %dma_wait3A_338 = arith.constant 2 : i32
        %dma_wait3A_339 = arith.constant 256 : i32
        %dma_wait3A_340 = arith.constant 0 : i32
        %dma_wait3A_341 = tpu.memref_slice %arg13[%dma_wait3A_339, %dma_wait3A_340] : memref<1024x24xf32, #tpu.memory_space<vmem>> -> memref<128x24xf32, #tpu.memory_space<vmem>>
        %dma_wait3A_342 = arith.constant 0 : i32
        %dma_wait3A_343 = tpu.memref_slice %arg11[%dma_wait3A_338, %dma_wait3A_342] : memref<8x128xi32, #tpu.memory_space<vmem>> -> memref<1x128xi32, #tpu.memory_space<vmem>>
        %dma_wait3A_344 = tpu.memref_squeeze %dma_wait3A_343 : memref<1x128xi32, #tpu.memory_space<vmem>> -> memref<128xi32, #tpu.memory_space<vmem>>
        %dma_wait3A_345 = arith.constant 0 : i32
        %dma_wait3A_346 = arith.constant 0 : i32
        %dma_wait3A_347 = tpu.memref_slice %arg4[%dma_wait3A_345, %dma_wait3A_346] : memref<5143x24xf32, #tpu.memory_space<hbm>> -> memref<5143x24xf32, #tpu.memory_space<hbm>>
        tpu.wait_indirect_dma semaphore(%arg18 : memref<!tpu.dma_semaphore, #tpu.memory_space<semaphore_mem>>) src(%dma_wait3A_347 : memref<5143x24xf32, #tpu.memory_space<hbm>>) dst(%dma_wait3A_341 : memref<128x24xf32, #tpu.memory_space<vmem>>)
        %dma_wait3A_348 = arith.constant 2 : i32
        %dma_wait3A_349 = arith.constant 256 : i32
        %dma_wait3A_350 = arith.constant 0 : i32
        %dma_wait3A_351 = tpu.memref_slice %arg14[%dma_wait3A_349, %dma_wait3A_350] : memref<1024x32xf32, #tpu.memory_space<vmem>> -> memref<128x32xf32, #tpu.memory_space<vmem>>
        %dma_wait3A_352 = arith.constant 0 : i32
        %dma_wait3A_353 = tpu.memref_slice %arg11[%dma_wait3A_348, %dma_wait3A_352] : memref<8x128xi32, #tpu.memory_space<vmem>> -> memref<1x128xi32, #tpu.memory_space<vmem>>
        %dma_wait3A_354 = tpu.memref_squeeze %dma_wait3A_353 : memref<1x128xi32, #tpu.memory_space<vmem>> -> memref<128xi32, #tpu.memory_space<vmem>>
        %dma_wait3A_355 = arith.constant 0 : i32
        %dma_wait3A_356 = arith.constant 0 : i32
        %dma_wait3A_357 = tpu.memref_slice %arg5[%dma_wait3A_355, %dma_wait3A_356] : memref<5143x32xf32, #tpu.memory_space<hbm>> -> memref<5143x32xf32, #tpu.memory_space<hbm>>
        tpu.wait_indirect_dma semaphore(%arg19 : memref<!tpu.dma_semaphore, #tpu.memory_space<semaphore_mem>>) src(%dma_wait3A_357 : memref<5143x32xf32, #tpu.memory_space<hbm>>) dst(%dma_wait3A_351 : memref<128x32xf32, #tpu.memory_space<vmem>>)
        %dma_wait3A_358 = arith.constant 2 : i32
        %dma_wait3A_359 = arith.constant 256 : i32
        %dma_wait3A_360 = arith.constant 0 : i32
        %dma_wait3A_361 = tpu.memref_slice %arg15[%dma_wait3A_359, %dma_wait3A_360] : memref<1024x8xf32, #tpu.memory_space<vmem>> -> memref<128x8xf32, #tpu.memory_space<vmem>>
        %dma_wait3A_362 = arith.constant 0 : i32
        %dma_wait3A_363 = tpu.memref_slice %arg11[%dma_wait3A_358, %dma_wait3A_362] : memref<8x128xi32, #tpu.memory_space<vmem>> -> memref<1x128xi32, #tpu.memory_space<vmem>>
        %dma_wait3A_364 = tpu.memref_squeeze %dma_wait3A_363 : memref<1x128xi32, #tpu.memory_space<vmem>> -> memref<128xi32, #tpu.memory_space<vmem>>
        %dma_wait3A_365 = arith.constant 0 : i32
        %dma_wait3A_366 = arith.constant 0 : i32
        %dma_wait3A_367 = tpu.memref_slice %arg6[%dma_wait3A_365, %dma_wait3A_366] : memref<5143x8xf32, #tpu.memory_space<hbm>> -> memref<5143x8xf32, #tpu.memory_space<hbm>>
        tpu.wait_indirect_dma semaphore(%arg20 : memref<!tpu.dma_semaphore, #tpu.memory_space<semaphore_mem>>) src(%dma_wait3A_367 : memref<5143x8xf32, #tpu.memory_space<hbm>>) dst(%dma_wait3A_361 : memref<128x8xf32, #tpu.memory_space<vmem>>)
        %dma_wait3A_368 = arith.constant 3 : i32
        %dma_wait3A_369 = arith.constant 384 : i32
        %dma_wait3A_370 = arith.constant 0 : i32
        %dma_wait3A_371 = tpu.memref_slice %arg13[%dma_wait3A_369, %dma_wait3A_370] : memref<1024x24xf32, #tpu.memory_space<vmem>> -> memref<128x24xf32, #tpu.memory_space<vmem>>
        %dma_wait3A_372 = arith.constant 0 : i32
        %dma_wait3A_373 = tpu.memref_slice %arg11[%dma_wait3A_368, %dma_wait3A_372] : memref<8x128xi32, #tpu.memory_space<vmem>> -> memref<1x128xi32, #tpu.memory_space<vmem>>
        %dma_wait3A_374 = tpu.memref_squeeze %dma_wait3A_373 : memref<1x128xi32, #tpu.memory_space<vmem>> -> memref<128xi32, #tpu.memory_space<vmem>>
        %dma_wait3A_375 = arith.constant 0 : i32
        %dma_wait3A_376 = arith.constant 0 : i32
        %dma_wait3A_377 = tpu.memref_slice %arg4[%dma_wait3A_375, %dma_wait3A_376] : memref<5143x24xf32, #tpu.memory_space<hbm>> -> memref<5143x24xf32, #tpu.memory_space<hbm>>
        tpu.wait_indirect_dma semaphore(%arg18 : memref<!tpu.dma_semaphore, #tpu.memory_space<semaphore_mem>>) src(%dma_wait3A_377 : memref<5143x24xf32, #tpu.memory_space<hbm>>) dst(%dma_wait3A_371 : memref<128x24xf32, #tpu.memory_space<vmem>>)
        %dma_wait3A_378 = arith.constant 3 : i32
        %dma_wait3A_379 = arith.constant 384 : i32
        %dma_wait3A_380 = arith.constant 0 : i32
        %dma_wait3A_381 = tpu.memref_slice %arg14[%dma_wait3A_379, %dma_wait3A_380] : memref<1024x32xf32, #tpu.memory_space<vmem>> -> memref<128x32xf32, #tpu.memory_space<vmem>>
        %dma_wait3A_382 = arith.constant 0 : i32
        %dma_wait3A_383 = tpu.memref_slice %arg11[%dma_wait3A_378, %dma_wait3A_382] : memref<8x128xi32, #tpu.memory_space<vmem>> -> memref<1x128xi32, #tpu.memory_space<vmem>>
        %dma_wait3A_384 = tpu.memref_squeeze %dma_wait3A_383 : memref<1x128xi32, #tpu.memory_space<vmem>> -> memref<128xi32, #tpu.memory_space<vmem>>
        %dma_wait3A_385 = arith.constant 0 : i32
        %dma_wait3A_386 = arith.constant 0 : i32
        %dma_wait3A_387 = tpu.memref_slice %arg5[%dma_wait3A_385, %dma_wait3A_386] : memref<5143x32xf32, #tpu.memory_space<hbm>> -> memref<5143x32xf32, #tpu.memory_space<hbm>>
        tpu.wait_indirect_dma semaphore(%arg19 : memref<!tpu.dma_semaphore, #tpu.memory_space<semaphore_mem>>) src(%dma_wait3A_387 : memref<5143x32xf32, #tpu.memory_space<hbm>>) dst(%dma_wait3A_381 : memref<128x32xf32, #tpu.memory_space<vmem>>)
        %dma_wait3A_388 = arith.constant 3 : i32
        %dma_wait3A_389 = arith.constant 384 : i32
        %dma_wait3A_390 = arith.constant 0 : i32
        %dma_wait3A_391 = tpu.memref_slice %arg15[%dma_wait3A_389, %dma_wait3A_390] : memref<1024x8xf32, #tpu.memory_space<vmem>> -> memref<128x8xf32, #tpu.memory_space<vmem>>
        %dma_wait3A_392 = arith.constant 0 : i32
        %dma_wait3A_393 = tpu.memref_slice %arg11[%dma_wait3A_388, %dma_wait3A_392] : memref<8x128xi32, #tpu.memory_space<vmem>> -> memref<1x128xi32, #tpu.memory_space<vmem>>
        %dma_wait3A_394 = tpu.memref_squeeze %dma_wait3A_393 : memref<1x128xi32, #tpu.memory_space<vmem>> -> memref<128xi32, #tpu.memory_space<vmem>>
        %dma_wait3A_395 = arith.constant 0 : i32
        %dma_wait3A_396 = arith.constant 0 : i32
        %dma_wait3A_397 = tpu.memref_slice %arg6[%dma_wait3A_395, %dma_wait3A_396] : memref<5143x8xf32, #tpu.memory_space<hbm>> -> memref<5143x8xf32, #tpu.memory_space<hbm>>
        tpu.wait_indirect_dma semaphore(%arg20 : memref<!tpu.dma_semaphore, #tpu.memory_space<semaphore_mem>>) src(%dma_wait3A_397 : memref<5143x8xf32, #tpu.memory_space<hbm>>) dst(%dma_wait3A_391 : memref<128x8xf32, #tpu.memory_space<vmem>>)
        %dma_wait3A_398 = arith.constant 4 : i32
        %dma_wait3A_399 = arith.constant 512 : i32
        %dma_wait3A_400 = arith.constant 0 : i32
        %dma_wait3A_401 = tpu.memref_slice %arg13[%dma_wait3A_399, %dma_wait3A_400] : memref<1024x24xf32, #tpu.memory_space<vmem>> -> memref<128x24xf32, #tpu.memory_space<vmem>>
        %dma_wait3A_402 = arith.constant 0 : i32
        %dma_wait3A_403 = tpu.memref_slice %arg11[%dma_wait3A_398, %dma_wait3A_402] : memref<8x128xi32, #tpu.memory_space<vmem>> -> memref<1x128xi32, #tpu.memory_space<vmem>>
        %dma_wait3A_404 = tpu.memref_squeeze %dma_wait3A_403 : memref<1x128xi32, #tpu.memory_space<vmem>> -> memref<128xi32, #tpu.memory_space<vmem>>
        %dma_wait3A_405 = arith.constant 0 : i32
        %dma_wait3A_406 = arith.constant 0 : i32
        %dma_wait3A_407 = tpu.memref_slice %arg4[%dma_wait3A_405, %dma_wait3A_406] : memref<5143x24xf32, #tpu.memory_space<hbm>> -> memref<5143x24xf32, #tpu.memory_space<hbm>>
        tpu.wait_indirect_dma semaphore(%arg18 : memref<!tpu.dma_semaphore, #tpu.memory_space<semaphore_mem>>) src(%dma_wait3A_407 : memref<5143x24xf32, #tpu.memory_space<hbm>>) dst(%dma_wait3A_401 : memref<128x24xf32, #tpu.memory_space<vmem>>)
        %dma_wait3A_408 = arith.constant 4 : i32
        %dma_wait3A_409 = arith.constant 512 : i32
        %dma_wait3A_410 = arith.constant 0 : i32
        %dma_wait3A_411 = tpu.memref_slice %arg14[%dma_wait3A_409, %dma_wait3A_410] : memref<1024x32xf32, #tpu.memory_space<vmem>> -> memref<128x32xf32, #tpu.memory_space<vmem>>
        %dma_wait3A_412 = arith.constant 0 : i32
        %dma_wait3A_413 = tpu.memref_slice %arg11[%dma_wait3A_408, %dma_wait3A_412] : memref<8x128xi32, #tpu.memory_space<vmem>> -> memref<1x128xi32, #tpu.memory_space<vmem>>
        %dma_wait3A_414 = tpu.memref_squeeze %dma_wait3A_413 : memref<1x128xi32, #tpu.memory_space<vmem>> -> memref<128xi32, #tpu.memory_space<vmem>>
        %dma_wait3A_415 = arith.constant 0 : i32
        %dma_wait3A_416 = arith.constant 0 : i32
        %dma_wait3A_417 = tpu.memref_slice %arg5[%dma_wait3A_415, %dma_wait3A_416] : memref<5143x32xf32, #tpu.memory_space<hbm>> -> memref<5143x32xf32, #tpu.memory_space<hbm>>
        tpu.wait_indirect_dma semaphore(%arg19 : memref<!tpu.dma_semaphore, #tpu.memory_space<semaphore_mem>>) src(%dma_wait3A_417 : memref<5143x32xf32, #tpu.memory_space<hbm>>) dst(%dma_wait3A_411 : memref<128x32xf32, #tpu.memory_space<vmem>>)
        %dma_wait3A_418 = arith.constant 4 : i32
        %dma_wait3A_419 = arith.constant 512 : i32
        %dma_wait3A_420 = arith.constant 0 : i32
        %dma_wait3A_421 = tpu.memref_slice %arg15[%dma_wait3A_419, %dma_wait3A_420] : memref<1024x8xf32, #tpu.memory_space<vmem>> -> memref<128x8xf32, #tpu.memory_space<vmem>>
        %dma_wait3A_422 = arith.constant 0 : i32
        %dma_wait3A_423 = tpu.memref_slice %arg11[%dma_wait3A_418, %dma_wait3A_422] : memref<8x128xi32, #tpu.memory_space<vmem>> -> memref<1x128xi32, #tpu.memory_space<vmem>>
        %dma_wait3A_424 = tpu.memref_squeeze %dma_wait3A_423 : memref<1x128xi32, #tpu.memory_space<vmem>> -> memref<128xi32, #tpu.memory_space<vmem>>
        %dma_wait3A_425 = arith.constant 0 : i32
        %dma_wait3A_426 = arith.constant 0 : i32
        %dma_wait3A_427 = tpu.memref_slice %arg6[%dma_wait3A_425, %dma_wait3A_426] : memref<5143x8xf32, #tpu.memory_space<hbm>> -> memref<5143x8xf32, #tpu.memory_space<hbm>>
        tpu.wait_indirect_dma semaphore(%arg20 : memref<!tpu.dma_semaphore, #tpu.memory_space<semaphore_mem>>) src(%dma_wait3A_427 : memref<5143x8xf32, #tpu.memory_space<hbm>>) dst(%dma_wait3A_421 : memref<128x8xf32, #tpu.memory_space<vmem>>)
        %dma_wait3A_428 = arith.constant 5 : i32
        %dma_wait3A_429 = arith.constant 640 : i32
        %dma_wait3A_430 = arith.constant 0 : i32
        %dma_wait3A_431 = tpu.memref_slice %arg13[%dma_wait3A_429, %dma_wait3A_430] : memref<1024x24xf32, #tpu.memory_space<vmem>> -> memref<128x24xf32, #tpu.memory_space<vmem>>
        %dma_wait3A_432 = arith.constant 0 : i32
        %dma_wait3A_433 = tpu.memref_slice %arg11[%dma_wait3A_428, %dma_wait3A_432] : memref<8x128xi32, #tpu.memory_space<vmem>> -> memref<1x128xi32, #tpu.memory_space<vmem>>
        %dma_wait3A_434 = tpu.memref_squeeze %dma_wait3A_433 : memref<1x128xi32, #tpu.memory_space<vmem>> -> memref<128xi32, #tpu.memory_space<vmem>>
        %dma_wait3A_435 = arith.constant 0 : i32
        %dma_wait3A_436 = arith.constant 0 : i32
        %dma_wait3A_437 = tpu.memref_slice %arg4[%dma_wait3A_435, %dma_wait3A_436] : memref<5143x24xf32, #tpu.memory_space<hbm>> -> memref<5143x24xf32, #tpu.memory_space<hbm>>
        tpu.wait_indirect_dma semaphore(%arg18 : memref<!tpu.dma_semaphore, #tpu.memory_space<semaphore_mem>>) src(%dma_wait3A_437 : memref<5143x24xf32, #tpu.memory_space<hbm>>) dst(%dma_wait3A_431 : memref<128x24xf32, #tpu.memory_space<vmem>>)
        %dma_wait3A_438 = arith.constant 5 : i32
        %dma_wait3A_439 = arith.constant 640 : i32
        %dma_wait3A_440 = arith.constant 0 : i32
        %dma_wait3A_441 = tpu.memref_slice %arg14[%dma_wait3A_439, %dma_wait3A_440] : memref<1024x32xf32, #tpu.memory_space<vmem>> -> memref<128x32xf32, #tpu.memory_space<vmem>>
        %dma_wait3A_442 = arith.constant 0 : i32
        %dma_wait3A_443 = tpu.memref_slice %arg11[%dma_wait3A_438, %dma_wait3A_442] : memref<8x128xi32, #tpu.memory_space<vmem>> -> memref<1x128xi32, #tpu.memory_space<vmem>>
        %dma_wait3A_444 = tpu.memref_squeeze %dma_wait3A_443 : memref<1x128xi32, #tpu.memory_space<vmem>> -> memref<128xi32, #tpu.memory_space<vmem>>
        %dma_wait3A_445 = arith.constant 0 : i32
        %dma_wait3A_446 = arith.constant 0 : i32
        %dma_wait3A_447 = tpu.memref_slice %arg5[%dma_wait3A_445, %dma_wait3A_446] : memref<5143x32xf32, #tpu.memory_space<hbm>> -> memref<5143x32xf32, #tpu.memory_space<hbm>>
        tpu.wait_indirect_dma semaphore(%arg19 : memref<!tpu.dma_semaphore, #tpu.memory_space<semaphore_mem>>) src(%dma_wait3A_447 : memref<5143x32xf32, #tpu.memory_space<hbm>>) dst(%dma_wait3A_441 : memref<128x32xf32, #tpu.memory_space<vmem>>)
        %dma_wait3A_448 = arith.constant 5 : i32
        %dma_wait3A_449 = arith.constant 640 : i32
        %dma_wait3A_450 = arith.constant 0 : i32
        %dma_wait3A_451 = tpu.memref_slice %arg15[%dma_wait3A_449, %dma_wait3A_450] : memref<1024x8xf32, #tpu.memory_space<vmem>> -> memref<128x8xf32, #tpu.memory_space<vmem>>
        %dma_wait3A_452 = arith.constant 0 : i32
        %dma_wait3A_453 = tpu.memref_slice %arg11[%dma_wait3A_448, %dma_wait3A_452] : memref<8x128xi32, #tpu.memory_space<vmem>> -> memref<1x128xi32, #tpu.memory_space<vmem>>
        %dma_wait3A_454 = tpu.memref_squeeze %dma_wait3A_453 : memref<1x128xi32, #tpu.memory_space<vmem>> -> memref<128xi32, #tpu.memory_space<vmem>>
        %dma_wait3A_455 = arith.constant 0 : i32
        %dma_wait3A_456 = arith.constant 0 : i32
        %dma_wait3A_457 = tpu.memref_slice %arg6[%dma_wait3A_455, %dma_wait3A_456] : memref<5143x8xf32, #tpu.memory_space<hbm>> -> memref<5143x8xf32, #tpu.memory_space<hbm>>
        tpu.wait_indirect_dma semaphore(%arg20 : memref<!tpu.dma_semaphore, #tpu.memory_space<semaphore_mem>>) src(%dma_wait3A_457 : memref<5143x8xf32, #tpu.memory_space<hbm>>) dst(%dma_wait3A_451 : memref<128x8xf32, #tpu.memory_space<vmem>>)
        %dma_wait3A_458 = arith.constant 6 : i32
        %dma_wait3A_459 = arith.constant 768 : i32
        %dma_wait3A_460 = arith.constant 0 : i32
        %dma_wait3A_461 = tpu.memref_slice %arg13[%dma_wait3A_459, %dma_wait3A_460] : memref<1024x24xf32, #tpu.memory_space<vmem>> -> memref<128x24xf32, #tpu.memory_space<vmem>>
        %dma_wait3A_462 = arith.constant 0 : i32
        %dma_wait3A_463 = tpu.memref_slice %arg11[%dma_wait3A_458, %dma_wait3A_462] : memref<8x128xi32, #tpu.memory_space<vmem>> -> memref<1x128xi32, #tpu.memory_space<vmem>>
        %dma_wait3A_464 = tpu.memref_squeeze %dma_wait3A_463 : memref<1x128xi32, #tpu.memory_space<vmem>> -> memref<128xi32, #tpu.memory_space<vmem>>
        %dma_wait3A_465 = arith.constant 0 : i32
        %dma_wait3A_466 = arith.constant 0 : i32
        %dma_wait3A_467 = tpu.memref_slice %arg4[%dma_wait3A_465, %dma_wait3A_466] : memref<5143x24xf32, #tpu.memory_space<hbm>> -> memref<5143x24xf32, #tpu.memory_space<hbm>>
        tpu.wait_indirect_dma semaphore(%arg18 : memref<!tpu.dma_semaphore, #tpu.memory_space<semaphore_mem>>) src(%dma_wait3A_467 : memref<5143x24xf32, #tpu.memory_space<hbm>>) dst(%dma_wait3A_461 : memref<128x24xf32, #tpu.memory_space<vmem>>)
        %dma_wait3A_468 = arith.constant 6 : i32
        %dma_wait3A_469 = arith.constant 768 : i32
        %dma_wait3A_470 = arith.constant 0 : i32
        %dma_wait3A_471 = tpu.memref_slice %arg14[%dma_wait3A_469, %dma_wait3A_470] : memref<1024x32xf32, #tpu.memory_space<vmem>> -> memref<128x32xf32, #tpu.memory_space<vmem>>
        %dma_wait3A_472 = arith.constant 0 : i32
        %dma_wait3A_473 = tpu.memref_slice %arg11[%dma_wait3A_468, %dma_wait3A_472] : memref<8x128xi32, #tpu.memory_space<vmem>> -> memref<1x128xi32, #tpu.memory_space<vmem>>
        %dma_wait3A_474 = tpu.memref_squeeze %dma_wait3A_473 : memref<1x128xi32, #tpu.memory_space<vmem>> -> memref<128xi32, #tpu.memory_space<vmem>>
        %dma_wait3A_475 = arith.constant 0 : i32
        %dma_wait3A_476 = arith.constant 0 : i32
        %dma_wait3A_477 = tpu.memref_slice %arg5[%dma_wait3A_475, %dma_wait3A_476] : memref<5143x32xf32, #tpu.memory_space<hbm>> -> memref<5143x32xf32, #tpu.memory_space<hbm>>
        tpu.wait_indirect_dma semaphore(%arg19 : memref<!tpu.dma_semaphore, #tpu.memory_space<semaphore_mem>>) src(%dma_wait3A_477 : memref<5143x32xf32, #tpu.memory_space<hbm>>) dst(%dma_wait3A_471 : memref<128x32xf32, #tpu.memory_space<vmem>>)
        %dma_wait3A_478 = arith.constant 6 : i32
        %dma_wait3A_479 = arith.constant 768 : i32
        %dma_wait3A_480 = arith.constant 0 : i32
        %dma_wait3A_481 = tpu.memref_slice %arg15[%dma_wait3A_479, %dma_wait3A_480] : memref<1024x8xf32, #tpu.memory_space<vmem>> -> memref<128x8xf32, #tpu.memory_space<vmem>>
        %dma_wait3A_482 = arith.constant 0 : i32
        %dma_wait3A_483 = tpu.memref_slice %arg11[%dma_wait3A_478, %dma_wait3A_482] : memref<8x128xi32, #tpu.memory_space<vmem>> -> memref<1x128xi32, #tpu.memory_space<vmem>>
        %dma_wait3A_484 = tpu.memref_squeeze %dma_wait3A_483 : memref<1x128xi32, #tpu.memory_space<vmem>> -> memref<128xi32, #tpu.memory_space<vmem>>
        %dma_wait3A_485 = arith.constant 0 : i32
        %dma_wait3A_486 = arith.constant 0 : i32
        %dma_wait3A_487 = tpu.memref_slice %arg6[%dma_wait3A_485, %dma_wait3A_486] : memref<5143x8xf32, #tpu.memory_space<hbm>> -> memref<5143x8xf32, #tpu.memory_space<hbm>>
        tpu.wait_indirect_dma semaphore(%arg20 : memref<!tpu.dma_semaphore, #tpu.memory_space<semaphore_mem>>) src(%dma_wait3A_487 : memref<5143x8xf32, #tpu.memory_space<hbm>>) dst(%dma_wait3A_481 : memref<128x8xf32, #tpu.memory_space<vmem>>)
        %dma_wait3A_488 = arith.constant 7 : i32
        %dma_wait3A_489 = arith.constant 896 : i32
        %dma_wait3A_490 = arith.constant 0 : i32
        %dma_wait3A_491 = tpu.memref_slice %arg13[%dma_wait3A_489, %dma_wait3A_490] : memref<1024x24xf32, #tpu.memory_space<vmem>> -> memref<128x24xf32, #tpu.memory_space<vmem>>
        %dma_wait3A_492 = arith.constant 0 : i32
        %dma_wait3A_493 = tpu.memref_slice %arg11[%dma_wait3A_488, %dma_wait3A_492] : memref<8x128xi32, #tpu.memory_space<vmem>> -> memref<1x128xi32, #tpu.memory_space<vmem>>
        %dma_wait3A_494 = tpu.memref_squeeze %dma_wait3A_493 : memref<1x128xi32, #tpu.memory_space<vmem>> -> memref<128xi32, #tpu.memory_space<vmem>>
        %dma_wait3A_495 = arith.constant 0 : i32
        %dma_wait3A_496 = arith.constant 0 : i32
        %dma_wait3A_497 = tpu.memref_slice %arg4[%dma_wait3A_495, %dma_wait3A_496] : memref<5143x24xf32, #tpu.memory_space<hbm>> -> memref<5143x24xf32, #tpu.memory_space<hbm>>
        tpu.wait_indirect_dma semaphore(%arg18 : memref<!tpu.dma_semaphore, #tpu.memory_space<semaphore_mem>>) src(%dma_wait3A_497 : memref<5143x24xf32, #tpu.memory_space<hbm>>) dst(%dma_wait3A_491 : memref<128x24xf32, #tpu.memory_space<vmem>>)
        %dma_wait3A_498 = arith.constant 7 : i32
        %dma_wait3A_499 = arith.constant 896 : i32
        %dma_wait3A_500 = arith.constant 0 : i32
        %dma_wait3A_501 = tpu.memref_slice %arg14[%dma_wait3A_499, %dma_wait3A_500] : memref<1024x32xf32, #tpu.memory_space<vmem>> -> memref<128x32xf32, #tpu.memory_space<vmem>>
        %dma_wait3A_502 = arith.constant 0 : i32
        %dma_wait3A_503 = tpu.memref_slice %arg11[%dma_wait3A_498, %dma_wait3A_502] : memref<8x128xi32, #tpu.memory_space<vmem>> -> memref<1x128xi32, #tpu.memory_space<vmem>>
        %dma_wait3A_504 = tpu.memref_squeeze %dma_wait3A_503 : memref<1x128xi32, #tpu.memory_space<vmem>> -> memref<128xi32, #tpu.memory_space<vmem>>
        %dma_wait3A_505 = arith.constant 0 : i32
        %dma_wait3A_506 = arith.constant 0 : i32
        %dma_wait3A_507 = tpu.memref_slice %arg5[%dma_wait3A_505, %dma_wait3A_506] : memref<5143x32xf32, #tpu.memory_space<hbm>> -> memref<5143x32xf32, #tpu.memory_space<hbm>>
        tpu.wait_indirect_dma semaphore(%arg19 : memref<!tpu.dma_semaphore, #tpu.memory_space<semaphore_mem>>) src(%dma_wait3A_507 : memref<5143x32xf32, #tpu.memory_space<hbm>>) dst(%dma_wait3A_501 : memref<128x32xf32, #tpu.memory_space<vmem>>)
        %dma_wait3A_508 = arith.constant 7 : i32
        %dma_wait3A_509 = arith.constant 896 : i32
        %dma_wait3A_510 = arith.constant 0 : i32
        %dma_wait3A_511 = tpu.memref_slice %arg15[%dma_wait3A_509, %dma_wait3A_510] : memref<1024x8xf32, #tpu.memory_space<vmem>> -> memref<128x8xf32, #tpu.memory_space<vmem>>
        %dma_wait3A_512 = arith.constant 0 : i32
        %dma_wait3A_513 = tpu.memref_slice %arg11[%dma_wait3A_508, %dma_wait3A_512] : memref<8x128xi32, #tpu.memory_space<vmem>> -> memref<1x128xi32, #tpu.memory_space<vmem>>
        %dma_wait3A_514 = tpu.memref_squeeze %dma_wait3A_513 : memref<1x128xi32, #tpu.memory_space<vmem>> -> memref<128xi32, #tpu.memory_space<vmem>>
        %dma_wait3A_515 = arith.constant 0 : i32
        %dma_wait3A_516 = arith.constant 0 : i32
        %dma_wait3A_517 = tpu.memref_slice %arg6[%dma_wait3A_515, %dma_wait3A_516] : memref<5143x8xf32, #tpu.memory_space<hbm>> -> memref<5143x8xf32, #tpu.memory_space<hbm>>
        tpu.wait_indirect_dma semaphore(%arg20 : memref<!tpu.dma_semaphore, #tpu.memory_space<semaphore_mem>>) src(%dma_wait3A_517 : memref<5143x8xf32, #tpu.memory_space<hbm>>) dst(%dma_wait3A_511 : memref<128x8xf32, #tpu.memory_space<vmem>>)
        %scan3A_518 = arith.constant 0 : i32
        %scan3A_519 = arith.constant 0 : i32
        %scan3A_520 = arith.constant 64 : i32
        %scan3A_521 = arith.addi %scan3A_519, %scan3A_520 : i32
        %scan3A_522 = arith.constant 1 : i32
        scf.for %scan3A_524 = %scan3A_519 to %scan3A_521 step %scan3A_522  : i32 {
          %mul3A_525 = arith.constant 16 : i32
          %mul3A_526 = arith.muli %scan3A_524, %mul3A_525 : i32
          %iota3A = tpu.iota {dimensions = array<i32: 0>} : vector<16xi32>
          %add3A_527 = vector.broadcast %mul3A_526 : i32 to vector<16xi32>
          %add3A_528 = arith.addi %add3A_527, %iota3A : vector<16xi32>
          %mul3A_529 = arith.constant 16 : i32
          %mul3A_530 = arith.muli %scan3A_524, %mul3A_529 : i32
          %get3A = arith.index_cast %mul3A_530 : i32 to index
          %get3A_531 = tpu.vector_load %arg12[%get3A] {strides = array<i32>} : memref<1024xi32, #tpu.memory_space<vmem>>, vector<16xi32>,
          %broadcast_in_dim3A = arith.constant 0.000000e+00 : f32
          %broadcast_in_dim3A_532 = vector.broadcast %broadcast_in_dim3A : f32 to vector<16xf32>
          %broadcast_in_dim3A_533 = arith.constant 0 : i32
          %broadcast_in_dim3A_534 = vector.broadcast %broadcast_in_dim3A_533 : i32 to vector<16xi32>
          %gather3A = tpu.vector_load_idx %arg15[%add3A_528, %broadcast_in_dim3A_534] : memref<1024x8xf32, #tpu.memory_space<vmem>>[vector<16xi32>, vector<16xi32>], vector<16xf32>,
          %gather3A_535 = tpu.vector_load_idx %arg16[%get3A_531, %broadcast_in_dim3A_534] : memref<128x8xf32, #tpu.memory_space<vmem>>[vector<16xi32>, vector<16xi32>], vector<16xf32>,
          %sub3A_536 = arith.subf %gather3A_535, %gather3A : vector<16xf32>
          %mul3A_537 = arith.mulf %sub3A_536, %sub3A_536 : vector<16xf32>
          %add3A_538 = arith.addf %broadcast_in_dim3A_532, %mul3A_537 : vector<16xf32>
          %broadcast_in_dim3A_539 = arith.constant 1 : i32
          %broadcast_in_dim3A_540 = vector.broadcast %broadcast_in_dim3A_539 : i32 to vector<16xi32>
          %gather3A_541 = tpu.vector_load_idx %arg15[%add3A_528, %broadcast_in_dim3A_540] : memref<1024x8xf32, #tpu.memory_space<vmem>>[vector<16xi32>, vector<16xi32>], vector<16xf32>,
          %gather3A_542 = tpu.vector_load_idx %arg16[%get3A_531, %broadcast_in_dim3A_540] : memref<128x8xf32, #tpu.memory_space<vmem>>[vector<16xi32>, vector<16xi32>], vector<16xf32>,
          %sub3A_543 = arith.subf %gather3A_542, %gather3A_541 : vector<16xf32>
          %mul3A_544 = arith.mulf %sub3A_543, %sub3A_543 : vector<16xf32>
          %add3A_545 = arith.addf %add3A_538, %mul3A_544 : vector<16xf32>
          %broadcast_in_dim3A_546 = arith.constant 2 : i32
          %broadcast_in_dim3A_547 = vector.broadcast %broadcast_in_dim3A_546 : i32 to vector<16xi32>
          %gather3A_548 = tpu.vector_load_idx %arg15[%add3A_528, %broadcast_in_dim3A_547] : memref<1024x8xf32, #tpu.memory_space<vmem>>[vector<16xi32>, vector<16xi32>], vector<16xf32>,
          %gather3A_549 = tpu.vector_load_idx %arg16[%get3A_531, %broadcast_in_dim3A_547] : memref<128x8xf32, #tpu.memory_space<vmem>>[vector<16xi32>, vector<16xi32>], vector<16xf32>,
          %sub3A_550 = arith.subf %gather3A_549, %gather3A_548 : vector<16xf32>
          %mul3A_551 = arith.mulf %sub3A_550, %sub3A_550 : vector<16xf32>
          %add3A_552 = arith.addf %add3A_545, %mul3A_551 : vector<16xf32>
          %broadcast_in_dim3A_553 = arith.constant 3 : i32
          %broadcast_in_dim3A_554 = vector.broadcast %broadcast_in_dim3A_553 : i32 to vector<16xi32>
          %gather3A_555 = tpu.vector_load_idx %arg15[%add3A_528, %broadcast_in_dim3A_554] : memref<1024x8xf32, #tpu.memory_space<vmem>>[vector<16xi32>, vector<16xi32>], vector<16xf32>,
          %gather3A_556 = tpu.vector_load_idx %arg16[%get3A_531, %broadcast_in_dim3A_554] : memref<128x8xf32, #tpu.memory_space<vmem>>[vector<16xi32>, vector<16xi32>], vector<16xf32>,
          %sub3A_557 = arith.subf %gather3A_556, %gather3A_555 : vector<16xf32>
          %mul3A_558 = arith.mulf %sub3A_557, %sub3A_557 : vector<16xf32>
          %add3A_559 = arith.addf %add3A_552, %mul3A_558 : vector<16xf32>
          %broadcast_in_dim3A_560 = arith.constant 4 : i32
          %broadcast_in_dim3A_561 = vector.broadcast %broadcast_in_dim3A_560 : i32 to vector<16xi32>
          %gather3A_562 = tpu.vector_load_idx %arg15[%add3A_528, %broadcast_in_dim3A_561] : memref<1024x8xf32, #tpu.memory_space<vmem>>[vector<16xi32>, vector<16xi32>], vector<16xf32>,
          %gather3A_563 = tpu.vector_load_idx %arg16[%get3A_531, %broadcast_in_dim3A_561] : memref<128x8xf32, #tpu.memory_space<vmem>>[vector<16xi32>, vector<16xi32>], vector<16xf32>,
          %sub3A_564 = arith.subf %gather3A_563, %gather3A_562 : vector<16xf32>
          %mul3A_565 = arith.mulf %sub3A_564, %sub3A_564 : vector<16xf32>
          %add3A_566 = arith.addf %add3A_559, %mul3A_565 : vector<16xf32>
          %broadcast_in_dim3A_567 = arith.constant 5 : i32
          %broadcast_in_dim3A_568 = vector.broadcast %broadcast_in_dim3A_567 : i32 to vector<16xi32>
          %gather3A_569 = tpu.vector_load_idx %arg15[%add3A_528, %broadcast_in_dim3A_568] : memref<1024x8xf32, #tpu.memory_space<vmem>>[vector<16xi32>, vector<16xi32>], vector<16xf32>,
          %gather3A_570 = tpu.vector_load_idx %arg16[%get3A_531, %broadcast_in_dim3A_568] : memref<128x8xf32, #tpu.memory_space<vmem>>[vector<16xi32>, vector<16xi32>], vector<16xf32>,
          %sub3A_571 = arith.subf %gather3A_570, %gather3A_569 : vector<16xf32>
          %mul3A_572 = arith.mulf %sub3A_571, %sub3A_571 : vector<16xf32>
          %add3A_573 = arith.addf %add3A_566, %mul3A_572 : vector<16xf32>
          %broadcast_in_dim3A_574 = arith.constant 6 : i32
          %broadcast_in_dim3A_575 = vector.broadcast %broadcast_in_dim3A_574 : i32 to vector<16xi32>
          %gather3A_576 = tpu.vector_load_idx %arg15[%add3A_528, %broadcast_in_dim3A_575] : memref<1024x8xf32, #tpu.memory_space<vmem>>[vector<16xi32>, vector<16xi32>], vector<16xf32>,
          %gather3A_577 = tpu.vector_load_idx %arg16[%get3A_531, %broadcast_in_dim3A_575] : memref<128x8xf32, #tpu.memory_space<vmem>>[vector<16xi32>, vector<16xi32>], vector<16xf32>,
          %sub3A_578 = arith.subf %gather3A_577, %gather3A_576 : vector<16xf32>
          %mul3A_579 = arith.mulf %sub3A_578, %sub3A_578 : vector<16xf32>
          %add3A_580 = arith.addf %add3A_573, %mul3A_579 : vector<16xf32>
          %broadcast_in_dim3A_581 = arith.constant 7 : i32
          %broadcast_in_dim3A_582 = vector.broadcast %broadcast_in_dim3A_581 : i32 to vector<16xi32>
          %gather3A_583 = tpu.vector_load_idx %arg15[%add3A_528, %broadcast_in_dim3A_582] : memref<1024x8xf32, #tpu.memory_space<vmem>>[vector<16xi32>, vector<16xi32>], vector<16xf32>,
          %gather3A_584 = tpu.vector_load_idx %arg16[%get3A_531, %broadcast_in_dim3A_582] : memref<128x8xf32, #tpu.memory_space<vmem>>[vector<16xi32>, vector<16xi32>], vector<16xf32>,
          %sub3A_585 = arith.subf %gather3A_584, %gather3A_583 : vector<16xf32>
          %mul3A_586 = arith.mulf %sub3A_585, %sub3A_585 : vector<16xf32>
          %add3A_587 = arith.addf %add3A_580, %mul3A_586 : vector<16xf32>
          %mul3A_588 = arith.constant 16 : i32
          %mul3A_589 = arith.muli %scan3A_524, %mul3A_588 : i32
          %swap3A = arith.index_cast %mul3A_589 : i32 to index
          %swap3A_590 = tpu.vector_load %arg17[%swap3A] {strides = array<i32>} : memref<1024xf32, #tpu.memory_space<vmem>>, vector<16xf32>,
          tpu.vector_store %arg17[%swap3A], %add3A_587 {strides = array<i32>} : memref<1024xf32, #tpu.memory_space<vmem>>, vector<16xf32>,
        }
        %scan3A_523 = arith.constant 64 : i32
        "tpu.region"() ({
          %run_scoped3A = tpu.sem_alloc : memref<!tpu.dma_semaphore, #tpu.memory_space<semaphore_mem>>
          %dma_start3A_524 = arith.constant 0 : i32
          %dma_start3A_525 = arith.constant 0 : i32
          %dma_start3A_526 = tpu.memref_slice %arg13[%dma_start3A_524, %dma_start3A_525] : memref<1024x24xf32, #tpu.memory_space<vmem>> -> memref<1024x24xf32, #tpu.memory_space<vmem>>
          %dma_start3A_527 = arith.constant 0 : i32
          %dma_start3A_528 = tpu.memref_slice %arg8[%multiple_of3A_20, %dma_start3A_527] : memref<450000x24xf32, #tpu.memory_space<hbm>> -> memref<1024x24xf32, #tpu.memory_space<hbm>>
          %dma_start3A_529 = arith.constant 0 : i32
          %dma_start3A_530 = tpu.memref_slice %arg8[%multiple_of3A_20, %dma_start3A_529] : memref<450000x24xf32, #tpu.memory_space<hbm>> -> memref<1024x24xf32, #tpu.memory_space<hbm>>
          %dma_start3A_531 = arith.constant 0 : i32
          %dma_start3A_532 = arith.constant 0 : i32
          %dma_start3A_533 = tpu.memref_slice %arg13[%dma_start3A_531, %dma_start3A_532] : memref<1024x24xf32, #tpu.memory_space<vmem>> -> memref<1024x24xf32, #tpu.memory_space<vmem>>
          tpu.enqueue_dma source(%dma_start3A_533 : memref<1024x24xf32, #tpu.memory_space<vmem>>) target(%dma_start3A_530 : memref<1024x24xf32, #tpu.memory_space<hbm>>) target_semaphore(%run_scoped3A : memref<!tpu.dma_semaphore, #tpu.memory_space<semaphore_mem>>)
          %dma_wait3A_534 = arith.constant 0 : i32
          %dma_wait3A_535 = arith.constant 0 : i32
          %dma_wait3A_536 = tpu.memref_slice %arg13[%dma_wait3A_534, %dma_wait3A_535] : memref<1024x24xf32, #tpu.memory_space<vmem>> -> memref<1024x24xf32, #tpu.memory_space<vmem>>
          %dma_wait3A_537 = arith.constant 0 : i32
          %dma_wait3A_538 = tpu.memref_slice %arg8[%multiple_of3A_20, %dma_wait3A_537] : memref<450000x24xf32, #tpu.memory_space<hbm>> -> memref<1024x24xf32, #tpu.memory_space<hbm>>
          %dma_wait3A_539 = arith.constant 0 : i32
          %dma_wait3A_540 = tpu.memref_slice %arg8[%multiple_of3A_20, %dma_wait3A_539] : memref<450000x24xf32, #tpu.memory_space<hbm>> -> memref<1024x24xf32, #tpu.memory_space<hbm>>
          %dma_wait3A_541 = arith.constant 0 : i32
          %dma_wait3A_542 = arith.constant 0 : i32
          %dma_wait3A_543 = tpu.memref_slice %arg13[%dma_wait3A_541, %dma_wait3A_542] : memref<1024x24xf32, #tpu.memory_space<vmem>> -> memref<1024x24xf32, #tpu.memory_space<vmem>>
          tpu.wait_dma2 semaphore(%run_scoped3A : memref<!tpu.dma_semaphore, #tpu.memory_space<semaphore_mem>>) src(%dma_wait3A_543 : memref<1024x24xf32, #tpu.memory_space<vmem>>) dst(%dma_wait3A_540 : memref<1024x24xf32, #tpu.memory_space<hbm>>)
          tpu.yield
        }) : () -> ()
        "tpu.region"() ({
          %run_scoped3A = tpu.sem_alloc : memref<!tpu.dma_semaphore, #tpu.memory_space<semaphore_mem>>
          %dma_start3A_524 = arith.constant 0 : i32
          %dma_start3A_525 = arith.constant 0 : i32
          %dma_start3A_526 = tpu.memref_slice %arg14[%dma_start3A_524, %dma_start3A_525] : memref<1024x32xf32, #tpu.memory_space<vmem>> -> memref<1024x32xf32, #tpu.memory_space<vmem>>
          %dma_start3A_527 = arith.constant 0 : i32
          %dma_start3A_528 = tpu.memref_slice %arg9[%multiple_of3A_20, %dma_start3A_527] : memref<450000x32xf32, #tpu.memory_space<hbm>> -> memref<1024x32xf32, #tpu.memory_space<hbm>>
          %dma_start3A_529 = arith.constant 0 : i32
          %dma_start3A_530 = tpu.memref_slice %arg9[%multiple_of3A_20, %dma_start3A_529] : memref<450000x32xf32, #tpu.memory_space<hbm>> -> memref<1024x32xf32, #tpu.memory_space<hbm>>
          %dma_start3A_531 = arith.constant 0 : i32
          %dma_start3A_532 = arith.constant 0 : i32
          %dma_start3A_533 = tpu.memref_slice %arg14[%dma_start3A_531, %dma_start3A_532] : memref<1024x32xf32, #tpu.memory_space<vmem>> -> memref<1024x32xf32, #tpu.memory_space<vmem>>
          tpu.enqueue_dma source(%dma_start3A_533 : memref<1024x32xf32, #tpu.memory_space<vmem>>) target(%dma_start3A_530 : memref<1024x32xf32, #tpu.memory_space<hbm>>) target_semaphore(%run_scoped3A : memref<!tpu.dma_semaphore, #tpu.memory_space<semaphore_mem>>)
          %dma_wait3A_534 = arith.constant 0 : i32
          %dma_wait3A_535 = arith.constant 0 : i32
          %dma_wait3A_536 = tpu.memref_slice %arg14[%dma_wait3A_534, %dma_wait3A_535] : memref<1024x32xf32, #tpu.memory_space<vmem>> -> memref<1024x32xf32, #tpu.memory_space<vmem>>
          %dma_wait3A_537 = arith.constant 0 : i32
          %dma_wait3A_538 = tpu.memref_slice %arg9[%multiple_of3A_20, %dma_wait3A_537] : memref<450000x32xf32, #tpu.memory_space<hbm>> -> memref<1024x32xf32, #tpu.memory_space<hbm>>
          %dma_wait3A_539 = arith.constant 0 : i32
          %dma_wait3A_540 = tpu.memref_slice %arg9[%multiple_of3A_20, %dma_wait3A_539] : memref<450000x32xf32, #tpu.memory_space<hbm>> -> memref<1024x32xf32, #tpu.memory_space<hbm>>
          %dma_wait3A_541 = arith.constant 0 : i32
          %dma_wait3A_542 = arith.constant 0 : i32
          %dma_wait3A_543 = tpu.memref_slice %arg14[%dma_wait3A_541, %dma_wait3A_542] : memref<1024x32xf32, #tpu.memory_space<vmem>> -> memref<1024x32xf32, #tpu.memory_space<vmem>>
          tpu.wait_dma2 semaphore(%run_scoped3A : memref<!tpu.dma_semaphore, #tpu.memory_space<semaphore_mem>>) src(%dma_wait3A_543 : memref<1024x32xf32, #tpu.memory_space<vmem>>) dst(%dma_wait3A_540 : memref<1024x32xf32, #tpu.memory_space<hbm>>)
          tpu.yield
        }) : () -> ()
        "tpu.region"() ({
          %run_scoped3A = tpu.sem_alloc : memref<!tpu.dma_semaphore, #tpu.memory_space<semaphore_mem>>
          %dma_start3A_524 = arith.constant 0 : i32
          %dma_start3A_525 = tpu.memref_slice %arg17[%dma_start3A_524] : memref<1024xf32, #tpu.memory_space<vmem>> -> memref<1024xf32, #tpu.memory_space<vmem>>
          %dma_start3A_526 = tpu.memref_slice %arg10[%multiple_of3A_20] : memref<450048xf32, #tpu.memory_space<hbm>> -> memref<1024xf32, #tpu.memory_space<hbm>>
          %dma_start3A_527 = tpu.memref_slice %arg10[%multiple_of3A_20] : memref<450048xf32, #tpu.memory_space<hbm>> -> memref<1024xf32, #tpu.memory_space<hbm>>
          %dma_start3A_528 = arith.constant 0 : i32
          %dma_start3A_529 = tpu.memref_slice %arg17[%dma_start3A_528] : memref<1024xf32, #tpu.memory_space<vmem>> -> memref<1024xf32, #tpu.memory_space<vmem>>
          tpu.enqueue_dma source(%dma_start3A_529 : memref<1024xf32, #tpu.memory_space<vmem>>) target(%dma_start3A_527 : memref<1024xf32, #tpu.memory_space<hbm>>) target_semaphore(%run_scoped3A : memref<!tpu.dma_semaphore, #tpu.memory_space<semaphore_mem>>)
          %dma_wait3A_530 = arith.constant 0 : i32
          %dma_wait3A_531 = tpu.memref_slice %arg17[%dma_wait3A_530] : memref<1024xf32, #tpu.memory_space<vmem>> -> memref<1024xf32, #tpu.memory_space<vmem>>
          %dma_wait3A_532 = tpu.memref_slice %arg10[%multiple_of3A_20] : memref<450048xf32, #tpu.memory_space<hbm>> -> memref<1024xf32, #tpu.memory_space<hbm>>
          %dma_wait3A_533 = tpu.memref_slice %arg10[%multiple_of3A_20] : memref<450048xf32, #tpu.memory_space<hbm>> -> memref<1024xf32, #tpu.memory_space<hbm>>
          %dma_wait3A_534 = arith.constant 0 : i32
          %dma_wait3A_535 = tpu.memref_slice %arg17[%dma_wait3A_534] : memref<1024xf32, #tpu.memory_space<vmem>> -> memref<1024xf32, #tpu.memory_space<vmem>>
          tpu.wait_dma2 semaphore(%run_scoped3A : memref<!tpu.dma_semaphore, #tpu.memory_space<semaphore_mem>>) src(%dma_wait3A_535 : memref<1024xf32, #tpu.memory_space<vmem>>) dst(%dma_wait3A_533 : memref<1024xf32, #tpu.memory_space<hbm>>)
          tpu.yield
        }) : () -> ()
      } else {
      }
      %eq3A = arith.constant 439 : i32
      %eq3A_12 = arith.cmpi eq, %add3A_9, %eq3A : i32
      %convert_element_type3A_13 = arith.extui %eq3A_12 : i1 to i32
      %cond3A_14 = arith.constant 0 : i32
      %cond3A_15 = arith.cmpi ne, %convert_element_type3A_13, %cond3A_14 : i32
      scf.if %cond3A_15 {
        %mul3A_16 = arith.constant 8 : i32
        %mul3A_17 = arith.muli %add3A_9, %mul3A_16 : i32
        %multiple_of3A = tpu.assume_multiple %mul3A_17, 8 : i32
        %mul3A_18 = arith.constant 1024 : i32
        %mul3A_19 = arith.muli %add3A_9, %mul3A_18 : i32
        %multiple_of3A_20 = tpu.assume_multiple %mul3A_19, 1024 : i32
        "tpu.region"() ({
          %run_scoped3A = tpu.sem_alloc : memref<!tpu.dma_semaphore, #tpu.memory_space<semaphore_mem>>
          %dma_start3A_284 = arith.constant 0 : i32
          %dma_start3A_285 = arith.constant 0 : i32
          %dma_start3A_286 = tpu.memref_slice %arg11[%dma_start3A_284, %dma_start3A_285] : memref<8x128xi32, #tpu.memory_space<vmem>> -> memref<4x128xi32, #tpu.memory_space<vmem>>
          %dma_start3A_287 = arith.constant 0 : i32
          %dma_start3A_288 = tpu.memref_slice %arg2[%multiple_of3A, %dma_start3A_287] : memref<3516x128xi32, #tpu.memory_space<hbm>> -> memref<4x128xi32, #tpu.memory_space<hbm>>
          %dma_start3A_289 = arith.constant 0 : i32
          %dma_start3A_290 = arith.constant 0 : i32
          %dma_start3A_291 = tpu.memref_slice %arg11[%dma_start3A_289, %dma_start3A_290] : memref<8x128xi32, #tpu.memory_space<vmem>> -> memref<4x128xi32, #tpu.memory_space<vmem>>
          %dma_start3A_292 = arith.constant 0 : i32
          %dma_start3A_293 = tpu.memref_slice %arg2[%multiple_of3A, %dma_start3A_292] : memref<3516x128xi32, #tpu.memory_space<hbm>> -> memref<4x128xi32, #tpu.memory_space<hbm>>
          tpu.enqueue_dma source(%dma_start3A_293 : memref<4x128xi32, #tpu.memory_space<hbm>>) target(%dma_start3A_291 : memref<4x128xi32, #tpu.memory_space<vmem>>) target_semaphore(%run_scoped3A : memref<!tpu.dma_semaphore, #tpu.memory_space<semaphore_mem>>)
          %dma_wait3A_294 = arith.constant 0 : i32
          %dma_wait3A_295 = arith.constant 0 : i32
          %dma_wait3A_296 = tpu.memref_slice %arg11[%dma_wait3A_294, %dma_wait3A_295] : memref<8x128xi32, #tpu.memory_space<vmem>> -> memref<4x128xi32, #tpu.memory_space<vmem>>
          %dma_wait3A_297 = arith.constant 0 : i32
          %dma_wait3A_298 = tpu.memref_slice %arg2[%multiple_of3A, %dma_wait3A_297] : memref<3516x128xi32, #tpu.memory_space<hbm>> -> memref<4x128xi32, #tpu.memory_space<hbm>>
          %dma_wait3A_299 = arith.constant 0 : i32
          %dma_wait3A_300 = arith.constant 0 : i32
          %dma_wait3A_301 = tpu.memref_slice %arg11[%dma_wait3A_299, %dma_wait3A_300] : memref<8x128xi32, #tpu.memory_space<vmem>> -> memref<4x128xi32, #tpu.memory_space<vmem>>
          %dma_wait3A_302 = arith.constant 0 : i32
          %dma_wait3A_303 = tpu.memref_slice %arg2[%multiple_of3A, %dma_wait3A_302] : memref<3516x128xi32, #tpu.memory_space<hbm>> -> memref<4x128xi32, #tpu.memory_space<hbm>>
          tpu.wait_dma2 semaphore(%run_scoped3A : memref<!tpu.dma_semaphore, #tpu.memory_space<semaphore_mem>>) src(%dma_wait3A_303 : memref<4x128xi32, #tpu.memory_space<hbm>>) dst(%dma_wait3A_301 : memref<4x128xi32, #tpu.memory_space<vmem>>)
          tpu.yield
        }) : () -> ()
        "tpu.region"() ({
          %run_scoped3A = tpu.sem_alloc : memref<!tpu.dma_semaphore, #tpu.memory_space<semaphore_mem>>
          %dma_start3A_284 = tpu.memref_slice %arg3[%multiple_of3A_20] : memref<450048xi32, #tpu.memory_space<hbm>> -> memref<1024xi32, #tpu.memory_space<hbm>>
          %dma_start3A_285 = tpu.memref_slice %arg3[%multiple_of3A_20] : memref<450048xi32, #tpu.memory_space<hbm>> -> memref<1024xi32, #tpu.memory_space<hbm>>
          tpu.enqueue_dma source(%dma_start3A_285 : memref<1024xi32, #tpu.memory_space<hbm>>) target(%arg12 : memref<1024xi32, #tpu.memory_space<vmem>>) target_semaphore(%run_scoped3A : memref<!tpu.dma_semaphore, #tpu.memory_space<semaphore_mem>>)
          %dma_wait3A_286 = tpu.memref_slice %arg3[%multiple_of3A_20] : memref<450048xi32, #tpu.memory_space<hbm>> -> memref<1024xi32, #tpu.memory_space<hbm>>
          %dma_wait3A_287 = tpu.memref_slice %arg3[%multiple_of3A_20] : memref<450048xi32, #tpu.memory_space<hbm>> -> memref<1024xi32, #tpu.memory_space<hbm>>
          tpu.wait_dma2 semaphore(%run_scoped3A : memref<!tpu.dma_semaphore, #tpu.memory_space<semaphore_mem>>) src(%dma_wait3A_287 : memref<1024xi32, #tpu.memory_space<hbm>>) dst(%arg12 : memref<1024xi32, #tpu.memory_space<vmem>>)
          tpu.yield
        }) : () -> ()
        %jit3A = arith.constant 9 : i32
        %div3A = arith.divsi %multiple_of3A_20, %jit3A : i32
        %sign3A = arith.constant 0 : i32
        %sign3A_21 = arith.cmpi sgt, %multiple_of3A_20, %sign3A : i32
        %sign3A_22 = arith.extui %sign3A_21 : i1 to i32
        %sign3A_23 = arith.constant 0 : i32
        %sign3A_24 = arith.cmpi slt, %multiple_of3A_20, %sign3A_23 : i32
        %sign3A_25 = arith.extui %sign3A_24 : i1 to i32
        %sign3A_26 = arith.subi %sign3A_22, %sign3A_25 : i32
        %sign3A_27 = arith.constant 0 : i32
        %sign3A_28 = arith.cmpi sgt, %jit3A, %sign3A_27 : i32
        %sign3A_29 = arith.extui %sign3A_28 : i1 to i32
        %sign3A_30 = arith.constant 0 : i32
        %sign3A_31 = arith.cmpi slt, %jit3A, %sign3A_30 : i32
        %sign3A_32 = arith.extui %sign3A_31 : i1 to i32
        %sign3A_33 = arith.subi %sign3A_29, %sign3A_32 : i32
        %ne3A = arith.cmpi ne, %sign3A_26, %sign3A_33 : i32
        %rem3A = arith.remsi %multiple_of3A_20, %jit3A : i32
        %ne3A_34 = arith.constant 0 : i32
        %ne3A_35 = arith.cmpi ne, %rem3A, %ne3A_34 : i32
        %and3A = arith.andi %ne3A, %ne3A_35 : i1
        %sub3A = arith.constant 1 : i32
        %sub3A_36 = arith.subi %div3A, %sub3A : i32
        %select_n3A = arith.select %and3A, %sub3A_36, %div3A : i32
        %and3A_37 = arith.constant -8 : i32
        %and3A_38 = arith.andi %select_n3A, %and3A_37 : i32
        %multiple_of3A_39 = tpu.assume_multiple %and3A_38, 8 : i32
        "tpu.region"() ({
          %run_scoped3A = tpu.sem_alloc : memref<!tpu.dma_semaphore, #tpu.memory_space<semaphore_mem>>
          %dma_start3A_284 = arith.constant 0 : i32
          %dma_start3A_285 = tpu.memref_slice %arg7[%multiple_of3A_39, %dma_start3A_284] : memref<50176x8xf32, #tpu.memory_space<hbm>> -> memref<128x8xf32, #tpu.memory_space<hbm>>
          %dma_start3A_286 = arith.constant 0 : i32
          %dma_start3A_287 = tpu.memref_slice %arg7[%multiple_of3A_39, %dma_start3A_286] : memref<50176x8xf32, #tpu.memory_space<hbm>> -> memref<128x8xf32, #tpu.memory_space<hbm>>
          tpu.enqueue_dma source(%dma_start3A_287 : memref<128x8xf32, #tpu.memory_space<hbm>>) target(%arg16 : memref<128x8xf32, #tpu.memory_space<vmem>>) target_semaphore(%run_scoped3A : memref<!tpu.dma_semaphore, #tpu.memory_space<semaphore_mem>>)
          %dma_wait3A_288 = arith.constant 0 : i32
          %dma_wait3A_289 = tpu.memref_slice %arg7[%multiple_of3A_39, %dma_wait3A_288] : memref<50176x8xf32, #tpu.memory_space<hbm>> -> memref<128x8xf32, #tpu.memory_space<hbm>>
          %dma_wait3A_290 = arith.constant 0 : i32
          %dma_wait3A_291 = tpu.memref_slice %arg7[%multiple_of3A_39, %dma_wait3A_290] : memref<50176x8xf32, #tpu.memory_space<hbm>> -> memref<128x8xf32, #tpu.memory_space<hbm>>
          tpu.wait_dma2 semaphore(%run_scoped3A : memref<!tpu.dma_semaphore, #tpu.memory_space<semaphore_mem>>) src(%dma_wait3A_291 : memref<128x8xf32, #tpu.memory_space<hbm>>) dst(%arg16 : memref<128x8xf32, #tpu.memory_space<vmem>>)
          tpu.yield
        }) : () -> ()
        %dma_start3A = arith.constant 0 : i32
        %dma_start3A_40 = arith.constant 0 : i32
        %dma_start3A_41 = arith.constant 0 : i32
        %dma_start3A_42 = tpu.memref_slice %arg13[%dma_start3A_40, %dma_start3A_41] : memref<1024x24xf32, #tpu.memory_space<vmem>> -> memref<128x24xf32, #tpu.memory_space<vmem>>
        %dma_start3A_43 = arith.constant 0 : i32
        %dma_start3A_44 = tpu.memref_slice %arg11[%dma_start3A, %dma_start3A_43] : memref<8x128xi32, #tpu.memory_space<vmem>> -> memref<1x128xi32, #tpu.memory_space<vmem>>
        %dma_start3A_45 = tpu.memref_squeeze %dma_start3A_44 : memref<1x128xi32, #tpu.memory_space<vmem>> -> memref<128xi32, #tpu.memory_space<vmem>>
        %dma_start3A_46 = arith.constant 0 : i32
        %dma_start3A_47 = arith.constant 0 : i32
        %dma_start3A_48 = tpu.memref_slice %arg4[%dma_start3A_46, %dma_start3A_47] : memref<5143x24xf32, #tpu.memory_space<hbm>> -> memref<5143x24xf32, #tpu.memory_space<hbm>>
        tpu.enqueue_indirect_dma source(%dma_start3A_48 : memref<5143x24xf32, #tpu.memory_space<hbm>>) target(%dma_start3A_42 : memref<128x24xf32, #tpu.memory_space<vmem>>) offsets(%dma_start3A_45 : memref<128xi32, #tpu.memory_space<vmem>>) semaphore(%arg18 : memref<!tpu.dma_semaphore, #tpu.memory_space<semaphore_mem>>)
        %dma_start3A_49 = arith.constant 0 : i32
        %dma_start3A_50 = arith.constant 0 : i32
        %dma_start3A_51 = arith.constant 0 : i32
        %dma_start3A_52 = tpu.memref_slice %arg14[%dma_start3A_50, %dma_start3A_51] : memref<1024x32xf32, #tpu.memory_space<vmem>> -> memref<128x32xf32, #tpu.memory_space<vmem>>
        %dma_start3A_53 = arith.constant 0 : i32
        %dma_start3A_54 = tpu.memref_slice %arg11[%dma_start3A_49, %dma_start3A_53] : memref<8x128xi32, #tpu.memory_space<vmem>> -> memref<1x128xi32, #tpu.memory_space<vmem>>
        %dma_start3A_55 = tpu.memref_squeeze %dma_start3A_54 : memref<1x128xi32, #tpu.memory_space<vmem>> -> memref<128xi32, #tpu.memory_space<vmem>>
        %dma_start3A_56 = arith.constant 0 : i32
        %dma_start3A_57 = arith.constant 0 : i32
        %dma_start3A_58 = tpu.memref_slice %arg5[%dma_start3A_56, %dma_start3A_57] : memref<5143x32xf32, #tpu.memory_space<hbm>> -> memref<5143x32xf32, #tpu.memory_space<hbm>>
        tpu.enqueue_indirect_dma source(%dma_start3A_58 : memref<5143x32xf32, #tpu.memory_space<hbm>>) target(%dma_start3A_52 : memref<128x32xf32, #tpu.memory_space<vmem>>) offsets(%dma_start3A_55 : memref<128xi32, #tpu.memory_space<vmem>>) semaphore(%arg19 : memref<!tpu.dma_semaphore, #tpu.memory_space<semaphore_mem>>)
        %dma_start3A_59 = arith.constant 0 : i32
        %dma_start3A_60 = arith.constant 0 : i32
        %dma_start3A_61 = arith.constant 0 : i32
        %dma_start3A_62 = tpu.memref_slice %arg15[%dma_start3A_60, %dma_start3A_61] : memref<1024x8xf32, #tpu.memory_space<vmem>> -> memref<128x8xf32, #tpu.memory_space<vmem>>
        %dma_start3A_63 = arith.constant 0 : i32
        %dma_start3A_64 = tpu.memref_slice %arg11[%dma_start3A_59, %dma_start3A_63] : memref<8x128xi32, #tpu.memory_space<vmem>> -> memref<1x128xi32, #tpu.memory_space<vmem>>
        %dma_start3A_65 = tpu.memref_squeeze %dma_start3A_64 : memref<1x128xi32, #tpu.memory_space<vmem>> -> memref<128xi32, #tpu.memory_space<vmem>>
        %dma_start3A_66 = arith.constant 0 : i32
        %dma_start3A_67 = arith.constant 0 : i32
        %dma_start3A_68 = tpu.memref_slice %arg6[%dma_start3A_66, %dma_start3A_67] : memref<5143x8xf32, #tpu.memory_space<hbm>> -> memref<5143x8xf32, #tpu.memory_space<hbm>>
        tpu.enqueue_indirect_dma source(%dma_start3A_68 : memref<5143x8xf32, #tpu.memory_space<hbm>>) target(%dma_start3A_62 : memref<128x8xf32, #tpu.memory_space<vmem>>) offsets(%dma_start3A_65 : memref<128xi32, #tpu.memory_space<vmem>>) semaphore(%arg20 : memref<!tpu.dma_semaphore, #tpu.memory_space<semaphore_mem>>)
        %dma_start3A_69 = arith.constant 1 : i32
        %dma_start3A_70 = arith.constant 128 : i32
        %dma_start3A_71 = arith.constant 0 : i32
        %dma_start3A_72 = tpu.memref_slice %arg13[%dma_start3A_70, %dma_start3A_71] : memref<1024x24xf32, #tpu.memory_space<vmem>> -> memref<128x24xf32, #tpu.memory_space<vmem>>
        %dma_start3A_73 = arith.constant 0 : i32
        %dma_start3A_74 = tpu.memref_slice %arg11[%dma_start3A_69, %dma_start3A_73] : memref<8x128xi32, #tpu.memory_space<vmem>> -> memref<1x128xi32, #tpu.memory_space<vmem>>
        %dma_start3A_75 = tpu.memref_squeeze %dma_start3A_74 : memref<1x128xi32, #tpu.memory_space<vmem>> -> memref<128xi32, #tpu.memory_space<vmem>>
        %dma_start3A_76 = arith.constant 0 : i32
        %dma_start3A_77 = arith.constant 0 : i32
        %dma_start3A_78 = tpu.memref_slice %arg4[%dma_start3A_76, %dma_start3A_77] : memref<5143x24xf32, #tpu.memory_space<hbm>> -> memref<5143x24xf32, #tpu.memory_space<hbm>>
        tpu.enqueue_indirect_dma source(%dma_start3A_78 : memref<5143x24xf32, #tpu.memory_space<hbm>>) target(%dma_start3A_72 : memref<128x24xf32, #tpu.memory_space<vmem>>) offsets(%dma_start3A_75 : memref<128xi32, #tpu.memory_space<vmem>>) semaphore(%arg18 : memref<!tpu.dma_semaphore, #tpu.memory_space<semaphore_mem>>)
        %dma_start3A_79 = arith.constant 1 : i32
        %dma_start3A_80 = arith.constant 128 : i32
        %dma_start3A_81 = arith.constant 0 : i32
        %dma_start3A_82 = tpu.memref_slice %arg14[%dma_start3A_80, %dma_start3A_81] : memref<1024x32xf32, #tpu.memory_space<vmem>> -> memref<128x32xf32, #tpu.memory_space<vmem>>
        %dma_start3A_83 = arith.constant 0 : i32
        %dma_start3A_84 = tpu.memref_slice %arg11[%dma_start3A_79, %dma_start3A_83] : memref<8x128xi32, #tpu.memory_space<vmem>> -> memref<1x128xi32, #tpu.memory_space<vmem>>
        %dma_start3A_85 = tpu.memref_squeeze %dma_start3A_84 : memref<1x128xi32, #tpu.memory_space<vmem>> -> memref<128xi32, #tpu.memory_space<vmem>>
        %dma_start3A_86 = arith.constant 0 : i32
        %dma_start3A_87 = arith.constant 0 : i32
        %dma_start3A_88 = tpu.memref_slice %arg5[%dma_start3A_86, %dma_start3A_87] : memref<5143x32xf32, #tpu.memory_space<hbm>> -> memref<5143x32xf32, #tpu.memory_space<hbm>>
        tpu.enqueue_indirect_dma source(%dma_start3A_88 : memref<5143x32xf32, #tpu.memory_space<hbm>>) target(%dma_start3A_82 : memref<128x32xf32, #tpu.memory_space<vmem>>) offsets(%dma_start3A_85 : memref<128xi32, #tpu.memory_space<vmem>>) semaphore(%arg19 : memref<!tpu.dma_semaphore, #tpu.memory_space<semaphore_mem>>)
        %dma_start3A_89 = arith.constant 1 : i32
        %dma_start3A_90 = arith.constant 128 : i32
        %dma_start3A_91 = arith.constant 0 : i32
        %dma_start3A_92 = tpu.memref_slice %arg15[%dma_start3A_90, %dma_start3A_91] : memref<1024x8xf32, #tpu.memory_space<vmem>> -> memref<128x8xf32, #tpu.memory_space<vmem>>
        %dma_start3A_93 = arith.constant 0 : i32
        %dma_start3A_94 = tpu.memref_slice %arg11[%dma_start3A_89, %dma_start3A_93] : memref<8x128xi32, #tpu.memory_space<vmem>> -> memref<1x128xi32, #tpu.memory_space<vmem>>
        %dma_start3A_95 = tpu.memref_squeeze %dma_start3A_94 : memref<1x128xi32, #tpu.memory_space<vmem>> -> memref<128xi32, #tpu.memory_space<vmem>>
        %dma_start3A_96 = arith.constant 0 : i32
        %dma_start3A_97 = arith.constant 0 : i32
        %dma_start3A_98 = tpu.memref_slice %arg6[%dma_start3A_96, %dma_start3A_97] : memref<5143x8xf32, #tpu.memory_space<hbm>> -> memref<5143x8xf32, #tpu.memory_space<hbm>>
        tpu.enqueue_indirect_dma source(%dma_start3A_98 : memref<5143x8xf32, #tpu.memory_space<hbm>>) target(%dma_start3A_92 : memref<128x8xf32, #tpu.memory_space<vmem>>) offsets(%dma_start3A_95 : memref<128xi32, #tpu.memory_space<vmem>>) semaphore(%arg20 : memref<!tpu.dma_semaphore, #tpu.memory_space<semaphore_mem>>)
        %dma_start3A_99 = arith.constant 2 : i32
        %dma_start3A_100 = arith.constant 256 : i32
        %dma_start3A_101 = arith.constant 0 : i32
        %dma_start3A_102 = tpu.memref_slice %arg13[%dma_start3A_100, %dma_start3A_101] : memref<1024x24xf32, #tpu.memory_space<vmem>> -> memref<128x24xf32, #tpu.memory_space<vmem>>
        %dma_start3A_103 = arith.constant 0 : i32
        %dma_start3A_104 = tpu.memref_slice %arg11[%dma_start3A_99, %dma_start3A_103] : memref<8x128xi32, #tpu.memory_space<vmem>> -> memref<1x128xi32, #tpu.memory_space<vmem>>
        %dma_start3A_105 = tpu.memref_squeeze %dma_start3A_104 : memref<1x128xi32, #tpu.memory_space<vmem>> -> memref<128xi32, #tpu.memory_space<vmem>>
        %dma_start3A_106 = arith.constant 0 : i32
        %dma_start3A_107 = arith.constant 0 : i32
        %dma_start3A_108 = tpu.memref_slice %arg4[%dma_start3A_106, %dma_start3A_107] : memref<5143x24xf32, #tpu.memory_space<hbm>> -> memref<5143x24xf32, #tpu.memory_space<hbm>>
        tpu.enqueue_indirect_dma source(%dma_start3A_108 : memref<5143x24xf32, #tpu.memory_space<hbm>>) target(%dma_start3A_102 : memref<128x24xf32, #tpu.memory_space<vmem>>) offsets(%dma_start3A_105 : memref<128xi32, #tpu.memory_space<vmem>>) semaphore(%arg18 : memref<!tpu.dma_semaphore, #tpu.memory_space<semaphore_mem>>)
        %dma_start3A_109 = arith.constant 2 : i32
        %dma_start3A_110 = arith.constant 256 : i32
        %dma_start3A_111 = arith.constant 0 : i32
        %dma_start3A_112 = tpu.memref_slice %arg14[%dma_start3A_110, %dma_start3A_111] : memref<1024x32xf32, #tpu.memory_space<vmem>> -> memref<128x32xf32, #tpu.memory_space<vmem>>
        %dma_start3A_113 = arith.constant 0 : i32
        %dma_start3A_114 = tpu.memref_slice %arg11[%dma_start3A_109, %dma_start3A_113] : memref<8x128xi32, #tpu.memory_space<vmem>> -> memref<1x128xi32, #tpu.memory_space<vmem>>
        %dma_start3A_115 = tpu.memref_squeeze %dma_start3A_114 : memref<1x128xi32, #tpu.memory_space<vmem>> -> memref<128xi32, #tpu.memory_space<vmem>>
        %dma_start3A_116 = arith.constant 0 : i32
        %dma_start3A_117 = arith.constant 0 : i32
        %dma_start3A_118 = tpu.memref_slice %arg5[%dma_start3A_116, %dma_start3A_117] : memref<5143x32xf32, #tpu.memory_space<hbm>> -> memref<5143x32xf32, #tpu.memory_space<hbm>>
        tpu.enqueue_indirect_dma source(%dma_start3A_118 : memref<5143x32xf32, #tpu.memory_space<hbm>>) target(%dma_start3A_112 : memref<128x32xf32, #tpu.memory_space<vmem>>) offsets(%dma_start3A_115 : memref<128xi32, #tpu.memory_space<vmem>>) semaphore(%arg19 : memref<!tpu.dma_semaphore, #tpu.memory_space<semaphore_mem>>)
        %dma_start3A_119 = arith.constant 2 : i32
        %dma_start3A_120 = arith.constant 256 : i32
        %dma_start3A_121 = arith.constant 0 : i32
        %dma_start3A_122 = tpu.memref_slice %arg15[%dma_start3A_120, %dma_start3A_121] : memref<1024x8xf32, #tpu.memory_space<vmem>> -> memref<128x8xf32, #tpu.memory_space<vmem>>
        %dma_start3A_123 = arith.constant 0 : i32
        %dma_start3A_124 = tpu.memref_slice %arg11[%dma_start3A_119, %dma_start3A_123] : memref<8x128xi32, #tpu.memory_space<vmem>> -> memref<1x128xi32, #tpu.memory_space<vmem>>
        %dma_start3A_125 = tpu.memref_squeeze %dma_start3A_124 : memref<1x128xi32, #tpu.memory_space<vmem>> -> memref<128xi32, #tpu.memory_space<vmem>>
        %dma_start3A_126 = arith.constant 0 : i32
        %dma_start3A_127 = arith.constant 0 : i32
        %dma_start3A_128 = tpu.memref_slice %arg6[%dma_start3A_126, %dma_start3A_127] : memref<5143x8xf32, #tpu.memory_space<hbm>> -> memref<5143x8xf32, #tpu.memory_space<hbm>>
        tpu.enqueue_indirect_dma source(%dma_start3A_128 : memref<5143x8xf32, #tpu.memory_space<hbm>>) target(%dma_start3A_122 : memref<128x8xf32, #tpu.memory_space<vmem>>) offsets(%dma_start3A_125 : memref<128xi32, #tpu.memory_space<vmem>>) semaphore(%arg20 : memref<!tpu.dma_semaphore, #tpu.memory_space<semaphore_mem>>)
        %dma_start3A_129 = arith.constant 3 : i32
        %dma_start3A_130 = arith.constant 384 : i32
        %dma_start3A_131 = arith.constant 0 : i32
        %dma_start3A_132 = tpu.memref_slice %arg13[%dma_start3A_130, %dma_start3A_131] : memref<1024x24xf32, #tpu.memory_space<vmem>> -> memref<128x24xf32, #tpu.memory_space<vmem>>
        %dma_start3A_133 = arith.constant 0 : i32
        %dma_start3A_134 = tpu.memref_slice %arg11[%dma_start3A_129, %dma_start3A_133] : memref<8x128xi32, #tpu.memory_space<vmem>> -> memref<1x128xi32, #tpu.memory_space<vmem>>
        %dma_start3A_135 = tpu.memref_squeeze %dma_start3A_134 : memref<1x128xi32, #tpu.memory_space<vmem>> -> memref<128xi32, #tpu.memory_space<vmem>>
        %dma_start3A_136 = arith.constant 0 : i32
        %dma_start3A_137 = arith.constant 0 : i32
        %dma_start3A_138 = tpu.memref_slice %arg4[%dma_start3A_136, %dma_start3A_137] : memref<5143x24xf32, #tpu.memory_space<hbm>> -> memref<5143x24xf32, #tpu.memory_space<hbm>>
        tpu.enqueue_indirect_dma source(%dma_start3A_138 : memref<5143x24xf32, #tpu.memory_space<hbm>>) target(%dma_start3A_132 : memref<128x24xf32, #tpu.memory_space<vmem>>) offsets(%dma_start3A_135 : memref<128xi32, #tpu.memory_space<vmem>>) semaphore(%arg18 : memref<!tpu.dma_semaphore, #tpu.memory_space<semaphore_mem>>)
        %dma_start3A_139 = arith.constant 3 : i32
        %dma_start3A_140 = arith.constant 384 : i32
        %dma_start3A_141 = arith.constant 0 : i32
        %dma_start3A_142 = tpu.memref_slice %arg14[%dma_start3A_140, %dma_start3A_141] : memref<1024x32xf32, #tpu.memory_space<vmem>> -> memref<128x32xf32, #tpu.memory_space<vmem>>
        %dma_start3A_143 = arith.constant 0 : i32
        %dma_start3A_144 = tpu.memref_slice %arg11[%dma_start3A_139, %dma_start3A_143] : memref<8x128xi32, #tpu.memory_space<vmem>> -> memref<1x128xi32, #tpu.memory_space<vmem>>
        %dma_start3A_145 = tpu.memref_squeeze %dma_start3A_144 : memref<1x128xi32, #tpu.memory_space<vmem>> -> memref<128xi32, #tpu.memory_space<vmem>>
        %dma_start3A_146 = arith.constant 0 : i32
        %dma_start3A_147 = arith.constant 0 : i32
        %dma_start3A_148 = tpu.memref_slice %arg5[%dma_start3A_146, %dma_start3A_147] : memref<5143x32xf32, #tpu.memory_space<hbm>> -> memref<5143x32xf32, #tpu.memory_space<hbm>>
        tpu.enqueue_indirect_dma source(%dma_start3A_148 : memref<5143x32xf32, #tpu.memory_space<hbm>>) target(%dma_start3A_142 : memref<128x32xf32, #tpu.memory_space<vmem>>) offsets(%dma_start3A_145 : memref<128xi32, #tpu.memory_space<vmem>>) semaphore(%arg19 : memref<!tpu.dma_semaphore, #tpu.memory_space<semaphore_mem>>)
        %dma_start3A_149 = arith.constant 3 : i32
        %dma_start3A_150 = arith.constant 384 : i32
        %dma_start3A_151 = arith.constant 0 : i32
        %dma_start3A_152 = tpu.memref_slice %arg15[%dma_start3A_150, %dma_start3A_151] : memref<1024x8xf32, #tpu.memory_space<vmem>> -> memref<128x8xf32, #tpu.memory_space<vmem>>
        %dma_start3A_153 = arith.constant 0 : i32
        %dma_start3A_154 = tpu.memref_slice %arg11[%dma_start3A_149, %dma_start3A_153] : memref<8x128xi32, #tpu.memory_space<vmem>> -> memref<1x128xi32, #tpu.memory_space<vmem>>
        %dma_start3A_155 = tpu.memref_squeeze %dma_start3A_154 : memref<1x128xi32, #tpu.memory_space<vmem>> -> memref<128xi32, #tpu.memory_space<vmem>>
        %dma_start3A_156 = arith.constant 0 : i32
        %dma_start3A_157 = arith.constant 0 : i32
        %dma_start3A_158 = tpu.memref_slice %arg6[%dma_start3A_156, %dma_start3A_157] : memref<5143x8xf32, #tpu.memory_space<hbm>> -> memref<5143x8xf32, #tpu.memory_space<hbm>>
        tpu.enqueue_indirect_dma source(%dma_start3A_158 : memref<5143x8xf32, #tpu.memory_space<hbm>>) target(%dma_start3A_152 : memref<128x8xf32, #tpu.memory_space<vmem>>) offsets(%dma_start3A_155 : memref<128xi32, #tpu.memory_space<vmem>>) semaphore(%arg20 : memref<!tpu.dma_semaphore, #tpu.memory_space<semaphore_mem>>)
        %dma_wait3A = arith.constant 0 : i32
        %dma_wait3A_159 = arith.constant 0 : i32
        %dma_wait3A_160 = arith.constant 0 : i32
        %dma_wait3A_161 = tpu.memref_slice %arg13[%dma_wait3A_159, %dma_wait3A_160] : memref<1024x24xf32, #tpu.memory_space<vmem>> -> memref<128x24xf32, #tpu.memory_space<vmem>>
        %dma_wait3A_162 = arith.constant 0 : i32
        %dma_wait3A_163 = tpu.memref_slice %arg11[%dma_wait3A, %dma_wait3A_162] : memref<8x128xi32, #tpu.memory_space<vmem>> -> memref<1x128xi32, #tpu.memory_space<vmem>>
        %dma_wait3A_164 = tpu.memref_squeeze %dma_wait3A_163 : memref<1x128xi32, #tpu.memory_space<vmem>> -> memref<128xi32, #tpu.memory_space<vmem>>
        %dma_wait3A_165 = arith.constant 0 : i32
        %dma_wait3A_166 = arith.constant 0 : i32
        %dma_wait3A_167 = tpu.memref_slice %arg4[%dma_wait3A_165, %dma_wait3A_166] : memref<5143x24xf32, #tpu.memory_space<hbm>> -> memref<5143x24xf32, #tpu.memory_space<hbm>>
        tpu.wait_indirect_dma semaphore(%arg18 : memref<!tpu.dma_semaphore, #tpu.memory_space<semaphore_mem>>) src(%dma_wait3A_167 : memref<5143x24xf32, #tpu.memory_space<hbm>>) dst(%dma_wait3A_161 : memref<128x24xf32, #tpu.memory_space<vmem>>)
        %dma_wait3A_168 = arith.constant 0 : i32
        %dma_wait3A_169 = arith.constant 0 : i32
        %dma_wait3A_170 = arith.constant 0 : i32
        %dma_wait3A_171 = tpu.memref_slice %arg14[%dma_wait3A_169, %dma_wait3A_170] : memref<1024x32xf32, #tpu.memory_space<vmem>> -> memref<128x32xf32, #tpu.memory_space<vmem>>
        %dma_wait3A_172 = arith.constant 0 : i32
        %dma_wait3A_173 = tpu.memref_slice %arg11[%dma_wait3A_168, %dma_wait3A_172] : memref<8x128xi32, #tpu.memory_space<vmem>> -> memref<1x128xi32, #tpu.memory_space<vmem>>
        %dma_wait3A_174 = tpu.memref_squeeze %dma_wait3A_173 : memref<1x128xi32, #tpu.memory_space<vmem>> -> memref<128xi32, #tpu.memory_space<vmem>>
        %dma_wait3A_175 = arith.constant 0 : i32
        %dma_wait3A_176 = arith.constant 0 : i32
        %dma_wait3A_177 = tpu.memref_slice %arg5[%dma_wait3A_175, %dma_wait3A_176] : memref<5143x32xf32, #tpu.memory_space<hbm>> -> memref<5143x32xf32, #tpu.memory_space<hbm>>
        tpu.wait_indirect_dma semaphore(%arg19 : memref<!tpu.dma_semaphore, #tpu.memory_space<semaphore_mem>>) src(%dma_wait3A_177 : memref<5143x32xf32, #tpu.memory_space<hbm>>) dst(%dma_wait3A_171 : memref<128x32xf32, #tpu.memory_space<vmem>>)
        %dma_wait3A_178 = arith.constant 0 : i32
        %dma_wait3A_179 = arith.constant 0 : i32
        %dma_wait3A_180 = arith.constant 0 : i32
        %dma_wait3A_181 = tpu.memref_slice %arg15[%dma_wait3A_179, %dma_wait3A_180] : memref<1024x8xf32, #tpu.memory_space<vmem>> -> memref<128x8xf32, #tpu.memory_space<vmem>>
        %dma_wait3A_182 = arith.constant 0 : i32
        %dma_wait3A_183 = tpu.memref_slice %arg11[%dma_wait3A_178, %dma_wait3A_182] : memref<8x128xi32, #tpu.memory_space<vmem>> -> memref<1x128xi32, #tpu.memory_space<vmem>>
        %dma_wait3A_184 = tpu.memref_squeeze %dma_wait3A_183 : memref<1x128xi32, #tpu.memory_space<vmem>> -> memref<128xi32, #tpu.memory_space<vmem>>
        %dma_wait3A_185 = arith.constant 0 : i32
        %dma_wait3A_186 = arith.constant 0 : i32
        %dma_wait3A_187 = tpu.memref_slice %arg6[%dma_wait3A_185, %dma_wait3A_186] : memref<5143x8xf32, #tpu.memory_space<hbm>> -> memref<5143x8xf32, #tpu.memory_space<hbm>>
        tpu.wait_indirect_dma semaphore(%arg20 : memref<!tpu.dma_semaphore, #tpu.memory_space<semaphore_mem>>) src(%dma_wait3A_187 : memref<5143x8xf32, #tpu.memory_space<hbm>>) dst(%dma_wait3A_181 : memref<128x8xf32, #tpu.memory_space<vmem>>)
        %dma_wait3A_188 = arith.constant 1 : i32
        %dma_wait3A_189 = arith.constant 128 : i32
        %dma_wait3A_190 = arith.constant 0 : i32
        %dma_wait3A_191 = tpu.memref_slice %arg13[%dma_wait3A_189, %dma_wait3A_190] : memref<1024x24xf32, #tpu.memory_space<vmem>> -> memref<128x24xf32, #tpu.memory_space<vmem>>
        %dma_wait3A_192 = arith.constant 0 : i32
        %dma_wait3A_193 = tpu.memref_slice %arg11[%dma_wait3A_188, %dma_wait3A_192] : memref<8x128xi32, #tpu.memory_space<vmem>> -> memref<1x128xi32, #tpu.memory_space<vmem>>
        %dma_wait3A_194 = tpu.memref_squeeze %dma_wait3A_193 : memref<1x128xi32, #tpu.memory_space<vmem>> -> memref<128xi32, #tpu.memory_space<vmem>>
        %dma_wait3A_195 = arith.constant 0 : i32
        %dma_wait3A_196 = arith.constant 0 : i32
        %dma_wait3A_197 = tpu.memref_slice %arg4[%dma_wait3A_195, %dma_wait3A_196] : memref<5143x24xf32, #tpu.memory_space<hbm>> -> memref<5143x24xf32, #tpu.memory_space<hbm>>
        tpu.wait_indirect_dma semaphore(%arg18 : memref<!tpu.dma_semaphore, #tpu.memory_space<semaphore_mem>>) src(%dma_wait3A_197 : memref<5143x24xf32, #tpu.memory_space<hbm>>) dst(%dma_wait3A_191 : memref<128x24xf32, #tpu.memory_space<vmem>>)
        %dma_wait3A_198 = arith.constant 1 : i32
        %dma_wait3A_199 = arith.constant 128 : i32
        %dma_wait3A_200 = arith.constant 0 : i32
        %dma_wait3A_201 = tpu.memref_slice %arg14[%dma_wait3A_199, %dma_wait3A_200] : memref<1024x32xf32, #tpu.memory_space<vmem>> -> memref<128x32xf32, #tpu.memory_space<vmem>>
        %dma_wait3A_202 = arith.constant 0 : i32
        %dma_wait3A_203 = tpu.memref_slice %arg11[%dma_wait3A_198, %dma_wait3A_202] : memref<8x128xi32, #tpu.memory_space<vmem>> -> memref<1x128xi32, #tpu.memory_space<vmem>>
        %dma_wait3A_204 = tpu.memref_squeeze %dma_wait3A_203 : memref<1x128xi32, #tpu.memory_space<vmem>> -> memref<128xi32, #tpu.memory_space<vmem>>
        %dma_wait3A_205 = arith.constant 0 : i32
        %dma_wait3A_206 = arith.constant 0 : i32
        %dma_wait3A_207 = tpu.memref_slice %arg5[%dma_wait3A_205, %dma_wait3A_206] : memref<5143x32xf32, #tpu.memory_space<hbm>> -> memref<5143x32xf32, #tpu.memory_space<hbm>>
        tpu.wait_indirect_dma semaphore(%arg19 : memref<!tpu.dma_semaphore, #tpu.memory_space<semaphore_mem>>) src(%dma_wait3A_207 : memref<5143x32xf32, #tpu.memory_space<hbm>>) dst(%dma_wait3A_201 : memref<128x32xf32, #tpu.memory_space<vmem>>)
        %dma_wait3A_208 = arith.constant 1 : i32
        %dma_wait3A_209 = arith.constant 128 : i32
        %dma_wait3A_210 = arith.constant 0 : i32
        %dma_wait3A_211 = tpu.memref_slice %arg15[%dma_wait3A_209, %dma_wait3A_210] : memref<1024x8xf32, #tpu.memory_space<vmem>> -> memref<128x8xf32, #tpu.memory_space<vmem>>
        %dma_wait3A_212 = arith.constant 0 : i32
        %dma_wait3A_213 = tpu.memref_slice %arg11[%dma_wait3A_208, %dma_wait3A_212] : memref<8x128xi32, #tpu.memory_space<vmem>> -> memref<1x128xi32, #tpu.memory_space<vmem>>
        %dma_wait3A_214 = tpu.memref_squeeze %dma_wait3A_213 : memref<1x128xi32, #tpu.memory_space<vmem>> -> memref<128xi32, #tpu.memory_space<vmem>>
        %dma_wait3A_215 = arith.constant 0 : i32
        %dma_wait3A_216 = arith.constant 0 : i32
        %dma_wait3A_217 = tpu.memref_slice %arg6[%dma_wait3A_215, %dma_wait3A_216] : memref<5143x8xf32, #tpu.memory_space<hbm>> -> memref<5143x8xf32, #tpu.memory_space<hbm>>
        tpu.wait_indirect_dma semaphore(%arg20 : memref<!tpu.dma_semaphore, #tpu.memory_space<semaphore_mem>>) src(%dma_wait3A_217 : memref<5143x8xf32, #tpu.memory_space<hbm>>) dst(%dma_wait3A_211 : memref<128x8xf32, #tpu.memory_space<vmem>>)
        %dma_wait3A_218 = arith.constant 2 : i32
        %dma_wait3A_219 = arith.constant 256 : i32
        %dma_wait3A_220 = arith.constant 0 : i32
        %dma_wait3A_221 = tpu.memref_slice %arg13[%dma_wait3A_219, %dma_wait3A_220] : memref<1024x24xf32, #tpu.memory_space<vmem>> -> memref<128x24xf32, #tpu.memory_space<vmem>>
        %dma_wait3A_222 = arith.constant 0 : i32
        %dma_wait3A_223 = tpu.memref_slice %arg11[%dma_wait3A_218, %dma_wait3A_222] : memref<8x128xi32, #tpu.memory_space<vmem>> -> memref<1x128xi32, #tpu.memory_space<vmem>>
        %dma_wait3A_224 = tpu.memref_squeeze %dma_wait3A_223 : memref<1x128xi32, #tpu.memory_space<vmem>> -> memref<128xi32, #tpu.memory_space<vmem>>
        %dma_wait3A_225 = arith.constant 0 : i32
        %dma_wait3A_226 = arith.constant 0 : i32
        %dma_wait3A_227 = tpu.memref_slice %arg4[%dma_wait3A_225, %dma_wait3A_226] : memref<5143x24xf32, #tpu.memory_space<hbm>> -> memref<5143x24xf32, #tpu.memory_space<hbm>>
        tpu.wait_indirect_dma semaphore(%arg18 : memref<!tpu.dma_semaphore, #tpu.memory_space<semaphore_mem>>) src(%dma_wait3A_227 : memref<5143x24xf32, #tpu.memory_space<hbm>>) dst(%dma_wait3A_221 : memref<128x24xf32, #tpu.memory_space<vmem>>)
        %dma_wait3A_228 = arith.constant 2 : i32
        %dma_wait3A_229 = arith.constant 256 : i32
        %dma_wait3A_230 = arith.constant 0 : i32
        %dma_wait3A_231 = tpu.memref_slice %arg14[%dma_wait3A_229, %dma_wait3A_230] : memref<1024x32xf32, #tpu.memory_space<vmem>> -> memref<128x32xf32, #tpu.memory_space<vmem>>
        %dma_wait3A_232 = arith.constant 0 : i32
        %dma_wait3A_233 = tpu.memref_slice %arg11[%dma_wait3A_228, %dma_wait3A_232] : memref<8x128xi32, #tpu.memory_space<vmem>> -> memref<1x128xi32, #tpu.memory_space<vmem>>
        %dma_wait3A_234 = tpu.memref_squeeze %dma_wait3A_233 : memref<1x128xi32, #tpu.memory_space<vmem>> -> memref<128xi32, #tpu.memory_space<vmem>>
        %dma_wait3A_235 = arith.constant 0 : i32
        %dma_wait3A_236 = arith.constant 0 : i32
        %dma_wait3A_237 = tpu.memref_slice %arg5[%dma_wait3A_235, %dma_wait3A_236] : memref<5143x32xf32, #tpu.memory_space<hbm>> -> memref<5143x32xf32, #tpu.memory_space<hbm>>
        tpu.wait_indirect_dma semaphore(%arg19 : memref<!tpu.dma_semaphore, #tpu.memory_space<semaphore_mem>>) src(%dma_wait3A_237 : memref<5143x32xf32, #tpu.memory_space<hbm>>) dst(%dma_wait3A_231 : memref<128x32xf32, #tpu.memory_space<vmem>>)
        %dma_wait3A_238 = arith.constant 2 : i32
        %dma_wait3A_239 = arith.constant 256 : i32
        %dma_wait3A_240 = arith.constant 0 : i32
        %dma_wait3A_241 = tpu.memref_slice %arg15[%dma_wait3A_239, %dma_wait3A_240] : memref<1024x8xf32, #tpu.memory_space<vmem>> -> memref<128x8xf32, #tpu.memory_space<vmem>>
        %dma_wait3A_242 = arith.constant 0 : i32
        %dma_wait3A_243 = tpu.memref_slice %arg11[%dma_wait3A_238, %dma_wait3A_242] : memref<8x128xi32, #tpu.memory_space<vmem>> -> memref<1x128xi32, #tpu.memory_space<vmem>>
        %dma_wait3A_244 = tpu.memref_squeeze %dma_wait3A_243 : memref<1x128xi32, #tpu.memory_space<vmem>> -> memref<128xi32, #tpu.memory_space<vmem>>
        %dma_wait3A_245 = arith.constant 0 : i32
        %dma_wait3A_246 = arith.constant 0 : i32
        %dma_wait3A_247 = tpu.memref_slice %arg6[%dma_wait3A_245, %dma_wait3A_246] : memref<5143x8xf32, #tpu.memory_space<hbm>> -> memref<5143x8xf32, #tpu.memory_space<hbm>>
        tpu.wait_indirect_dma semaphore(%arg20 : memref<!tpu.dma_semaphore, #tpu.memory_space<semaphore_mem>>) src(%dma_wait3A_247 : memref<5143x8xf32, #tpu.memory_space<hbm>>) dst(%dma_wait3A_241 : memref<128x8xf32, #tpu.memory_space<vmem>>)
        %dma_wait3A_248 = arith.constant 3 : i32
        %dma_wait3A_249 = arith.constant 384 : i32
        %dma_wait3A_250 = arith.constant 0 : i32
        %dma_wait3A_251 = tpu.memref_slice %arg13[%dma_wait3A_249, %dma_wait3A_250] : memref<1024x24xf32, #tpu.memory_space<vmem>> -> memref<128x24xf32, #tpu.memory_space<vmem>>
        %dma_wait3A_252 = arith.constant 0 : i32
        %dma_wait3A_253 = tpu.memref_slice %arg11[%dma_wait3A_248, %dma_wait3A_252] : memref<8x128xi32, #tpu.memory_space<vmem>> -> memref<1x128xi32, #tpu.memory_space<vmem>>
        %dma_wait3A_254 = tpu.memref_squeeze %dma_wait3A_253 : memref<1x128xi32, #tpu.memory_space<vmem>> -> memref<128xi32, #tpu.memory_space<vmem>>
        %dma_wait3A_255 = arith.constant 0 : i32
        %dma_wait3A_256 = arith.constant 0 : i32
        %dma_wait3A_257 = tpu.memref_slice %arg4[%dma_wait3A_255, %dma_wait3A_256] : memref<5143x24xf32, #tpu.memory_space<hbm>> -> memref<5143x24xf32, #tpu.memory_space<hbm>>
        tpu.wait_indirect_dma semaphore(%arg18 : memref<!tpu.dma_semaphore, #tpu.memory_space<semaphore_mem>>) src(%dma_wait3A_257 : memref<5143x24xf32, #tpu.memory_space<hbm>>) dst(%dma_wait3A_251 : memref<128x24xf32, #tpu.memory_space<vmem>>)
        %dma_wait3A_258 = arith.constant 3 : i32
        %dma_wait3A_259 = arith.constant 384 : i32
        %dma_wait3A_260 = arith.constant 0 : i32
        %dma_wait3A_261 = tpu.memref_slice %arg14[%dma_wait3A_259, %dma_wait3A_260] : memref<1024x32xf32, #tpu.memory_space<vmem>> -> memref<128x32xf32, #tpu.memory_space<vmem>>
        %dma_wait3A_262 = arith.constant 0 : i32
        %dma_wait3A_263 = tpu.memref_slice %arg11[%dma_wait3A_258, %dma_wait3A_262] : memref<8x128xi32, #tpu.memory_space<vmem>> -> memref<1x128xi32, #tpu.memory_space<vmem>>
        %dma_wait3A_264 = tpu.memref_squeeze %dma_wait3A_263 : memref<1x128xi32, #tpu.memory_space<vmem>> -> memref<128xi32, #tpu.memory_space<vmem>>
        %dma_wait3A_265 = arith.constant 0 : i32
        %dma_wait3A_266 = arith.constant 0 : i32
        %dma_wait3A_267 = tpu.memref_slice %arg5[%dma_wait3A_265, %dma_wait3A_266] : memref<5143x32xf32, #tpu.memory_space<hbm>> -> memref<5143x32xf32, #tpu.memory_space<hbm>>
        tpu.wait_indirect_dma semaphore(%arg19 : memref<!tpu.dma_semaphore, #tpu.memory_space<semaphore_mem>>) src(%dma_wait3A_267 : memref<5143x32xf32, #tpu.memory_space<hbm>>) dst(%dma_wait3A_261 : memref<128x32xf32, #tpu.memory_space<vmem>>)
        %dma_wait3A_268 = arith.constant 3 : i32
        %dma_wait3A_269 = arith.constant 384 : i32
        %dma_wait3A_270 = arith.constant 0 : i32
        %dma_wait3A_271 = tpu.memref_slice %arg15[%dma_wait3A_269, %dma_wait3A_270] : memref<1024x8xf32, #tpu.memory_space<vmem>> -> memref<128x8xf32, #tpu.memory_space<vmem>>
        %dma_wait3A_272 = arith.constant 0 : i32
        %dma_wait3A_273 = tpu.memref_slice %arg11[%dma_wait3A_268, %dma_wait3A_272] : memref<8x128xi32, #tpu.memory_space<vmem>> -> memref<1x128xi32, #tpu.memory_space<vmem>>
        %dma_wait3A_274 = tpu.memref_squeeze %dma_wait3A_273 : memref<1x128xi32, #tpu.memory_space<vmem>> -> memref<128xi32, #tpu.memory_space<vmem>>
        %dma_wait3A_275 = arith.constant 0 : i32
        %dma_wait3A_276 = arith.constant 0 : i32
        %dma_wait3A_277 = tpu.memref_slice %arg6[%dma_wait3A_275, %dma_wait3A_276] : memref<5143x8xf32, #tpu.memory_space<hbm>> -> memref<5143x8xf32, #tpu.memory_space<hbm>>
        tpu.wait_indirect_dma semaphore(%arg20 : memref<!tpu.dma_semaphore, #tpu.memory_space<semaphore_mem>>) src(%dma_wait3A_277 : memref<5143x8xf32, #tpu.memory_space<hbm>>) dst(%dma_wait3A_271 : memref<128x8xf32, #tpu.memory_space<vmem>>)
        %scan3A_278 = arith.constant 0 : i32
        %scan3A_279 = arith.constant 0 : i32
        %scan3A_280 = arith.constant 29 : i32
        %scan3A_281 = arith.addi %scan3A_279, %scan3A_280 : i32
        %scan3A_282 = arith.constant 1 : i32
        scf.for %scan3A_284 = %scan3A_279 to %scan3A_281 step %scan3A_282  : i32 {
          %mul3A_285 = arith.constant 16 : i32
          %mul3A_286 = arith.muli %scan3A_284, %mul3A_285 : i32
          %iota3A = tpu.iota {dimensions = array<i32: 0>} : vector<16xi32>
          %add3A_287 = vector.broadcast %mul3A_286 : i32 to vector<16xi32>
          %add3A_288 = arith.addi %add3A_287, %iota3A : vector<16xi32>
          %mul3A_289 = arith.constant 16 : i32
          %mul3A_290 = arith.muli %scan3A_284, %mul3A_289 : i32
          %get3A = arith.index_cast %mul3A_290 : i32 to index
          %get3A_291 = tpu.vector_load %arg12[%get3A] {strides = array<i32>} : memref<1024xi32, #tpu.memory_space<vmem>>, vector<16xi32>,
          %broadcast_in_dim3A = arith.constant 0.000000e+00 : f32
          %broadcast_in_dim3A_292 = vector.broadcast %broadcast_in_dim3A : f32 to vector<16xf32>
          %broadcast_in_dim3A_293 = arith.constant 0 : i32
          %broadcast_in_dim3A_294 = vector.broadcast %broadcast_in_dim3A_293 : i32 to vector<16xi32>
          %gather3A = tpu.vector_load_idx %arg15[%add3A_288, %broadcast_in_dim3A_294] : memref<1024x8xf32, #tpu.memory_space<vmem>>[vector<16xi32>, vector<16xi32>], vector<16xf32>,
          %gather3A_295 = tpu.vector_load_idx %arg16[%get3A_291, %broadcast_in_dim3A_294] : memref<128x8xf32, #tpu.memory_space<vmem>>[vector<16xi32>, vector<16xi32>], vector<16xf32>,
          %sub3A_296 = arith.subf %gather3A_295, %gather3A : vector<16xf32>
          %mul3A_297 = arith.mulf %sub3A_296, %sub3A_296 : vector<16xf32>
          %add3A_298 = arith.addf %broadcast_in_dim3A_292, %mul3A_297 : vector<16xf32>
          %broadcast_in_dim3A_299 = arith.constant 1 : i32
          %broadcast_in_dim3A_300 = vector.broadcast %broadcast_in_dim3A_299 : i32 to vector<16xi32>
          %gather3A_301 = tpu.vector_load_idx %arg15[%add3A_288, %broadcast_in_dim3A_300] : memref<1024x8xf32, #tpu.memory_space<vmem>>[vector<16xi32>, vector<16xi32>], vector<16xf32>,
          %gather3A_302 = tpu.vector_load_idx %arg16[%get3A_291, %broadcast_in_dim3A_300] : memref<128x8xf32, #tpu.memory_space<vmem>>[vector<16xi32>, vector<16xi32>], vector<16xf32>,
          %sub3A_303 = arith.subf %gather3A_302, %gather3A_301 : vector<16xf32>
          %mul3A_304 = arith.mulf %sub3A_303, %sub3A_303 : vector<16xf32>
          %add3A_305 = arith.addf %add3A_298, %mul3A_304 : vector<16xf32>
          %broadcast_in_dim3A_306 = arith.constant 2 : i32
          %broadcast_in_dim3A_307 = vector.broadcast %broadcast_in_dim3A_306 : i32 to vector<16xi32>
          %gather3A_308 = tpu.vector_load_idx %arg15[%add3A_288, %broadcast_in_dim3A_307] : memref<1024x8xf32, #tpu.memory_space<vmem>>[vector<16xi32>, vector<16xi32>], vector<16xf32>,
          %gather3A_309 = tpu.vector_load_idx %arg16[%get3A_291, %broadcast_in_dim3A_307] : memref<128x8xf32, #tpu.memory_space<vmem>>[vector<16xi32>, vector<16xi32>], vector<16xf32>,
          %sub3A_310 = arith.subf %gather3A_309, %gather3A_308 : vector<16xf32>
          %mul3A_311 = arith.mulf %sub3A_310, %sub3A_310 : vector<16xf32>
          %add3A_312 = arith.addf %add3A_305, %mul3A_311 : vector<16xf32>
          %broadcast_in_dim3A_313 = arith.constant 3 : i32
          %broadcast_in_dim3A_314 = vector.broadcast %broadcast_in_dim3A_313 : i32 to vector<16xi32>
          %gather3A_315 = tpu.vector_load_idx %arg15[%add3A_288, %broadcast_in_dim3A_314] : memref<1024x8xf32, #tpu.memory_space<vmem>>[vector<16xi32>, vector<16xi32>], vector<16xf32>,
          %gather3A_316 = tpu.vector_load_idx %arg16[%get3A_291, %broadcast_in_dim3A_314] : memref<128x8xf32, #tpu.memory_space<vmem>>[vector<16xi32>, vector<16xi32>], vector<16xf32>,
          %sub3A_317 = arith.subf %gather3A_316, %gather3A_315 : vector<16xf32>
          %mul3A_318 = arith.mulf %sub3A_317, %sub3A_317 : vector<16xf32>
          %add3A_319 = arith.addf %add3A_312, %mul3A_318 : vector<16xf32>
          %broadcast_in_dim3A_320 = arith.constant 4 : i32
          %broadcast_in_dim3A_321 = vector.broadcast %broadcast_in_dim3A_320 : i32 to vector<16xi32>
          %gather3A_322 = tpu.vector_load_idx %arg15[%add3A_288, %broadcast_in_dim3A_321] : memref<1024x8xf32, #tpu.memory_space<vmem>>[vector<16xi32>, vector<16xi32>], vector<16xf32>,
          %gather3A_323 = tpu.vector_load_idx %arg16[%get3A_291, %broadcast_in_dim3A_321] : memref<128x8xf32, #tpu.memory_space<vmem>>[vector<16xi32>, vector<16xi32>], vector<16xf32>,
          %sub3A_324 = arith.subf %gather3A_323, %gather3A_322 : vector<16xf32>
          %mul3A_325 = arith.mulf %sub3A_324, %sub3A_324 : vector<16xf32>
          %add3A_326 = arith.addf %add3A_319, %mul3A_325 : vector<16xf32>
          %broadcast_in_dim3A_327 = arith.constant 5 : i32
          %broadcast_in_dim3A_328 = vector.broadcast %broadcast_in_dim3A_327 : i32 to vector<16xi32>
          %gather3A_329 = tpu.vector_load_idx %arg15[%add3A_288, %broadcast_in_dim3A_328] : memref<1024x8xf32, #tpu.memory_space<vmem>>[vector<16xi32>, vector<16xi32>], vector<16xf32>,
          %gather3A_330 = tpu.vector_load_idx %arg16[%get3A_291, %broadcast_in_dim3A_328] : memref<128x8xf32, #tpu.memory_space<vmem>>[vector<16xi32>, vector<16xi32>], vector<16xf32>,
          %sub3A_331 = arith.subf %gather3A_330, %gather3A_329 : vector<16xf32>
          %mul3A_332 = arith.mulf %sub3A_331, %sub3A_331 : vector<16xf32>
          %add3A_333 = arith.addf %add3A_326, %mul3A_332 : vector<16xf32>
          %broadcast_in_dim3A_334 = arith.constant 6 : i32
          %broadcast_in_dim3A_335 = vector.broadcast %broadcast_in_dim3A_334 : i32 to vector<16xi32>
          %gather3A_336 = tpu.vector_load_idx %arg15[%add3A_288, %broadcast_in_dim3A_335] : memref<1024x8xf32, #tpu.memory_space<vmem>>[vector<16xi32>, vector<16xi32>], vector<16xf32>,
          %gather3A_337 = tpu.vector_load_idx %arg16[%get3A_291, %broadcast_in_dim3A_335] : memref<128x8xf32, #tpu.memory_space<vmem>>[vector<16xi32>, vector<16xi32>], vector<16xf32>,
          %sub3A_338 = arith.subf %gather3A_337, %gather3A_336 : vector<16xf32>
          %mul3A_339 = arith.mulf %sub3A_338, %sub3A_338 : vector<16xf32>
          %add3A_340 = arith.addf %add3A_333, %mul3A_339 : vector<16xf32>
          %broadcast_in_dim3A_341 = arith.constant 7 : i32
          %broadcast_in_dim3A_342 = vector.broadcast %broadcast_in_dim3A_341 : i32 to vector<16xi32>
          %gather3A_343 = tpu.vector_load_idx %arg15[%add3A_288, %broadcast_in_dim3A_342] : memref<1024x8xf32, #tpu.memory_space<vmem>>[vector<16xi32>, vector<16xi32>], vector<16xf32>,
          %gather3A_344 = tpu.vector_load_idx %arg16[%get3A_291, %broadcast_in_dim3A_342] : memref<128x8xf32, #tpu.memory_space<vmem>>[vector<16xi32>, vector<16xi32>], vector<16xf32>,
          %sub3A_345 = arith.subf %gather3A_344, %gather3A_343 : vector<16xf32>
          %mul3A_346 = arith.mulf %sub3A_345, %sub3A_345 : vector<16xf32>
          %add3A_347 = arith.addf %add3A_340, %mul3A_346 : vector<16xf32>
          %mul3A_348 = arith.constant 16 : i32
          %mul3A_349 = arith.muli %scan3A_284, %mul3A_348 : i32
          %swap3A = arith.index_cast %mul3A_349 : i32 to index
          %swap3A_350 = tpu.vector_load %arg17[%swap3A] {strides = array<i32>} : memref<1024xf32, #tpu.memory_space<vmem>>, vector<16xf32>,
          tpu.vector_store %arg17[%swap3A], %add3A_347 {strides = array<i32>} : memref<1024xf32, #tpu.memory_space<vmem>>, vector<16xf32>,
        }
        %scan3A_283 = arith.constant 29 : i32
        "tpu.region"() ({
          %run_scoped3A = tpu.sem_alloc : memref<!tpu.dma_semaphore, #tpu.memory_space<semaphore_mem>>
          %dma_start3A_284 = arith.constant 0 : i32
          %dma_start3A_285 = arith.constant 0 : i32
          %dma_start3A_286 = tpu.memref_slice %arg13[%dma_start3A_284, %dma_start3A_285] : memref<1024x24xf32, #tpu.memory_space<vmem>> -> memref<464x24xf32, #tpu.memory_space<vmem>>
          %dma_start3A_287 = arith.constant 0 : i32
          %dma_start3A_288 = tpu.memref_slice %arg8[%multiple_of3A_20, %dma_start3A_287] : memref<450000x24xf32, #tpu.memory_space<hbm>> -> memref<464x24xf32, #tpu.memory_space<hbm>>
          %dma_start3A_289 = arith.constant 0 : i32
          %dma_start3A_290 = tpu.memref_slice %arg8[%multiple_of3A_20, %dma_start3A_289] : memref<450000x24xf32, #tpu.memory_space<hbm>> -> memref<464x24xf32, #tpu.memory_space<hbm>>
          %dma_start3A_291 = arith.constant 0 : i32
          %dma_start3A_292 = arith.constant 0 : i32
          %dma_start3A_293 = tpu.memref_slice %arg13[%dma_start3A_291, %dma_start3A_292] : memref<1024x24xf32, #tpu.memory_space<vmem>> -> memref<464x24xf32, #tpu.memory_space<vmem>>
          tpu.enqueue_dma source(%dma_start3A_293 : memref<464x24xf32, #tpu.memory_space<vmem>>) target(%dma_start3A_290 : memref<464x24xf32, #tpu.memory_space<hbm>>) target_semaphore(%run_scoped3A : memref<!tpu.dma_semaphore, #tpu.memory_space<semaphore_mem>>)
          %dma_wait3A_294 = arith.constant 0 : i32
          %dma_wait3A_295 = arith.constant 0 : i32
          %dma_wait3A_296 = tpu.memref_slice %arg13[%dma_wait3A_294, %dma_wait3A_295] : memref<1024x24xf32, #tpu.memory_space<vmem>> -> memref<464x24xf32, #tpu.memory_space<vmem>>
          %dma_wait3A_297 = arith.constant 0 : i32
          %dma_wait3A_298 = tpu.memref_slice %arg8[%multiple_of3A_20, %dma_wait3A_297] : memref<450000x24xf32, #tpu.memory_space<hbm>> -> memref<464x24xf32, #tpu.memory_space<hbm>>
          %dma_wait3A_299 = arith.constant 0 : i32
          %dma_wait3A_300 = tpu.memref_slice %arg8[%multiple_of3A_20, %dma_wait3A_299] : memref<450000x24xf32, #tpu.memory_space<hbm>> -> memref<464x24xf32, #tpu.memory_space<hbm>>
          %dma_wait3A_301 = arith.constant 0 : i32
          %dma_wait3A_302 = arith.constant 0 : i32
          %dma_wait3A_303 = tpu.memref_slice %arg13[%dma_wait3A_301, %dma_wait3A_302] : memref<1024x24xf32, #tpu.memory_space<vmem>> -> memref<464x24xf32, #tpu.memory_space<vmem>>
          tpu.wait_dma2 semaphore(%run_scoped3A : memref<!tpu.dma_semaphore, #tpu.memory_space<semaphore_mem>>) src(%dma_wait3A_303 : memref<464x24xf32, #tpu.memory_space<vmem>>) dst(%dma_wait3A_300 : memref<464x24xf32, #tpu.memory_space<hbm>>)
          tpu.yield
        }) : () -> ()
        "tpu.region"() ({
          %run_scoped3A = tpu.sem_alloc : memref<!tpu.dma_semaphore, #tpu.memory_space<semaphore_mem>>
          %dma_start3A_284 = arith.constant 0 : i32
          %dma_start3A_285 = arith.constant 0 : i32
          %dma_start3A_286 = tpu.memref_slice %arg14[%dma_start3A_284, %dma_start3A_285] : memref<1024x32xf32, #tpu.memory_space<vmem>> -> memref<464x32xf32, #tpu.memory_space<vmem>>
          %dma_start3A_287 = arith.constant 0 : i32
          %dma_start3A_288 = tpu.memref_slice %arg9[%multiple_of3A_20, %dma_start3A_287] : memref<450000x32xf32, #tpu.memory_space<hbm>> -> memref<464x32xf32, #tpu.memory_space<hbm>>
          %dma_start3A_289 = arith.constant 0 : i32
          %dma_start3A_290 = tpu.memref_slice %arg9[%multiple_of3A_20, %dma_start3A_289] : memref<450000x32xf32, #tpu.memory_space<hbm>> -> memref<464x32xf32, #tpu.memory_space<hbm>>
          %dma_start3A_291 = arith.constant 0 : i32
          %dma_start3A_292 = arith.constant 0 : i32
          %dma_start3A_293 = tpu.memref_slice %arg14[%dma_start3A_291, %dma_start3A_292] : memref<1024x32xf32, #tpu.memory_space<vmem>> -> memref<464x32xf32, #tpu.memory_space<vmem>>
          tpu.enqueue_dma source(%dma_start3A_293 : memref<464x32xf32, #tpu.memory_space<vmem>>) target(%dma_start3A_290 : memref<464x32xf32, #tpu.memory_space<hbm>>) target_semaphore(%run_scoped3A : memref<!tpu.dma_semaphore, #tpu.memory_space<semaphore_mem>>)
          %dma_wait3A_294 = arith.constant 0 : i32
          %dma_wait3A_295 = arith.constant 0 : i32
          %dma_wait3A_296 = tpu.memref_slice %arg14[%dma_wait3A_294, %dma_wait3A_295] : memref<1024x32xf32, #tpu.memory_space<vmem>> -> memref<464x32xf32, #tpu.memory_space<vmem>>
          %dma_wait3A_297 = arith.constant 0 : i32
          %dma_wait3A_298 = tpu.memref_slice %arg9[%multiple_of3A_20, %dma_wait3A_297] : memref<450000x32xf32, #tpu.memory_space<hbm>> -> memref<464x32xf32, #tpu.memory_space<hbm>>
          %dma_wait3A_299 = arith.constant 0 : i32
          %dma_wait3A_300 = tpu.memref_slice %arg9[%multiple_of3A_20, %dma_wait3A_299] : memref<450000x32xf32, #tpu.memory_space<hbm>> -> memref<464x32xf32, #tpu.memory_space<hbm>>
          %dma_wait3A_301 = arith.constant 0 : i32
          %dma_wait3A_302 = arith.constant 0 : i32
          %dma_wait3A_303 = tpu.memref_slice %arg14[%dma_wait3A_301, %dma_wait3A_302] : memref<1024x32xf32, #tpu.memory_space<vmem>> -> memref<464x32xf32, #tpu.memory_space<vmem>>
          tpu.wait_dma2 semaphore(%run_scoped3A : memref<!tpu.dma_semaphore, #tpu.memory_space<semaphore_mem>>) src(%dma_wait3A_303 : memref<464x32xf32, #tpu.memory_space<vmem>>) dst(%dma_wait3A_300 : memref<464x32xf32, #tpu.memory_space<hbm>>)
          tpu.yield
        }) : () -> ()
        "tpu.region"() ({
          %run_scoped3A = tpu.sem_alloc : memref<!tpu.dma_semaphore, #tpu.memory_space<semaphore_mem>>
          %dma_start3A_284 = arith.constant 0 : i32
          %dma_start3A_285 = tpu.memref_slice %arg17[%dma_start3A_284] : memref<1024xf32, #tpu.memory_space<vmem>> -> memref<464xf32, #tpu.memory_space<vmem>>
          %dma_start3A_286 = tpu.memref_slice %arg10[%multiple_of3A_20] : memref<450048xf32, #tpu.memory_space<hbm>> -> memref<464xf32, #tpu.memory_space<hbm>>
          %dma_start3A_287 = tpu.memref_slice %arg10[%multiple_of3A_20] : memref<450048xf32, #tpu.memory_space<hbm>> -> memref<464xf32, #tpu.memory_space<hbm>>
          %dma_start3A_288 = arith.constant 0 : i32
          %dma_start3A_289 = tpu.memref_slice %arg17[%dma_start3A_288] : memref<1024xf32, #tpu.memory_space<vmem>> -> memref<464xf32, #tpu.memory_space<vmem>>
          tpu.enqueue_dma source(%dma_start3A_289 : memref<464xf32, #tpu.memory_space<vmem>>) target(%dma_start3A_287 : memref<464xf32, #tpu.memory_space<hbm>>) target_semaphore(%run_scoped3A : memref<!tpu.dma_semaphore, #tpu.memory_space<semaphore_mem>>)
          %dma_wait3A_290 = arith.constant 0 : i32
          %dma_wait3A_291 = tpu.memref_slice %arg17[%dma_wait3A_290] : memref<1024xf32, #tpu.memory_space<vmem>> -> memref<464xf32, #tpu.memory_space<vmem>>
          %dma_wait3A_292 = tpu.memref_slice %arg10[%multiple_of3A_20] : memref<450048xf32, #tpu.memory_space<hbm>> -> memref<464xf32, #tpu.memory_space<hbm>>
          %dma_wait3A_293 = tpu.memref_slice %arg10[%multiple_of3A_20] : memref<450048xf32, #tpu.memory_space<hbm>> -> memref<464xf32, #tpu.memory_space<hbm>>
          %dma_wait3A_294 = arith.constant 0 : i32
          %dma_wait3A_295 = tpu.memref_slice %arg17[%dma_wait3A_294] : memref<1024xf32, #tpu.memory_space<vmem>> -> memref<464xf32, #tpu.memory_space<vmem>>
          tpu.wait_dma2 semaphore(%run_scoped3A : memref<!tpu.dma_semaphore, #tpu.memory_space<semaphore_mem>>) src(%dma_wait3A_295 : memref<464xf32, #tpu.memory_space<vmem>>) dst(%dma_wait3A_293 : memref<464xf32, #tpu.memory_space<hbm>>)
          tpu.yield
        }) : () -> ()
      } else {
      }
    }
    %scan3A_5 = arith.constant 14 : i32
    return
  }
}

module attributes {stable_mosaic.version = 14 : i64} {
  func.func @_knn_body(%arg0: i32, %arg1: memref<8x5248xf32, #tpu.memory_space<vmem>>, %arg2: memref<512x8xf32, #tpu.memory_space<vmem>>, %arg3: memref<512x9xi32, #tpu.memory_space<vmem>>) attributes {dimension_semantics = [#tpu.dimension_semantics<arbitrary>], iteration_bounds = array<i64: 98>, scalar_prefetch = 0 : i64, scratch_operands = 0 : i64, tpu.core_type = #tpu.core_type<tc>, window_params = [{pipeline_mode = #tpu.pipeline_mode<synchronous>, transform_indices = @transform_0, window_bounds = array<i64: 8, 5248>}, {transform_indices = @transform_1, window_bounds = array<i64: 512, 8>}, {transform_indices = @transform_2, window_bounds = array<i64: 512, 9>}]} {
    %get3A = arith.constant 0 : index
    %get3A_0 = arith.constant 0 : index
    %get3A_1 = vector.load %arg1[%get3A, %get3A_0] : memref<8x5248xf32, #tpu.memory_space<vmem>>, vector<8x5248xf32>
    %mul3A = arith.mulf %get3A_1, %get3A_1 : vector<8x5248xf32>
    %reduce_sum3A = arith.constant dense<0.000000e+00> : vector<5248xf32>
    %reduce_sum3A_2 = vector.multi_reduction <add>, %mul3A, %reduce_sum3A [0] : vector<8x5248xf32> to vector<5248xf32>
    %broadcast_in_dim3A = vector.shape_cast %reduce_sum3A_2 : vector<5248xf32> to vector<1x5248xf32>
    %mul3A_3 = arith.constant 2.500000e-01 : f32
    %mul3A_4 = vector.broadcast %mul3A_3 : f32 to vector<1x5248xf32>
    %mul3A_5 = arith.mulf %mul3A_4, %broadcast_in_dim3A : vector<1x5248xf32>
    %get3A_6 = arith.constant 0 : index
    %get3A_7 = arith.constant 0 : index
    %get3A_8 = vector.load %arg2[%get3A_6, %get3A_7] : memref<512x8xf32, #tpu.memory_space<vmem>>, vector<512x8xf32>
    %mul3A_9 = arith.mulf %get3A_8, %get3A_8 : vector<512x8xf32>
    %reduce_sum3A_10 = arith.constant dense<0.000000e+00> : vector<512xf32>
    %reduce_sum3A_11 = vector.multi_reduction <add>, %mul3A_9, %reduce_sum3A_10 [1] : vector<512x8xf32> to vector<512xf32>
    %broadcast_in_dim3A_12 = vector.shape_cast %reduce_sum3A_11 : vector<512xf32> to vector<512x1xf32>
    %dot_general3A = arith.constant dense<0.000000e+00> : vector<512x5248xf32>
    %dot_general3A_13 = tpu.matmul %get3A_8, %get3A_1, %dot_general3A {dimension_numbers = #tpu.dot_dimension_numbers<[1], [0], [0], [1], [0, 0, 1, 1], [], []>, transpose_lhs_hint = false} : vector<512x8xf32>, vector<8x5248xf32>, vector<512x5248xf32> -> vector<512x5248xf32>
    %add3A = vector.broadcast %broadcast_in_dim3A_12 : vector<512x1xf32> to vector<512x5248xf32>
    %add3A_14 = arith.addf %add3A, %dot_general3A_13 : vector<512x5248xf32>
    %add3A_15 = vector.broadcast %mul3A_5 : vector<1x5248xf32> to vector<512x5248xf32>
    %add3A_16 = arith.addf %add3A_14, %add3A_15 : vector<512x5248xf32>
    %slice3A = vector.extract_strided_slice %add3A_16 {offsets = [0, 0], sizes = [512, 128], strides = [1, 1]} : vector<512x5248xf32> to vector<512x128xf32>
    %slice3A_17 = vector.extract_strided_slice %add3A_16 {offsets = [0, 128], sizes = [512, 128], strides = [1, 1]} : vector<512x5248xf32> to vector<512x128xf32>
    %slice3A_18 = vector.extract_strided_slice %add3A_16 {offsets = [0, 256], sizes = [512, 128], strides = [1, 1]} : vector<512x5248xf32> to vector<512x128xf32>
    %slice3A_19 = vector.extract_strided_slice %add3A_16 {offsets = [0, 384], sizes = [512, 128], strides = [1, 1]} : vector<512x5248xf32> to vector<512x128xf32>
    %slice3A_20 = vector.extract_strided_slice %add3A_16 {offsets = [0, 512], sizes = [512, 128], strides = [1, 1]} : vector<512x5248xf32> to vector<512x128xf32>
    %slice3A_21 = vector.extract_strided_slice %add3A_16 {offsets = [0, 640], sizes = [512, 128], strides = [1, 1]} : vector<512x5248xf32> to vector<512x128xf32>
    %slice3A_22 = vector.extract_strided_slice %add3A_16 {offsets = [0, 768], sizes = [512, 128], strides = [1, 1]} : vector<512x5248xf32> to vector<512x128xf32>
    %slice3A_23 = vector.extract_strided_slice %add3A_16 {offsets = [0, 896], sizes = [512, 128], strides = [1, 1]} : vector<512x5248xf32> to vector<512x128xf32>
    %slice3A_24 = vector.extract_strided_slice %add3A_16 {offsets = [0, 1024], sizes = [512, 128], strides = [1, 1]} : vector<512x5248xf32> to vector<512x128xf32>
    %slice3A_25 = vector.extract_strided_slice %add3A_16 {offsets = [0, 1152], sizes = [512, 128], strides = [1, 1]} : vector<512x5248xf32> to vector<512x128xf32>
    %slice3A_26 = vector.extract_strided_slice %add3A_16 {offsets = [0, 1280], sizes = [512, 128], strides = [1, 1]} : vector<512x5248xf32> to vector<512x128xf32>
    %slice3A_27 = vector.extract_strided_slice %add3A_16 {offsets = [0, 1408], sizes = [512, 128], strides = [1, 1]} : vector<512x5248xf32> to vector<512x128xf32>
    %slice3A_28 = vector.extract_strided_slice %add3A_16 {offsets = [0, 1536], sizes = [512, 128], strides = [1, 1]} : vector<512x5248xf32> to vector<512x128xf32>
    %slice3A_29 = vector.extract_strided_slice %add3A_16 {offsets = [0, 1664], sizes = [512, 128], strides = [1, 1]} : vector<512x5248xf32> to vector<512x128xf32>
    %slice3A_30 = vector.extract_strided_slice %add3A_16 {offsets = [0, 1792], sizes = [512, 128], strides = [1, 1]} : vector<512x5248xf32> to vector<512x128xf32>
    %slice3A_31 = vector.extract_strided_slice %add3A_16 {offsets = [0, 1920], sizes = [512, 128], strides = [1, 1]} : vector<512x5248xf32> to vector<512x128xf32>
    %slice3A_32 = vector.extract_strided_slice %add3A_16 {offsets = [0, 2048], sizes = [512, 128], strides = [1, 1]} : vector<512x5248xf32> to vector<512x128xf32>
    %slice3A_33 = vector.extract_strided_slice %add3A_16 {offsets = [0, 2176], sizes = [512, 128], strides = [1, 1]} : vector<512x5248xf32> to vector<512x128xf32>
    %slice3A_34 = vector.extract_strided_slice %add3A_16 {offsets = [0, 2304], sizes = [512, 128], strides = [1, 1]} : vector<512x5248xf32> to vector<512x128xf32>
    %slice3A_35 = vector.extract_strided_slice %add3A_16 {offsets = [0, 2432], sizes = [512, 128], strides = [1, 1]} : vector<512x5248xf32> to vector<512x128xf32>
    %slice3A_36 = vector.extract_strided_slice %add3A_16 {offsets = [0, 2560], sizes = [512, 128], strides = [1, 1]} : vector<512x5248xf32> to vector<512x128xf32>
    %slice3A_37 = vector.extract_strided_slice %add3A_16 {offsets = [0, 2688], sizes = [512, 128], strides = [1, 1]} : vector<512x5248xf32> to vector<512x128xf32>
    %slice3A_38 = vector.extract_strided_slice %add3A_16 {offsets = [0, 2816], sizes = [512, 128], strides = [1, 1]} : vector<512x5248xf32> to vector<512x128xf32>
    %slice3A_39 = vector.extract_strided_slice %add3A_16 {offsets = [0, 2944], sizes = [512, 128], strides = [1, 1]} : vector<512x5248xf32> to vector<512x128xf32>
    %slice3A_40 = vector.extract_strided_slice %add3A_16 {offsets = [0, 3072], sizes = [512, 128], strides = [1, 1]} : vector<512x5248xf32> to vector<512x128xf32>
    %slice3A_41 = vector.extract_strided_slice %add3A_16 {offsets = [0, 3200], sizes = [512, 128], strides = [1, 1]} : vector<512x5248xf32> to vector<512x128xf32>
    %slice3A_42 = vector.extract_strided_slice %add3A_16 {offsets = [0, 3328], sizes = [512, 128], strides = [1, 1]} : vector<512x5248xf32> to vector<512x128xf32>
    %slice3A_43 = vector.extract_strided_slice %add3A_16 {offsets = [0, 3456], sizes = [512, 128], strides = [1, 1]} : vector<512x5248xf32> to vector<512x128xf32>
    %slice3A_44 = vector.extract_strided_slice %add3A_16 {offsets = [0, 3584], sizes = [512, 128], strides = [1, 1]} : vector<512x5248xf32> to vector<512x128xf32>
    %slice3A_45 = vector.extract_strided_slice %add3A_16 {offsets = [0, 3712], sizes = [512, 128], strides = [1, 1]} : vector<512x5248xf32> to vector<512x128xf32>
    %slice3A_46 = vector.extract_strided_slice %add3A_16 {offsets = [0, 3840], sizes = [512, 128], strides = [1, 1]} : vector<512x5248xf32> to vector<512x128xf32>
    %slice3A_47 = vector.extract_strided_slice %add3A_16 {offsets = [0, 3968], sizes = [512, 128], strides = [1, 1]} : vector<512x5248xf32> to vector<512x128xf32>
    %slice3A_48 = vector.extract_strided_slice %add3A_16 {offsets = [0, 4096], sizes = [512, 128], strides = [1, 1]} : vector<512x5248xf32> to vector<512x128xf32>
    %slice3A_49 = vector.extract_strided_slice %add3A_16 {offsets = [0, 4224], sizes = [512, 128], strides = [1, 1]} : vector<512x5248xf32> to vector<512x128xf32>
    %slice3A_50 = vector.extract_strided_slice %add3A_16 {offsets = [0, 4352], sizes = [512, 128], strides = [1, 1]} : vector<512x5248xf32> to vector<512x128xf32>
    %slice3A_51 = vector.extract_strided_slice %add3A_16 {offsets = [0, 4480], sizes = [512, 128], strides = [1, 1]} : vector<512x5248xf32> to vector<512x128xf32>
    %slice3A_52 = vector.extract_strided_slice %add3A_16 {offsets = [0, 4608], sizes = [512, 128], strides = [1, 1]} : vector<512x5248xf32> to vector<512x128xf32>
    %slice3A_53 = vector.extract_strided_slice %add3A_16 {offsets = [0, 4736], sizes = [512, 128], strides = [1, 1]} : vector<512x5248xf32> to vector<512x128xf32>
    %slice3A_54 = vector.extract_strided_slice %add3A_16 {offsets = [0, 4864], sizes = [512, 128], strides = [1, 1]} : vector<512x5248xf32> to vector<512x128xf32>
    %slice3A_55 = vector.extract_strided_slice %add3A_16 {offsets = [0, 4992], sizes = [512, 128], strides = [1, 1]} : vector<512x5248xf32> to vector<512x128xf32>
    %slice3A_56 = vector.extract_strided_slice %add3A_16 {offsets = [0, 5120], sizes = [512, 128], strides = [1, 1]} : vector<512x5248xf32> to vector<512x128xf32>
    %iota3A = tpu.iota {dimensions = array<i32: 1>} : vector<1x128xi32>
    %convert_element_type3A = arith.sitofp %iota3A : vector<1x128xi32> to vector<1x128xf32>
    %le3A = arith.cmpf ole, %slice3A, %slice3A_17 : vector<512x128xf32>
    %select_n3A = arith.select %le3A, %slice3A, %slice3A_17 : vector<512x128xi1>, vector<512x128xf32>
    %jit3A = arith.constant 0.000000e+00 : f32
    %jit3A_57 = arith.constant 1.000000e+00 : f32
    %broadcast_in_dim3A_58 = vector.broadcast %jit3A : f32 to vector<512x128xf32>
    %broadcast_in_dim3A_59 = vector.broadcast %jit3A_57 : f32 to vector<512x128xf32>
    %select_n3A_60 = arith.select %le3A, %broadcast_in_dim3A_58, %broadcast_in_dim3A_59 : vector<512x128xi1>, vector<512x128xf32>
    %le3A_61 = arith.cmpf ole, %slice3A_18, %slice3A_19 : vector<512x128xf32>
    %select_n3A_62 = arith.select %le3A_61, %slice3A_18, %slice3A_19 : vector<512x128xi1>, vector<512x128xf32>
    %jit3A_63 = arith.constant 2.000000e+00 : f32
    %jit3A_64 = arith.constant 3.000000e+00 : f32
    %broadcast_in_dim3A_65 = vector.broadcast %jit3A_63 : f32 to vector<512x128xf32>
    %broadcast_in_dim3A_66 = vector.broadcast %jit3A_64 : f32 to vector<512x128xf32>
    %select_n3A_67 = arith.select %le3A_61, %broadcast_in_dim3A_65, %broadcast_in_dim3A_66 : vector<512x128xi1>, vector<512x128xf32>
    %le3A_68 = arith.cmpf ole, %slice3A_20, %slice3A_21 : vector<512x128xf32>
    %select_n3A_69 = arith.select %le3A_68, %slice3A_20, %slice3A_21 : vector<512x128xi1>, vector<512x128xf32>
    %jit3A_70 = arith.constant 4.000000e+00 : f32
    %jit3A_71 = arith.constant 5.000000e+00 : f32
    %broadcast_in_dim3A_72 = vector.broadcast %jit3A_70 : f32 to vector<512x128xf32>
    %broadcast_in_dim3A_73 = vector.broadcast %jit3A_71 : f32 to vector<512x128xf32>
    %select_n3A_74 = arith.select %le3A_68, %broadcast_in_dim3A_72, %broadcast_in_dim3A_73 : vector<512x128xi1>, vector<512x128xf32>
    %le3A_75 = arith.cmpf ole, %slice3A_22, %slice3A_23 : vector<512x128xf32>
    %select_n3A_76 = arith.select %le3A_75, %slice3A_22, %slice3A_23 : vector<512x128xi1>, vector<512x128xf32>
    %jit3A_77 = arith.constant 6.000000e+00 : f32
    %jit3A_78 = arith.constant 7.000000e+00 : f32
    %broadcast_in_dim3A_79 = vector.broadcast %jit3A_77 : f32 to vector<512x128xf32>
    %broadcast_in_dim3A_80 = vector.broadcast %jit3A_78 : f32 to vector<512x128xf32>
    %select_n3A_81 = arith.select %le3A_75, %broadcast_in_dim3A_79, %broadcast_in_dim3A_80 : vector<512x128xi1>, vector<512x128xf32>
    %le3A_82 = arith.cmpf ole, %slice3A_24, %slice3A_25 : vector<512x128xf32>
    %select_n3A_83 = arith.select %le3A_82, %slice3A_24, %slice3A_25 : vector<512x128xi1>, vector<512x128xf32>
    %jit3A_84 = arith.constant 8.000000e+00 : f32
    %jit3A_85 = arith.constant 9.000000e+00 : f32
    %broadcast_in_dim3A_86 = vector.broadcast %jit3A_84 : f32 to vector<512x128xf32>
    %broadcast_in_dim3A_87 = vector.broadcast %jit3A_85 : f32 to vector<512x128xf32>
    %select_n3A_88 = arith.select %le3A_82, %broadcast_in_dim3A_86, %broadcast_in_dim3A_87 : vector<512x128xi1>, vector<512x128xf32>
    %le3A_89 = arith.cmpf ole, %slice3A_26, %slice3A_27 : vector<512x128xf32>
    %select_n3A_90 = arith.select %le3A_89, %slice3A_26, %slice3A_27 : vector<512x128xi1>, vector<512x128xf32>
    %jit3A_91 = arith.constant 1.000000e+01 : f32
    %jit3A_92 = arith.constant 1.100000e+01 : f32
    %broadcast_in_dim3A_93 = vector.broadcast %jit3A_91 : f32 to vector<512x128xf32>
    %broadcast_in_dim3A_94 = vector.broadcast %jit3A_92 : f32 to vector<512x128xf32>
    %select_n3A_95 = arith.select %le3A_89, %broadcast_in_dim3A_93, %broadcast_in_dim3A_94 : vector<512x128xi1>, vector<512x128xf32>
    %le3A_96 = arith.cmpf ole, %slice3A_28, %slice3A_29 : vector<512x128xf32>
    %select_n3A_97 = arith.select %le3A_96, %slice3A_28, %slice3A_29 : vector<512x128xi1>, vector<512x128xf32>
    %jit3A_98 = arith.constant 1.200000e+01 : f32
    %jit3A_99 = arith.constant 1.300000e+01 : f32
    %broadcast_in_dim3A_100 = vector.broadcast %jit3A_98 : f32 to vector<512x128xf32>
    %broadcast_in_dim3A_101 = vector.broadcast %jit3A_99 : f32 to vector<512x128xf32>
    %select_n3A_102 = arith.select %le3A_96, %broadcast_in_dim3A_100, %broadcast_in_dim3A_101 : vector<512x128xi1>, vector<512x128xf32>
    %le3A_103 = arith.cmpf ole, %slice3A_30, %slice3A_31 : vector<512x128xf32>
    %select_n3A_104 = arith.select %le3A_103, %slice3A_30, %slice3A_31 : vector<512x128xi1>, vector<512x128xf32>
    %jit3A_105 = arith.constant 1.400000e+01 : f32
    %jit3A_106 = arith.constant 1.500000e+01 : f32
    %broadcast_in_dim3A_107 = vector.broadcast %jit3A_105 : f32 to vector<512x128xf32>
    %broadcast_in_dim3A_108 = vector.broadcast %jit3A_106 : f32 to vector<512x128xf32>
    %select_n3A_109 = arith.select %le3A_103, %broadcast_in_dim3A_107, %broadcast_in_dim3A_108 : vector<512x128xi1>, vector<512x128xf32>
    %le3A_110 = arith.cmpf ole, %slice3A_32, %slice3A_33 : vector<512x128xf32>
    %select_n3A_111 = arith.select %le3A_110, %slice3A_32, %slice3A_33 : vector<512x128xi1>, vector<512x128xf32>
    %jit3A_112 = arith.constant 1.600000e+01 : f32
    %jit3A_113 = arith.constant 1.700000e+01 : f32
    %broadcast_in_dim3A_114 = vector.broadcast %jit3A_112 : f32 to vector<512x128xf32>
    %broadcast_in_dim3A_115 = vector.broadcast %jit3A_113 : f32 to vector<512x128xf32>
    %select_n3A_116 = arith.select %le3A_110, %broadcast_in_dim3A_114, %broadcast_in_dim3A_115 : vector<512x128xi1>, vector<512x128xf32>
    %le3A_117 = arith.cmpf ole, %slice3A_34, %slice3A_35 : vector<512x128xf32>
    %select_n3A_118 = arith.select %le3A_117, %slice3A_34, %slice3A_35 : vector<512x128xi1>, vector<512x128xf32>
    %jit3A_119 = arith.constant 1.800000e+01 : f32
    %jit3A_120 = arith.constant 1.900000e+01 : f32
    %broadcast_in_dim3A_121 = vector.broadcast %jit3A_119 : f32 to vector<512x128xf32>
    %broadcast_in_dim3A_122 = vector.broadcast %jit3A_120 : f32 to vector<512x128xf32>
    %select_n3A_123 = arith.select %le3A_117, %broadcast_in_dim3A_121, %broadcast_in_dim3A_122 : vector<512x128xi1>, vector<512x128xf32>
    %le3A_124 = arith.cmpf ole, %slice3A_36, %slice3A_37 : vector<512x128xf32>
    %select_n3A_125 = arith.select %le3A_124, %slice3A_36, %slice3A_37 : vector<512x128xi1>, vector<512x128xf32>
    %jit3A_126 = arith.constant 2.000000e+01 : f32
    %jit3A_127 = arith.constant 2.100000e+01 : f32
    %broadcast_in_dim3A_128 = vector.broadcast %jit3A_126 : f32 to vector<512x128xf32>
    %broadcast_in_dim3A_129 = vector.broadcast %jit3A_127 : f32 to vector<512x128xf32>
    %select_n3A_130 = arith.select %le3A_124, %broadcast_in_dim3A_128, %broadcast_in_dim3A_129 : vector<512x128xi1>, vector<512x128xf32>
    %le3A_131 = arith.cmpf ole, %slice3A_38, %slice3A_39 : vector<512x128xf32>
    %select_n3A_132 = arith.select %le3A_131, %slice3A_38, %slice3A_39 : vector<512x128xi1>, vector<512x128xf32>
    %jit3A_133 = arith.constant 2.200000e+01 : f32
    %jit3A_134 = arith.constant 2.300000e+01 : f32
    %broadcast_in_dim3A_135 = vector.broadcast %jit3A_133 : f32 to vector<512x128xf32>
    %broadcast_in_dim3A_136 = vector.broadcast %jit3A_134 : f32 to vector<512x128xf32>
    %select_n3A_137 = arith.select %le3A_131, %broadcast_in_dim3A_135, %broadcast_in_dim3A_136 : vector<512x128xi1>, vector<512x128xf32>
    %le3A_138 = arith.cmpf ole, %slice3A_40, %slice3A_41 : vector<512x128xf32>
    %select_n3A_139 = arith.select %le3A_138, %slice3A_40, %slice3A_41 : vector<512x128xi1>, vector<512x128xf32>
    %jit3A_140 = arith.constant 2.400000e+01 : f32
    %jit3A_141 = arith.constant 2.500000e+01 : f32
    %broadcast_in_dim3A_142 = vector.broadcast %jit3A_140 : f32 to vector<512x128xf32>
    %broadcast_in_dim3A_143 = vector.broadcast %jit3A_141 : f32 to vector<512x128xf32>
    %select_n3A_144 = arith.select %le3A_138, %broadcast_in_dim3A_142, %broadcast_in_dim3A_143 : vector<512x128xi1>, vector<512x128xf32>
    %le3A_145 = arith.cmpf ole, %slice3A_42, %slice3A_43 : vector<512x128xf32>
    %select_n3A_146 = arith.select %le3A_145, %slice3A_42, %slice3A_43 : vector<512x128xi1>, vector<512x128xf32>
    %jit3A_147 = arith.constant 2.600000e+01 : f32
    %jit3A_148 = arith.constant 2.700000e+01 : f32
    %broadcast_in_dim3A_149 = vector.broadcast %jit3A_147 : f32 to vector<512x128xf32>
    %broadcast_in_dim3A_150 = vector.broadcast %jit3A_148 : f32 to vector<512x128xf32>
    %select_n3A_151 = arith.select %le3A_145, %broadcast_in_dim3A_149, %broadcast_in_dim3A_150 : vector<512x128xi1>, vector<512x128xf32>
    %le3A_152 = arith.cmpf ole, %slice3A_44, %slice3A_45 : vector<512x128xf32>
    %select_n3A_153 = arith.select %le3A_152, %slice3A_44, %slice3A_45 : vector<512x128xi1>, vector<512x128xf32>
    %jit3A_154 = arith.constant 2.800000e+01 : f32
    %jit3A_155 = arith.constant 2.900000e+01 : f32
    %broadcast_in_dim3A_156 = vector.broadcast %jit3A_154 : f32 to vector<512x128xf32>
    %broadcast_in_dim3A_157 = vector.broadcast %jit3A_155 : f32 to vector<512x128xf32>
    %select_n3A_158 = arith.select %le3A_152, %broadcast_in_dim3A_156, %broadcast_in_dim3A_157 : vector<512x128xi1>, vector<512x128xf32>
    %le3A_159 = arith.cmpf ole, %slice3A_46, %slice3A_47 : vector<512x128xf32>
    %select_n3A_160 = arith.select %le3A_159, %slice3A_46, %slice3A_47 : vector<512x128xi1>, vector<512x128xf32>
    %jit3A_161 = arith.constant 3.000000e+01 : f32
    %jit3A_162 = arith.constant 3.100000e+01 : f32
    %broadcast_in_dim3A_163 = vector.broadcast %jit3A_161 : f32 to vector<512x128xf32>
    %broadcast_in_dim3A_164 = vector.broadcast %jit3A_162 : f32 to vector<512x128xf32>
    %select_n3A_165 = arith.select %le3A_159, %broadcast_in_dim3A_163, %broadcast_in_dim3A_164 : vector<512x128xi1>, vector<512x128xf32>
    %le3A_166 = arith.cmpf ole, %slice3A_48, %slice3A_49 : vector<512x128xf32>
    %select_n3A_167 = arith.select %le3A_166, %slice3A_48, %slice3A_49 : vector<512x128xi1>, vector<512x128xf32>
    %jit3A_168 = arith.constant 3.200000e+01 : f32
    %jit3A_169 = arith.constant 3.300000e+01 : f32
    %broadcast_in_dim3A_170 = vector.broadcast %jit3A_168 : f32 to vector<512x128xf32>
    %broadcast_in_dim3A_171 = vector.broadcast %jit3A_169 : f32 to vector<512x128xf32>
    %select_n3A_172 = arith.select %le3A_166, %broadcast_in_dim3A_170, %broadcast_in_dim3A_171 : vector<512x128xi1>, vector<512x128xf32>
    %le3A_173 = arith.cmpf ole, %slice3A_50, %slice3A_51 : vector<512x128xf32>
    %select_n3A_174 = arith.select %le3A_173, %slice3A_50, %slice3A_51 : vector<512x128xi1>, vector<512x128xf32>
    %jit3A_175 = arith.constant 3.400000e+01 : f32
    %jit3A_176 = arith.constant 3.500000e+01 : f32
    %broadcast_in_dim3A_177 = vector.broadcast %jit3A_175 : f32 to vector<512x128xf32>
    %broadcast_in_dim3A_178 = vector.broadcast %jit3A_176 : f32 to vector<512x128xf32>
    %select_n3A_179 = arith.select %le3A_173, %broadcast_in_dim3A_177, %broadcast_in_dim3A_178 : vector<512x128xi1>, vector<512x128xf32>
    %le3A_180 = arith.cmpf ole, %slice3A_52, %slice3A_53 : vector<512x128xf32>
    %select_n3A_181 = arith.select %le3A_180, %slice3A_52, %slice3A_53 : vector<512x128xi1>, vector<512x128xf32>
    %jit3A_182 = arith.constant 3.600000e+01 : f32
    %jit3A_183 = arith.constant 3.700000e+01 : f32
    %broadcast_in_dim3A_184 = vector.broadcast %jit3A_182 : f32 to vector<512x128xf32>
    %broadcast_in_dim3A_185 = vector.broadcast %jit3A_183 : f32 to vector<512x128xf32>
    %select_n3A_186 = arith.select %le3A_180, %broadcast_in_dim3A_184, %broadcast_in_dim3A_185 : vector<512x128xi1>, vector<512x128xf32>
    %le3A_187 = arith.cmpf ole, %slice3A_54, %slice3A_55 : vector<512x128xf32>
    %select_n3A_188 = arith.select %le3A_187, %slice3A_54, %slice3A_55 : vector<512x128xi1>, vector<512x128xf32>
    %jit3A_189 = arith.constant 3.800000e+01 : f32
    %jit3A_190 = arith.constant 3.900000e+01 : f32
    %broadcast_in_dim3A_191 = vector.broadcast %jit3A_189 : f32 to vector<512x128xf32>
    %broadcast_in_dim3A_192 = vector.broadcast %jit3A_190 : f32 to vector<512x128xf32>
    %select_n3A_193 = arith.select %le3A_187, %broadcast_in_dim3A_191, %broadcast_in_dim3A_192 : vector<512x128xi1>, vector<512x128xf32>
    %le3A_194 = arith.cmpf ole, %select_n3A, %select_n3A_62 : vector<512x128xf32>
    %select_n3A_195 = arith.select %le3A_194, %select_n3A, %select_n3A_62 : vector<512x128xi1>, vector<512x128xf32>
    %select_n3A_196 = arith.select %le3A_194, %select_n3A_60, %select_n3A_67 : vector<512x128xi1>, vector<512x128xf32>
    %le3A_197 = arith.cmpf ole, %select_n3A_69, %select_n3A_76 : vector<512x128xf32>
    %select_n3A_198 = arith.select %le3A_197, %select_n3A_69, %select_n3A_76 : vector<512x128xi1>, vector<512x128xf32>
    %select_n3A_199 = arith.select %le3A_197, %select_n3A_74, %select_n3A_81 : vector<512x128xi1>, vector<512x128xf32>
    %le3A_200 = arith.cmpf ole, %select_n3A_83, %select_n3A_90 : vector<512x128xf32>
    %select_n3A_201 = arith.select %le3A_200, %select_n3A_83, %select_n3A_90 : vector<512x128xi1>, vector<512x128xf32>
    %select_n3A_202 = arith.select %le3A_200, %select_n3A_88, %select_n3A_95 : vector<512x128xi1>, vector<512x128xf32>
    %le3A_203 = arith.cmpf ole, %select_n3A_97, %select_n3A_104 : vector<512x128xf32>
    %select_n3A_204 = arith.select %le3A_203, %select_n3A_97, %select_n3A_104 : vector<512x128xi1>, vector<512x128xf32>
    %select_n3A_205 = arith.select %le3A_203, %select_n3A_102, %select_n3A_109 : vector<512x128xi1>, vector<512x128xf32>
    %le3A_206 = arith.cmpf ole, %select_n3A_111, %select_n3A_118 : vector<512x128xf32>
    %select_n3A_207 = arith.select %le3A_206, %select_n3A_111, %select_n3A_118 : vector<512x128xi1>, vector<512x128xf32>
    %select_n3A_208 = arith.select %le3A_206, %select_n3A_116, %select_n3A_123 : vector<512x128xi1>, vector<512x128xf32>
    %le3A_209 = arith.cmpf ole, %select_n3A_125, %select_n3A_132 : vector<512x128xf32>
    %select_n3A_210 = arith.select %le3A_209, %select_n3A_125, %select_n3A_132 : vector<512x128xi1>, vector<512x128xf32>
    %select_n3A_211 = arith.select %le3A_209, %select_n3A_130, %select_n3A_137 : vector<512x128xi1>, vector<512x128xf32>
    %le3A_212 = arith.cmpf ole, %select_n3A_139, %select_n3A_146 : vector<512x128xf32>
    %select_n3A_213 = arith.select %le3A_212, %select_n3A_139, %select_n3A_146 : vector<512x128xi1>, vector<512x128xf32>
    %select_n3A_214 = arith.select %le3A_212, %select_n3A_144, %select_n3A_151 : vector<512x128xi1>, vector<512x128xf32>
    %le3A_215 = arith.cmpf ole, %select_n3A_153, %select_n3A_160 : vector<512x128xf32>
    %select_n3A_216 = arith.select %le3A_215, %select_n3A_153, %select_n3A_160 : vector<512x128xi1>, vector<512x128xf32>
    %select_n3A_217 = arith.select %le3A_215, %select_n3A_158, %select_n3A_165 : vector<512x128xi1>, vector<512x128xf32>
    %le3A_218 = arith.cmpf ole, %select_n3A_167, %select_n3A_174 : vector<512x128xf32>
    %select_n3A_219 = arith.select %le3A_218, %select_n3A_167, %select_n3A_174 : vector<512x128xi1>, vector<512x128xf32>
    %select_n3A_220 = arith.select %le3A_218, %select_n3A_172, %select_n3A_179 : vector<512x128xi1>, vector<512x128xf32>
    %le3A_221 = arith.cmpf ole, %select_n3A_181, %select_n3A_188 : vector<512x128xf32>
    %select_n3A_222 = arith.select %le3A_221, %select_n3A_181, %select_n3A_188 : vector<512x128xi1>, vector<512x128xf32>
    %select_n3A_223 = arith.select %le3A_221, %select_n3A_186, %select_n3A_193 : vector<512x128xi1>, vector<512x128xf32>
    %le3A_224 = arith.cmpf ole, %select_n3A_195, %select_n3A_198 : vector<512x128xf32>
    %select_n3A_225 = arith.select %le3A_224, %select_n3A_195, %select_n3A_198 : vector<512x128xi1>, vector<512x128xf32>
    %select_n3A_226 = arith.select %le3A_224, %select_n3A_196, %select_n3A_199 : vector<512x128xi1>, vector<512x128xf32>
    %le3A_227 = arith.cmpf ole, %select_n3A_201, %select_n3A_204 : vector<512x128xf32>
    %select_n3A_228 = arith.select %le3A_227, %select_n3A_201, %select_n3A_204 : vector<512x128xi1>, vector<512x128xf32>
    %select_n3A_229 = arith.select %le3A_227, %select_n3A_202, %select_n3A_205 : vector<512x128xi1>, vector<512x128xf32>
    %le3A_230 = arith.cmpf ole, %select_n3A_207, %select_n3A_210 : vector<512x128xf32>
    %select_n3A_231 = arith.select %le3A_230, %select_n3A_207, %select_n3A_210 : vector<512x128xi1>, vector<512x128xf32>
    %select_n3A_232 = arith.select %le3A_230, %select_n3A_208, %select_n3A_211 : vector<512x128xi1>, vector<512x128xf32>
    %le3A_233 = arith.cmpf ole, %select_n3A_213, %select_n3A_216 : vector<512x128xf32>
    %select_n3A_234 = arith.select %le3A_233, %select_n3A_213, %select_n3A_216 : vector<512x128xi1>, vector<512x128xf32>
    %select_n3A_235 = arith.select %le3A_233, %select_n3A_214, %select_n3A_217 : vector<512x128xi1>, vector<512x128xf32>
    %le3A_236 = arith.cmpf ole, %select_n3A_219, %select_n3A_222 : vector<512x128xf32>
    %select_n3A_237 = arith.select %le3A_236, %select_n3A_219, %select_n3A_222 : vector<512x128xi1>, vector<512x128xf32>
    %select_n3A_238 = arith.select %le3A_236, %select_n3A_220, %select_n3A_223 : vector<512x128xi1>, vector<512x128xf32>
    %le3A_239 = arith.cmpf ole, %select_n3A_225, %select_n3A_228 : vector<512x128xf32>
    %select_n3A_240 = arith.select %le3A_239, %select_n3A_225, %select_n3A_228 : vector<512x128xi1>, vector<512x128xf32>
    %select_n3A_241 = arith.select %le3A_239, %select_n3A_226, %select_n3A_229 : vector<512x128xi1>, vector<512x128xf32>
    %le3A_242 = arith.cmpf ole, %select_n3A_231, %select_n3A_234 : vector<512x128xf32>
    %select_n3A_243 = arith.select %le3A_242, %select_n3A_231, %select_n3A_234 : vector<512x128xi1>, vector<512x128xf32>
    %select_n3A_244 = arith.select %le3A_242, %select_n3A_232, %select_n3A_235 : vector<512x128xi1>, vector<512x128xf32>
    %le3A_245 = arith.cmpf ole, %select_n3A_237, %slice3A_56 : vector<512x128xf32>
    %select_n3A_246 = arith.select %le3A_245, %select_n3A_237, %slice3A_56 : vector<512x128xi1>, vector<512x128xf32>
    %jit3A_247 = arith.constant 4.000000e+01 : f32
    %broadcast_in_dim3A_248 = vector.broadcast %jit3A_247 : f32 to vector<512x128xf32>
    %select_n3A_249 = arith.select %le3A_245, %select_n3A_238, %broadcast_in_dim3A_248 : vector<512x128xi1>, vector<512x128xf32>
    %le3A_250 = arith.cmpf ole, %select_n3A_240, %select_n3A_243 : vector<512x128xf32>
    %select_n3A_251 = arith.select %le3A_250, %select_n3A_240, %select_n3A_243 : vector<512x128xi1>, vector<512x128xf32>
    %select_n3A_252 = arith.select %le3A_250, %select_n3A_241, %select_n3A_244 : vector<512x128xi1>, vector<512x128xf32>
    %le3A_253 = arith.cmpf ole, %select_n3A_251, %select_n3A_246 : vector<512x128xf32>
    %select_n3A_254 = arith.select %le3A_253, %select_n3A_251, %select_n3A_246 : vector<512x128xi1>, vector<512x128xf32>
    %select_n3A_255 = arith.select %le3A_253, %select_n3A_252, %select_n3A_249 : vector<512x128xi1>, vector<512x128xf32>
    %mul3A_256 = arith.constant 1.280000e+02 : f32
    %mul3A_257 = vector.broadcast %mul3A_256 : f32 to vector<512x128xf32>
    %mul3A_258 = arith.mulf %select_n3A_255, %mul3A_257 : vector<512x128xf32>
    %add3A_259 = vector.broadcast %convert_element_type3A : vector<1x128xf32> to vector<512x128xf32>
    %add3A_260 = arith.addf %mul3A_258, %add3A_259 : vector<512x128xf32>
    %eq3A = arith.constant 0.000000e+00 : f32
    %eq3A_261 = vector.broadcast %eq3A : f32 to vector<512x128xf32>
    %eq3A_262 = arith.cmpf oeq, %select_n3A_255, %eq3A_261 : vector<512x128xf32>
    %jit3A_263 = arith.constant 0x7F800000 : f32
    %broadcast_in_dim3A_264 = vector.broadcast %jit3A_263 : f32 to vector<512x128xf32>
    %select_n3A_265 = arith.select %eq3A_262, %broadcast_in_dim3A_264, %slice3A : vector<512x128xi1>, vector<512x128xf32>
    %eq3A_266 = arith.constant 1.000000e+00 : f32
    %eq3A_267 = vector.broadcast %eq3A_266 : f32 to vector<512x128xf32>
    %eq3A_268 = arith.cmpf oeq, %select_n3A_255, %eq3A_267 : vector<512x128xf32>
    %jit3A_269 = arith.constant 0x7F800000 : f32
    %broadcast_in_dim3A_270 = vector.broadcast %jit3A_269 : f32 to vector<512x128xf32>
    %select_n3A_271 = arith.select %eq3A_268, %broadcast_in_dim3A_270, %slice3A_17 : vector<512x128xi1>, vector<512x128xf32>
    %eq3A_272 = arith.constant 2.000000e+00 : f32
    %eq3A_273 = vector.broadcast %eq3A_272 : f32 to vector<512x128xf32>
    %eq3A_274 = arith.cmpf oeq, %select_n3A_255, %eq3A_273 : vector<512x128xf32>
    %jit3A_275 = arith.constant 0x7F800000 : f32
    %broadcast_in_dim3A_276 = vector.broadcast %jit3A_275 : f32 to vector<512x128xf32>
    %select_n3A_277 = arith.select %eq3A_274, %broadcast_in_dim3A_276, %slice3A_18 : vector<512x128xi1>, vector<512x128xf32>
    %eq3A_278 = arith.constant 3.000000e+00 : f32
    %eq3A_279 = vector.broadcast %eq3A_278 : f32 to vector<512x128xf32>
    %eq3A_280 = arith.cmpf oeq, %select_n3A_255, %eq3A_279 : vector<512x128xf32>
    %jit3A_281 = arith.constant 0x7F800000 : f32
    %broadcast_in_dim3A_282 = vector.broadcast %jit3A_281 : f32 to vector<512x128xf32>
    %select_n3A_283 = arith.select %eq3A_280, %broadcast_in_dim3A_282, %slice3A_19 : vector<512x128xi1>, vector<512x128xf32>
    %eq3A_284 = arith.constant 4.000000e+00 : f32
    %eq3A_285 = vector.broadcast %eq3A_284 : f32 to vector<512x128xf32>
    %eq3A_286 = arith.cmpf oeq, %select_n3A_255, %eq3A_285 : vector<512x128xf32>
    %jit3A_287 = arith.constant 0x7F800000 : f32
    %broadcast_in_dim3A_288 = vector.broadcast %jit3A_287 : f32 to vector<512x128xf32>
    %select_n3A_289 = arith.select %eq3A_286, %broadcast_in_dim3A_288, %slice3A_20 : vector<512x128xi1>, vector<512x128xf32>
    %eq3A_290 = arith.constant 5.000000e+00 : f32
    %eq3A_291 = vector.broadcast %eq3A_290 : f32 to vector<512x128xf32>
    %eq3A_292 = arith.cmpf oeq, %select_n3A_255, %eq3A_291 : vector<512x128xf32>
    %jit3A_293 = arith.constant 0x7F800000 : f32
    %broadcast_in_dim3A_294 = vector.broadcast %jit3A_293 : f32 to vector<512x128xf32>
    %select_n3A_295 = arith.select %eq3A_292, %broadcast_in_dim3A_294, %slice3A_21 : vector<512x128xi1>, vector<512x128xf32>
    %eq3A_296 = arith.constant 6.000000e+00 : f32
    %eq3A_297 = vector.broadcast %eq3A_296 : f32 to vector<512x128xf32>
    %eq3A_298 = arith.cmpf oeq, %select_n3A_255, %eq3A_297 : vector<512x128xf32>
    %jit3A_299 = arith.constant 0x7F800000 : f32
    %broadcast_in_dim3A_300 = vector.broadcast %jit3A_299 : f32 to vector<512x128xf32>
    %select_n3A_301 = arith.select %eq3A_298, %broadcast_in_dim3A_300, %slice3A_22 : vector<512x128xi1>, vector<512x128xf32>
    %eq3A_302 = arith.constant 7.000000e+00 : f32
    %eq3A_303 = vector.broadcast %eq3A_302 : f32 to vector<512x128xf32>
    %eq3A_304 = arith.cmpf oeq, %select_n3A_255, %eq3A_303 : vector<512x128xf32>
    %jit3A_305 = arith.constant 0x7F800000 : f32
    %broadcast_in_dim3A_306 = vector.broadcast %jit3A_305 : f32 to vector<512x128xf32>
    %select_n3A_307 = arith.select %eq3A_304, %broadcast_in_dim3A_306, %slice3A_23 : vector<512x128xi1>, vector<512x128xf32>
    %eq3A_308 = arith.constant 8.000000e+00 : f32
    %eq3A_309 = vector.broadcast %eq3A_308 : f32 to vector<512x128xf32>
    %eq3A_310 = arith.cmpf oeq, %select_n3A_255, %eq3A_309 : vector<512x128xf32>
    %jit3A_311 = arith.constant 0x7F800000 : f32
    %broadcast_in_dim3A_312 = vector.broadcast %jit3A_311 : f32 to vector<512x128xf32>
    %select_n3A_313 = arith.select %eq3A_310, %broadcast_in_dim3A_312, %slice3A_24 : vector<512x128xi1>, vector<512x128xf32>
    %eq3A_314 = arith.constant 9.000000e+00 : f32
    %eq3A_315 = vector.broadcast %eq3A_314 : f32 to vector<512x128xf32>
    %eq3A_316 = arith.cmpf oeq, %select_n3A_255, %eq3A_315 : vector<512x128xf32>
    %jit3A_317 = arith.constant 0x7F800000 : f32
    %broadcast_in_dim3A_318 = vector.broadcast %jit3A_317 : f32 to vector<512x128xf32>
    %select_n3A_319 = arith.select %eq3A_316, %broadcast_in_dim3A_318, %slice3A_25 : vector<512x128xi1>, vector<512x128xf32>
    %eq3A_320 = arith.constant 1.000000e+01 : f32
    %eq3A_321 = vector.broadcast %eq3A_320 : f32 to vector<512x128xf32>
    %eq3A_322 = arith.cmpf oeq, %select_n3A_255, %eq3A_321 : vector<512x128xf32>
    %jit3A_323 = arith.constant 0x7F800000 : f32
    %broadcast_in_dim3A_324 = vector.broadcast %jit3A_323 : f32 to vector<512x128xf32>
    %select_n3A_325 = arith.select %eq3A_322, %broadcast_in_dim3A_324, %slice3A_26 : vector<512x128xi1>, vector<512x128xf32>
    %eq3A_326 = arith.constant 1.100000e+01 : f32
    %eq3A_327 = vector.broadcast %eq3A_326 : f32 to vector<512x128xf32>
    %eq3A_328 = arith.cmpf oeq, %select_n3A_255, %eq3A_327 : vector<512x128xf32>
    %jit3A_329 = arith.constant 0x7F800000 : f32
    %broadcast_in_dim3A_330 = vector.broadcast %jit3A_329 : f32 to vector<512x128xf32>
    %select_n3A_331 = arith.select %eq3A_328, %broadcast_in_dim3A_330, %slice3A_27 : vector<512x128xi1>, vector<512x128xf32>
    %eq3A_332 = arith.constant 1.200000e+01 : f32
    %eq3A_333 = vector.broadcast %eq3A_332 : f32 to vector<512x128xf32>
    %eq3A_334 = arith.cmpf oeq, %select_n3A_255, %eq3A_333 : vector<512x128xf32>
    %jit3A_335 = arith.constant 0x7F800000 : f32
    %broadcast_in_dim3A_336 = vector.broadcast %jit3A_335 : f32 to vector<512x128xf32>
    %select_n3A_337 = arith.select %eq3A_334, %broadcast_in_dim3A_336, %slice3A_28 : vector<512x128xi1>, vector<512x128xf32>
    %eq3A_338 = arith.constant 1.300000e+01 : f32
    %eq3A_339 = vector.broadcast %eq3A_338 : f32 to vector<512x128xf32>
    %eq3A_340 = arith.cmpf oeq, %select_n3A_255, %eq3A_339 : vector<512x128xf32>
    %jit3A_341 = arith.constant 0x7F800000 : f32
    %broadcast_in_dim3A_342 = vector.broadcast %jit3A_341 : f32 to vector<512x128xf32>
    %select_n3A_343 = arith.select %eq3A_340, %broadcast_in_dim3A_342, %slice3A_29 : vector<512x128xi1>, vector<512x128xf32>
    %eq3A_344 = arith.constant 1.400000e+01 : f32
    %eq3A_345 = vector.broadcast %eq3A_344 : f32 to vector<512x128xf32>
    %eq3A_346 = arith.cmpf oeq, %select_n3A_255, %eq3A_345 : vector<512x128xf32>
    %jit3A_347 = arith.constant 0x7F800000 : f32
    %broadcast_in_dim3A_348 = vector.broadcast %jit3A_347 : f32 to vector<512x128xf32>
    %select_n3A_349 = arith.select %eq3A_346, %broadcast_in_dim3A_348, %slice3A_30 : vector<512x128xi1>, vector<512x128xf32>
    %eq3A_350 = arith.constant 1.500000e+01 : f32
    %eq3A_351 = vector.broadcast %eq3A_350 : f32 to vector<512x128xf32>
    %eq3A_352 = arith.cmpf oeq, %select_n3A_255, %eq3A_351 : vector<512x128xf32>
    %jit3A_353 = arith.constant 0x7F800000 : f32
    %broadcast_in_dim3A_354 = vector.broadcast %jit3A_353 : f32 to vector<512x128xf32>
    %select_n3A_355 = arith.select %eq3A_352, %broadcast_in_dim3A_354, %slice3A_31 : vector<512x128xi1>, vector<512x128xf32>
    %eq3A_356 = arith.constant 1.600000e+01 : f32
    %eq3A_357 = vector.broadcast %eq3A_356 : f32 to vector<512x128xf32>
    %eq3A_358 = arith.cmpf oeq, %select_n3A_255, %eq3A_357 : vector<512x128xf32>
    %jit3A_359 = arith.constant 0x7F800000 : f32
    %broadcast_in_dim3A_360 = vector.broadcast %jit3A_359 : f32 to vector<512x128xf32>
    %select_n3A_361 = arith.select %eq3A_358, %broadcast_in_dim3A_360, %slice3A_32 : vector<512x128xi1>, vector<512x128xf32>
    %eq3A_362 = arith.constant 1.700000e+01 : f32
    %eq3A_363 = vector.broadcast %eq3A_362 : f32 to vector<512x128xf32>
    %eq3A_364 = arith.cmpf oeq, %select_n3A_255, %eq3A_363 : vector<512x128xf32>
    %jit3A_365 = arith.constant 0x7F800000 : f32
    %broadcast_in_dim3A_366 = vector.broadcast %jit3A_365 : f32 to vector<512x128xf32>
    %select_n3A_367 = arith.select %eq3A_364, %broadcast_in_dim3A_366, %slice3A_33 : vector<512x128xi1>, vector<512x128xf32>
    %eq3A_368 = arith.constant 1.800000e+01 : f32
    %eq3A_369 = vector.broadcast %eq3A_368 : f32 to vector<512x128xf32>
    %eq3A_370 = arith.cmpf oeq, %select_n3A_255, %eq3A_369 : vector<512x128xf32>
    %jit3A_371 = arith.constant 0x7F800000 : f32
    %broadcast_in_dim3A_372 = vector.broadcast %jit3A_371 : f32 to vector<512x128xf32>
    %select_n3A_373 = arith.select %eq3A_370, %broadcast_in_dim3A_372, %slice3A_34 : vector<512x128xi1>, vector<512x128xf32>
    %eq3A_374 = arith.constant 1.900000e+01 : f32
    %eq3A_375 = vector.broadcast %eq3A_374 : f32 to vector<512x128xf32>
    %eq3A_376 = arith.cmpf oeq, %select_n3A_255, %eq3A_375 : vector<512x128xf32>
    %jit3A_377 = arith.constant 0x7F800000 : f32
    %broadcast_in_dim3A_378 = vector.broadcast %jit3A_377 : f32 to vector<512x128xf32>
    %select_n3A_379 = arith.select %eq3A_376, %broadcast_in_dim3A_378, %slice3A_35 : vector<512x128xi1>, vector<512x128xf32>
    %eq3A_380 = arith.constant 2.000000e+01 : f32
    %eq3A_381 = vector.broadcast %eq3A_380 : f32 to vector<512x128xf32>
    %eq3A_382 = arith.cmpf oeq, %select_n3A_255, %eq3A_381 : vector<512x128xf32>
    %jit3A_383 = arith.constant 0x7F800000 : f32
    %broadcast_in_dim3A_384 = vector.broadcast %jit3A_383 : f32 to vector<512x128xf32>
    %select_n3A_385 = arith.select %eq3A_382, %broadcast_in_dim3A_384, %slice3A_36 : vector<512x128xi1>, vector<512x128xf32>
    %eq3A_386 = arith.constant 2.100000e+01 : f32
    %eq3A_387 = vector.broadcast %eq3A_386 : f32 to vector<512x128xf32>
    %eq3A_388 = arith.cmpf oeq, %select_n3A_255, %eq3A_387 : vector<512x128xf32>
    %jit3A_389 = arith.constant 0x7F800000 : f32
    %broadcast_in_dim3A_390 = vector.broadcast %jit3A_389 : f32 to vector<512x128xf32>
    %select_n3A_391 = arith.select %eq3A_388, %broadcast_in_dim3A_390, %slice3A_37 : vector<512x128xi1>, vector<512x128xf32>
    %eq3A_392 = arith.constant 2.200000e+01 : f32
    %eq3A_393 = vector.broadcast %eq3A_392 : f32 to vector<512x128xf32>
    %eq3A_394 = arith.cmpf oeq, %select_n3A_255, %eq3A_393 : vector<512x128xf32>
    %jit3A_395 = arith.constant 0x7F800000 : f32
    %broadcast_in_dim3A_396 = vector.broadcast %jit3A_395 : f32 to vector<512x128xf32>
    %select_n3A_397 = arith.select %eq3A_394, %broadcast_in_dim3A_396, %slice3A_38 : vector<512x128xi1>, vector<512x128xf32>
    %eq3A_398 = arith.constant 2.300000e+01 : f32
    %eq3A_399 = vector.broadcast %eq3A_398 : f32 to vector<512x128xf32>
    %eq3A_400 = arith.cmpf oeq, %select_n3A_255, %eq3A_399 : vector<512x128xf32>
    %jit3A_401 = arith.constant 0x7F800000 : f32
    %broadcast_in_dim3A_402 = vector.broadcast %jit3A_401 : f32 to vector<512x128xf32>
    %select_n3A_403 = arith.select %eq3A_400, %broadcast_in_dim3A_402, %slice3A_39 : vector<512x128xi1>, vector<512x128xf32>
    %eq3A_404 = arith.constant 2.400000e+01 : f32
    %eq3A_405 = vector.broadcast %eq3A_404 : f32 to vector<512x128xf32>
    %eq3A_406 = arith.cmpf oeq, %select_n3A_255, %eq3A_405 : vector<512x128xf32>
    %jit3A_407 = arith.constant 0x7F800000 : f32
    %broadcast_in_dim3A_408 = vector.broadcast %jit3A_407 : f32 to vector<512x128xf32>
    %select_n3A_409 = arith.select %eq3A_406, %broadcast_in_dim3A_408, %slice3A_40 : vector<512x128xi1>, vector<512x128xf32>
    %eq3A_410 = arith.constant 2.500000e+01 : f32
    %eq3A_411 = vector.broadcast %eq3A_410 : f32 to vector<512x128xf32>
    %eq3A_412 = arith.cmpf oeq, %select_n3A_255, %eq3A_411 : vector<512x128xf32>
    %jit3A_413 = arith.constant 0x7F800000 : f32
    %broadcast_in_dim3A_414 = vector.broadcast %jit3A_413 : f32 to vector<512x128xf32>
    %select_n3A_415 = arith.select %eq3A_412, %broadcast_in_dim3A_414, %slice3A_41 : vector<512x128xi1>, vector<512x128xf32>
    %eq3A_416 = arith.constant 2.600000e+01 : f32
    %eq3A_417 = vector.broadcast %eq3A_416 : f32 to vector<512x128xf32>
    %eq3A_418 = arith.cmpf oeq, %select_n3A_255, %eq3A_417 : vector<512x128xf32>
    %jit3A_419 = arith.constant 0x7F800000 : f32
    %broadcast_in_dim3A_420 = vector.broadcast %jit3A_419 : f32 to vector<512x128xf32>
    %select_n3A_421 = arith.select %eq3A_418, %broadcast_in_dim3A_420, %slice3A_42 : vector<512x128xi1>, vector<512x128xf32>
    %eq3A_422 = arith.constant 2.700000e+01 : f32
    %eq3A_423 = vector.broadcast %eq3A_422 : f32 to vector<512x128xf32>
    %eq3A_424 = arith.cmpf oeq, %select_n3A_255, %eq3A_423 : vector<512x128xf32>
    %jit3A_425 = arith.constant 0x7F800000 : f32
    %broadcast_in_dim3A_426 = vector.broadcast %jit3A_425 : f32 to vector<512x128xf32>
    %select_n3A_427 = arith.select %eq3A_424, %broadcast_in_dim3A_426, %slice3A_43 : vector<512x128xi1>, vector<512x128xf32>
    %eq3A_428 = arith.constant 2.800000e+01 : f32
    %eq3A_429 = vector.broadcast %eq3A_428 : f32 to vector<512x128xf32>
    %eq3A_430 = arith.cmpf oeq, %select_n3A_255, %eq3A_429 : vector<512x128xf32>
    %jit3A_431 = arith.constant 0x7F800000 : f32
    %broadcast_in_dim3A_432 = vector.broadcast %jit3A_431 : f32 to vector<512x128xf32>
    %select_n3A_433 = arith.select %eq3A_430, %broadcast_in_dim3A_432, %slice3A_44 : vector<512x128xi1>, vector<512x128xf32>
    %eq3A_434 = arith.constant 2.900000e+01 : f32
    %eq3A_435 = vector.broadcast %eq3A_434 : f32 to vector<512x128xf32>
    %eq3A_436 = arith.cmpf oeq, %select_n3A_255, %eq3A_435 : vector<512x128xf32>
    %jit3A_437 = arith.constant 0x7F800000 : f32
    %broadcast_in_dim3A_438 = vector.broadcast %jit3A_437 : f32 to vector<512x128xf32>
    %select_n3A_439 = arith.select %eq3A_436, %broadcast_in_dim3A_438, %slice3A_45 : vector<512x128xi1>, vector<512x128xf32>
    %eq3A_440 = arith.constant 3.000000e+01 : f32
    %eq3A_441 = vector.broadcast %eq3A_440 : f32 to vector<512x128xf32>
    %eq3A_442 = arith.cmpf oeq, %select_n3A_255, %eq3A_441 : vector<512x128xf32>
    %jit3A_443 = arith.constant 0x7F800000 : f32
    %broadcast_in_dim3A_444 = vector.broadcast %jit3A_443 : f32 to vector<512x128xf32>
    %select_n3A_445 = arith.select %eq3A_442, %broadcast_in_dim3A_444, %slice3A_46 : vector<512x128xi1>, vector<512x128xf32>
    %eq3A_446 = arith.constant 3.100000e+01 : f32
    %eq3A_447 = vector.broadcast %eq3A_446 : f32 to vector<512x128xf32>
    %eq3A_448 = arith.cmpf oeq, %select_n3A_255, %eq3A_447 : vector<512x128xf32>
    %jit3A_449 = arith.constant 0x7F800000 : f32
    %broadcast_in_dim3A_450 = vector.broadcast %jit3A_449 : f32 to vector<512x128xf32>
    %select_n3A_451 = arith.select %eq3A_448, %broadcast_in_dim3A_450, %slice3A_47 : vector<512x128xi1>, vector<512x128xf32>
    %eq3A_452 = arith.constant 3.200000e+01 : f32
    %eq3A_453 = vector.broadcast %eq3A_452 : f32 to vector<512x128xf32>
    %eq3A_454 = arith.cmpf oeq, %select_n3A_255, %eq3A_453 : vector<512x128xf32>
    %jit3A_455 = arith.constant 0x7F800000 : f32
    %broadcast_in_dim3A_456 = vector.broadcast %jit3A_455 : f32 to vector<512x128xf32>
    %select_n3A_457 = arith.select %eq3A_454, %broadcast_in_dim3A_456, %slice3A_48 : vector<512x128xi1>, vector<512x128xf32>
    %eq3A_458 = arith.constant 3.300000e+01 : f32
    %eq3A_459 = vector.broadcast %eq3A_458 : f32 to vector<512x128xf32>
    %eq3A_460 = arith.cmpf oeq, %select_n3A_255, %eq3A_459 : vector<512x128xf32>
    %jit3A_461 = arith.constant 0x7F800000 : f32
    %broadcast_in_dim3A_462 = vector.broadcast %jit3A_461 : f32 to vector<512x128xf32>
    %select_n3A_463 = arith.select %eq3A_460, %broadcast_in_dim3A_462, %slice3A_49 : vector<512x128xi1>, vector<512x128xf32>
    %eq3A_464 = arith.constant 3.400000e+01 : f32
    %eq3A_465 = vector.broadcast %eq3A_464 : f32 to vector<512x128xf32>
    %eq3A_466 = arith.cmpf oeq, %select_n3A_255, %eq3A_465 : vector<512x128xf32>
    %jit3A_467 = arith.constant 0x7F800000 : f32
    %broadcast_in_dim3A_468 = vector.broadcast %jit3A_467 : f32 to vector<512x128xf32>
    %select_n3A_469 = arith.select %eq3A_466, %broadcast_in_dim3A_468, %slice3A_50 : vector<512x128xi1>, vector<512x128xf32>
    %eq3A_470 = arith.constant 3.500000e+01 : f32
    %eq3A_471 = vector.broadcast %eq3A_470 : f32 to vector<512x128xf32>
    %eq3A_472 = arith.cmpf oeq, %select_n3A_255, %eq3A_471 : vector<512x128xf32>
    %jit3A_473 = arith.constant 0x7F800000 : f32
    %broadcast_in_dim3A_474 = vector.broadcast %jit3A_473 : f32 to vector<512x128xf32>
    %select_n3A_475 = arith.select %eq3A_472, %broadcast_in_dim3A_474, %slice3A_51 : vector<512x128xi1>, vector<512x128xf32>
    %eq3A_476 = arith.constant 3.600000e+01 : f32
    %eq3A_477 = vector.broadcast %eq3A_476 : f32 to vector<512x128xf32>
    %eq3A_478 = arith.cmpf oeq, %select_n3A_255, %eq3A_477 : vector<512x128xf32>
    %jit3A_479 = arith.constant 0x7F800000 : f32
    %broadcast_in_dim3A_480 = vector.broadcast %jit3A_479 : f32 to vector<512x128xf32>
    %select_n3A_481 = arith.select %eq3A_478, %broadcast_in_dim3A_480, %slice3A_52 : vector<512x128xi1>, vector<512x128xf32>
    %eq3A_482 = arith.constant 3.700000e+01 : f32
    %eq3A_483 = vector.broadcast %eq3A_482 : f32 to vector<512x128xf32>
    %eq3A_484 = arith.cmpf oeq, %select_n3A_255, %eq3A_483 : vector<512x128xf32>
    %jit3A_485 = arith.constant 0x7F800000 : f32
    %broadcast_in_dim3A_486 = vector.broadcast %jit3A_485 : f32 to vector<512x128xf32>
    %select_n3A_487 = arith.select %eq3A_484, %broadcast_in_dim3A_486, %slice3A_53 : vector<512x128xi1>, vector<512x128xf32>
    %eq3A_488 = arith.constant 3.800000e+01 : f32
    %eq3A_489 = vector.broadcast %eq3A_488 : f32 to vector<512x128xf32>
    %eq3A_490 = arith.cmpf oeq, %select_n3A_255, %eq3A_489 : vector<512x128xf32>
    %jit3A_491 = arith.constant 0x7F800000 : f32
    %broadcast_in_dim3A_492 = vector.broadcast %jit3A_491 : f32 to vector<512x128xf32>
    %select_n3A_493 = arith.select %eq3A_490, %broadcast_in_dim3A_492, %slice3A_54 : vector<512x128xi1>, vector<512x128xf32>
    %eq3A_494 = arith.constant 3.900000e+01 : f32
    %eq3A_495 = vector.broadcast %eq3A_494 : f32 to vector<512x128xf32>
    %eq3A_496 = arith.cmpf oeq, %select_n3A_255, %eq3A_495 : vector<512x128xf32>
    %jit3A_497 = arith.constant 0x7F800000 : f32
    %broadcast_in_dim3A_498 = vector.broadcast %jit3A_497 : f32 to vector<512x128xf32>
    %select_n3A_499 = arith.select %eq3A_496, %broadcast_in_dim3A_498, %slice3A_55 : vector<512x128xi1>, vector<512x128xf32>
    %eq3A_500 = arith.constant 4.000000e+01 : f32
    %eq3A_501 = vector.broadcast %eq3A_500 : f32 to vector<512x128xf32>
    %eq3A_502 = arith.cmpf oeq, %select_n3A_255, %eq3A_501 : vector<512x128xf32>
    %jit3A_503 = arith.constant 0x7F800000 : f32
    %broadcast_in_dim3A_504 = vector.broadcast %jit3A_503 : f32 to vector<512x128xf32>
    %select_n3A_505 = arith.select %eq3A_502, %broadcast_in_dim3A_504, %slice3A_56 : vector<512x128xi1>, vector<512x128xf32>
    %le3A_506 = arith.cmpf ole, %select_n3A_265, %select_n3A_271 : vector<512x128xf32>
    %select_n3A_507 = arith.select %le3A_506, %select_n3A_265, %select_n3A_271 : vector<512x128xi1>, vector<512x128xf32>
    %jit3A_508 = arith.constant 0.000000e+00 : f32
    %jit3A_509 = arith.constant 1.000000e+00 : f32
    %broadcast_in_dim3A_510 = vector.broadcast %jit3A_508 : f32 to vector<512x128xf32>
    %broadcast_in_dim3A_511 = vector.broadcast %jit3A_509 : f32 to vector<512x128xf32>
    %select_n3A_512 = arith.select %le3A_506, %broadcast_in_dim3A_510, %broadcast_in_dim3A_511 : vector<512x128xi1>, vector<512x128xf32>
    %le3A_513 = arith.cmpf ole, %select_n3A_277, %select_n3A_283 : vector<512x128xf32>
    %select_n3A_514 = arith.select %le3A_513, %select_n3A_277, %select_n3A_283 : vector<512x128xi1>, vector<512x128xf32>
    %jit3A_515 = arith.constant 2.000000e+00 : f32
    %jit3A_516 = arith.constant 3.000000e+00 : f32
    %broadcast_in_dim3A_517 = vector.broadcast %jit3A_515 : f32 to vector<512x128xf32>
    %broadcast_in_dim3A_518 = vector.broadcast %jit3A_516 : f32 to vector<512x128xf32>
    %select_n3A_519 = arith.select %le3A_513, %broadcast_in_dim3A_517, %broadcast_in_dim3A_518 : vector<512x128xi1>, vector<512x128xf32>
    %le3A_520 = arith.cmpf ole, %select_n3A_289, %select_n3A_295 : vector<512x128xf32>
    %select_n3A_521 = arith.select %le3A_520, %select_n3A_289, %select_n3A_295 : vector<512x128xi1>, vector<512x128xf32>
    %jit3A_522 = arith.constant 4.000000e+00 : f32
    %jit3A_523 = arith.constant 5.000000e+00 : f32
    %broadcast_in_dim3A_524 = vector.broadcast %jit3A_522 : f32 to vector<512x128xf32>
    %broadcast_in_dim3A_525 = vector.broadcast %jit3A_523 : f32 to vector<512x128xf32>
    %select_n3A_526 = arith.select %le3A_520, %broadcast_in_dim3A_524, %broadcast_in_dim3A_525 : vector<512x128xi1>, vector<512x128xf32>
    %le3A_527 = arith.cmpf ole, %select_n3A_301, %select_n3A_307 : vector<512x128xf32>
    %select_n3A_528 = arith.select %le3A_527, %select_n3A_301, %select_n3A_307 : vector<512x128xi1>, vector<512x128xf32>
    %jit3A_529 = arith.constant 6.000000e+00 : f32
    %jit3A_530 = arith.constant 7.000000e+00 : f32
    %broadcast_in_dim3A_531 = vector.broadcast %jit3A_529 : f32 to vector<512x128xf32>
    %broadcast_in_dim3A_532 = vector.broadcast %jit3A_530 : f32 to vector<512x128xf32>
    %select_n3A_533 = arith.select %le3A_527, %broadcast_in_dim3A_531, %broadcast_in_dim3A_532 : vector<512x128xi1>, vector<512x128xf32>
    %le3A_534 = arith.cmpf ole, %select_n3A_313, %select_n3A_319 : vector<512x128xf32>
    %select_n3A_535 = arith.select %le3A_534, %select_n3A_313, %select_n3A_319 : vector<512x128xi1>, vector<512x128xf32>
    %jit3A_536 = arith.constant 8.000000e+00 : f32
    %jit3A_537 = arith.constant 9.000000e+00 : f32
    %broadcast_in_dim3A_538 = vector.broadcast %jit3A_536 : f32 to vector<512x128xf32>
    %broadcast_in_dim3A_539 = vector.broadcast %jit3A_537 : f32 to vector<512x128xf32>
    %select_n3A_540 = arith.select %le3A_534, %broadcast_in_dim3A_538, %broadcast_in_dim3A_539 : vector<512x128xi1>, vector<512x128xf32>
    %le3A_541 = arith.cmpf ole, %select_n3A_325, %select_n3A_331 : vector<512x128xf32>
    %select_n3A_542 = arith.select %le3A_541, %select_n3A_325, %select_n3A_331 : vector<512x128xi1>, vector<512x128xf32>
    %jit3A_543 = arith.constant 1.000000e+01 : f32
    %jit3A_544 = arith.constant 1.100000e+01 : f32
    %broadcast_in_dim3A_545 = vector.broadcast %jit3A_543 : f32 to vector<512x128xf32>
    %broadcast_in_dim3A_546 = vector.broadcast %jit3A_544 : f32 to vector<512x128xf32>
    %select_n3A_547 = arith.select %le3A_541, %broadcast_in_dim3A_545, %broadcast_in_dim3A_546 : vector<512x128xi1>, vector<512x128xf32>
    %le3A_548 = arith.cmpf ole, %select_n3A_337, %select_n3A_343 : vector<512x128xf32>
    %select_n3A_549 = arith.select %le3A_548, %select_n3A_337, %select_n3A_343 : vector<512x128xi1>, vector<512x128xf32>
    %jit3A_550 = arith.constant 1.200000e+01 : f32
    %jit3A_551 = arith.constant 1.300000e+01 : f32
    %broadcast_in_dim3A_552 = vector.broadcast %jit3A_550 : f32 to vector<512x128xf32>
    %broadcast_in_dim3A_553 = vector.broadcast %jit3A_551 : f32 to vector<512x128xf32>
    %select_n3A_554 = arith.select %le3A_548, %broadcast_in_dim3A_552, %broadcast_in_dim3A_553 : vector<512x128xi1>, vector<512x128xf32>
    %le3A_555 = arith.cmpf ole, %select_n3A_349, %select_n3A_355 : vector<512x128xf32>
    %select_n3A_556 = arith.select %le3A_555, %select_n3A_349, %select_n3A_355 : vector<512x128xi1>, vector<512x128xf32>
    %jit3A_557 = arith.constant 1.400000e+01 : f32
    %jit3A_558 = arith.constant 1.500000e+01 : f32
    %broadcast_in_dim3A_559 = vector.broadcast %jit3A_557 : f32 to vector<512x128xf32>
    %broadcast_in_dim3A_560 = vector.broadcast %jit3A_558 : f32 to vector<512x128xf32>
    %select_n3A_561 = arith.select %le3A_555, %broadcast_in_dim3A_559, %broadcast_in_dim3A_560 : vector<512x128xi1>, vector<512x128xf32>
    %le3A_562 = arith.cmpf ole, %select_n3A_361, %select_n3A_367 : vector<512x128xf32>
    %select_n3A_563 = arith.select %le3A_562, %select_n3A_361, %select_n3A_367 : vector<512x128xi1>, vector<512x128xf32>
    %jit3A_564 = arith.constant 1.600000e+01 : f32
    %jit3A_565 = arith.constant 1.700000e+01 : f32
    %broadcast_in_dim3A_566 = vector.broadcast %jit3A_564 : f32 to vector<512x128xf32>
    %broadcast_in_dim3A_567 = vector.broadcast %jit3A_565 : f32 to vector<512x128xf32>
    %select_n3A_568 = arith.select %le3A_562, %broadcast_in_dim3A_566, %broadcast_in_dim3A_567 : vector<512x128xi1>, vector<512x128xf32>
    %le3A_569 = arith.cmpf ole, %select_n3A_373, %select_n3A_379 : vector<512x128xf32>
    %select_n3A_570 = arith.select %le3A_569, %select_n3A_373, %select_n3A_379 : vector<512x128xi1>, vector<512x128xf32>
    %jit3A_571 = arith.constant 1.800000e+01 : f32
    %jit3A_572 = arith.constant 1.900000e+01 : f32
    %broadcast_in_dim3A_573 = vector.broadcast %jit3A_571 : f32 to vector<512x128xf32>
    %broadcast_in_dim3A_574 = vector.broadcast %jit3A_572 : f32 to vector<512x128xf32>
    %select_n3A_575 = arith.select %le3A_569, %broadcast_in_dim3A_573, %broadcast_in_dim3A_574 : vector<512x128xi1>, vector<512x128xf32>
    %le3A_576 = arith.cmpf ole, %select_n3A_385, %select_n3A_391 : vector<512x128xf32>
    %select_n3A_577 = arith.select %le3A_576, %select_n3A_385, %select_n3A_391 : vector<512x128xi1>, vector<512x128xf32>
    %jit3A_578 = arith.constant 2.000000e+01 : f32
    %jit3A_579 = arith.constant 2.100000e+01 : f32
    %broadcast_in_dim3A_580 = vector.broadcast %jit3A_578 : f32 to vector<512x128xf32>
    %broadcast_in_dim3A_581 = vector.broadcast %jit3A_579 : f32 to vector<512x128xf32>
    %select_n3A_582 = arith.select %le3A_576, %broadcast_in_dim3A_580, %broadcast_in_dim3A_581 : vector<512x128xi1>, vector<512x128xf32>
    %le3A_583 = arith.cmpf ole, %select_n3A_397, %select_n3A_403 : vector<512x128xf32>
    %select_n3A_584 = arith.select %le3A_583, %select_n3A_397, %select_n3A_403 : vector<512x128xi1>, vector<512x128xf32>
    %jit3A_585 = arith.constant 2.200000e+01 : f32
    %jit3A_586 = arith.constant 2.300000e+01 : f32
    %broadcast_in_dim3A_587 = vector.broadcast %jit3A_585 : f32 to vector<512x128xf32>
    %broadcast_in_dim3A_588 = vector.broadcast %jit3A_586 : f32 to vector<512x128xf32>
    %select_n3A_589 = arith.select %le3A_583, %broadcast_in_dim3A_587, %broadcast_in_dim3A_588 : vector<512x128xi1>, vector<512x128xf32>
    %le3A_590 = arith.cmpf ole, %select_n3A_409, %select_n3A_415 : vector<512x128xf32>
    %select_n3A_591 = arith.select %le3A_590, %select_n3A_409, %select_n3A_415 : vector<512x128xi1>, vector<512x128xf32>
    %jit3A_592 = arith.constant 2.400000e+01 : f32
    %jit3A_593 = arith.constant 2.500000e+01 : f32
    %broadcast_in_dim3A_594 = vector.broadcast %jit3A_592 : f32 to vector<512x128xf32>
    %broadcast_in_dim3A_595 = vector.broadcast %jit3A_593 : f32 to vector<512x128xf32>
    %select_n3A_596 = arith.select %le3A_590, %broadcast_in_dim3A_594, %broadcast_in_dim3A_595 : vector<512x128xi1>, vector<512x128xf32>
    %le3A_597 = arith.cmpf ole, %select_n3A_421, %select_n3A_427 : vector<512x128xf32>
    %select_n3A_598 = arith.select %le3A_597, %select_n3A_421, %select_n3A_427 : vector<512x128xi1>, vector<512x128xf32>
    %jit3A_599 = arith.constant 2.600000e+01 : f32
    %jit3A_600 = arith.constant 2.700000e+01 : f32
    %broadcast_in_dim3A_601 = vector.broadcast %jit3A_599 : f32 to vector<512x128xf32>
    %broadcast_in_dim3A_602 = vector.broadcast %jit3A_600 : f32 to vector<512x128xf32>
    %select_n3A_603 = arith.select %le3A_597, %broadcast_in_dim3A_601, %broadcast_in_dim3A_602 : vector<512x128xi1>, vector<512x128xf32>
    %le3A_604 = arith.cmpf ole, %select_n3A_433, %select_n3A_439 : vector<512x128xf32>
    %select_n3A_605 = arith.select %le3A_604, %select_n3A_433, %select_n3A_439 : vector<512x128xi1>, vector<512x128xf32>
    %jit3A_606 = arith.constant 2.800000e+01 : f32
    %jit3A_607 = arith.constant 2.900000e+01 : f32
    %broadcast_in_dim3A_608 = vector.broadcast %jit3A_606 : f32 to vector<512x128xf32>
    %broadcast_in_dim3A_609 = vector.broadcast %jit3A_607 : f32 to vector<512x128xf32>
    %select_n3A_610 = arith.select %le3A_604, %broadcast_in_dim3A_608, %broadcast_in_dim3A_609 : vector<512x128xi1>, vector<512x128xf32>
    %le3A_611 = arith.cmpf ole, %select_n3A_445, %select_n3A_451 : vector<512x128xf32>
    %select_n3A_612 = arith.select %le3A_611, %select_n3A_445, %select_n3A_451 : vector<512x128xi1>, vector<512x128xf32>
    %jit3A_613 = arith.constant 3.000000e+01 : f32
    %jit3A_614 = arith.constant 3.100000e+01 : f32
    %broadcast_in_dim3A_615 = vector.broadcast %jit3A_613 : f32 to vector<512x128xf32>
    %broadcast_in_dim3A_616 = vector.broadcast %jit3A_614 : f32 to vector<512x128xf32>
    %select_n3A_617 = arith.select %le3A_611, %broadcast_in_dim3A_615, %broadcast_in_dim3A_616 : vector<512x128xi1>, vector<512x128xf32>
    %le3A_618 = arith.cmpf ole, %select_n3A_457, %select_n3A_463 : vector<512x128xf32>
    %select_n3A_619 = arith.select %le3A_618, %select_n3A_457, %select_n3A_463 : vector<512x128xi1>, vector<512x128xf32>
    %jit3A_620 = arith.constant 3.200000e+01 : f32
    %jit3A_621 = arith.constant 3.300000e+01 : f32
    %broadcast_in_dim3A_622 = vector.broadcast %jit3A_620 : f32 to vector<512x128xf32>
    %broadcast_in_dim3A_623 = vector.broadcast %jit3A_621 : f32 to vector<512x128xf32>
    %select_n3A_624 = arith.select %le3A_618, %broadcast_in_dim3A_622, %broadcast_in_dim3A_623 : vector<512x128xi1>, vector<512x128xf32>
    %le3A_625 = arith.cmpf ole, %select_n3A_469, %select_n3A_475 : vector<512x128xf32>
    %select_n3A_626 = arith.select %le3A_625, %select_n3A_469, %select_n3A_475 : vector<512x128xi1>, vector<512x128xf32>
    %jit3A_627 = arith.constant 3.400000e+01 : f32
    %jit3A_628 = arith.constant 3.500000e+01 : f32
    %broadcast_in_dim3A_629 = vector.broadcast %jit3A_627 : f32 to vector<512x128xf32>
    %broadcast_in_dim3A_630 = vector.broadcast %jit3A_628 : f32 to vector<512x128xf32>
    %select_n3A_631 = arith.select %le3A_625, %broadcast_in_dim3A_629, %broadcast_in_dim3A_630 : vector<512x128xi1>, vector<512x128xf32>
    %le3A_632 = arith.cmpf ole, %select_n3A_481, %select_n3A_487 : vector<512x128xf32>
    %select_n3A_633 = arith.select %le3A_632, %select_n3A_481, %select_n3A_487 : vector<512x128xi1>, vector<512x128xf32>
    %jit3A_634 = arith.constant 3.600000e+01 : f32
    %jit3A_635 = arith.constant 3.700000e+01 : f32
    %broadcast_in_dim3A_636 = vector.broadcast %jit3A_634 : f32 to vector<512x128xf32>
    %broadcast_in_dim3A_637 = vector.broadcast %jit3A_635 : f32 to vector<512x128xf32>
    %select_n3A_638 = arith.select %le3A_632, %broadcast_in_dim3A_636, %broadcast_in_dim3A_637 : vector<512x128xi1>, vector<512x128xf32>
    %le3A_639 = arith.cmpf ole, %select_n3A_493, %select_n3A_499 : vector<512x128xf32>
    %select_n3A_640 = arith.select %le3A_639, %select_n3A_493, %select_n3A_499 : vector<512x128xi1>, vector<512x128xf32>
    %jit3A_641 = arith.constant 3.800000e+01 : f32
    %jit3A_642 = arith.constant 3.900000e+01 : f32
    %broadcast_in_dim3A_643 = vector.broadcast %jit3A_641 : f32 to vector<512x128xf32>
    %broadcast_in_dim3A_644 = vector.broadcast %jit3A_642 : f32 to vector<512x128xf32>
    %select_n3A_645 = arith.select %le3A_639, %broadcast_in_dim3A_643, %broadcast_in_dim3A_644 : vector<512x128xi1>, vector<512x128xf32>
    %le3A_646 = arith.cmpf ole, %select_n3A_507, %select_n3A_514 : vector<512x128xf32>
    %select_n3A_647 = arith.select %le3A_646, %select_n3A_507, %select_n3A_514 : vector<512x128xi1>, vector<512x128xf32>
    %select_n3A_648 = arith.select %le3A_646, %select_n3A_512, %select_n3A_519 : vector<512x128xi1>, vector<512x128xf32>
    %le3A_649 = arith.cmpf ole, %select_n3A_521, %select_n3A_528 : vector<512x128xf32>
    %select_n3A_650 = arith.select %le3A_649, %select_n3A_521, %select_n3A_528 : vector<512x128xi1>, vector<512x128xf32>
    %select_n3A_651 = arith.select %le3A_649, %select_n3A_526, %select_n3A_533 : vector<512x128xi1>, vector<512x128xf32>
    %le3A_652 = arith.cmpf ole, %select_n3A_535, %select_n3A_542 : vector<512x128xf32>
    %select_n3A_653 = arith.select %le3A_652, %select_n3A_535, %select_n3A_542 : vector<512x128xi1>, vector<512x128xf32>
    %select_n3A_654 = arith.select %le3A_652, %select_n3A_540, %select_n3A_547 : vector<512x128xi1>, vector<512x128xf32>
    %le3A_655 = arith.cmpf ole, %select_n3A_549, %select_n3A_556 : vector<512x128xf32>
    %select_n3A_656 = arith.select %le3A_655, %select_n3A_549, %select_n3A_556 : vector<512x128xi1>, vector<512x128xf32>
    %select_n3A_657 = arith.select %le3A_655, %select_n3A_554, %select_n3A_561 : vector<512x128xi1>, vector<512x128xf32>
    %le3A_658 = arith.cmpf ole, %select_n3A_563, %select_n3A_570 : vector<512x128xf32>
    %select_n3A_659 = arith.select %le3A_658, %select_n3A_563, %select_n3A_570 : vector<512x128xi1>, vector<512x128xf32>
    %select_n3A_660 = arith.select %le3A_658, %select_n3A_568, %select_n3A_575 : vector<512x128xi1>, vector<512x128xf32>
    %le3A_661 = arith.cmpf ole, %select_n3A_577, %select_n3A_584 : vector<512x128xf32>
    %select_n3A_662 = arith.select %le3A_661, %select_n3A_577, %select_n3A_584 : vector<512x128xi1>, vector<512x128xf32>
    %select_n3A_663 = arith.select %le3A_661, %select_n3A_582, %select_n3A_589 : vector<512x128xi1>, vector<512x128xf32>
    %le3A_664 = arith.cmpf ole, %select_n3A_591, %select_n3A_598 : vector<512x128xf32>
    %select_n3A_665 = arith.select %le3A_664, %select_n3A_591, %select_n3A_598 : vector<512x128xi1>, vector<512x128xf32>
    %select_n3A_666 = arith.select %le3A_664, %select_n3A_596, %select_n3A_603 : vector<512x128xi1>, vector<512x128xf32>
    %le3A_667 = arith.cmpf ole, %select_n3A_605, %select_n3A_612 : vector<512x128xf32>
    %select_n3A_668 = arith.select %le3A_667, %select_n3A_605, %select_n3A_612 : vector<512x128xi1>, vector<512x128xf32>
    %select_n3A_669 = arith.select %le3A_667, %select_n3A_610, %select_n3A_617 : vector<512x128xi1>, vector<512x128xf32>
    %le3A_670 = arith.cmpf ole, %select_n3A_619, %select_n3A_626 : vector<512x128xf32>
    %select_n3A_671 = arith.select %le3A_670, %select_n3A_619, %select_n3A_626 : vector<512x128xi1>, vector<512x128xf32>
    %select_n3A_672 = arith.select %le3A_670, %select_n3A_624, %select_n3A_631 : vector<512x128xi1>, vector<512x128xf32>
    %le3A_673 = arith.cmpf ole, %select_n3A_633, %select_n3A_640 : vector<512x128xf32>
    %select_n3A_674 = arith.select %le3A_673, %select_n3A_633, %select_n3A_640 : vector<512x128xi1>, vector<512x128xf32>
    %select_n3A_675 = arith.select %le3A_673, %select_n3A_638, %select_n3A_645 : vector<512x128xi1>, vector<512x128xf32>
    %le3A_676 = arith.cmpf ole, %select_n3A_647, %select_n3A_650 : vector<512x128xf32>
    %select_n3A_677 = arith.select %le3A_676, %select_n3A_647, %select_n3A_650 : vector<512x128xi1>, vector<512x128xf32>
    %select_n3A_678 = arith.select %le3A_676, %select_n3A_648, %select_n3A_651 : vector<512x128xi1>, vector<512x128xf32>
    %le3A_679 = arith.cmpf ole, %select_n3A_653, %select_n3A_656 : vector<512x128xf32>
    %select_n3A_680 = arith.select %le3A_679, %select_n3A_653, %select_n3A_656 : vector<512x128xi1>, vector<512x128xf32>
    %select_n3A_681 = arith.select %le3A_679, %select_n3A_654, %select_n3A_657 : vector<512x128xi1>, vector<512x128xf32>
    %le3A_682 = arith.cmpf ole, %select_n3A_659, %select_n3A_662 : vector<512x128xf32>
    %select_n3A_683 = arith.select %le3A_682, %select_n3A_659, %select_n3A_662 : vector<512x128xi1>, vector<512x128xf32>
    %select_n3A_684 = arith.select %le3A_682, %select_n3A_660, %select_n3A_663 : vector<512x128xi1>, vector<512x128xf32>
    %le3A_685 = arith.cmpf ole, %select_n3A_665, %select_n3A_668 : vector<512x128xf32>
    %select_n3A_686 = arith.select %le3A_685, %select_n3A_665, %select_n3A_668 : vector<512x128xi1>, vector<512x128xf32>
    %select_n3A_687 = arith.select %le3A_685, %select_n3A_666, %select_n3A_669 : vector<512x128xi1>, vector<512x128xf32>
    %le3A_688 = arith.cmpf ole, %select_n3A_671, %select_n3A_674 : vector<512x128xf32>
    %select_n3A_689 = arith.select %le3A_688, %select_n3A_671, %select_n3A_674 : vector<512x128xi1>, vector<512x128xf32>
    %select_n3A_690 = arith.select %le3A_688, %select_n3A_672, %select_n3A_675 : vector<512x128xi1>, vector<512x128xf32>
    %le3A_691 = arith.cmpf ole, %select_n3A_677, %select_n3A_680 : vector<512x128xf32>
    %select_n3A_692 = arith.select %le3A_691, %select_n3A_677, %select_n3A_680 : vector<512x128xi1>, vector<512x128xf32>
    %select_n3A_693 = arith.select %le3A_691, %select_n3A_678, %select_n3A_681 : vector<512x128xi1>, vector<512x128xf32>
    %le3A_694 = arith.cmpf ole, %select_n3A_683, %select_n3A_686 : vector<512x128xf32>
    %select_n3A_695 = arith.select %le3A_694, %select_n3A_683, %select_n3A_686 : vector<512x128xi1>, vector<512x128xf32>
    %select_n3A_696 = arith.select %le3A_694, %select_n3A_684, %select_n3A_687 : vector<512x128xi1>, vector<512x128xf32>
    %le3A_697 = arith.cmpf ole, %select_n3A_689, %select_n3A_505 : vector<512x128xf32>
    %select_n3A_698 = arith.select %le3A_697, %select_n3A_689, %select_n3A_505 : vector<512x128xi1>, vector<512x128xf32>
    %jit3A_699 = arith.constant 4.000000e+01 : f32
    %broadcast_in_dim3A_700 = vector.broadcast %jit3A_699 : f32 to vector<512x128xf32>
    %select_n3A_701 = arith.select %le3A_697, %select_n3A_690, %broadcast_in_dim3A_700 : vector<512x128xi1>, vector<512x128xf32>
    %le3A_702 = arith.cmpf ole, %select_n3A_692, %select_n3A_695 : vector<512x128xf32>
    %select_n3A_703 = arith.select %le3A_702, %select_n3A_692, %select_n3A_695 : vector<512x128xi1>, vector<512x128xf32>
    %select_n3A_704 = arith.select %le3A_702, %select_n3A_693, %select_n3A_696 : vector<512x128xi1>, vector<512x128xf32>
    %le3A_705 = arith.cmpf ole, %select_n3A_703, %select_n3A_698 : vector<512x128xf32>
    %select_n3A_706 = arith.select %le3A_705, %select_n3A_703, %select_n3A_698 : vector<512x128xi1>, vector<512x128xf32>
    %select_n3A_707 = arith.select %le3A_705, %select_n3A_704, %select_n3A_701 : vector<512x128xi1>, vector<512x128xf32>
    %mul3A_708 = arith.constant 1.280000e+02 : f32
    %mul3A_709 = vector.broadcast %mul3A_708 : f32 to vector<512x128xf32>
    %mul3A_710 = arith.mulf %select_n3A_707, %mul3A_709 : vector<512x128xf32>
    %add3A_711 = vector.broadcast %convert_element_type3A : vector<1x128xf32> to vector<512x128xf32>
    %add3A_712 = arith.addf %mul3A_710, %add3A_711 : vector<512x128xf32>
    %eq3A_713 = arith.constant 0.000000e+00 : f32
    %eq3A_714 = vector.broadcast %eq3A_713 : f32 to vector<512x128xf32>
    %eq3A_715 = arith.cmpf oeq, %select_n3A_707, %eq3A_714 : vector<512x128xf32>
    %jit3A_716 = arith.constant 0x7F800000 : f32
    %broadcast_in_dim3A_717 = vector.broadcast %jit3A_716 : f32 to vector<512x128xf32>
    %select_n3A_718 = arith.select %eq3A_715, %broadcast_in_dim3A_717, %select_n3A_265 : vector<512x128xi1>, vector<512x128xf32>
    %eq3A_719 = arith.constant 1.000000e+00 : f32
    %eq3A_720 = vector.broadcast %eq3A_719 : f32 to vector<512x128xf32>
    %eq3A_721 = arith.cmpf oeq, %select_n3A_707, %eq3A_720 : vector<512x128xf32>
    %jit3A_722 = arith.constant 0x7F800000 : f32
    %broadcast_in_dim3A_723 = vector.broadcast %jit3A_722 : f32 to vector<512x128xf32>
    %select_n3A_724 = arith.select %eq3A_721, %broadcast_in_dim3A_723, %select_n3A_271 : vector<512x128xi1>, vector<512x128xf32>
    %eq3A_725 = arith.constant 2.000000e+00 : f32
    %eq3A_726 = vector.broadcast %eq3A_725 : f32 to vector<512x128xf32>
    %eq3A_727 = arith.cmpf oeq, %select_n3A_707, %eq3A_726 : vector<512x128xf32>
    %jit3A_728 = arith.constant 0x7F800000 : f32
    %broadcast_in_dim3A_729 = vector.broadcast %jit3A_728 : f32 to vector<512x128xf32>
    %select_n3A_730 = arith.select %eq3A_727, %broadcast_in_dim3A_729, %select_n3A_277 : vector<512x128xi1>, vector<512x128xf32>
    %eq3A_731 = arith.constant 3.000000e+00 : f32
    %eq3A_732 = vector.broadcast %eq3A_731 : f32 to vector<512x128xf32>
    %eq3A_733 = arith.cmpf oeq, %select_n3A_707, %eq3A_732 : vector<512x128xf32>
    %jit3A_734 = arith.constant 0x7F800000 : f32
    %broadcast_in_dim3A_735 = vector.broadcast %jit3A_734 : f32 to vector<512x128xf32>
    %select_n3A_736 = arith.select %eq3A_733, %broadcast_in_dim3A_735, %select_n3A_283 : vector<512x128xi1>, vector<512x128xf32>
    %eq3A_737 = arith.constant 4.000000e+00 : f32
    %eq3A_738 = vector.broadcast %eq3A_737 : f32 to vector<512x128xf32>
    %eq3A_739 = arith.cmpf oeq, %select_n3A_707, %eq3A_738 : vector<512x128xf32>
    %jit3A_740 = arith.constant 0x7F800000 : f32
    %broadcast_in_dim3A_741 = vector.broadcast %jit3A_740 : f32 to vector<512x128xf32>
    %select_n3A_742 = arith.select %eq3A_739, %broadcast_in_dim3A_741, %select_n3A_289 : vector<512x128xi1>, vector<512x128xf32>
    %eq3A_743 = arith.constant 5.000000e+00 : f32
    %eq3A_744 = vector.broadcast %eq3A_743 : f32 to vector<512x128xf32>
    %eq3A_745 = arith.cmpf oeq, %select_n3A_707, %eq3A_744 : vector<512x128xf32>
    %jit3A_746 = arith.constant 0x7F800000 : f32
    %broadcast_in_dim3A_747 = vector.broadcast %jit3A_746 : f32 to vector<512x128xf32>
    %select_n3A_748 = arith.select %eq3A_745, %broadcast_in_dim3A_747, %select_n3A_295 : vector<512x128xi1>, vector<512x128xf32>
    %eq3A_749 = arith.constant 6.000000e+00 : f32
    %eq3A_750 = vector.broadcast %eq3A_749 : f32 to vector<512x128xf32>
    %eq3A_751 = arith.cmpf oeq, %select_n3A_707, %eq3A_750 : vector<512x128xf32>
    %jit3A_752 = arith.constant 0x7F800000 : f32
    %broadcast_in_dim3A_753 = vector.broadcast %jit3A_752 : f32 to vector<512x128xf32>
    %select_n3A_754 = arith.select %eq3A_751, %broadcast_in_dim3A_753, %select_n3A_301 : vector<512x128xi1>, vector<512x128xf32>
    %eq3A_755 = arith.constant 7.000000e+00 : f32
    %eq3A_756 = vector.broadcast %eq3A_755 : f32 to vector<512x128xf32>
    %eq3A_757 = arith.cmpf oeq, %select_n3A_707, %eq3A_756 : vector<512x128xf32>
    %jit3A_758 = arith.constant 0x7F800000 : f32
    %broadcast_in_dim3A_759 = vector.broadcast %jit3A_758 : f32 to vector<512x128xf32>
    %select_n3A_760 = arith.select %eq3A_757, %broadcast_in_dim3A_759, %select_n3A_307 : vector<512x128xi1>, vector<512x128xf32>
    %eq3A_761 = arith.constant 8.000000e+00 : f32
    %eq3A_762 = vector.broadcast %eq3A_761 : f32 to vector<512x128xf32>
    %eq3A_763 = arith.cmpf oeq, %select_n3A_707, %eq3A_762 : vector<512x128xf32>
    %jit3A_764 = arith.constant 0x7F800000 : f32
    %broadcast_in_dim3A_765 = vector.broadcast %jit3A_764 : f32 to vector<512x128xf32>
    %select_n3A_766 = arith.select %eq3A_763, %broadcast_in_dim3A_765, %select_n3A_313 : vector<512x128xi1>, vector<512x128xf32>
    %eq3A_767 = arith.constant 9.000000e+00 : f32
    %eq3A_768 = vector.broadcast %eq3A_767 : f32 to vector<512x128xf32>
    %eq3A_769 = arith.cmpf oeq, %select_n3A_707, %eq3A_768 : vector<512x128xf32>
    %jit3A_770 = arith.constant 0x7F800000 : f32
    %broadcast_in_dim3A_771 = vector.broadcast %jit3A_770 : f32 to vector<512x128xf32>
    %select_n3A_772 = arith.select %eq3A_769, %broadcast_in_dim3A_771, %select_n3A_319 : vector<512x128xi1>, vector<512x128xf32>
    %eq3A_773 = arith.constant 1.000000e+01 : f32
    %eq3A_774 = vector.broadcast %eq3A_773 : f32 to vector<512x128xf32>
    %eq3A_775 = arith.cmpf oeq, %select_n3A_707, %eq3A_774 : vector<512x128xf32>
    %jit3A_776 = arith.constant 0x7F800000 : f32
    %broadcast_in_dim3A_777 = vector.broadcast %jit3A_776 : f32 to vector<512x128xf32>
    %select_n3A_778 = arith.select %eq3A_775, %broadcast_in_dim3A_777, %select_n3A_325 : vector<512x128xi1>, vector<512x128xf32>
    %eq3A_779 = arith.constant 1.100000e+01 : f32
    %eq3A_780 = vector.broadcast %eq3A_779 : f32 to vector<512x128xf32>
    %eq3A_781 = arith.cmpf oeq, %select_n3A_707, %eq3A_780 : vector<512x128xf32>
    %jit3A_782 = arith.constant 0x7F800000 : f32
    %broadcast_in_dim3A_783 = vector.broadcast %jit3A_782 : f32 to vector<512x128xf32>
    %select_n3A_784 = arith.select %eq3A_781, %broadcast_in_dim3A_783, %select_n3A_331 : vector<512x128xi1>, vector<512x128xf32>
    %eq3A_785 = arith.constant 1.200000e+01 : f32
    %eq3A_786 = vector.broadcast %eq3A_785 : f32 to vector<512x128xf32>
    %eq3A_787 = arith.cmpf oeq, %select_n3A_707, %eq3A_786 : vector<512x128xf32>
    %jit3A_788 = arith.constant 0x7F800000 : f32
    %broadcast_in_dim3A_789 = vector.broadcast %jit3A_788 : f32 to vector<512x128xf32>
    %select_n3A_790 = arith.select %eq3A_787, %broadcast_in_dim3A_789, %select_n3A_337 : vector<512x128xi1>, vector<512x128xf32>
    %eq3A_791 = arith.constant 1.300000e+01 : f32
    %eq3A_792 = vector.broadcast %eq3A_791 : f32 to vector<512x128xf32>
    %eq3A_793 = arith.cmpf oeq, %select_n3A_707, %eq3A_792 : vector<512x128xf32>
    %jit3A_794 = arith.constant 0x7F800000 : f32
    %broadcast_in_dim3A_795 = vector.broadcast %jit3A_794 : f32 to vector<512x128xf32>
    %select_n3A_796 = arith.select %eq3A_793, %broadcast_in_dim3A_795, %select_n3A_343 : vector<512x128xi1>, vector<512x128xf32>
    %eq3A_797 = arith.constant 1.400000e+01 : f32
    %eq3A_798 = vector.broadcast %eq3A_797 : f32 to vector<512x128xf32>
    %eq3A_799 = arith.cmpf oeq, %select_n3A_707, %eq3A_798 : vector<512x128xf32>
    %jit3A_800 = arith.constant 0x7F800000 : f32
    %broadcast_in_dim3A_801 = vector.broadcast %jit3A_800 : f32 to vector<512x128xf32>
    %select_n3A_802 = arith.select %eq3A_799, %broadcast_in_dim3A_801, %select_n3A_349 : vector<512x128xi1>, vector<512x128xf32>
    %eq3A_803 = arith.constant 1.500000e+01 : f32
    %eq3A_804 = vector.broadcast %eq3A_803 : f32 to vector<512x128xf32>
    %eq3A_805 = arith.cmpf oeq, %select_n3A_707, %eq3A_804 : vector<512x128xf32>
    %jit3A_806 = arith.constant 0x7F800000 : f32
    %broadcast_in_dim3A_807 = vector.broadcast %jit3A_806 : f32 to vector<512x128xf32>
    %select_n3A_808 = arith.select %eq3A_805, %broadcast_in_dim3A_807, %select_n3A_355 : vector<512x128xi1>, vector<512x128xf32>
    %eq3A_809 = arith.constant 1.600000e+01 : f32
    %eq3A_810 = vector.broadcast %eq3A_809 : f32 to vector<512x128xf32>
    %eq3A_811 = arith.cmpf oeq, %select_n3A_707, %eq3A_810 : vector<512x128xf32>
    %jit3A_812 = arith.constant 0x7F800000 : f32
    %broadcast_in_dim3A_813 = vector.broadcast %jit3A_812 : f32 to vector<512x128xf32>
    %select_n3A_814 = arith.select %eq3A_811, %broadcast_in_dim3A_813, %select_n3A_361 : vector<512x128xi1>, vector<512x128xf32>
    %eq3A_815 = arith.constant 1.700000e+01 : f32
    %eq3A_816 = vector.broadcast %eq3A_815 : f32 to vector<512x128xf32>
    %eq3A_817 = arith.cmpf oeq, %select_n3A_707, %eq3A_816 : vector<512x128xf32>
    %jit3A_818 = arith.constant 0x7F800000 : f32
    %broadcast_in_dim3A_819 = vector.broadcast %jit3A_818 : f32 to vector<512x128xf32>
    %select_n3A_820 = arith.select %eq3A_817, %broadcast_in_dim3A_819, %select_n3A_367 : vector<512x128xi1>, vector<512x128xf32>
    %eq3A_821 = arith.constant 1.800000e+01 : f32
    %eq3A_822 = vector.broadcast %eq3A_821 : f32 to vector<512x128xf32>
    %eq3A_823 = arith.cmpf oeq, %select_n3A_707, %eq3A_822 : vector<512x128xf32>
    %jit3A_824 = arith.constant 0x7F800000 : f32
    %broadcast_in_dim3A_825 = vector.broadcast %jit3A_824 : f32 to vector<512x128xf32>
    %select_n3A_826 = arith.select %eq3A_823, %broadcast_in_dim3A_825, %select_n3A_373 : vector<512x128xi1>, vector<512x128xf32>
    %eq3A_827 = arith.constant 1.900000e+01 : f32
    %eq3A_828 = vector.broadcast %eq3A_827 : f32 to vector<512x128xf32>
    %eq3A_829 = arith.cmpf oeq, %select_n3A_707, %eq3A_828 : vector<512x128xf32>
    %jit3A_830 = arith.constant 0x7F800000 : f32
    %broadcast_in_dim3A_831 = vector.broadcast %jit3A_830 : f32 to vector<512x128xf32>
    %select_n3A_832 = arith.select %eq3A_829, %broadcast_in_dim3A_831, %select_n3A_379 : vector<512x128xi1>, vector<512x128xf32>
    %eq3A_833 = arith.constant 2.000000e+01 : f32
    %eq3A_834 = vector.broadcast %eq3A_833 : f32 to vector<512x128xf32>
    %eq3A_835 = arith.cmpf oeq, %select_n3A_707, %eq3A_834 : vector<512x128xf32>
    %jit3A_836 = arith.constant 0x7F800000 : f32
    %broadcast_in_dim3A_837 = vector.broadcast %jit3A_836 : f32 to vector<512x128xf32>
    %select_n3A_838 = arith.select %eq3A_835, %broadcast_in_dim3A_837, %select_n3A_385 : vector<512x128xi1>, vector<512x128xf32>
    %eq3A_839 = arith.constant 2.100000e+01 : f32
    %eq3A_840 = vector.broadcast %eq3A_839 : f32 to vector<512x128xf32>
    %eq3A_841 = arith.cmpf oeq, %select_n3A_707, %eq3A_840 : vector<512x128xf32>
    %jit3A_842 = arith.constant 0x7F800000 : f32
    %broadcast_in_dim3A_843 = vector.broadcast %jit3A_842 : f32 to vector<512x128xf32>
    %select_n3A_844 = arith.select %eq3A_841, %broadcast_in_dim3A_843, %select_n3A_391 : vector<512x128xi1>, vector<512x128xf32>
    %eq3A_845 = arith.constant 2.200000e+01 : f32
    %eq3A_846 = vector.broadcast %eq3A_845 : f32 to vector<512x128xf32>
    %eq3A_847 = arith.cmpf oeq, %select_n3A_707, %eq3A_846 : vector<512x128xf32>
    %jit3A_848 = arith.constant 0x7F800000 : f32
    %broadcast_in_dim3A_849 = vector.broadcast %jit3A_848 : f32 to vector<512x128xf32>
    %select_n3A_850 = arith.select %eq3A_847, %broadcast_in_dim3A_849, %select_n3A_397 : vector<512x128xi1>, vector<512x128xf32>
    %eq3A_851 = arith.constant 2.300000e+01 : f32
    %eq3A_852 = vector.broadcast %eq3A_851 : f32 to vector<512x128xf32>
    %eq3A_853 = arith.cmpf oeq, %select_n3A_707, %eq3A_852 : vector<512x128xf32>
    %jit3A_854 = arith.constant 0x7F800000 : f32
    %broadcast_in_dim3A_855 = vector.broadcast %jit3A_854 : f32 to vector<512x128xf32>
    %select_n3A_856 = arith.select %eq3A_853, %broadcast_in_dim3A_855, %select_n3A_403 : vector<512x128xi1>, vector<512x128xf32>
    %eq3A_857 = arith.constant 2.400000e+01 : f32
    %eq3A_858 = vector.broadcast %eq3A_857 : f32 to vector<512x128xf32>
    %eq3A_859 = arith.cmpf oeq, %select_n3A_707, %eq3A_858 : vector<512x128xf32>
    %jit3A_860 = arith.constant 0x7F800000 : f32
    %broadcast_in_dim3A_861 = vector.broadcast %jit3A_860 : f32 to vector<512x128xf32>
    %select_n3A_862 = arith.select %eq3A_859, %broadcast_in_dim3A_861, %select_n3A_409 : vector<512x128xi1>, vector<512x128xf32>
    %eq3A_863 = arith.constant 2.500000e+01 : f32
    %eq3A_864 = vector.broadcast %eq3A_863 : f32 to vector<512x128xf32>
    %eq3A_865 = arith.cmpf oeq, %select_n3A_707, %eq3A_864 : vector<512x128xf32>
    %jit3A_866 = arith.constant 0x7F800000 : f32
    %broadcast_in_dim3A_867 = vector.broadcast %jit3A_866 : f32 to vector<512x128xf32>
    %select_n3A_868 = arith.select %eq3A_865, %broadcast_in_dim3A_867, %select_n3A_415 : vector<512x128xi1>, vector<512x128xf32>
    %eq3A_869 = arith.constant 2.600000e+01 : f32
    %eq3A_870 = vector.broadcast %eq3A_869 : f32 to vector<512x128xf32>
    %eq3A_871 = arith.cmpf oeq, %select_n3A_707, %eq3A_870 : vector<512x128xf32>
    %jit3A_872 = arith.constant 0x7F800000 : f32
    %broadcast_in_dim3A_873 = vector.broadcast %jit3A_872 : f32 to vector<512x128xf32>
    %select_n3A_874 = arith.select %eq3A_871, %broadcast_in_dim3A_873, %select_n3A_421 : vector<512x128xi1>, vector<512x128xf32>
    %eq3A_875 = arith.constant 2.700000e+01 : f32
    %eq3A_876 = vector.broadcast %eq3A_875 : f32 to vector<512x128xf32>
    %eq3A_877 = arith.cmpf oeq, %select_n3A_707, %eq3A_876 : vector<512x128xf32>
    %jit3A_878 = arith.constant 0x7F800000 : f32
    %broadcast_in_dim3A_879 = vector.broadcast %jit3A_878 : f32 to vector<512x128xf32>
    %select_n3A_880 = arith.select %eq3A_877, %broadcast_in_dim3A_879, %select_n3A_427 : vector<512x128xi1>, vector<512x128xf32>
    %eq3A_881 = arith.constant 2.800000e+01 : f32
    %eq3A_882 = vector.broadcast %eq3A_881 : f32 to vector<512x128xf32>
    %eq3A_883 = arith.cmpf oeq, %select_n3A_707, %eq3A_882 : vector<512x128xf32>
    %jit3A_884 = arith.constant 0x7F800000 : f32
    %broadcast_in_dim3A_885 = vector.broadcast %jit3A_884 : f32 to vector<512x128xf32>
    %select_n3A_886 = arith.select %eq3A_883, %broadcast_in_dim3A_885, %select_n3A_433 : vector<512x128xi1>, vector<512x128xf32>
    %eq3A_887 = arith.constant 2.900000e+01 : f32
    %eq3A_888 = vector.broadcast %eq3A_887 : f32 to vector<512x128xf32>
    %eq3A_889 = arith.cmpf oeq, %select_n3A_707, %eq3A_888 : vector<512x128xf32>
    %jit3A_890 = arith.constant 0x7F800000 : f32
    %broadcast_in_dim3A_891 = vector.broadcast %jit3A_890 : f32 to vector<512x128xf32>
    %select_n3A_892 = arith.select %eq3A_889, %broadcast_in_dim3A_891, %select_n3A_439 : vector<512x128xi1>, vector<512x128xf32>
    %eq3A_893 = arith.constant 3.000000e+01 : f32
    %eq3A_894 = vector.broadcast %eq3A_893 : f32 to vector<512x128xf32>
    %eq3A_895 = arith.cmpf oeq, %select_n3A_707, %eq3A_894 : vector<512x128xf32>
    %jit3A_896 = arith.constant 0x7F800000 : f32
    %broadcast_in_dim3A_897 = vector.broadcast %jit3A_896 : f32 to vector<512x128xf32>
    %select_n3A_898 = arith.select %eq3A_895, %broadcast_in_dim3A_897, %select_n3A_445 : vector<512x128xi1>, vector<512x128xf32>
    %eq3A_899 = arith.constant 3.100000e+01 : f32
    %eq3A_900 = vector.broadcast %eq3A_899 : f32 to vector<512x128xf32>
    %eq3A_901 = arith.cmpf oeq, %select_n3A_707, %eq3A_900 : vector<512x128xf32>
    %jit3A_902 = arith.constant 0x7F800000 : f32
    %broadcast_in_dim3A_903 = vector.broadcast %jit3A_902 : f32 to vector<512x128xf32>
    %select_n3A_904 = arith.select %eq3A_901, %broadcast_in_dim3A_903, %select_n3A_451 : vector<512x128xi1>, vector<512x128xf32>
    %eq3A_905 = arith.constant 3.200000e+01 : f32
    %eq3A_906 = vector.broadcast %eq3A_905 : f32 to vector<512x128xf32>
    %eq3A_907 = arith.cmpf oeq, %select_n3A_707, %eq3A_906 : vector<512x128xf32>
    %jit3A_908 = arith.constant 0x7F800000 : f32
    %broadcast_in_dim3A_909 = vector.broadcast %jit3A_908 : f32 to vector<512x128xf32>
    %select_n3A_910 = arith.select %eq3A_907, %broadcast_in_dim3A_909, %select_n3A_457 : vector<512x128xi1>, vector<512x128xf32>
    %eq3A_911 = arith.constant 3.300000e+01 : f32
    %eq3A_912 = vector.broadcast %eq3A_911 : f32 to vector<512x128xf32>
    %eq3A_913 = arith.cmpf oeq, %select_n3A_707, %eq3A_912 : vector<512x128xf32>
    %jit3A_914 = arith.constant 0x7F800000 : f32
    %broadcast_in_dim3A_915 = vector.broadcast %jit3A_914 : f32 to vector<512x128xf32>
    %select_n3A_916 = arith.select %eq3A_913, %broadcast_in_dim3A_915, %select_n3A_463 : vector<512x128xi1>, vector<512x128xf32>
    %eq3A_917 = arith.constant 3.400000e+01 : f32
    %eq3A_918 = vector.broadcast %eq3A_917 : f32 to vector<512x128xf32>
    %eq3A_919 = arith.cmpf oeq, %select_n3A_707, %eq3A_918 : vector<512x128xf32>
    %jit3A_920 = arith.constant 0x7F800000 : f32
    %broadcast_in_dim3A_921 = vector.broadcast %jit3A_920 : f32 to vector<512x128xf32>
    %select_n3A_922 = arith.select %eq3A_919, %broadcast_in_dim3A_921, %select_n3A_469 : vector<512x128xi1>, vector<512x128xf32>
    %eq3A_923 = arith.constant 3.500000e+01 : f32
    %eq3A_924 = vector.broadcast %eq3A_923 : f32 to vector<512x128xf32>
    %eq3A_925 = arith.cmpf oeq, %select_n3A_707, %eq3A_924 : vector<512x128xf32>
    %jit3A_926 = arith.constant 0x7F800000 : f32
    %broadcast_in_dim3A_927 = vector.broadcast %jit3A_926 : f32 to vector<512x128xf32>
    %select_n3A_928 = arith.select %eq3A_925, %broadcast_in_dim3A_927, %select_n3A_475 : vector<512x128xi1>, vector<512x128xf32>
    %eq3A_929 = arith.constant 3.600000e+01 : f32
    %eq3A_930 = vector.broadcast %eq3A_929 : f32 to vector<512x128xf32>
    %eq3A_931 = arith.cmpf oeq, %select_n3A_707, %eq3A_930 : vector<512x128xf32>
    %jit3A_932 = arith.constant 0x7F800000 : f32
    %broadcast_in_dim3A_933 = vector.broadcast %jit3A_932 : f32 to vector<512x128xf32>
    %select_n3A_934 = arith.select %eq3A_931, %broadcast_in_dim3A_933, %select_n3A_481 : vector<512x128xi1>, vector<512x128xf32>
    %eq3A_935 = arith.constant 3.700000e+01 : f32
    %eq3A_936 = vector.broadcast %eq3A_935 : f32 to vector<512x128xf32>
    %eq3A_937 = arith.cmpf oeq, %select_n3A_707, %eq3A_936 : vector<512x128xf32>
    %jit3A_938 = arith.constant 0x7F800000 : f32
    %broadcast_in_dim3A_939 = vector.broadcast %jit3A_938 : f32 to vector<512x128xf32>
    %select_n3A_940 = arith.select %eq3A_937, %broadcast_in_dim3A_939, %select_n3A_487 : vector<512x128xi1>, vector<512x128xf32>
    %eq3A_941 = arith.constant 3.800000e+01 : f32
    %eq3A_942 = vector.broadcast %eq3A_941 : f32 to vector<512x128xf32>
    %eq3A_943 = arith.cmpf oeq, %select_n3A_707, %eq3A_942 : vector<512x128xf32>
    %jit3A_944 = arith.constant 0x7F800000 : f32
    %broadcast_in_dim3A_945 = vector.broadcast %jit3A_944 : f32 to vector<512x128xf32>
    %select_n3A_946 = arith.select %eq3A_943, %broadcast_in_dim3A_945, %select_n3A_493 : vector<512x128xi1>, vector<512x128xf32>
    %eq3A_947 = arith.constant 3.900000e+01 : f32
    %eq3A_948 = vector.broadcast %eq3A_947 : f32 to vector<512x128xf32>
    %eq3A_949 = arith.cmpf oeq, %select_n3A_707, %eq3A_948 : vector<512x128xf32>
    %jit3A_950 = arith.constant 0x7F800000 : f32
    %broadcast_in_dim3A_951 = vector.broadcast %jit3A_950 : f32 to vector<512x128xf32>
    %select_n3A_952 = arith.select %eq3A_949, %broadcast_in_dim3A_951, %select_n3A_499 : vector<512x128xi1>, vector<512x128xf32>
    %eq3A_953 = arith.constant 4.000000e+01 : f32
    %eq3A_954 = vector.broadcast %eq3A_953 : f32 to vector<512x128xf32>
    %eq3A_955 = arith.cmpf oeq, %select_n3A_707, %eq3A_954 : vector<512x128xf32>
    %jit3A_956 = arith.constant 0x7F800000 : f32
    %broadcast_in_dim3A_957 = vector.broadcast %jit3A_956 : f32 to vector<512x128xf32>
    %select_n3A_958 = arith.select %eq3A_955, %broadcast_in_dim3A_957, %select_n3A_505 : vector<512x128xi1>, vector<512x128xf32>
    %le3A_959 = arith.cmpf ole, %select_n3A_718, %select_n3A_724 : vector<512x128xf32>
    %select_n3A_960 = arith.select %le3A_959, %select_n3A_718, %select_n3A_724 : vector<512x128xi1>, vector<512x128xf32>
    %jit3A_961 = arith.constant 0.000000e+00 : f32
    %jit3A_962 = arith.constant 1.000000e+00 : f32
    %broadcast_in_dim3A_963 = vector.broadcast %jit3A_961 : f32 to vector<512x128xf32>
    %broadcast_in_dim3A_964 = vector.broadcast %jit3A_962 : f32 to vector<512x128xf32>
    %select_n3A_965 = arith.select %le3A_959, %broadcast_in_dim3A_963, %broadcast_in_dim3A_964 : vector<512x128xi1>, vector<512x128xf32>
    %le3A_966 = arith.cmpf ole, %select_n3A_730, %select_n3A_736 : vector<512x128xf32>
    %select_n3A_967 = arith.select %le3A_966, %select_n3A_730, %select_n3A_736 : vector<512x128xi1>, vector<512x128xf32>
    %jit3A_968 = arith.constant 2.000000e+00 : f32
    %jit3A_969 = arith.constant 3.000000e+00 : f32
    %broadcast_in_dim3A_970 = vector.broadcast %jit3A_968 : f32 to vector<512x128xf32>
    %broadcast_in_dim3A_971 = vector.broadcast %jit3A_969 : f32 to vector<512x128xf32>
    %select_n3A_972 = arith.select %le3A_966, %broadcast_in_dim3A_970, %broadcast_in_dim3A_971 : vector<512x128xi1>, vector<512x128xf32>
    %le3A_973 = arith.cmpf ole, %select_n3A_742, %select_n3A_748 : vector<512x128xf32>
    %select_n3A_974 = arith.select %le3A_973, %select_n3A_742, %select_n3A_748 : vector<512x128xi1>, vector<512x128xf32>
    %jit3A_975 = arith.constant 4.000000e+00 : f32
    %jit3A_976 = arith.constant 5.000000e+00 : f32
    %broadcast_in_dim3A_977 = vector.broadcast %jit3A_975 : f32 to vector<512x128xf32>
    %broadcast_in_dim3A_978 = vector.broadcast %jit3A_976 : f32 to vector<512x128xf32>
    %select_n3A_979 = arith.select %le3A_973, %broadcast_in_dim3A_977, %broadcast_in_dim3A_978 : vector<512x128xi1>, vector<512x128xf32>
    %le3A_980 = arith.cmpf ole, %select_n3A_754, %select_n3A_760 : vector<512x128xf32>
    %select_n3A_981 = arith.select %le3A_980, %select_n3A_754, %select_n3A_760 : vector<512x128xi1>, vector<512x128xf32>
    %jit3A_982 = arith.constant 6.000000e+00 : f32
    %jit3A_983 = arith.constant 7.000000e+00 : f32
    %broadcast_in_dim3A_984 = vector.broadcast %jit3A_982 : f32 to vector<512x128xf32>
    %broadcast_in_dim3A_985 = vector.broadcast %jit3A_983 : f32 to vector<512x128xf32>
    %select_n3A_986 = arith.select %le3A_980, %broadcast_in_dim3A_984, %broadcast_in_dim3A_985 : vector<512x128xi1>, vector<512x128xf32>
    %le3A_987 = arith.cmpf ole, %select_n3A_766, %select_n3A_772 : vector<512x128xf32>
    %select_n3A_988 = arith.select %le3A_987, %select_n3A_766, %select_n3A_772 : vector<512x128xi1>, vector<512x128xf32>
    %jit3A_989 = arith.constant 8.000000e+00 : f32
    %jit3A_990 = arith.constant 9.000000e+00 : f32
    %broadcast_in_dim3A_991 = vector.broadcast %jit3A_989 : f32 to vector<512x128xf32>
    %broadcast_in_dim3A_992 = vector.broadcast %jit3A_990 : f32 to vector<512x128xf32>
    %select_n3A_993 = arith.select %le3A_987, %broadcast_in_dim3A_991, %broadcast_in_dim3A_992 : vector<512x128xi1>, vector<512x128xf32>
    %le3A_994 = arith.cmpf ole, %select_n3A_778, %select_n3A_784 : vector<512x128xf32>
    %select_n3A_995 = arith.select %le3A_994, %select_n3A_778, %select_n3A_784 : vector<512x128xi1>, vector<512x128xf32>
    %jit3A_996 = arith.constant 1.000000e+01 : f32
    %jit3A_997 = arith.constant 1.100000e+01 : f32
    %broadcast_in_dim3A_998 = vector.broadcast %jit3A_996 : f32 to vector<512x128xf32>
    %broadcast_in_dim3A_999 = vector.broadcast %jit3A_997 : f32 to vector<512x128xf32>
    %select_n3A_1000 = arith.select %le3A_994, %broadcast_in_dim3A_998, %broadcast_in_dim3A_999 : vector<512x128xi1>, vector<512x128xf32>
    %le3A_1001 = arith.cmpf ole, %select_n3A_790, %select_n3A_796 : vector<512x128xf32>
    %select_n3A_1002 = arith.select %le3A_1001, %select_n3A_790, %select_n3A_796 : vector<512x128xi1>, vector<512x128xf32>
    %jit3A_1003 = arith.constant 1.200000e+01 : f32
    %jit3A_1004 = arith.constant 1.300000e+01 : f32
    %broadcast_in_dim3A_1005 = vector.broadcast %jit3A_1003 : f32 to vector<512x128xf32>
    %broadcast_in_dim3A_1006 = vector.broadcast %jit3A_1004 : f32 to vector<512x128xf32>
    %select_n3A_1007 = arith.select %le3A_1001, %broadcast_in_dim3A_1005, %broadcast_in_dim3A_1006 : vector<512x128xi1>, vector<512x128xf32>
    %le3A_1008 = arith.cmpf ole, %select_n3A_802, %select_n3A_808 : vector<512x128xf32>
    %select_n3A_1009 = arith.select %le3A_1008, %select_n3A_802, %select_n3A_808 : vector<512x128xi1>, vector<512x128xf32>
    %jit3A_1010 = arith.constant 1.400000e+01 : f32
    %jit3A_1011 = arith.constant 1.500000e+01 : f32
    %broadcast_in_dim3A_1012 = vector.broadcast %jit3A_1010 : f32 to vector<512x128xf32>
    %broadcast_in_dim3A_1013 = vector.broadcast %jit3A_1011 : f32 to vector<512x128xf32>
    %select_n3A_1014 = arith.select %le3A_1008, %broadcast_in_dim3A_1012, %broadcast_in_dim3A_1013 : vector<512x128xi1>, vector<512x128xf32>
    %le3A_1015 = arith.cmpf ole, %select_n3A_814, %select_n3A_820 : vector<512x128xf32>
    %select_n3A_1016 = arith.select %le3A_1015, %select_n3A_814, %select_n3A_820 : vector<512x128xi1>, vector<512x128xf32>
    %jit3A_1017 = arith.constant 1.600000e+01 : f32
    %jit3A_1018 = arith.constant 1.700000e+01 : f32
    %broadcast_in_dim3A_1019 = vector.broadcast %jit3A_1017 : f32 to vector<512x128xf32>
    %broadcast_in_dim3A_1020 = vector.broadcast %jit3A_1018 : f32 to vector<512x128xf32>
    %select_n3A_1021 = arith.select %le3A_1015, %broadcast_in_dim3A_1019, %broadcast_in_dim3A_1020 : vector<512x128xi1>, vector<512x128xf32>
    %le3A_1022 = arith.cmpf ole, %select_n3A_826, %select_n3A_832 : vector<512x128xf32>
    %select_n3A_1023 = arith.select %le3A_1022, %select_n3A_826, %select_n3A_832 : vector<512x128xi1>, vector<512x128xf32>
    %jit3A_1024 = arith.constant 1.800000e+01 : f32
    %jit3A_1025 = arith.constant 1.900000e+01 : f32
    %broadcast_in_dim3A_1026 = vector.broadcast %jit3A_1024 : f32 to vector<512x128xf32>
    %broadcast_in_dim3A_1027 = vector.broadcast %jit3A_1025 : f32 to vector<512x128xf32>
    %select_n3A_1028 = arith.select %le3A_1022, %broadcast_in_dim3A_1026, %broadcast_in_dim3A_1027 : vector<512x128xi1>, vector<512x128xf32>
    %le3A_1029 = arith.cmpf ole, %select_n3A_838, %select_n3A_844 : vector<512x128xf32>
    %select_n3A_1030 = arith.select %le3A_1029, %select_n3A_838, %select_n3A_844 : vector<512x128xi1>, vector<512x128xf32>
    %jit3A_1031 = arith.constant 2.000000e+01 : f32
    %jit3A_1032 = arith.constant 2.100000e+01 : f32
    %broadcast_in_dim3A_1033 = vector.broadcast %jit3A_1031 : f32 to vector<512x128xf32>
    %broadcast_in_dim3A_1034 = vector.broadcast %jit3A_1032 : f32 to vector<512x128xf32>
    %select_n3A_1035 = arith.select %le3A_1029, %broadcast_in_dim3A_1033, %broadcast_in_dim3A_1034 : vector<512x128xi1>, vector<512x128xf32>
    %le3A_1036 = arith.cmpf ole, %select_n3A_850, %select_n3A_856 : vector<512x128xf32>
    %select_n3A_1037 = arith.select %le3A_1036, %select_n3A_850, %select_n3A_856 : vector<512x128xi1>, vector<512x128xf32>
    %jit3A_1038 = arith.constant 2.200000e+01 : f32
    %jit3A_1039 = arith.constant 2.300000e+01 : f32
    %broadcast_in_dim3A_1040 = vector.broadcast %jit3A_1038 : f32 to vector<512x128xf32>
    %broadcast_in_dim3A_1041 = vector.broadcast %jit3A_1039 : f32 to vector<512x128xf32>
    %select_n3A_1042 = arith.select %le3A_1036, %broadcast_in_dim3A_1040, %broadcast_in_dim3A_1041 : vector<512x128xi1>, vector<512x128xf32>
    %le3A_1043 = arith.cmpf ole, %select_n3A_862, %select_n3A_868 : vector<512x128xf32>
    %select_n3A_1044 = arith.select %le3A_1043, %select_n3A_862, %select_n3A_868 : vector<512x128xi1>, vector<512x128xf32>
    %jit3A_1045 = arith.constant 2.400000e+01 : f32
    %jit3A_1046 = arith.constant 2.500000e+01 : f32
    %broadcast_in_dim3A_1047 = vector.broadcast %jit3A_1045 : f32 to vector<512x128xf32>
    %broadcast_in_dim3A_1048 = vector.broadcast %jit3A_1046 : f32 to vector<512x128xf32>
    %select_n3A_1049 = arith.select %le3A_1043, %broadcast_in_dim3A_1047, %broadcast_in_dim3A_1048 : vector<512x128xi1>, vector<512x128xf32>
    %le3A_1050 = arith.cmpf ole, %select_n3A_874, %select_n3A_880 : vector<512x128xf32>
    %select_n3A_1051 = arith.select %le3A_1050, %select_n3A_874, %select_n3A_880 : vector<512x128xi1>, vector<512x128xf32>
    %jit3A_1052 = arith.constant 2.600000e+01 : f32
    %jit3A_1053 = arith.constant 2.700000e+01 : f32
    %broadcast_in_dim3A_1054 = vector.broadcast %jit3A_1052 : f32 to vector<512x128xf32>
    %broadcast_in_dim3A_1055 = vector.broadcast %jit3A_1053 : f32 to vector<512x128xf32>
    %select_n3A_1056 = arith.select %le3A_1050, %broadcast_in_dim3A_1054, %broadcast_in_dim3A_1055 : vector<512x128xi1>, vector<512x128xf32>
    %le3A_1057 = arith.cmpf ole, %select_n3A_886, %select_n3A_892 : vector<512x128xf32>
    %select_n3A_1058 = arith.select %le3A_1057, %select_n3A_886, %select_n3A_892 : vector<512x128xi1>, vector<512x128xf32>
    %jit3A_1059 = arith.constant 2.800000e+01 : f32
    %jit3A_1060 = arith.constant 2.900000e+01 : f32
    %broadcast_in_dim3A_1061 = vector.broadcast %jit3A_1059 : f32 to vector<512x128xf32>
    %broadcast_in_dim3A_1062 = vector.broadcast %jit3A_1060 : f32 to vector<512x128xf32>
    %select_n3A_1063 = arith.select %le3A_1057, %broadcast_in_dim3A_1061, %broadcast_in_dim3A_1062 : vector<512x128xi1>, vector<512x128xf32>
    %le3A_1064 = arith.cmpf ole, %select_n3A_898, %select_n3A_904 : vector<512x128xf32>
    %select_n3A_1065 = arith.select %le3A_1064, %select_n3A_898, %select_n3A_904 : vector<512x128xi1>, vector<512x128xf32>
    %jit3A_1066 = arith.constant 3.000000e+01 : f32
    %jit3A_1067 = arith.constant 3.100000e+01 : f32
    %broadcast_in_dim3A_1068 = vector.broadcast %jit3A_1066 : f32 to vector<512x128xf32>
    %broadcast_in_dim3A_1069 = vector.broadcast %jit3A_1067 : f32 to vector<512x128xf32>
    %select_n3A_1070 = arith.select %le3A_1064, %broadcast_in_dim3A_1068, %broadcast_in_dim3A_1069 : vector<512x128xi1>, vector<512x128xf32>
    %le3A_1071 = arith.cmpf ole, %select_n3A_910, %select_n3A_916 : vector<512x128xf32>
    %select_n3A_1072 = arith.select %le3A_1071, %select_n3A_910, %select_n3A_916 : vector<512x128xi1>, vector<512x128xf32>
    %jit3A_1073 = arith.constant 3.200000e+01 : f32
    %jit3A_1074 = arith.constant 3.300000e+01 : f32
    %broadcast_in_dim3A_1075 = vector.broadcast %jit3A_1073 : f32 to vector<512x128xf32>
    %broadcast_in_dim3A_1076 = vector.broadcast %jit3A_1074 : f32 to vector<512x128xf32>
    %select_n3A_1077 = arith.select %le3A_1071, %broadcast_in_dim3A_1075, %broadcast_in_dim3A_1076 : vector<512x128xi1>, vector<512x128xf32>
    %le3A_1078 = arith.cmpf ole, %select_n3A_922, %select_n3A_928 : vector<512x128xf32>
    %select_n3A_1079 = arith.select %le3A_1078, %select_n3A_922, %select_n3A_928 : vector<512x128xi1>, vector<512x128xf32>
    %jit3A_1080 = arith.constant 3.400000e+01 : f32
    %jit3A_1081 = arith.constant 3.500000e+01 : f32
    %broadcast_in_dim3A_1082 = vector.broadcast %jit3A_1080 : f32 to vector<512x128xf32>
    %broadcast_in_dim3A_1083 = vector.broadcast %jit3A_1081 : f32 to vector<512x128xf32>
    %select_n3A_1084 = arith.select %le3A_1078, %broadcast_in_dim3A_1082, %broadcast_in_dim3A_1083 : vector<512x128xi1>, vector<512x128xf32>
    %le3A_1085 = arith.cmpf ole, %select_n3A_934, %select_n3A_940 : vector<512x128xf32>
    %select_n3A_1086 = arith.select %le3A_1085, %select_n3A_934, %select_n3A_940 : vector<512x128xi1>, vector<512x128xf32>
    %jit3A_1087 = arith.constant 3.600000e+01 : f32
    %jit3A_1088 = arith.constant 3.700000e+01 : f32
    %broadcast_in_dim3A_1089 = vector.broadcast %jit3A_1087 : f32 to vector<512x128xf32>
    %broadcast_in_dim3A_1090 = vector.broadcast %jit3A_1088 : f32 to vector<512x128xf32>
    %select_n3A_1091 = arith.select %le3A_1085, %broadcast_in_dim3A_1089, %broadcast_in_dim3A_1090 : vector<512x128xi1>, vector<512x128xf32>
    %le3A_1092 = arith.cmpf ole, %select_n3A_946, %select_n3A_952 : vector<512x128xf32>
    %select_n3A_1093 = arith.select %le3A_1092, %select_n3A_946, %select_n3A_952 : vector<512x128xi1>, vector<512x128xf32>
    %jit3A_1094 = arith.constant 3.800000e+01 : f32
    %jit3A_1095 = arith.constant 3.900000e+01 : f32
    %broadcast_in_dim3A_1096 = vector.broadcast %jit3A_1094 : f32 to vector<512x128xf32>
    %broadcast_in_dim3A_1097 = vector.broadcast %jit3A_1095 : f32 to vector<512x128xf32>
    %select_n3A_1098 = arith.select %le3A_1092, %broadcast_in_dim3A_1096, %broadcast_in_dim3A_1097 : vector<512x128xi1>, vector<512x128xf32>
    %le3A_1099 = arith.cmpf ole, %select_n3A_960, %select_n3A_967 : vector<512x128xf32>
    %select_n3A_1100 = arith.select %le3A_1099, %select_n3A_960, %select_n3A_967 : vector<512x128xi1>, vector<512x128xf32>
    %select_n3A_1101 = arith.select %le3A_1099, %select_n3A_965, %select_n3A_972 : vector<512x128xi1>, vector<512x128xf32>
    %le3A_1102 = arith.cmpf ole, %select_n3A_974, %select_n3A_981 : vector<512x128xf32>
    %select_n3A_1103 = arith.select %le3A_1102, %select_n3A_974, %select_n3A_981 : vector<512x128xi1>, vector<512x128xf32>
    %select_n3A_1104 = arith.select %le3A_1102, %select_n3A_979, %select_n3A_986 : vector<512x128xi1>, vector<512x128xf32>
    %le3A_1105 = arith.cmpf ole, %select_n3A_988, %select_n3A_995 : vector<512x128xf32>
    %select_n3A_1106 = arith.select %le3A_1105, %select_n3A_988, %select_n3A_995 : vector<512x128xi1>, vector<512x128xf32>
    %select_n3A_1107 = arith.select %le3A_1105, %select_n3A_993, %select_n3A_1000 : vector<512x128xi1>, vector<512x128xf32>
    %le3A_1108 = arith.cmpf ole, %select_n3A_1002, %select_n3A_1009 : vector<512x128xf32>
    %select_n3A_1109 = arith.select %le3A_1108, %select_n3A_1002, %select_n3A_1009 : vector<512x128xi1>, vector<512x128xf32>
    %select_n3A_1110 = arith.select %le3A_1108, %select_n3A_1007, %select_n3A_1014 : vector<512x128xi1>, vector<512x128xf32>
    %le3A_1111 = arith.cmpf ole, %select_n3A_1016, %select_n3A_1023 : vector<512x128xf32>
    %select_n3A_1112 = arith.select %le3A_1111, %select_n3A_1016, %select_n3A_1023 : vector<512x128xi1>, vector<512x128xf32>
    %select_n3A_1113 = arith.select %le3A_1111, %select_n3A_1021, %select_n3A_1028 : vector<512x128xi1>, vector<512x128xf32>
    %le3A_1114 = arith.cmpf ole, %select_n3A_1030, %select_n3A_1037 : vector<512x128xf32>
    %select_n3A_1115 = arith.select %le3A_1114, %select_n3A_1030, %select_n3A_1037 : vector<512x128xi1>, vector<512x128xf32>
    %select_n3A_1116 = arith.select %le3A_1114, %select_n3A_1035, %select_n3A_1042 : vector<512x128xi1>, vector<512x128xf32>
    %le3A_1117 = arith.cmpf ole, %select_n3A_1044, %select_n3A_1051 : vector<512x128xf32>
    %select_n3A_1118 = arith.select %le3A_1117, %select_n3A_1044, %select_n3A_1051 : vector<512x128xi1>, vector<512x128xf32>
    %select_n3A_1119 = arith.select %le3A_1117, %select_n3A_1049, %select_n3A_1056 : vector<512x128xi1>, vector<512x128xf32>
    %le3A_1120 = arith.cmpf ole, %select_n3A_1058, %select_n3A_1065 : vector<512x128xf32>
    %select_n3A_1121 = arith.select %le3A_1120, %select_n3A_1058, %select_n3A_1065 : vector<512x128xi1>, vector<512x128xf32>
    %select_n3A_1122 = arith.select %le3A_1120, %select_n3A_1063, %select_n3A_1070 : vector<512x128xi1>, vector<512x128xf32>
    %le3A_1123 = arith.cmpf ole, %select_n3A_1072, %select_n3A_1079 : vector<512x128xf32>
    %select_n3A_1124 = arith.select %le3A_1123, %select_n3A_1072, %select_n3A_1079 : vector<512x128xi1>, vector<512x128xf32>
    %select_n3A_1125 = arith.select %le3A_1123, %select_n3A_1077, %select_n3A_1084 : vector<512x128xi1>, vector<512x128xf32>
    %le3A_1126 = arith.cmpf ole, %select_n3A_1086, %select_n3A_1093 : vector<512x128xf32>
    %select_n3A_1127 = arith.select %le3A_1126, %select_n3A_1086, %select_n3A_1093 : vector<512x128xi1>, vector<512x128xf32>
    %select_n3A_1128 = arith.select %le3A_1126, %select_n3A_1091, %select_n3A_1098 : vector<512x128xi1>, vector<512x128xf32>
    %le3A_1129 = arith.cmpf ole, %select_n3A_1100, %select_n3A_1103 : vector<512x128xf32>
    %select_n3A_1130 = arith.select %le3A_1129, %select_n3A_1100, %select_n3A_1103 : vector<512x128xi1>, vector<512x128xf32>
    %select_n3A_1131 = arith.select %le3A_1129, %select_n3A_1101, %select_n3A_1104 : vector<512x128xi1>, vector<512x128xf32>
    %le3A_1132 = arith.cmpf ole, %select_n3A_1106, %select_n3A_1109 : vector<512x128xf32>
    %select_n3A_1133 = arith.select %le3A_1132, %select_n3A_1106, %select_n3A_1109 : vector<512x128xi1>, vector<512x128xf32>
    %select_n3A_1134 = arith.select %le3A_1132, %select_n3A_1107, %select_n3A_1110 : vector<512x128xi1>, vector<512x128xf32>
    %le3A_1135 = arith.cmpf ole, %select_n3A_1112, %select_n3A_1115 : vector<512x128xf32>
    %select_n3A_1136 = arith.select %le3A_1135, %select_n3A_1112, %select_n3A_1115 : vector<512x128xi1>, vector<512x128xf32>
    %select_n3A_1137 = arith.select %le3A_1135, %select_n3A_1113, %select_n3A_1116 : vector<512x128xi1>, vector<512x128xf32>
    %le3A_1138 = arith.cmpf ole, %select_n3A_1118, %select_n3A_1121 : vector<512x128xf32>
    %select_n3A_1139 = arith.select %le3A_1138, %select_n3A_1118, %select_n3A_1121 : vector<512x128xi1>, vector<512x128xf32>
    %select_n3A_1140 = arith.select %le3A_1138, %select_n3A_1119, %select_n3A_1122 : vector<512x128xi1>, vector<512x128xf32>
    %le3A_1141 = arith.cmpf ole, %select_n3A_1124, %select_n3A_1127 : vector<512x128xf32>
    %select_n3A_1142 = arith.select %le3A_1141, %select_n3A_1124, %select_n3A_1127 : vector<512x128xi1>, vector<512x128xf32>
    %select_n3A_1143 = arith.select %le3A_1141, %select_n3A_1125, %select_n3A_1128 : vector<512x128xi1>, vector<512x128xf32>
    %le3A_1144 = arith.cmpf ole, %select_n3A_1130, %select_n3A_1133 : vector<512x128xf32>
    %select_n3A_1145 = arith.select %le3A_1144, %select_n3A_1130, %select_n3A_1133 : vector<512x128xi1>, vector<512x128xf32>
    %select_n3A_1146 = arith.select %le3A_1144, %select_n3A_1131, %select_n3A_1134 : vector<512x128xi1>, vector<512x128xf32>
    %le3A_1147 = arith.cmpf ole, %select_n3A_1136, %select_n3A_1139 : vector<512x128xf32>
    %select_n3A_1148 = arith.select %le3A_1147, %select_n3A_1136, %select_n3A_1139 : vector<512x128xi1>, vector<512x128xf32>
    %select_n3A_1149 = arith.select %le3A_1147, %select_n3A_1137, %select_n3A_1140 : vector<512x128xi1>, vector<512x128xf32>
    %le3A_1150 = arith.cmpf ole, %select_n3A_1142, %select_n3A_958 : vector<512x128xf32>
    %select_n3A_1151 = arith.select %le3A_1150, %select_n3A_1142, %select_n3A_958 : vector<512x128xi1>, vector<512x128xf32>
    %jit3A_1152 = arith.constant 4.000000e+01 : f32
    %broadcast_in_dim3A_1153 = vector.broadcast %jit3A_1152 : f32 to vector<512x128xf32>
    %select_n3A_1154 = arith.select %le3A_1150, %select_n3A_1143, %broadcast_in_dim3A_1153 : vector<512x128xi1>, vector<512x128xf32>
    %le3A_1155 = arith.cmpf ole, %select_n3A_1145, %select_n3A_1148 : vector<512x128xf32>
    %select_n3A_1156 = arith.select %le3A_1155, %select_n3A_1145, %select_n3A_1148 : vector<512x128xi1>, vector<512x128xf32>
    %select_n3A_1157 = arith.select %le3A_1155, %select_n3A_1146, %select_n3A_1149 : vector<512x128xi1>, vector<512x128xf32>
    %le3A_1158 = arith.cmpf ole, %select_n3A_1156, %select_n3A_1151 : vector<512x128xf32>
    %select_n3A_1159 = arith.select %le3A_1158, %select_n3A_1156, %select_n3A_1151 : vector<512x128xi1>, vector<512x128xf32>
    %select_n3A_1160 = arith.select %le3A_1158, %select_n3A_1157, %select_n3A_1154 : vector<512x128xi1>, vector<512x128xf32>
    %mul3A_1161 = arith.constant 1.280000e+02 : f32
    %mul3A_1162 = vector.broadcast %mul3A_1161 : f32 to vector<512x128xf32>
    %mul3A_1163 = arith.mulf %select_n3A_1160, %mul3A_1162 : vector<512x128xf32>
    %add3A_1164 = vector.broadcast %convert_element_type3A : vector<1x128xf32> to vector<512x128xf32>
    %add3A_1165 = arith.addf %mul3A_1163, %add3A_1164 : vector<512x128xf32>
    %eq3A_1166 = arith.constant 0.000000e+00 : f32
    %eq3A_1167 = vector.broadcast %eq3A_1166 : f32 to vector<512x128xf32>
    %eq3A_1168 = arith.cmpf oeq, %select_n3A_1160, %eq3A_1167 : vector<512x128xf32>
    %jit3A_1169 = arith.constant 0x7F800000 : f32
    %broadcast_in_dim3A_1170 = vector.broadcast %jit3A_1169 : f32 to vector<512x128xf32>
    %select_n3A_1171 = arith.select %eq3A_1168, %broadcast_in_dim3A_1170, %select_n3A_718 : vector<512x128xi1>, vector<512x128xf32>
    %eq3A_1172 = arith.constant 1.000000e+00 : f32
    %eq3A_1173 = vector.broadcast %eq3A_1172 : f32 to vector<512x128xf32>
    %eq3A_1174 = arith.cmpf oeq, %select_n3A_1160, %eq3A_1173 : vector<512x128xf32>
    %jit3A_1175 = arith.constant 0x7F800000 : f32
    %broadcast_in_dim3A_1176 = vector.broadcast %jit3A_1175 : f32 to vector<512x128xf32>
    %select_n3A_1177 = arith.select %eq3A_1174, %broadcast_in_dim3A_1176, %select_n3A_724 : vector<512x128xi1>, vector<512x128xf32>
    %eq3A_1178 = arith.constant 2.000000e+00 : f32
    %eq3A_1179 = vector.broadcast %eq3A_1178 : f32 to vector<512x128xf32>
    %eq3A_1180 = arith.cmpf oeq, %select_n3A_1160, %eq3A_1179 : vector<512x128xf32>
    %jit3A_1181 = arith.constant 0x7F800000 : f32
    %broadcast_in_dim3A_1182 = vector.broadcast %jit3A_1181 : f32 to vector<512x128xf32>
    %select_n3A_1183 = arith.select %eq3A_1180, %broadcast_in_dim3A_1182, %select_n3A_730 : vector<512x128xi1>, vector<512x128xf32>
    %eq3A_1184 = arith.constant 3.000000e+00 : f32
    %eq3A_1185 = vector.broadcast %eq3A_1184 : f32 to vector<512x128xf32>
    %eq3A_1186 = arith.cmpf oeq, %select_n3A_1160, %eq3A_1185 : vector<512x128xf32>
    %jit3A_1187 = arith.constant 0x7F800000 : f32
    %broadcast_in_dim3A_1188 = vector.broadcast %jit3A_1187 : f32 to vector<512x128xf32>
    %select_n3A_1189 = arith.select %eq3A_1186, %broadcast_in_dim3A_1188, %select_n3A_736 : vector<512x128xi1>, vector<512x128xf32>
    %eq3A_1190 = arith.constant 4.000000e+00 : f32
    %eq3A_1191 = vector.broadcast %eq3A_1190 : f32 to vector<512x128xf32>
    %eq3A_1192 = arith.cmpf oeq, %select_n3A_1160, %eq3A_1191 : vector<512x128xf32>
    %jit3A_1193 = arith.constant 0x7F800000 : f32
    %broadcast_in_dim3A_1194 = vector.broadcast %jit3A_1193 : f32 to vector<512x128xf32>
    %select_n3A_1195 = arith.select %eq3A_1192, %broadcast_in_dim3A_1194, %select_n3A_742 : vector<512x128xi1>, vector<512x128xf32>
    %eq3A_1196 = arith.constant 5.000000e+00 : f32
    %eq3A_1197 = vector.broadcast %eq3A_1196 : f32 to vector<512x128xf32>
    %eq3A_1198 = arith.cmpf oeq, %select_n3A_1160, %eq3A_1197 : vector<512x128xf32>
    %jit3A_1199 = arith.constant 0x7F800000 : f32
    %broadcast_in_dim3A_1200 = vector.broadcast %jit3A_1199 : f32 to vector<512x128xf32>
    %select_n3A_1201 = arith.select %eq3A_1198, %broadcast_in_dim3A_1200, %select_n3A_748 : vector<512x128xi1>, vector<512x128xf32>
    %eq3A_1202 = arith.constant 6.000000e+00 : f32
    %eq3A_1203 = vector.broadcast %eq3A_1202 : f32 to vector<512x128xf32>
    %eq3A_1204 = arith.cmpf oeq, %select_n3A_1160, %eq3A_1203 : vector<512x128xf32>
    %jit3A_1205 = arith.constant 0x7F800000 : f32
    %broadcast_in_dim3A_1206 = vector.broadcast %jit3A_1205 : f32 to vector<512x128xf32>
    %select_n3A_1207 = arith.select %eq3A_1204, %broadcast_in_dim3A_1206, %select_n3A_754 : vector<512x128xi1>, vector<512x128xf32>
    %eq3A_1208 = arith.constant 7.000000e+00 : f32
    %eq3A_1209 = vector.broadcast %eq3A_1208 : f32 to vector<512x128xf32>
    %eq3A_1210 = arith.cmpf oeq, %select_n3A_1160, %eq3A_1209 : vector<512x128xf32>
    %jit3A_1211 = arith.constant 0x7F800000 : f32
    %broadcast_in_dim3A_1212 = vector.broadcast %jit3A_1211 : f32 to vector<512x128xf32>
    %select_n3A_1213 = arith.select %eq3A_1210, %broadcast_in_dim3A_1212, %select_n3A_760 : vector<512x128xi1>, vector<512x128xf32>
    %eq3A_1214 = arith.constant 8.000000e+00 : f32
    %eq3A_1215 = vector.broadcast %eq3A_1214 : f32 to vector<512x128xf32>
    %eq3A_1216 = arith.cmpf oeq, %select_n3A_1160, %eq3A_1215 : vector<512x128xf32>
    %jit3A_1217 = arith.constant 0x7F800000 : f32
    %broadcast_in_dim3A_1218 = vector.broadcast %jit3A_1217 : f32 to vector<512x128xf32>
    %select_n3A_1219 = arith.select %eq3A_1216, %broadcast_in_dim3A_1218, %select_n3A_766 : vector<512x128xi1>, vector<512x128xf32>
    %eq3A_1220 = arith.constant 9.000000e+00 : f32
    %eq3A_1221 = vector.broadcast %eq3A_1220 : f32 to vector<512x128xf32>
    %eq3A_1222 = arith.cmpf oeq, %select_n3A_1160, %eq3A_1221 : vector<512x128xf32>
    %jit3A_1223 = arith.constant 0x7F800000 : f32
    %broadcast_in_dim3A_1224 = vector.broadcast %jit3A_1223 : f32 to vector<512x128xf32>
    %select_n3A_1225 = arith.select %eq3A_1222, %broadcast_in_dim3A_1224, %select_n3A_772 : vector<512x128xi1>, vector<512x128xf32>
    %eq3A_1226 = arith.constant 1.000000e+01 : f32
    %eq3A_1227 = vector.broadcast %eq3A_1226 : f32 to vector<512x128xf32>
    %eq3A_1228 = arith.cmpf oeq, %select_n3A_1160, %eq3A_1227 : vector<512x128xf32>
    %jit3A_1229 = arith.constant 0x7F800000 : f32
    %broadcast_in_dim3A_1230 = vector.broadcast %jit3A_1229 : f32 to vector<512x128xf32>
    %select_n3A_1231 = arith.select %eq3A_1228, %broadcast_in_dim3A_1230, %select_n3A_778 : vector<512x128xi1>, vector<512x128xf32>
    %eq3A_1232 = arith.constant 1.100000e+01 : f32
    %eq3A_1233 = vector.broadcast %eq3A_1232 : f32 to vector<512x128xf32>
    %eq3A_1234 = arith.cmpf oeq, %select_n3A_1160, %eq3A_1233 : vector<512x128xf32>
    %jit3A_1235 = arith.constant 0x7F800000 : f32
    %broadcast_in_dim3A_1236 = vector.broadcast %jit3A_1235 : f32 to vector<512x128xf32>
    %select_n3A_1237 = arith.select %eq3A_1234, %broadcast_in_dim3A_1236, %select_n3A_784 : vector<512x128xi1>, vector<512x128xf32>
    %eq3A_1238 = arith.constant 1.200000e+01 : f32
    %eq3A_1239 = vector.broadcast %eq3A_1238 : f32 to vector<512x128xf32>
    %eq3A_1240 = arith.cmpf oeq, %select_n3A_1160, %eq3A_1239 : vector<512x128xf32>
    %jit3A_1241 = arith.constant 0x7F800000 : f32
    %broadcast_in_dim3A_1242 = vector.broadcast %jit3A_1241 : f32 to vector<512x128xf32>
    %select_n3A_1243 = arith.select %eq3A_1240, %broadcast_in_dim3A_1242, %select_n3A_790 : vector<512x128xi1>, vector<512x128xf32>
    %eq3A_1244 = arith.constant 1.300000e+01 : f32
    %eq3A_1245 = vector.broadcast %eq3A_1244 : f32 to vector<512x128xf32>
    %eq3A_1246 = arith.cmpf oeq, %select_n3A_1160, %eq3A_1245 : vector<512x128xf32>
    %jit3A_1247 = arith.constant 0x7F800000 : f32
    %broadcast_in_dim3A_1248 = vector.broadcast %jit3A_1247 : f32 to vector<512x128xf32>
    %select_n3A_1249 = arith.select %eq3A_1246, %broadcast_in_dim3A_1248, %select_n3A_796 : vector<512x128xi1>, vector<512x128xf32>
    %eq3A_1250 = arith.constant 1.400000e+01 : f32
    %eq3A_1251 = vector.broadcast %eq3A_1250 : f32 to vector<512x128xf32>
    %eq3A_1252 = arith.cmpf oeq, %select_n3A_1160, %eq3A_1251 : vector<512x128xf32>
    %jit3A_1253 = arith.constant 0x7F800000 : f32
    %broadcast_in_dim3A_1254 = vector.broadcast %jit3A_1253 : f32 to vector<512x128xf32>
    %select_n3A_1255 = arith.select %eq3A_1252, %broadcast_in_dim3A_1254, %select_n3A_802 : vector<512x128xi1>, vector<512x128xf32>
    %eq3A_1256 = arith.constant 1.500000e+01 : f32
    %eq3A_1257 = vector.broadcast %eq3A_1256 : f32 to vector<512x128xf32>
    %eq3A_1258 = arith.cmpf oeq, %select_n3A_1160, %eq3A_1257 : vector<512x128xf32>
    %jit3A_1259 = arith.constant 0x7F800000 : f32
    %broadcast_in_dim3A_1260 = vector.broadcast %jit3A_1259 : f32 to vector<512x128xf32>
    %select_n3A_1261 = arith.select %eq3A_1258, %broadcast_in_dim3A_1260, %select_n3A_808 : vector<512x128xi1>, vector<512x128xf32>
    %eq3A_1262 = arith.constant 1.600000e+01 : f32
    %eq3A_1263 = vector.broadcast %eq3A_1262 : f32 to vector<512x128xf32>
    %eq3A_1264 = arith.cmpf oeq, %select_n3A_1160, %eq3A_1263 : vector<512x128xf32>
    %jit3A_1265 = arith.constant 0x7F800000 : f32
    %broadcast_in_dim3A_1266 = vector.broadcast %jit3A_1265 : f32 to vector<512x128xf32>
    %select_n3A_1267 = arith.select %eq3A_1264, %broadcast_in_dim3A_1266, %select_n3A_814 : vector<512x128xi1>, vector<512x128xf32>
    %eq3A_1268 = arith.constant 1.700000e+01 : f32
    %eq3A_1269 = vector.broadcast %eq3A_1268 : f32 to vector<512x128xf32>
    %eq3A_1270 = arith.cmpf oeq, %select_n3A_1160, %eq3A_1269 : vector<512x128xf32>
    %jit3A_1271 = arith.constant 0x7F800000 : f32
    %broadcast_in_dim3A_1272 = vector.broadcast %jit3A_1271 : f32 to vector<512x128xf32>
    %select_n3A_1273 = arith.select %eq3A_1270, %broadcast_in_dim3A_1272, %select_n3A_820 : vector<512x128xi1>, vector<512x128xf32>
    %eq3A_1274 = arith.constant 1.800000e+01 : f32
    %eq3A_1275 = vector.broadcast %eq3A_1274 : f32 to vector<512x128xf32>
    %eq3A_1276 = arith.cmpf oeq, %select_n3A_1160, %eq3A_1275 : vector<512x128xf32>
    %jit3A_1277 = arith.constant 0x7F800000 : f32
    %broadcast_in_dim3A_1278 = vector.broadcast %jit3A_1277 : f32 to vector<512x128xf32>
    %select_n3A_1279 = arith.select %eq3A_1276, %broadcast_in_dim3A_1278, %select_n3A_826 : vector<512x128xi1>, vector<512x128xf32>
    %eq3A_1280 = arith.constant 1.900000e+01 : f32
    %eq3A_1281 = vector.broadcast %eq3A_1280 : f32 to vector<512x128xf32>
    %eq3A_1282 = arith.cmpf oeq, %select_n3A_1160, %eq3A_1281 : vector<512x128xf32>
    %jit3A_1283 = arith.constant 0x7F800000 : f32
    %broadcast_in_dim3A_1284 = vector.broadcast %jit3A_1283 : f32 to vector<512x128xf32>
    %select_n3A_1285 = arith.select %eq3A_1282, %broadcast_in_dim3A_1284, %select_n3A_832 : vector<512x128xi1>, vector<512x128xf32>
    %eq3A_1286 = arith.constant 2.000000e+01 : f32
    %eq3A_1287 = vector.broadcast %eq3A_1286 : f32 to vector<512x128xf32>
    %eq3A_1288 = arith.cmpf oeq, %select_n3A_1160, %eq3A_1287 : vector<512x128xf32>
    %jit3A_1289 = arith.constant 0x7F800000 : f32
    %broadcast_in_dim3A_1290 = vector.broadcast %jit3A_1289 : f32 to vector<512x128xf32>
    %select_n3A_1291 = arith.select %eq3A_1288, %broadcast_in_dim3A_1290, %select_n3A_838 : vector<512x128xi1>, vector<512x128xf32>
    %eq3A_1292 = arith.constant 2.100000e+01 : f32
    %eq3A_1293 = vector.broadcast %eq3A_1292 : f32 to vector<512x128xf32>
    %eq3A_1294 = arith.cmpf oeq, %select_n3A_1160, %eq3A_1293 : vector<512x128xf32>
    %jit3A_1295 = arith.constant 0x7F800000 : f32
    %broadcast_in_dim3A_1296 = vector.broadcast %jit3A_1295 : f32 to vector<512x128xf32>
    %select_n3A_1297 = arith.select %eq3A_1294, %broadcast_in_dim3A_1296, %select_n3A_844 : vector<512x128xi1>, vector<512x128xf32>
    %eq3A_1298 = arith.constant 2.200000e+01 : f32
    %eq3A_1299 = vector.broadcast %eq3A_1298 : f32 to vector<512x128xf32>
    %eq3A_1300 = arith.cmpf oeq, %select_n3A_1160, %eq3A_1299 : vector<512x128xf32>
    %jit3A_1301 = arith.constant 0x7F800000 : f32
    %broadcast_in_dim3A_1302 = vector.broadcast %jit3A_1301 : f32 to vector<512x128xf32>
    %select_n3A_1303 = arith.select %eq3A_1300, %broadcast_in_dim3A_1302, %select_n3A_850 : vector<512x128xi1>, vector<512x128xf32>
    %eq3A_1304 = arith.constant 2.300000e+01 : f32
    %eq3A_1305 = vector.broadcast %eq3A_1304 : f32 to vector<512x128xf32>
    %eq3A_1306 = arith.cmpf oeq, %select_n3A_1160, %eq3A_1305 : vector<512x128xf32>
    %jit3A_1307 = arith.constant 0x7F800000 : f32
    %broadcast_in_dim3A_1308 = vector.broadcast %jit3A_1307 : f32 to vector<512x128xf32>
    %select_n3A_1309 = arith.select %eq3A_1306, %broadcast_in_dim3A_1308, %select_n3A_856 : vector<512x128xi1>, vector<512x128xf32>
    %eq3A_1310 = arith.constant 2.400000e+01 : f32
    %eq3A_1311 = vector.broadcast %eq3A_1310 : f32 to vector<512x128xf32>
    %eq3A_1312 = arith.cmpf oeq, %select_n3A_1160, %eq3A_1311 : vector<512x128xf32>
    %jit3A_1313 = arith.constant 0x7F800000 : f32
    %broadcast_in_dim3A_1314 = vector.broadcast %jit3A_1313 : f32 to vector<512x128xf32>
    %select_n3A_1315 = arith.select %eq3A_1312, %broadcast_in_dim3A_1314, %select_n3A_862 : vector<512x128xi1>, vector<512x128xf32>
    %eq3A_1316 = arith.constant 2.500000e+01 : f32
    %eq3A_1317 = vector.broadcast %eq3A_1316 : f32 to vector<512x128xf32>
    %eq3A_1318 = arith.cmpf oeq, %select_n3A_1160, %eq3A_1317 : vector<512x128xf32>
    %jit3A_1319 = arith.constant 0x7F800000 : f32
    %broadcast_in_dim3A_1320 = vector.broadcast %jit3A_1319 : f32 to vector<512x128xf32>
    %select_n3A_1321 = arith.select %eq3A_1318, %broadcast_in_dim3A_1320, %select_n3A_868 : vector<512x128xi1>, vector<512x128xf32>
    %eq3A_1322 = arith.constant 2.600000e+01 : f32
    %eq3A_1323 = vector.broadcast %eq3A_1322 : f32 to vector<512x128xf32>
    %eq3A_1324 = arith.cmpf oeq, %select_n3A_1160, %eq3A_1323 : vector<512x128xf32>
    %jit3A_1325 = arith.constant 0x7F800000 : f32
    %broadcast_in_dim3A_1326 = vector.broadcast %jit3A_1325 : f32 to vector<512x128xf32>
    %select_n3A_1327 = arith.select %eq3A_1324, %broadcast_in_dim3A_1326, %select_n3A_874 : vector<512x128xi1>, vector<512x128xf32>
    %eq3A_1328 = arith.constant 2.700000e+01 : f32
    %eq3A_1329 = vector.broadcast %eq3A_1328 : f32 to vector<512x128xf32>
    %eq3A_1330 = arith.cmpf oeq, %select_n3A_1160, %eq3A_1329 : vector<512x128xf32>
    %jit3A_1331 = arith.constant 0x7F800000 : f32
    %broadcast_in_dim3A_1332 = vector.broadcast %jit3A_1331 : f32 to vector<512x128xf32>
    %select_n3A_1333 = arith.select %eq3A_1330, %broadcast_in_dim3A_1332, %select_n3A_880 : vector<512x128xi1>, vector<512x128xf32>
    %eq3A_1334 = arith.constant 2.800000e+01 : f32
    %eq3A_1335 = vector.broadcast %eq3A_1334 : f32 to vector<512x128xf32>
    %eq3A_1336 = arith.cmpf oeq, %select_n3A_1160, %eq3A_1335 : vector<512x128xf32>
    %jit3A_1337 = arith.constant 0x7F800000 : f32
    %broadcast_in_dim3A_1338 = vector.broadcast %jit3A_1337 : f32 to vector<512x128xf32>
    %select_n3A_1339 = arith.select %eq3A_1336, %broadcast_in_dim3A_1338, %select_n3A_886 : vector<512x128xi1>, vector<512x128xf32>
    %eq3A_1340 = arith.constant 2.900000e+01 : f32
    %eq3A_1341 = vector.broadcast %eq3A_1340 : f32 to vector<512x128xf32>
    %eq3A_1342 = arith.cmpf oeq, %select_n3A_1160, %eq3A_1341 : vector<512x128xf32>
    %jit3A_1343 = arith.constant 0x7F800000 : f32
    %broadcast_in_dim3A_1344 = vector.broadcast %jit3A_1343 : f32 to vector<512x128xf32>
    %select_n3A_1345 = arith.select %eq3A_1342, %broadcast_in_dim3A_1344, %select_n3A_892 : vector<512x128xi1>, vector<512x128xf32>
    %eq3A_1346 = arith.constant 3.000000e+01 : f32
    %eq3A_1347 = vector.broadcast %eq3A_1346 : f32 to vector<512x128xf32>
    %eq3A_1348 = arith.cmpf oeq, %select_n3A_1160, %eq3A_1347 : vector<512x128xf32>
    %jit3A_1349 = arith.constant 0x7F800000 : f32
    %broadcast_in_dim3A_1350 = vector.broadcast %jit3A_1349 : f32 to vector<512x128xf32>
    %select_n3A_1351 = arith.select %eq3A_1348, %broadcast_in_dim3A_1350, %select_n3A_898 : vector<512x128xi1>, vector<512x128xf32>
    %eq3A_1352 = arith.constant 3.100000e+01 : f32
    %eq3A_1353 = vector.broadcast %eq3A_1352 : f32 to vector<512x128xf32>
    %eq3A_1354 = arith.cmpf oeq, %select_n3A_1160, %eq3A_1353 : vector<512x128xf32>
    %jit3A_1355 = arith.constant 0x7F800000 : f32
    %broadcast_in_dim3A_1356 = vector.broadcast %jit3A_1355 : f32 to vector<512x128xf32>
    %select_n3A_1357 = arith.select %eq3A_1354, %broadcast_in_dim3A_1356, %select_n3A_904 : vector<512x128xi1>, vector<512x128xf32>
    %eq3A_1358 = arith.constant 3.200000e+01 : f32
    %eq3A_1359 = vector.broadcast %eq3A_1358 : f32 to vector<512x128xf32>
    %eq3A_1360 = arith.cmpf oeq, %select_n3A_1160, %eq3A_1359 : vector<512x128xf32>
    %jit3A_1361 = arith.constant 0x7F800000 : f32
    %broadcast_in_dim3A_1362 = vector.broadcast %jit3A_1361 : f32 to vector<512x128xf32>
    %select_n3A_1363 = arith.select %eq3A_1360, %broadcast_in_dim3A_1362, %select_n3A_910 : vector<512x128xi1>, vector<512x128xf32>
    %eq3A_1364 = arith.constant 3.300000e+01 : f32
    %eq3A_1365 = vector.broadcast %eq3A_1364 : f32 to vector<512x128xf32>
    %eq3A_1366 = arith.cmpf oeq, %select_n3A_1160, %eq3A_1365 : vector<512x128xf32>
    %jit3A_1367 = arith.constant 0x7F800000 : f32
    %broadcast_in_dim3A_1368 = vector.broadcast %jit3A_1367 : f32 to vector<512x128xf32>
    %select_n3A_1369 = arith.select %eq3A_1366, %broadcast_in_dim3A_1368, %select_n3A_916 : vector<512x128xi1>, vector<512x128xf32>
    %eq3A_1370 = arith.constant 3.400000e+01 : f32
    %eq3A_1371 = vector.broadcast %eq3A_1370 : f32 to vector<512x128xf32>
    %eq3A_1372 = arith.cmpf oeq, %select_n3A_1160, %eq3A_1371 : vector<512x128xf32>
    %jit3A_1373 = arith.constant 0x7F800000 : f32
    %broadcast_in_dim3A_1374 = vector.broadcast %jit3A_1373 : f32 to vector<512x128xf32>
    %select_n3A_1375 = arith.select %eq3A_1372, %broadcast_in_dim3A_1374, %select_n3A_922 : vector<512x128xi1>, vector<512x128xf32>
    %eq3A_1376 = arith.constant 3.500000e+01 : f32
    %eq3A_1377 = vector.broadcast %eq3A_1376 : f32 to vector<512x128xf32>
    %eq3A_1378 = arith.cmpf oeq, %select_n3A_1160, %eq3A_1377 : vector<512x128xf32>
    %jit3A_1379 = arith.constant 0x7F800000 : f32
    %broadcast_in_dim3A_1380 = vector.broadcast %jit3A_1379 : f32 to vector<512x128xf32>
    %select_n3A_1381 = arith.select %eq3A_1378, %broadcast_in_dim3A_1380, %select_n3A_928 : vector<512x128xi1>, vector<512x128xf32>
    %eq3A_1382 = arith.constant 3.600000e+01 : f32
    %eq3A_1383 = vector.broadcast %eq3A_1382 : f32 to vector<512x128xf32>
    %eq3A_1384 = arith.cmpf oeq, %select_n3A_1160, %eq3A_1383 : vector<512x128xf32>
    %jit3A_1385 = arith.constant 0x7F800000 : f32
    %broadcast_in_dim3A_1386 = vector.broadcast %jit3A_1385 : f32 to vector<512x128xf32>
    %select_n3A_1387 = arith.select %eq3A_1384, %broadcast_in_dim3A_1386, %select_n3A_934 : vector<512x128xi1>, vector<512x128xf32>
    %eq3A_1388 = arith.constant 3.700000e+01 : f32
    %eq3A_1389 = vector.broadcast %eq3A_1388 : f32 to vector<512x128xf32>
    %eq3A_1390 = arith.cmpf oeq, %select_n3A_1160, %eq3A_1389 : vector<512x128xf32>
    %jit3A_1391 = arith.constant 0x7F800000 : f32
    %broadcast_in_dim3A_1392 = vector.broadcast %jit3A_1391 : f32 to vector<512x128xf32>
    %select_n3A_1393 = arith.select %eq3A_1390, %broadcast_in_dim3A_1392, %select_n3A_940 : vector<512x128xi1>, vector<512x128xf32>
    %eq3A_1394 = arith.constant 3.800000e+01 : f32
    %eq3A_1395 = vector.broadcast %eq3A_1394 : f32 to vector<512x128xf32>
    %eq3A_1396 = arith.cmpf oeq, %select_n3A_1160, %eq3A_1395 : vector<512x128xf32>
    %jit3A_1397 = arith.constant 0x7F800000 : f32
    %broadcast_in_dim3A_1398 = vector.broadcast %jit3A_1397 : f32 to vector<512x128xf32>
    %select_n3A_1399 = arith.select %eq3A_1396, %broadcast_in_dim3A_1398, %select_n3A_946 : vector<512x128xi1>, vector<512x128xf32>
    %eq3A_1400 = arith.constant 3.900000e+01 : f32
    %eq3A_1401 = vector.broadcast %eq3A_1400 : f32 to vector<512x128xf32>
    %eq3A_1402 = arith.cmpf oeq, %select_n3A_1160, %eq3A_1401 : vector<512x128xf32>
    %jit3A_1403 = arith.constant 0x7F800000 : f32
    %broadcast_in_dim3A_1404 = vector.broadcast %jit3A_1403 : f32 to vector<512x128xf32>
    %select_n3A_1405 = arith.select %eq3A_1402, %broadcast_in_dim3A_1404, %select_n3A_952 : vector<512x128xi1>, vector<512x128xf32>
    %eq3A_1406 = arith.constant 4.000000e+01 : f32
    %eq3A_1407 = vector.broadcast %eq3A_1406 : f32 to vector<512x128xf32>
    %eq3A_1408 = arith.cmpf oeq, %select_n3A_1160, %eq3A_1407 : vector<512x128xf32>
    %jit3A_1409 = arith.constant 0x7F800000 : f32
    %broadcast_in_dim3A_1410 = vector.broadcast %jit3A_1409 : f32 to vector<512x128xf32>
    %select_n3A_1411 = arith.select %eq3A_1408, %broadcast_in_dim3A_1410, %select_n3A_958 : vector<512x128xi1>, vector<512x128xf32>
    %le3A_1412 = arith.cmpf ole, %select_n3A_1171, %select_n3A_1177 : vector<512x128xf32>
    %select_n3A_1413 = arith.select %le3A_1412, %select_n3A_1171, %select_n3A_1177 : vector<512x128xi1>, vector<512x128xf32>
    %jit3A_1414 = arith.constant 0.000000e+00 : f32
    %jit3A_1415 = arith.constant 1.000000e+00 : f32
    %broadcast_in_dim3A_1416 = vector.broadcast %jit3A_1414 : f32 to vector<512x128xf32>
    %broadcast_in_dim3A_1417 = vector.broadcast %jit3A_1415 : f32 to vector<512x128xf32>
    %select_n3A_1418 = arith.select %le3A_1412, %broadcast_in_dim3A_1416, %broadcast_in_dim3A_1417 : vector<512x128xi1>, vector<512x128xf32>
    %le3A_1419 = arith.cmpf ole, %select_n3A_1183, %select_n3A_1189 : vector<512x128xf32>
    %select_n3A_1420 = arith.select %le3A_1419, %select_n3A_1183, %select_n3A_1189 : vector<512x128xi1>, vector<512x128xf32>
    %jit3A_1421 = arith.constant 2.000000e+00 : f32
    %jit3A_1422 = arith.constant 3.000000e+00 : f32
    %broadcast_in_dim3A_1423 = vector.broadcast %jit3A_1421 : f32 to vector<512x128xf32>
    %broadcast_in_dim3A_1424 = vector.broadcast %jit3A_1422 : f32 to vector<512x128xf32>
    %select_n3A_1425 = arith.select %le3A_1419, %broadcast_in_dim3A_1423, %broadcast_in_dim3A_1424 : vector<512x128xi1>, vector<512x128xf32>
    %le3A_1426 = arith.cmpf ole, %select_n3A_1195, %select_n3A_1201 : vector<512x128xf32>
    %select_n3A_1427 = arith.select %le3A_1426, %select_n3A_1195, %select_n3A_1201 : vector<512x128xi1>, vector<512x128xf32>
    %jit3A_1428 = arith.constant 4.000000e+00 : f32
    %jit3A_1429 = arith.constant 5.000000e+00 : f32
    %broadcast_in_dim3A_1430 = vector.broadcast %jit3A_1428 : f32 to vector<512x128xf32>
    %broadcast_in_dim3A_1431 = vector.broadcast %jit3A_1429 : f32 to vector<512x128xf32>
    %select_n3A_1432 = arith.select %le3A_1426, %broadcast_in_dim3A_1430, %broadcast_in_dim3A_1431 : vector<512x128xi1>, vector<512x128xf32>
    %le3A_1433 = arith.cmpf ole, %select_n3A_1207, %select_n3A_1213 : vector<512x128xf32>
    %select_n3A_1434 = arith.select %le3A_1433, %select_n3A_1207, %select_n3A_1213 : vector<512x128xi1>, vector<512x128xf32>
    %jit3A_1435 = arith.constant 6.000000e+00 : f32
    %jit3A_1436 = arith.constant 7.000000e+00 : f32
    %broadcast_in_dim3A_1437 = vector.broadcast %jit3A_1435 : f32 to vector<512x128xf32>
    %broadcast_in_dim3A_1438 = vector.broadcast %jit3A_1436 : f32 to vector<512x128xf32>
    %select_n3A_1439 = arith.select %le3A_1433, %broadcast_in_dim3A_1437, %broadcast_in_dim3A_1438 : vector<512x128xi1>, vector<512x128xf32>
    %le3A_1440 = arith.cmpf ole, %select_n3A_1219, %select_n3A_1225 : vector<512x128xf32>
    %select_n3A_1441 = arith.select %le3A_1440, %select_n3A_1219, %select_n3A_1225 : vector<512x128xi1>, vector<512x128xf32>
    %jit3A_1442 = arith.constant 8.000000e+00 : f32
    %jit3A_1443 = arith.constant 9.000000e+00 : f32
    %broadcast_in_dim3A_1444 = vector.broadcast %jit3A_1442 : f32 to vector<512x128xf32>
    %broadcast_in_dim3A_1445 = vector.broadcast %jit3A_1443 : f32 to vector<512x128xf32>
    %select_n3A_1446 = arith.select %le3A_1440, %broadcast_in_dim3A_1444, %broadcast_in_dim3A_1445 : vector<512x128xi1>, vector<512x128xf32>
    %le3A_1447 = arith.cmpf ole, %select_n3A_1231, %select_n3A_1237 : vector<512x128xf32>
    %select_n3A_1448 = arith.select %le3A_1447, %select_n3A_1231, %select_n3A_1237 : vector<512x128xi1>, vector<512x128xf32>
    %jit3A_1449 = arith.constant 1.000000e+01 : f32
    %jit3A_1450 = arith.constant 1.100000e+01 : f32
    %broadcast_in_dim3A_1451 = vector.broadcast %jit3A_1449 : f32 to vector<512x128xf32>
    %broadcast_in_dim3A_1452 = vector.broadcast %jit3A_1450 : f32 to vector<512x128xf32>
    %select_n3A_1453 = arith.select %le3A_1447, %broadcast_in_dim3A_1451, %broadcast_in_dim3A_1452 : vector<512x128xi1>, vector<512x128xf32>
    %le3A_1454 = arith.cmpf ole, %select_n3A_1243, %select_n3A_1249 : vector<512x128xf32>
    %select_n3A_1455 = arith.select %le3A_1454, %select_n3A_1243, %select_n3A_1249 : vector<512x128xi1>, vector<512x128xf32>
    %jit3A_1456 = arith.constant 1.200000e+01 : f32
    %jit3A_1457 = arith.constant 1.300000e+01 : f32
    %broadcast_in_dim3A_1458 = vector.broadcast %jit3A_1456 : f32 to vector<512x128xf32>
    %broadcast_in_dim3A_1459 = vector.broadcast %jit3A_1457 : f32 to vector<512x128xf32>
    %select_n3A_1460 = arith.select %le3A_1454, %broadcast_in_dim3A_1458, %broadcast_in_dim3A_1459 : vector<512x128xi1>, vector<512x128xf32>
    %le3A_1461 = arith.cmpf ole, %select_n3A_1255, %select_n3A_1261 : vector<512x128xf32>
    %select_n3A_1462 = arith.select %le3A_1461, %select_n3A_1255, %select_n3A_1261 : vector<512x128xi1>, vector<512x128xf32>
    %jit3A_1463 = arith.constant 1.400000e+01 : f32
    %jit3A_1464 = arith.constant 1.500000e+01 : f32
    %broadcast_in_dim3A_1465 = vector.broadcast %jit3A_1463 : f32 to vector<512x128xf32>
    %broadcast_in_dim3A_1466 = vector.broadcast %jit3A_1464 : f32 to vector<512x128xf32>
    %select_n3A_1467 = arith.select %le3A_1461, %broadcast_in_dim3A_1465, %broadcast_in_dim3A_1466 : vector<512x128xi1>, vector<512x128xf32>
    %le3A_1468 = arith.cmpf ole, %select_n3A_1267, %select_n3A_1273 : vector<512x128xf32>
    %select_n3A_1469 = arith.select %le3A_1468, %select_n3A_1267, %select_n3A_1273 : vector<512x128xi1>, vector<512x128xf32>
    %jit3A_1470 = arith.constant 1.600000e+01 : f32
    %jit3A_1471 = arith.constant 1.700000e+01 : f32
    %broadcast_in_dim3A_1472 = vector.broadcast %jit3A_1470 : f32 to vector<512x128xf32>
    %broadcast_in_dim3A_1473 = vector.broadcast %jit3A_1471 : f32 to vector<512x128xf32>
    %select_n3A_1474 = arith.select %le3A_1468, %broadcast_in_dim3A_1472, %broadcast_in_dim3A_1473 : vector<512x128xi1>, vector<512x128xf32>
    %le3A_1475 = arith.cmpf ole, %select_n3A_1279, %select_n3A_1285 : vector<512x128xf32>
    %select_n3A_1476 = arith.select %le3A_1475, %select_n3A_1279, %select_n3A_1285 : vector<512x128xi1>, vector<512x128xf32>
    %jit3A_1477 = arith.constant 1.800000e+01 : f32
    %jit3A_1478 = arith.constant 1.900000e+01 : f32
    %broadcast_in_dim3A_1479 = vector.broadcast %jit3A_1477 : f32 to vector<512x128xf32>
    %broadcast_in_dim3A_1480 = vector.broadcast %jit3A_1478 : f32 to vector<512x128xf32>
    %select_n3A_1481 = arith.select %le3A_1475, %broadcast_in_dim3A_1479, %broadcast_in_dim3A_1480 : vector<512x128xi1>, vector<512x128xf32>
    %le3A_1482 = arith.cmpf ole, %select_n3A_1291, %select_n3A_1297 : vector<512x128xf32>
    %select_n3A_1483 = arith.select %le3A_1482, %select_n3A_1291, %select_n3A_1297 : vector<512x128xi1>, vector<512x128xf32>
    %jit3A_1484 = arith.constant 2.000000e+01 : f32
    %jit3A_1485 = arith.constant 2.100000e+01 : f32
    %broadcast_in_dim3A_1486 = vector.broadcast %jit3A_1484 : f32 to vector<512x128xf32>
    %broadcast_in_dim3A_1487 = vector.broadcast %jit3A_1485 : f32 to vector<512x128xf32>
    %select_n3A_1488 = arith.select %le3A_1482, %broadcast_in_dim3A_1486, %broadcast_in_dim3A_1487 : vector<512x128xi1>, vector<512x128xf32>
    %le3A_1489 = arith.cmpf ole, %select_n3A_1303, %select_n3A_1309 : vector<512x128xf32>
    %select_n3A_1490 = arith.select %le3A_1489, %select_n3A_1303, %select_n3A_1309 : vector<512x128xi1>, vector<512x128xf32>
    %jit3A_1491 = arith.constant 2.200000e+01 : f32
    %jit3A_1492 = arith.constant 2.300000e+01 : f32
    %broadcast_in_dim3A_1493 = vector.broadcast %jit3A_1491 : f32 to vector<512x128xf32>
    %broadcast_in_dim3A_1494 = vector.broadcast %jit3A_1492 : f32 to vector<512x128xf32>
    %select_n3A_1495 = arith.select %le3A_1489, %broadcast_in_dim3A_1493, %broadcast_in_dim3A_1494 : vector<512x128xi1>, vector<512x128xf32>
    %le3A_1496 = arith.cmpf ole, %select_n3A_1315, %select_n3A_1321 : vector<512x128xf32>
    %select_n3A_1497 = arith.select %le3A_1496, %select_n3A_1315, %select_n3A_1321 : vector<512x128xi1>, vector<512x128xf32>
    %jit3A_1498 = arith.constant 2.400000e+01 : f32
    %jit3A_1499 = arith.constant 2.500000e+01 : f32
    %broadcast_in_dim3A_1500 = vector.broadcast %jit3A_1498 : f32 to vector<512x128xf32>
    %broadcast_in_dim3A_1501 = vector.broadcast %jit3A_1499 : f32 to vector<512x128xf32>
    %select_n3A_1502 = arith.select %le3A_1496, %broadcast_in_dim3A_1500, %broadcast_in_dim3A_1501 : vector<512x128xi1>, vector<512x128xf32>
    %le3A_1503 = arith.cmpf ole, %select_n3A_1327, %select_n3A_1333 : vector<512x128xf32>
    %select_n3A_1504 = arith.select %le3A_1503, %select_n3A_1327, %select_n3A_1333 : vector<512x128xi1>, vector<512x128xf32>
    %jit3A_1505 = arith.constant 2.600000e+01 : f32
    %jit3A_1506 = arith.constant 2.700000e+01 : f32
    %broadcast_in_dim3A_1507 = vector.broadcast %jit3A_1505 : f32 to vector<512x128xf32>
    %broadcast_in_dim3A_1508 = vector.broadcast %jit3A_1506 : f32 to vector<512x128xf32>
    %select_n3A_1509 = arith.select %le3A_1503, %broadcast_in_dim3A_1507, %broadcast_in_dim3A_1508 : vector<512x128xi1>, vector<512x128xf32>
    %le3A_1510 = arith.cmpf ole, %select_n3A_1339, %select_n3A_1345 : vector<512x128xf32>
    %select_n3A_1511 = arith.select %le3A_1510, %select_n3A_1339, %select_n3A_1345 : vector<512x128xi1>, vector<512x128xf32>
    %jit3A_1512 = arith.constant 2.800000e+01 : f32
    %jit3A_1513 = arith.constant 2.900000e+01 : f32
    %broadcast_in_dim3A_1514 = vector.broadcast %jit3A_1512 : f32 to vector<512x128xf32>
    %broadcast_in_dim3A_1515 = vector.broadcast %jit3A_1513 : f32 to vector<512x128xf32>
    %select_n3A_1516 = arith.select %le3A_1510, %broadcast_in_dim3A_1514, %broadcast_in_dim3A_1515 : vector<512x128xi1>, vector<512x128xf32>
    %le3A_1517 = arith.cmpf ole, %select_n3A_1351, %select_n3A_1357 : vector<512x128xf32>
    %select_n3A_1518 = arith.select %le3A_1517, %select_n3A_1351, %select_n3A_1357 : vector<512x128xi1>, vector<512x128xf32>
    %jit3A_1519 = arith.constant 3.000000e+01 : f32
    %jit3A_1520 = arith.constant 3.100000e+01 : f32
    %broadcast_in_dim3A_1521 = vector.broadcast %jit3A_1519 : f32 to vector<512x128xf32>
    %broadcast_in_dim3A_1522 = vector.broadcast %jit3A_1520 : f32 to vector<512x128xf32>
    %select_n3A_1523 = arith.select %le3A_1517, %broadcast_in_dim3A_1521, %broadcast_in_dim3A_1522 : vector<512x128xi1>, vector<512x128xf32>
    %le3A_1524 = arith.cmpf ole, %select_n3A_1363, %select_n3A_1369 : vector<512x128xf32>
    %select_n3A_1525 = arith.select %le3A_1524, %select_n3A_1363, %select_n3A_1369 : vector<512x128xi1>, vector<512x128xf32>
    %jit3A_1526 = arith.constant 3.200000e+01 : f32
    %jit3A_1527 = arith.constant 3.300000e+01 : f32
    %broadcast_in_dim3A_1528 = vector.broadcast %jit3A_1526 : f32 to vector<512x128xf32>
    %broadcast_in_dim3A_1529 = vector.broadcast %jit3A_1527 : f32 to vector<512x128xf32>
    %select_n3A_1530 = arith.select %le3A_1524, %broadcast_in_dim3A_1528, %broadcast_in_dim3A_1529 : vector<512x128xi1>, vector<512x128xf32>
    %le3A_1531 = arith.cmpf ole, %select_n3A_1375, %select_n3A_1381 : vector<512x128xf32>
    %select_n3A_1532 = arith.select %le3A_1531, %select_n3A_1375, %select_n3A_1381 : vector<512x128xi1>, vector<512x128xf32>
    %jit3A_1533 = arith.constant 3.400000e+01 : f32
    %jit3A_1534 = arith.constant 3.500000e+01 : f32
    %broadcast_in_dim3A_1535 = vector.broadcast %jit3A_1533 : f32 to vector<512x128xf32>
    %broadcast_in_dim3A_1536 = vector.broadcast %jit3A_1534 : f32 to vector<512x128xf32>
    %select_n3A_1537 = arith.select %le3A_1531, %broadcast_in_dim3A_1535, %broadcast_in_dim3A_1536 : vector<512x128xi1>, vector<512x128xf32>
    %le3A_1538 = arith.cmpf ole, %select_n3A_1387, %select_n3A_1393 : vector<512x128xf32>
    %select_n3A_1539 = arith.select %le3A_1538, %select_n3A_1387, %select_n3A_1393 : vector<512x128xi1>, vector<512x128xf32>
    %jit3A_1540 = arith.constant 3.600000e+01 : f32
    %jit3A_1541 = arith.constant 3.700000e+01 : f32
    %broadcast_in_dim3A_1542 = vector.broadcast %jit3A_1540 : f32 to vector<512x128xf32>
    %broadcast_in_dim3A_1543 = vector.broadcast %jit3A_1541 : f32 to vector<512x128xf32>
    %select_n3A_1544 = arith.select %le3A_1538, %broadcast_in_dim3A_1542, %broadcast_in_dim3A_1543 : vector<512x128xi1>, vector<512x128xf32>
    %le3A_1545 = arith.cmpf ole, %select_n3A_1399, %select_n3A_1405 : vector<512x128xf32>
    %select_n3A_1546 = arith.select %le3A_1545, %select_n3A_1399, %select_n3A_1405 : vector<512x128xi1>, vector<512x128xf32>
    %jit3A_1547 = arith.constant 3.800000e+01 : f32
    %jit3A_1548 = arith.constant 3.900000e+01 : f32
    %broadcast_in_dim3A_1549 = vector.broadcast %jit3A_1547 : f32 to vector<512x128xf32>
    %broadcast_in_dim3A_1550 = vector.broadcast %jit3A_1548 : f32 to vector<512x128xf32>
    %select_n3A_1551 = arith.select %le3A_1545, %broadcast_in_dim3A_1549, %broadcast_in_dim3A_1550 : vector<512x128xi1>, vector<512x128xf32>
    %le3A_1552 = arith.cmpf ole, %select_n3A_1413, %select_n3A_1420 : vector<512x128xf32>
    %select_n3A_1553 = arith.select %le3A_1552, %select_n3A_1413, %select_n3A_1420 : vector<512x128xi1>, vector<512x128xf32>
    %select_n3A_1554 = arith.select %le3A_1552, %select_n3A_1418, %select_n3A_1425 : vector<512x128xi1>, vector<512x128xf32>
    %le3A_1555 = arith.cmpf ole, %select_n3A_1427, %select_n3A_1434 : vector<512x128xf32>
    %select_n3A_1556 = arith.select %le3A_1555, %select_n3A_1427, %select_n3A_1434 : vector<512x128xi1>, vector<512x128xf32>
    %select_n3A_1557 = arith.select %le3A_1555, %select_n3A_1432, %select_n3A_1439 : vector<512x128xi1>, vector<512x128xf32>
    %le3A_1558 = arith.cmpf ole, %select_n3A_1441, %select_n3A_1448 : vector<512x128xf32>
    %select_n3A_1559 = arith.select %le3A_1558, %select_n3A_1441, %select_n3A_1448 : vector<512x128xi1>, vector<512x128xf32>
    %select_n3A_1560 = arith.select %le3A_1558, %select_n3A_1446, %select_n3A_1453 : vector<512x128xi1>, vector<512x128xf32>
    %le3A_1561 = arith.cmpf ole, %select_n3A_1455, %select_n3A_1462 : vector<512x128xf32>
    %select_n3A_1562 = arith.select %le3A_1561, %select_n3A_1455, %select_n3A_1462 : vector<512x128xi1>, vector<512x128xf32>
    %select_n3A_1563 = arith.select %le3A_1561, %select_n3A_1460, %select_n3A_1467 : vector<512x128xi1>, vector<512x128xf32>
    %le3A_1564 = arith.cmpf ole, %select_n3A_1469, %select_n3A_1476 : vector<512x128xf32>
    %select_n3A_1565 = arith.select %le3A_1564, %select_n3A_1469, %select_n3A_1476 : vector<512x128xi1>, vector<512x128xf32>
    %select_n3A_1566 = arith.select %le3A_1564, %select_n3A_1474, %select_n3A_1481 : vector<512x128xi1>, vector<512x128xf32>
    %le3A_1567 = arith.cmpf ole, %select_n3A_1483, %select_n3A_1490 : vector<512x128xf32>
    %select_n3A_1568 = arith.select %le3A_1567, %select_n3A_1483, %select_n3A_1490 : vector<512x128xi1>, vector<512x128xf32>
    %select_n3A_1569 = arith.select %le3A_1567, %select_n3A_1488, %select_n3A_1495 : vector<512x128xi1>, vector<512x128xf32>
    %le3A_1570 = arith.cmpf ole, %select_n3A_1497, %select_n3A_1504 : vector<512x128xf32>
    %select_n3A_1571 = arith.select %le3A_1570, %select_n3A_1497, %select_n3A_1504 : vector<512x128xi1>, vector<512x128xf32>
    %select_n3A_1572 = arith.select %le3A_1570, %select_n3A_1502, %select_n3A_1509 : vector<512x128xi1>, vector<512x128xf32>
    %le3A_1573 = arith.cmpf ole, %select_n3A_1511, %select_n3A_1518 : vector<512x128xf32>
    %select_n3A_1574 = arith.select %le3A_1573, %select_n3A_1511, %select_n3A_1518 : vector<512x128xi1>, vector<512x128xf32>
    %select_n3A_1575 = arith.select %le3A_1573, %select_n3A_1516, %select_n3A_1523 : vector<512x128xi1>, vector<512x128xf32>
    %le3A_1576 = arith.cmpf ole, %select_n3A_1525, %select_n3A_1532 : vector<512x128xf32>
    %select_n3A_1577 = arith.select %le3A_1576, %select_n3A_1525, %select_n3A_1532 : vector<512x128xi1>, vector<512x128xf32>
    %select_n3A_1578 = arith.select %le3A_1576, %select_n3A_1530, %select_n3A_1537 : vector<512x128xi1>, vector<512x128xf32>
    %le3A_1579 = arith.cmpf ole, %select_n3A_1539, %select_n3A_1546 : vector<512x128xf32>
    %select_n3A_1580 = arith.select %le3A_1579, %select_n3A_1539, %select_n3A_1546 : vector<512x128xi1>, vector<512x128xf32>
    %select_n3A_1581 = arith.select %le3A_1579, %select_n3A_1544, %select_n3A_1551 : vector<512x128xi1>, vector<512x128xf32>
    %le3A_1582 = arith.cmpf ole, %select_n3A_1553, %select_n3A_1556 : vector<512x128xf32>
    %select_n3A_1583 = arith.select %le3A_1582, %select_n3A_1553, %select_n3A_1556 : vector<512x128xi1>, vector<512x128xf32>
    %select_n3A_1584 = arith.select %le3A_1582, %select_n3A_1554, %select_n3A_1557 : vector<512x128xi1>, vector<512x128xf32>
    %le3A_1585 = arith.cmpf ole, %select_n3A_1559, %select_n3A_1562 : vector<512x128xf32>
    %select_n3A_1586 = arith.select %le3A_1585, %select_n3A_1559, %select_n3A_1562 : vector<512x128xi1>, vector<512x128xf32>
    %select_n3A_1587 = arith.select %le3A_1585, %select_n3A_1560, %select_n3A_1563 : vector<512x128xi1>, vector<512x128xf32>
    %le3A_1588 = arith.cmpf ole, %select_n3A_1565, %select_n3A_1568 : vector<512x128xf32>
    %select_n3A_1589 = arith.select %le3A_1588, %select_n3A_1565, %select_n3A_1568 : vector<512x128xi1>, vector<512x128xf32>
    %select_n3A_1590 = arith.select %le3A_1588, %select_n3A_1566, %select_n3A_1569 : vector<512x128xi1>, vector<512x128xf32>
    %le3A_1591 = arith.cmpf ole, %select_n3A_1571, %select_n3A_1574 : vector<512x128xf32>
    %select_n3A_1592 = arith.select %le3A_1591, %select_n3A_1571, %select_n3A_1574 : vector<512x128xi1>, vector<512x128xf32>
    %select_n3A_1593 = arith.select %le3A_1591, %select_n3A_1572, %select_n3A_1575 : vector<512x128xi1>, vector<512x128xf32>
    %le3A_1594 = arith.cmpf ole, %select_n3A_1577, %select_n3A_1580 : vector<512x128xf32>
    %select_n3A_1595 = arith.select %le3A_1594, %select_n3A_1577, %select_n3A_1580 : vector<512x128xi1>, vector<512x128xf32>
    %select_n3A_1596 = arith.select %le3A_1594, %select_n3A_1578, %select_n3A_1581 : vector<512x128xi1>, vector<512x128xf32>
    %le3A_1597 = arith.cmpf ole, %select_n3A_1583, %select_n3A_1586 : vector<512x128xf32>
    %select_n3A_1598 = arith.select %le3A_1597, %select_n3A_1583, %select_n3A_1586 : vector<512x128xi1>, vector<512x128xf32>
    %select_n3A_1599 = arith.select %le3A_1597, %select_n3A_1584, %select_n3A_1587 : vector<512x128xi1>, vector<512x128xf32>
    %le3A_1600 = arith.cmpf ole, %select_n3A_1589, %select_n3A_1592 : vector<512x128xf32>
    %select_n3A_1601 = arith.select %le3A_1600, %select_n3A_1589, %select_n3A_1592 : vector<512x128xi1>, vector<512x128xf32>
    %select_n3A_1602 = arith.select %le3A_1600, %select_n3A_1590, %select_n3A_1593 : vector<512x128xi1>, vector<512x128xf32>
    %le3A_1603 = arith.cmpf ole, %select_n3A_1595, %select_n3A_1411 : vector<512x128xf32>
    %select_n3A_1604 = arith.select %le3A_1603, %select_n3A_1595, %select_n3A_1411 : vector<512x128xi1>, vector<512x128xf32>
    %jit3A_1605 = arith.constant 4.000000e+01 : f32
    %broadcast_in_dim3A_1606 = vector.broadcast %jit3A_1605 : f32 to vector<512x128xf32>
    %select_n3A_1607 = arith.select %le3A_1603, %select_n3A_1596, %broadcast_in_dim3A_1606 : vector<512x128xi1>, vector<512x128xf32>
    %le3A_1608 = arith.cmpf ole, %select_n3A_1598, %select_n3A_1601 : vector<512x128xf32>
    %select_n3A_1609 = arith.select %le3A_1608, %select_n3A_1598, %select_n3A_1601 : vector<512x128xi1>, vector<512x128xf32>
    %select_n3A_1610 = arith.select %le3A_1608, %select_n3A_1599, %select_n3A_1602 : vector<512x128xi1>, vector<512x128xf32>
    %le3A_1611 = arith.cmpf ole, %select_n3A_1609, %select_n3A_1604 : vector<512x128xf32>
    %select_n3A_1612 = arith.select %le3A_1611, %select_n3A_1609, %select_n3A_1604 : vector<512x128xi1>, vector<512x128xf32>
    %select_n3A_1613 = arith.select %le3A_1611, %select_n3A_1610, %select_n3A_1607 : vector<512x128xi1>, vector<512x128xf32>
    %mul3A_1614 = arith.constant 1.280000e+02 : f32
    %mul3A_1615 = vector.broadcast %mul3A_1614 : f32 to vector<512x128xf32>
    %mul3A_1616 = arith.mulf %select_n3A_1613, %mul3A_1615 : vector<512x128xf32>
    %add3A_1617 = vector.broadcast %convert_element_type3A : vector<1x128xf32> to vector<512x128xf32>
    %add3A_1618 = arith.addf %mul3A_1616, %add3A_1617 : vector<512x128xf32>
    %eq3A_1619 = arith.constant 0.000000e+00 : f32
    %eq3A_1620 = vector.broadcast %eq3A_1619 : f32 to vector<512x128xf32>
    %eq3A_1621 = arith.cmpf oeq, %select_n3A_1613, %eq3A_1620 : vector<512x128xf32>
    %jit3A_1622 = arith.constant 0x7F800000 : f32
    %broadcast_in_dim3A_1623 = vector.broadcast %jit3A_1622 : f32 to vector<512x128xf32>
    %select_n3A_1624 = arith.select %eq3A_1621, %broadcast_in_dim3A_1623, %select_n3A_1171 : vector<512x128xi1>, vector<512x128xf32>
    %eq3A_1625 = arith.constant 1.000000e+00 : f32
    %eq3A_1626 = vector.broadcast %eq3A_1625 : f32 to vector<512x128xf32>
    %eq3A_1627 = arith.cmpf oeq, %select_n3A_1613, %eq3A_1626 : vector<512x128xf32>
    %jit3A_1628 = arith.constant 0x7F800000 : f32
    %broadcast_in_dim3A_1629 = vector.broadcast %jit3A_1628 : f32 to vector<512x128xf32>
    %select_n3A_1630 = arith.select %eq3A_1627, %broadcast_in_dim3A_1629, %select_n3A_1177 : vector<512x128xi1>, vector<512x128xf32>
    %eq3A_1631 = arith.constant 2.000000e+00 : f32
    %eq3A_1632 = vector.broadcast %eq3A_1631 : f32 to vector<512x128xf32>
    %eq3A_1633 = arith.cmpf oeq, %select_n3A_1613, %eq3A_1632 : vector<512x128xf32>
    %jit3A_1634 = arith.constant 0x7F800000 : f32
    %broadcast_in_dim3A_1635 = vector.broadcast %jit3A_1634 : f32 to vector<512x128xf32>
    %select_n3A_1636 = arith.select %eq3A_1633, %broadcast_in_dim3A_1635, %select_n3A_1183 : vector<512x128xi1>, vector<512x128xf32>
    %eq3A_1637 = arith.constant 3.000000e+00 : f32
    %eq3A_1638 = vector.broadcast %eq3A_1637 : f32 to vector<512x128xf32>
    %eq3A_1639 = arith.cmpf oeq, %select_n3A_1613, %eq3A_1638 : vector<512x128xf32>
    %jit3A_1640 = arith.constant 0x7F800000 : f32
    %broadcast_in_dim3A_1641 = vector.broadcast %jit3A_1640 : f32 to vector<512x128xf32>
    %select_n3A_1642 = arith.select %eq3A_1639, %broadcast_in_dim3A_1641, %select_n3A_1189 : vector<512x128xi1>, vector<512x128xf32>
    %eq3A_1643 = arith.constant 4.000000e+00 : f32
    %eq3A_1644 = vector.broadcast %eq3A_1643 : f32 to vector<512x128xf32>
    %eq3A_1645 = arith.cmpf oeq, %select_n3A_1613, %eq3A_1644 : vector<512x128xf32>
    %jit3A_1646 = arith.constant 0x7F800000 : f32
    %broadcast_in_dim3A_1647 = vector.broadcast %jit3A_1646 : f32 to vector<512x128xf32>
    %select_n3A_1648 = arith.select %eq3A_1645, %broadcast_in_dim3A_1647, %select_n3A_1195 : vector<512x128xi1>, vector<512x128xf32>
    %eq3A_1649 = arith.constant 5.000000e+00 : f32
    %eq3A_1650 = vector.broadcast %eq3A_1649 : f32 to vector<512x128xf32>
    %eq3A_1651 = arith.cmpf oeq, %select_n3A_1613, %eq3A_1650 : vector<512x128xf32>
    %jit3A_1652 = arith.constant 0x7F800000 : f32
    %broadcast_in_dim3A_1653 = vector.broadcast %jit3A_1652 : f32 to vector<512x128xf32>
    %select_n3A_1654 = arith.select %eq3A_1651, %broadcast_in_dim3A_1653, %select_n3A_1201 : vector<512x128xi1>, vector<512x128xf32>
    %eq3A_1655 = arith.constant 6.000000e+00 : f32
    %eq3A_1656 = vector.broadcast %eq3A_1655 : f32 to vector<512x128xf32>
    %eq3A_1657 = arith.cmpf oeq, %select_n3A_1613, %eq3A_1656 : vector<512x128xf32>
    %jit3A_1658 = arith.constant 0x7F800000 : f32
    %broadcast_in_dim3A_1659 = vector.broadcast %jit3A_1658 : f32 to vector<512x128xf32>
    %select_n3A_1660 = arith.select %eq3A_1657, %broadcast_in_dim3A_1659, %select_n3A_1207 : vector<512x128xi1>, vector<512x128xf32>
    %eq3A_1661 = arith.constant 7.000000e+00 : f32
    %eq3A_1662 = vector.broadcast %eq3A_1661 : f32 to vector<512x128xf32>
    %eq3A_1663 = arith.cmpf oeq, %select_n3A_1613, %eq3A_1662 : vector<512x128xf32>
    %jit3A_1664 = arith.constant 0x7F800000 : f32
    %broadcast_in_dim3A_1665 = vector.broadcast %jit3A_1664 : f32 to vector<512x128xf32>
    %select_n3A_1666 = arith.select %eq3A_1663, %broadcast_in_dim3A_1665, %select_n3A_1213 : vector<512x128xi1>, vector<512x128xf32>
    %eq3A_1667 = arith.constant 8.000000e+00 : f32
    %eq3A_1668 = vector.broadcast %eq3A_1667 : f32 to vector<512x128xf32>
    %eq3A_1669 = arith.cmpf oeq, %select_n3A_1613, %eq3A_1668 : vector<512x128xf32>
    %jit3A_1670 = arith.constant 0x7F800000 : f32
    %broadcast_in_dim3A_1671 = vector.broadcast %jit3A_1670 : f32 to vector<512x128xf32>
    %select_n3A_1672 = arith.select %eq3A_1669, %broadcast_in_dim3A_1671, %select_n3A_1219 : vector<512x128xi1>, vector<512x128xf32>
    %eq3A_1673 = arith.constant 9.000000e+00 : f32
    %eq3A_1674 = vector.broadcast %eq3A_1673 : f32 to vector<512x128xf32>
    %eq3A_1675 = arith.cmpf oeq, %select_n3A_1613, %eq3A_1674 : vector<512x128xf32>
    %jit3A_1676 = arith.constant 0x7F800000 : f32
    %broadcast_in_dim3A_1677 = vector.broadcast %jit3A_1676 : f32 to vector<512x128xf32>
    %select_n3A_1678 = arith.select %eq3A_1675, %broadcast_in_dim3A_1677, %select_n3A_1225 : vector<512x128xi1>, vector<512x128xf32>
    %eq3A_1679 = arith.constant 1.000000e+01 : f32
    %eq3A_1680 = vector.broadcast %eq3A_1679 : f32 to vector<512x128xf32>
    %eq3A_1681 = arith.cmpf oeq, %select_n3A_1613, %eq3A_1680 : vector<512x128xf32>
    %jit3A_1682 = arith.constant 0x7F800000 : f32
    %broadcast_in_dim3A_1683 = vector.broadcast %jit3A_1682 : f32 to vector<512x128xf32>
    %select_n3A_1684 = arith.select %eq3A_1681, %broadcast_in_dim3A_1683, %select_n3A_1231 : vector<512x128xi1>, vector<512x128xf32>
    %eq3A_1685 = arith.constant 1.100000e+01 : f32
    %eq3A_1686 = vector.broadcast %eq3A_1685 : f32 to vector<512x128xf32>
    %eq3A_1687 = arith.cmpf oeq, %select_n3A_1613, %eq3A_1686 : vector<512x128xf32>
    %jit3A_1688 = arith.constant 0x7F800000 : f32
    %broadcast_in_dim3A_1689 = vector.broadcast %jit3A_1688 : f32 to vector<512x128xf32>
    %select_n3A_1690 = arith.select %eq3A_1687, %broadcast_in_dim3A_1689, %select_n3A_1237 : vector<512x128xi1>, vector<512x128xf32>
    %eq3A_1691 = arith.constant 1.200000e+01 : f32
    %eq3A_1692 = vector.broadcast %eq3A_1691 : f32 to vector<512x128xf32>
    %eq3A_1693 = arith.cmpf oeq, %select_n3A_1613, %eq3A_1692 : vector<512x128xf32>
    %jit3A_1694 = arith.constant 0x7F800000 : f32
    %broadcast_in_dim3A_1695 = vector.broadcast %jit3A_1694 : f32 to vector<512x128xf32>
    %select_n3A_1696 = arith.select %eq3A_1693, %broadcast_in_dim3A_1695, %select_n3A_1243 : vector<512x128xi1>, vector<512x128xf32>
    %eq3A_1697 = arith.constant 1.300000e+01 : f32
    %eq3A_1698 = vector.broadcast %eq3A_1697 : f32 to vector<512x128xf32>
    %eq3A_1699 = arith.cmpf oeq, %select_n3A_1613, %eq3A_1698 : vector<512x128xf32>
    %jit3A_1700 = arith.constant 0x7F800000 : f32
    %broadcast_in_dim3A_1701 = vector.broadcast %jit3A_1700 : f32 to vector<512x128xf32>
    %select_n3A_1702 = arith.select %eq3A_1699, %broadcast_in_dim3A_1701, %select_n3A_1249 : vector<512x128xi1>, vector<512x128xf32>
    %eq3A_1703 = arith.constant 1.400000e+01 : f32
    %eq3A_1704 = vector.broadcast %eq3A_1703 : f32 to vector<512x128xf32>
    %eq3A_1705 = arith.cmpf oeq, %select_n3A_1613, %eq3A_1704 : vector<512x128xf32>
    %jit3A_1706 = arith.constant 0x7F800000 : f32
    %broadcast_in_dim3A_1707 = vector.broadcast %jit3A_1706 : f32 to vector<512x128xf32>
    %select_n3A_1708 = arith.select %eq3A_1705, %broadcast_in_dim3A_1707, %select_n3A_1255 : vector<512x128xi1>, vector<512x128xf32>
    %eq3A_1709 = arith.constant 1.500000e+01 : f32
    %eq3A_1710 = vector.broadcast %eq3A_1709 : f32 to vector<512x128xf32>
    %eq3A_1711 = arith.cmpf oeq, %select_n3A_1613, %eq3A_1710 : vector<512x128xf32>
    %jit3A_1712 = arith.constant 0x7F800000 : f32
    %broadcast_in_dim3A_1713 = vector.broadcast %jit3A_1712 : f32 to vector<512x128xf32>
    %select_n3A_1714 = arith.select %eq3A_1711, %broadcast_in_dim3A_1713, %select_n3A_1261 : vector<512x128xi1>, vector<512x128xf32>
    %eq3A_1715 = arith.constant 1.600000e+01 : f32
    %eq3A_1716 = vector.broadcast %eq3A_1715 : f32 to vector<512x128xf32>
    %eq3A_1717 = arith.cmpf oeq, %select_n3A_1613, %eq3A_1716 : vector<512x128xf32>
    %jit3A_1718 = arith.constant 0x7F800000 : f32
    %broadcast_in_dim3A_1719 = vector.broadcast %jit3A_1718 : f32 to vector<512x128xf32>
    %select_n3A_1720 = arith.select %eq3A_1717, %broadcast_in_dim3A_1719, %select_n3A_1267 : vector<512x128xi1>, vector<512x128xf32>
    %eq3A_1721 = arith.constant 1.700000e+01 : f32
    %eq3A_1722 = vector.broadcast %eq3A_1721 : f32 to vector<512x128xf32>
    %eq3A_1723 = arith.cmpf oeq, %select_n3A_1613, %eq3A_1722 : vector<512x128xf32>
    %jit3A_1724 = arith.constant 0x7F800000 : f32
    %broadcast_in_dim3A_1725 = vector.broadcast %jit3A_1724 : f32 to vector<512x128xf32>
    %select_n3A_1726 = arith.select %eq3A_1723, %broadcast_in_dim3A_1725, %select_n3A_1273 : vector<512x128xi1>, vector<512x128xf32>
    %eq3A_1727 = arith.constant 1.800000e+01 : f32
    %eq3A_1728 = vector.broadcast %eq3A_1727 : f32 to vector<512x128xf32>
    %eq3A_1729 = arith.cmpf oeq, %select_n3A_1613, %eq3A_1728 : vector<512x128xf32>
    %jit3A_1730 = arith.constant 0x7F800000 : f32
    %broadcast_in_dim3A_1731 = vector.broadcast %jit3A_1730 : f32 to vector<512x128xf32>
    %select_n3A_1732 = arith.select %eq3A_1729, %broadcast_in_dim3A_1731, %select_n3A_1279 : vector<512x128xi1>, vector<512x128xf32>
    %eq3A_1733 = arith.constant 1.900000e+01 : f32
    %eq3A_1734 = vector.broadcast %eq3A_1733 : f32 to vector<512x128xf32>
    %eq3A_1735 = arith.cmpf oeq, %select_n3A_1613, %eq3A_1734 : vector<512x128xf32>
    %jit3A_1736 = arith.constant 0x7F800000 : f32
    %broadcast_in_dim3A_1737 = vector.broadcast %jit3A_1736 : f32 to vector<512x128xf32>
    %select_n3A_1738 = arith.select %eq3A_1735, %broadcast_in_dim3A_1737, %select_n3A_1285 : vector<512x128xi1>, vector<512x128xf32>
    %eq3A_1739 = arith.constant 2.000000e+01 : f32
    %eq3A_1740 = vector.broadcast %eq3A_1739 : f32 to vector<512x128xf32>
    %eq3A_1741 = arith.cmpf oeq, %select_n3A_1613, %eq3A_1740 : vector<512x128xf32>
    %jit3A_1742 = arith.constant 0x7F800000 : f32
    %broadcast_in_dim3A_1743 = vector.broadcast %jit3A_1742 : f32 to vector<512x128xf32>
    %select_n3A_1744 = arith.select %eq3A_1741, %broadcast_in_dim3A_1743, %select_n3A_1291 : vector<512x128xi1>, vector<512x128xf32>
    %eq3A_1745 = arith.constant 2.100000e+01 : f32
    %eq3A_1746 = vector.broadcast %eq3A_1745 : f32 to vector<512x128xf32>
    %eq3A_1747 = arith.cmpf oeq, %select_n3A_1613, %eq3A_1746 : vector<512x128xf32>
    %jit3A_1748 = arith.constant 0x7F800000 : f32
    %broadcast_in_dim3A_1749 = vector.broadcast %jit3A_1748 : f32 to vector<512x128xf32>
    %select_n3A_1750 = arith.select %eq3A_1747, %broadcast_in_dim3A_1749, %select_n3A_1297 : vector<512x128xi1>, vector<512x128xf32>
    %eq3A_1751 = arith.constant 2.200000e+01 : f32
    %eq3A_1752 = vector.broadcast %eq3A_1751 : f32 to vector<512x128xf32>
    %eq3A_1753 = arith.cmpf oeq, %select_n3A_1613, %eq3A_1752 : vector<512x128xf32>
    %jit3A_1754 = arith.constant 0x7F800000 : f32
    %broadcast_in_dim3A_1755 = vector.broadcast %jit3A_1754 : f32 to vector<512x128xf32>
    %select_n3A_1756 = arith.select %eq3A_1753, %broadcast_in_dim3A_1755, %select_n3A_1303 : vector<512x128xi1>, vector<512x128xf32>
    %eq3A_1757 = arith.constant 2.300000e+01 : f32
    %eq3A_1758 = vector.broadcast %eq3A_1757 : f32 to vector<512x128xf32>
    %eq3A_1759 = arith.cmpf oeq, %select_n3A_1613, %eq3A_1758 : vector<512x128xf32>
    %jit3A_1760 = arith.constant 0x7F800000 : f32
    %broadcast_in_dim3A_1761 = vector.broadcast %jit3A_1760 : f32 to vector<512x128xf32>
    %select_n3A_1762 = arith.select %eq3A_1759, %broadcast_in_dim3A_1761, %select_n3A_1309 : vector<512x128xi1>, vector<512x128xf32>
    %eq3A_1763 = arith.constant 2.400000e+01 : f32
    %eq3A_1764 = vector.broadcast %eq3A_1763 : f32 to vector<512x128xf32>
    %eq3A_1765 = arith.cmpf oeq, %select_n3A_1613, %eq3A_1764 : vector<512x128xf32>
    %jit3A_1766 = arith.constant 0x7F800000 : f32
    %broadcast_in_dim3A_1767 = vector.broadcast %jit3A_1766 : f32 to vector<512x128xf32>
    %select_n3A_1768 = arith.select %eq3A_1765, %broadcast_in_dim3A_1767, %select_n3A_1315 : vector<512x128xi1>, vector<512x128xf32>
    %eq3A_1769 = arith.constant 2.500000e+01 : f32
    %eq3A_1770 = vector.broadcast %eq3A_1769 : f32 to vector<512x128xf32>
    %eq3A_1771 = arith.cmpf oeq, %select_n3A_1613, %eq3A_1770 : vector<512x128xf32>
    %jit3A_1772 = arith.constant 0x7F800000 : f32
    %broadcast_in_dim3A_1773 = vector.broadcast %jit3A_1772 : f32 to vector<512x128xf32>
    %select_n3A_1774 = arith.select %eq3A_1771, %broadcast_in_dim3A_1773, %select_n3A_1321 : vector<512x128xi1>, vector<512x128xf32>
    %eq3A_1775 = arith.constant 2.600000e+01 : f32
    %eq3A_1776 = vector.broadcast %eq3A_1775 : f32 to vector<512x128xf32>
    %eq3A_1777 = arith.cmpf oeq, %select_n3A_1613, %eq3A_1776 : vector<512x128xf32>
    %jit3A_1778 = arith.constant 0x7F800000 : f32
    %broadcast_in_dim3A_1779 = vector.broadcast %jit3A_1778 : f32 to vector<512x128xf32>
    %select_n3A_1780 = arith.select %eq3A_1777, %broadcast_in_dim3A_1779, %select_n3A_1327 : vector<512x128xi1>, vector<512x128xf32>
    %eq3A_1781 = arith.constant 2.700000e+01 : f32
    %eq3A_1782 = vector.broadcast %eq3A_1781 : f32 to vector<512x128xf32>
    %eq3A_1783 = arith.cmpf oeq, %select_n3A_1613, %eq3A_1782 : vector<512x128xf32>
    %jit3A_1784 = arith.constant 0x7F800000 : f32
    %broadcast_in_dim3A_1785 = vector.broadcast %jit3A_1784 : f32 to vector<512x128xf32>
    %select_n3A_1786 = arith.select %eq3A_1783, %broadcast_in_dim3A_1785, %select_n3A_1333 : vector<512x128xi1>, vector<512x128xf32>
    %eq3A_1787 = arith.constant 2.800000e+01 : f32
    %eq3A_1788 = vector.broadcast %eq3A_1787 : f32 to vector<512x128xf32>
    %eq3A_1789 = arith.cmpf oeq, %select_n3A_1613, %eq3A_1788 : vector<512x128xf32>
    %jit3A_1790 = arith.constant 0x7F800000 : f32
    %broadcast_in_dim3A_1791 = vector.broadcast %jit3A_1790 : f32 to vector<512x128xf32>
    %select_n3A_1792 = arith.select %eq3A_1789, %broadcast_in_dim3A_1791, %select_n3A_1339 : vector<512x128xi1>, vector<512x128xf32>
    %eq3A_1793 = arith.constant 2.900000e+01 : f32
    %eq3A_1794 = vector.broadcast %eq3A_1793 : f32 to vector<512x128xf32>
    %eq3A_1795 = arith.cmpf oeq, %select_n3A_1613, %eq3A_1794 : vector<512x128xf32>
    %jit3A_1796 = arith.constant 0x7F800000 : f32
    %broadcast_in_dim3A_1797 = vector.broadcast %jit3A_1796 : f32 to vector<512x128xf32>
    %select_n3A_1798 = arith.select %eq3A_1795, %broadcast_in_dim3A_1797, %select_n3A_1345 : vector<512x128xi1>, vector<512x128xf32>
    %eq3A_1799 = arith.constant 3.000000e+01 : f32
    %eq3A_1800 = vector.broadcast %eq3A_1799 : f32 to vector<512x128xf32>
    %eq3A_1801 = arith.cmpf oeq, %select_n3A_1613, %eq3A_1800 : vector<512x128xf32>
    %jit3A_1802 = arith.constant 0x7F800000 : f32
    %broadcast_in_dim3A_1803 = vector.broadcast %jit3A_1802 : f32 to vector<512x128xf32>
    %select_n3A_1804 = arith.select %eq3A_1801, %broadcast_in_dim3A_1803, %select_n3A_1351 : vector<512x128xi1>, vector<512x128xf32>
    %eq3A_1805 = arith.constant 3.100000e+01 : f32
    %eq3A_1806 = vector.broadcast %eq3A_1805 : f32 to vector<512x128xf32>
    %eq3A_1807 = arith.cmpf oeq, %select_n3A_1613, %eq3A_1806 : vector<512x128xf32>
    %jit3A_1808 = arith.constant 0x7F800000 : f32
    %broadcast_in_dim3A_1809 = vector.broadcast %jit3A_1808 : f32 to vector<512x128xf32>
    %select_n3A_1810 = arith.select %eq3A_1807, %broadcast_in_dim3A_1809, %select_n3A_1357 : vector<512x128xi1>, vector<512x128xf32>
    %eq3A_1811 = arith.constant 3.200000e+01 : f32
    %eq3A_1812 = vector.broadcast %eq3A_1811 : f32 to vector<512x128xf32>
    %eq3A_1813 = arith.cmpf oeq, %select_n3A_1613, %eq3A_1812 : vector<512x128xf32>
    %jit3A_1814 = arith.constant 0x7F800000 : f32
    %broadcast_in_dim3A_1815 = vector.broadcast %jit3A_1814 : f32 to vector<512x128xf32>
    %select_n3A_1816 = arith.select %eq3A_1813, %broadcast_in_dim3A_1815, %select_n3A_1363 : vector<512x128xi1>, vector<512x128xf32>
    %eq3A_1817 = arith.constant 3.300000e+01 : f32
    %eq3A_1818 = vector.broadcast %eq3A_1817 : f32 to vector<512x128xf32>
    %eq3A_1819 = arith.cmpf oeq, %select_n3A_1613, %eq3A_1818 : vector<512x128xf32>
    %jit3A_1820 = arith.constant 0x7F800000 : f32
    %broadcast_in_dim3A_1821 = vector.broadcast %jit3A_1820 : f32 to vector<512x128xf32>
    %select_n3A_1822 = arith.select %eq3A_1819, %broadcast_in_dim3A_1821, %select_n3A_1369 : vector<512x128xi1>, vector<512x128xf32>
    %eq3A_1823 = arith.constant 3.400000e+01 : f32
    %eq3A_1824 = vector.broadcast %eq3A_1823 : f32 to vector<512x128xf32>
    %eq3A_1825 = arith.cmpf oeq, %select_n3A_1613, %eq3A_1824 : vector<512x128xf32>
    %jit3A_1826 = arith.constant 0x7F800000 : f32
    %broadcast_in_dim3A_1827 = vector.broadcast %jit3A_1826 : f32 to vector<512x128xf32>
    %select_n3A_1828 = arith.select %eq3A_1825, %broadcast_in_dim3A_1827, %select_n3A_1375 : vector<512x128xi1>, vector<512x128xf32>
    %eq3A_1829 = arith.constant 3.500000e+01 : f32
    %eq3A_1830 = vector.broadcast %eq3A_1829 : f32 to vector<512x128xf32>
    %eq3A_1831 = arith.cmpf oeq, %select_n3A_1613, %eq3A_1830 : vector<512x128xf32>
    %jit3A_1832 = arith.constant 0x7F800000 : f32
    %broadcast_in_dim3A_1833 = vector.broadcast %jit3A_1832 : f32 to vector<512x128xf32>
    %select_n3A_1834 = arith.select %eq3A_1831, %broadcast_in_dim3A_1833, %select_n3A_1381 : vector<512x128xi1>, vector<512x128xf32>
    %eq3A_1835 = arith.constant 3.600000e+01 : f32
    %eq3A_1836 = vector.broadcast %eq3A_1835 : f32 to vector<512x128xf32>
    %eq3A_1837 = arith.cmpf oeq, %select_n3A_1613, %eq3A_1836 : vector<512x128xf32>
    %jit3A_1838 = arith.constant 0x7F800000 : f32
    %broadcast_in_dim3A_1839 = vector.broadcast %jit3A_1838 : f32 to vector<512x128xf32>
    %select_n3A_1840 = arith.select %eq3A_1837, %broadcast_in_dim3A_1839, %select_n3A_1387 : vector<512x128xi1>, vector<512x128xf32>
    %eq3A_1841 = arith.constant 3.700000e+01 : f32
    %eq3A_1842 = vector.broadcast %eq3A_1841 : f32 to vector<512x128xf32>
    %eq3A_1843 = arith.cmpf oeq, %select_n3A_1613, %eq3A_1842 : vector<512x128xf32>
    %jit3A_1844 = arith.constant 0x7F800000 : f32
    %broadcast_in_dim3A_1845 = vector.broadcast %jit3A_1844 : f32 to vector<512x128xf32>
    %select_n3A_1846 = arith.select %eq3A_1843, %broadcast_in_dim3A_1845, %select_n3A_1393 : vector<512x128xi1>, vector<512x128xf32>
    %eq3A_1847 = arith.constant 3.800000e+01 : f32
    %eq3A_1848 = vector.broadcast %eq3A_1847 : f32 to vector<512x128xf32>
    %eq3A_1849 = arith.cmpf oeq, %select_n3A_1613, %eq3A_1848 : vector<512x128xf32>
    %jit3A_1850 = arith.constant 0x7F800000 : f32
    %broadcast_in_dim3A_1851 = vector.broadcast %jit3A_1850 : f32 to vector<512x128xf32>
    %select_n3A_1852 = arith.select %eq3A_1849, %broadcast_in_dim3A_1851, %select_n3A_1399 : vector<512x128xi1>, vector<512x128xf32>
    %eq3A_1853 = arith.constant 3.900000e+01 : f32
    %eq3A_1854 = vector.broadcast %eq3A_1853 : f32 to vector<512x128xf32>
    %eq3A_1855 = arith.cmpf oeq, %select_n3A_1613, %eq3A_1854 : vector<512x128xf32>
    %jit3A_1856 = arith.constant 0x7F800000 : f32
    %broadcast_in_dim3A_1857 = vector.broadcast %jit3A_1856 : f32 to vector<512x128xf32>
    %select_n3A_1858 = arith.select %eq3A_1855, %broadcast_in_dim3A_1857, %select_n3A_1405 : vector<512x128xi1>, vector<512x128xf32>
    %eq3A_1859 = arith.constant 4.000000e+01 : f32
    %eq3A_1860 = vector.broadcast %eq3A_1859 : f32 to vector<512x128xf32>
    %eq3A_1861 = arith.cmpf oeq, %select_n3A_1613, %eq3A_1860 : vector<512x128xf32>
    %jit3A_1862 = arith.constant 0x7F800000 : f32
    %broadcast_in_dim3A_1863 = vector.broadcast %jit3A_1862 : f32 to vector<512x128xf32>
    %select_n3A_1864 = arith.select %eq3A_1861, %broadcast_in_dim3A_1863, %select_n3A_1411 : vector<512x128xi1>, vector<512x128xf32>
    %le3A_1865 = arith.cmpf ole, %select_n3A_1624, %select_n3A_1630 : vector<512x128xf32>
    %select_n3A_1866 = arith.select %le3A_1865, %select_n3A_1624, %select_n3A_1630 : vector<512x128xi1>, vector<512x128xf32>
    %jit3A_1867 = arith.constant 0.000000e+00 : f32
    %jit3A_1868 = arith.constant 1.000000e+00 : f32
    %broadcast_in_dim3A_1869 = vector.broadcast %jit3A_1867 : f32 to vector<512x128xf32>
    %broadcast_in_dim3A_1870 = vector.broadcast %jit3A_1868 : f32 to vector<512x128xf32>
    %select_n3A_1871 = arith.select %le3A_1865, %broadcast_in_dim3A_1869, %broadcast_in_dim3A_1870 : vector<512x128xi1>, vector<512x128xf32>
    %le3A_1872 = arith.cmpf ole, %select_n3A_1636, %select_n3A_1642 : vector<512x128xf32>
    %select_n3A_1873 = arith.select %le3A_1872, %select_n3A_1636, %select_n3A_1642 : vector<512x128xi1>, vector<512x128xf32>
    %jit3A_1874 = arith.constant 2.000000e+00 : f32
    %jit3A_1875 = arith.constant 3.000000e+00 : f32
    %broadcast_in_dim3A_1876 = vector.broadcast %jit3A_1874 : f32 to vector<512x128xf32>
    %broadcast_in_dim3A_1877 = vector.broadcast %jit3A_1875 : f32 to vector<512x128xf32>
    %select_n3A_1878 = arith.select %le3A_1872, %broadcast_in_dim3A_1876, %broadcast_in_dim3A_1877 : vector<512x128xi1>, vector<512x128xf32>
    %le3A_1879 = arith.cmpf ole, %select_n3A_1648, %select_n3A_1654 : vector<512x128xf32>
    %select_n3A_1880 = arith.select %le3A_1879, %select_n3A_1648, %select_n3A_1654 : vector<512x128xi1>, vector<512x128xf32>
    %jit3A_1881 = arith.constant 4.000000e+00 : f32
    %jit3A_1882 = arith.constant 5.000000e+00 : f32
    %broadcast_in_dim3A_1883 = vector.broadcast %jit3A_1881 : f32 to vector<512x128xf32>
    %broadcast_in_dim3A_1884 = vector.broadcast %jit3A_1882 : f32 to vector<512x128xf32>
    %select_n3A_1885 = arith.select %le3A_1879, %broadcast_in_dim3A_1883, %broadcast_in_dim3A_1884 : vector<512x128xi1>, vector<512x128xf32>
    %le3A_1886 = arith.cmpf ole, %select_n3A_1660, %select_n3A_1666 : vector<512x128xf32>
    %select_n3A_1887 = arith.select %le3A_1886, %select_n3A_1660, %select_n3A_1666 : vector<512x128xi1>, vector<512x128xf32>
    %jit3A_1888 = arith.constant 6.000000e+00 : f32
    %jit3A_1889 = arith.constant 7.000000e+00 : f32
    %broadcast_in_dim3A_1890 = vector.broadcast %jit3A_1888 : f32 to vector<512x128xf32>
    %broadcast_in_dim3A_1891 = vector.broadcast %jit3A_1889 : f32 to vector<512x128xf32>
    %select_n3A_1892 = arith.select %le3A_1886, %broadcast_in_dim3A_1890, %broadcast_in_dim3A_1891 : vector<512x128xi1>, vector<512x128xf32>
    %le3A_1893 = arith.cmpf ole, %select_n3A_1672, %select_n3A_1678 : vector<512x128xf32>
    %select_n3A_1894 = arith.select %le3A_1893, %select_n3A_1672, %select_n3A_1678 : vector<512x128xi1>, vector<512x128xf32>
    %jit3A_1895 = arith.constant 8.000000e+00 : f32
    %jit3A_1896 = arith.constant 9.000000e+00 : f32
    %broadcast_in_dim3A_1897 = vector.broadcast %jit3A_1895 : f32 to vector<512x128xf32>
    %broadcast_in_dim3A_1898 = vector.broadcast %jit3A_1896 : f32 to vector<512x128xf32>
    %select_n3A_1899 = arith.select %le3A_1893, %broadcast_in_dim3A_1897, %broadcast_in_dim3A_1898 : vector<512x128xi1>, vector<512x128xf32>
    %le3A_1900 = arith.cmpf ole, %select_n3A_1684, %select_n3A_1690 : vector<512x128xf32>
    %select_n3A_1901 = arith.select %le3A_1900, %select_n3A_1684, %select_n3A_1690 : vector<512x128xi1>, vector<512x128xf32>
    %jit3A_1902 = arith.constant 1.000000e+01 : f32
    %jit3A_1903 = arith.constant 1.100000e+01 : f32
    %broadcast_in_dim3A_1904 = vector.broadcast %jit3A_1902 : f32 to vector<512x128xf32>
    %broadcast_in_dim3A_1905 = vector.broadcast %jit3A_1903 : f32 to vector<512x128xf32>
    %select_n3A_1906 = arith.select %le3A_1900, %broadcast_in_dim3A_1904, %broadcast_in_dim3A_1905 : vector<512x128xi1>, vector<512x128xf32>
    %le3A_1907 = arith.cmpf ole, %select_n3A_1696, %select_n3A_1702 : vector<512x128xf32>
    %select_n3A_1908 = arith.select %le3A_1907, %select_n3A_1696, %select_n3A_1702 : vector<512x128xi1>, vector<512x128xf32>
    %jit3A_1909 = arith.constant 1.200000e+01 : f32
    %jit3A_1910 = arith.constant 1.300000e+01 : f32
    %broadcast_in_dim3A_1911 = vector.broadcast %jit3A_1909 : f32 to vector<512x128xf32>
    %broadcast_in_dim3A_1912 = vector.broadcast %jit3A_1910 : f32 to vector<512x128xf32>
    %select_n3A_1913 = arith.select %le3A_1907, %broadcast_in_dim3A_1911, %broadcast_in_dim3A_1912 : vector<512x128xi1>, vector<512x128xf32>
    %le3A_1914 = arith.cmpf ole, %select_n3A_1708, %select_n3A_1714 : vector<512x128xf32>
    %select_n3A_1915 = arith.select %le3A_1914, %select_n3A_1708, %select_n3A_1714 : vector<512x128xi1>, vector<512x128xf32>
    %jit3A_1916 = arith.constant 1.400000e+01 : f32
    %jit3A_1917 = arith.constant 1.500000e+01 : f32
    %broadcast_in_dim3A_1918 = vector.broadcast %jit3A_1916 : f32 to vector<512x128xf32>
    %broadcast_in_dim3A_1919 = vector.broadcast %jit3A_1917 : f32 to vector<512x128xf32>
    %select_n3A_1920 = arith.select %le3A_1914, %broadcast_in_dim3A_1918, %broadcast_in_dim3A_1919 : vector<512x128xi1>, vector<512x128xf32>
    %le3A_1921 = arith.cmpf ole, %select_n3A_1720, %select_n3A_1726 : vector<512x128xf32>
    %select_n3A_1922 = arith.select %le3A_1921, %select_n3A_1720, %select_n3A_1726 : vector<512x128xi1>, vector<512x128xf32>
    %jit3A_1923 = arith.constant 1.600000e+01 : f32
    %jit3A_1924 = arith.constant 1.700000e+01 : f32
    %broadcast_in_dim3A_1925 = vector.broadcast %jit3A_1923 : f32 to vector<512x128xf32>
    %broadcast_in_dim3A_1926 = vector.broadcast %jit3A_1924 : f32 to vector<512x128xf32>
    %select_n3A_1927 = arith.select %le3A_1921, %broadcast_in_dim3A_1925, %broadcast_in_dim3A_1926 : vector<512x128xi1>, vector<512x128xf32>
    %le3A_1928 = arith.cmpf ole, %select_n3A_1732, %select_n3A_1738 : vector<512x128xf32>
    %select_n3A_1929 = arith.select %le3A_1928, %select_n3A_1732, %select_n3A_1738 : vector<512x128xi1>, vector<512x128xf32>
    %jit3A_1930 = arith.constant 1.800000e+01 : f32
    %jit3A_1931 = arith.constant 1.900000e+01 : f32
    %broadcast_in_dim3A_1932 = vector.broadcast %jit3A_1930 : f32 to vector<512x128xf32>
    %broadcast_in_dim3A_1933 = vector.broadcast %jit3A_1931 : f32 to vector<512x128xf32>
    %select_n3A_1934 = arith.select %le3A_1928, %broadcast_in_dim3A_1932, %broadcast_in_dim3A_1933 : vector<512x128xi1>, vector<512x128xf32>
    %le3A_1935 = arith.cmpf ole, %select_n3A_1744, %select_n3A_1750 : vector<512x128xf32>
    %select_n3A_1936 = arith.select %le3A_1935, %select_n3A_1744, %select_n3A_1750 : vector<512x128xi1>, vector<512x128xf32>
    %jit3A_1937 = arith.constant 2.000000e+01 : f32
    %jit3A_1938 = arith.constant 2.100000e+01 : f32
    %broadcast_in_dim3A_1939 = vector.broadcast %jit3A_1937 : f32 to vector<512x128xf32>
    %broadcast_in_dim3A_1940 = vector.broadcast %jit3A_1938 : f32 to vector<512x128xf32>
    %select_n3A_1941 = arith.select %le3A_1935, %broadcast_in_dim3A_1939, %broadcast_in_dim3A_1940 : vector<512x128xi1>, vector<512x128xf32>
    %le3A_1942 = arith.cmpf ole, %select_n3A_1756, %select_n3A_1762 : vector<512x128xf32>
    %select_n3A_1943 = arith.select %le3A_1942, %select_n3A_1756, %select_n3A_1762 : vector<512x128xi1>, vector<512x128xf32>
    %jit3A_1944 = arith.constant 2.200000e+01 : f32
    %jit3A_1945 = arith.constant 2.300000e+01 : f32
    %broadcast_in_dim3A_1946 = vector.broadcast %jit3A_1944 : f32 to vector<512x128xf32>
    %broadcast_in_dim3A_1947 = vector.broadcast %jit3A_1945 : f32 to vector<512x128xf32>
    %select_n3A_1948 = arith.select %le3A_1942, %broadcast_in_dim3A_1946, %broadcast_in_dim3A_1947 : vector<512x128xi1>, vector<512x128xf32>
    %le3A_1949 = arith.cmpf ole, %select_n3A_1768, %select_n3A_1774 : vector<512x128xf32>
    %select_n3A_1950 = arith.select %le3A_1949, %select_n3A_1768, %select_n3A_1774 : vector<512x128xi1>, vector<512x128xf32>
    %jit3A_1951 = arith.constant 2.400000e+01 : f32
    %jit3A_1952 = arith.constant 2.500000e+01 : f32
    %broadcast_in_dim3A_1953 = vector.broadcast %jit3A_1951 : f32 to vector<512x128xf32>
    %broadcast_in_dim3A_1954 = vector.broadcast %jit3A_1952 : f32 to vector<512x128xf32>
    %select_n3A_1955 = arith.select %le3A_1949, %broadcast_in_dim3A_1953, %broadcast_in_dim3A_1954 : vector<512x128xi1>, vector<512x128xf32>
    %le3A_1956 = arith.cmpf ole, %select_n3A_1780, %select_n3A_1786 : vector<512x128xf32>
    %select_n3A_1957 = arith.select %le3A_1956, %select_n3A_1780, %select_n3A_1786 : vector<512x128xi1>, vector<512x128xf32>
    %jit3A_1958 = arith.constant 2.600000e+01 : f32
    %jit3A_1959 = arith.constant 2.700000e+01 : f32
    %broadcast_in_dim3A_1960 = vector.broadcast %jit3A_1958 : f32 to vector<512x128xf32>
    %broadcast_in_dim3A_1961 = vector.broadcast %jit3A_1959 : f32 to vector<512x128xf32>
    %select_n3A_1962 = arith.select %le3A_1956, %broadcast_in_dim3A_1960, %broadcast_in_dim3A_1961 : vector<512x128xi1>, vector<512x128xf32>
    %le3A_1963 = arith.cmpf ole, %select_n3A_1792, %select_n3A_1798 : vector<512x128xf32>
    %select_n3A_1964 = arith.select %le3A_1963, %select_n3A_1792, %select_n3A_1798 : vector<512x128xi1>, vector<512x128xf32>
    %jit3A_1965 = arith.constant 2.800000e+01 : f32
    %jit3A_1966 = arith.constant 2.900000e+01 : f32
    %broadcast_in_dim3A_1967 = vector.broadcast %jit3A_1965 : f32 to vector<512x128xf32>
    %broadcast_in_dim3A_1968 = vector.broadcast %jit3A_1966 : f32 to vector<512x128xf32>
    %select_n3A_1969 = arith.select %le3A_1963, %broadcast_in_dim3A_1967, %broadcast_in_dim3A_1968 : vector<512x128xi1>, vector<512x128xf32>
    %le3A_1970 = arith.cmpf ole, %select_n3A_1804, %select_n3A_1810 : vector<512x128xf32>
    %select_n3A_1971 = arith.select %le3A_1970, %select_n3A_1804, %select_n3A_1810 : vector<512x128xi1>, vector<512x128xf32>
    %jit3A_1972 = arith.constant 3.000000e+01 : f32
    %jit3A_1973 = arith.constant 3.100000e+01 : f32
    %broadcast_in_dim3A_1974 = vector.broadcast %jit3A_1972 : f32 to vector<512x128xf32>
    %broadcast_in_dim3A_1975 = vector.broadcast %jit3A_1973 : f32 to vector<512x128xf32>
    %select_n3A_1976 = arith.select %le3A_1970, %broadcast_in_dim3A_1974, %broadcast_in_dim3A_1975 : vector<512x128xi1>, vector<512x128xf32>
    %le3A_1977 = arith.cmpf ole, %select_n3A_1816, %select_n3A_1822 : vector<512x128xf32>
    %select_n3A_1978 = arith.select %le3A_1977, %select_n3A_1816, %select_n3A_1822 : vector<512x128xi1>, vector<512x128xf32>
    %jit3A_1979 = arith.constant 3.200000e+01 : f32
    %jit3A_1980 = arith.constant 3.300000e+01 : f32
    %broadcast_in_dim3A_1981 = vector.broadcast %jit3A_1979 : f32 to vector<512x128xf32>
    %broadcast_in_dim3A_1982 = vector.broadcast %jit3A_1980 : f32 to vector<512x128xf32>
    %select_n3A_1983 = arith.select %le3A_1977, %broadcast_in_dim3A_1981, %broadcast_in_dim3A_1982 : vector<512x128xi1>, vector<512x128xf32>
    %le3A_1984 = arith.cmpf ole, %select_n3A_1828, %select_n3A_1834 : vector<512x128xf32>
    %select_n3A_1985 = arith.select %le3A_1984, %select_n3A_1828, %select_n3A_1834 : vector<512x128xi1>, vector<512x128xf32>
    %jit3A_1986 = arith.constant 3.400000e+01 : f32
    %jit3A_1987 = arith.constant 3.500000e+01 : f32
    %broadcast_in_dim3A_1988 = vector.broadcast %jit3A_1986 : f32 to vector<512x128xf32>
    %broadcast_in_dim3A_1989 = vector.broadcast %jit3A_1987 : f32 to vector<512x128xf32>
    %select_n3A_1990 = arith.select %le3A_1984, %broadcast_in_dim3A_1988, %broadcast_in_dim3A_1989 : vector<512x128xi1>, vector<512x128xf32>
    %le3A_1991 = arith.cmpf ole, %select_n3A_1840, %select_n3A_1846 : vector<512x128xf32>
    %select_n3A_1992 = arith.select %le3A_1991, %select_n3A_1840, %select_n3A_1846 : vector<512x128xi1>, vector<512x128xf32>
    %jit3A_1993 = arith.constant 3.600000e+01 : f32
    %jit3A_1994 = arith.constant 3.700000e+01 : f32
    %broadcast_in_dim3A_1995 = vector.broadcast %jit3A_1993 : f32 to vector<512x128xf32>
    %broadcast_in_dim3A_1996 = vector.broadcast %jit3A_1994 : f32 to vector<512x128xf32>
    %select_n3A_1997 = arith.select %le3A_1991, %broadcast_in_dim3A_1995, %broadcast_in_dim3A_1996 : vector<512x128xi1>, vector<512x128xf32>
    %le3A_1998 = arith.cmpf ole, %select_n3A_1852, %select_n3A_1858 : vector<512x128xf32>
    %select_n3A_1999 = arith.select %le3A_1998, %select_n3A_1852, %select_n3A_1858 : vector<512x128xi1>, vector<512x128xf32>
    %jit3A_2000 = arith.constant 3.800000e+01 : f32
    %jit3A_2001 = arith.constant 3.900000e+01 : f32
    %broadcast_in_dim3A_2002 = vector.broadcast %jit3A_2000 : f32 to vector<512x128xf32>
    %broadcast_in_dim3A_2003 = vector.broadcast %jit3A_2001 : f32 to vector<512x128xf32>
    %select_n3A_2004 = arith.select %le3A_1998, %broadcast_in_dim3A_2002, %broadcast_in_dim3A_2003 : vector<512x128xi1>, vector<512x128xf32>
    %le3A_2005 = arith.cmpf ole, %select_n3A_1866, %select_n3A_1873 : vector<512x128xf32>
    %select_n3A_2006 = arith.select %le3A_2005, %select_n3A_1866, %select_n3A_1873 : vector<512x128xi1>, vector<512x128xf32>
    %select_n3A_2007 = arith.select %le3A_2005, %select_n3A_1871, %select_n3A_1878 : vector<512x128xi1>, vector<512x128xf32>
    %le3A_2008 = arith.cmpf ole, %select_n3A_1880, %select_n3A_1887 : vector<512x128xf32>
    %select_n3A_2009 = arith.select %le3A_2008, %select_n3A_1880, %select_n3A_1887 : vector<512x128xi1>, vector<512x128xf32>
    %select_n3A_2010 = arith.select %le3A_2008, %select_n3A_1885, %select_n3A_1892 : vector<512x128xi1>, vector<512x128xf32>
    %le3A_2011 = arith.cmpf ole, %select_n3A_1894, %select_n3A_1901 : vector<512x128xf32>
    %select_n3A_2012 = arith.select %le3A_2011, %select_n3A_1894, %select_n3A_1901 : vector<512x128xi1>, vector<512x128xf32>
    %select_n3A_2013 = arith.select %le3A_2011, %select_n3A_1899, %select_n3A_1906 : vector<512x128xi1>, vector<512x128xf32>
    %le3A_2014 = arith.cmpf ole, %select_n3A_1908, %select_n3A_1915 : vector<512x128xf32>
    %select_n3A_2015 = arith.select %le3A_2014, %select_n3A_1908, %select_n3A_1915 : vector<512x128xi1>, vector<512x128xf32>
    %select_n3A_2016 = arith.select %le3A_2014, %select_n3A_1913, %select_n3A_1920 : vector<512x128xi1>, vector<512x128xf32>
    %le3A_2017 = arith.cmpf ole, %select_n3A_1922, %select_n3A_1929 : vector<512x128xf32>
    %select_n3A_2018 = arith.select %le3A_2017, %select_n3A_1922, %select_n3A_1929 : vector<512x128xi1>, vector<512x128xf32>
    %select_n3A_2019 = arith.select %le3A_2017, %select_n3A_1927, %select_n3A_1934 : vector<512x128xi1>, vector<512x128xf32>
    %le3A_2020 = arith.cmpf ole, %select_n3A_1936, %select_n3A_1943 : vector<512x128xf32>
    %select_n3A_2021 = arith.select %le3A_2020, %select_n3A_1936, %select_n3A_1943 : vector<512x128xi1>, vector<512x128xf32>
    %select_n3A_2022 = arith.select %le3A_2020, %select_n3A_1941, %select_n3A_1948 : vector<512x128xi1>, vector<512x128xf32>
    %le3A_2023 = arith.cmpf ole, %select_n3A_1950, %select_n3A_1957 : vector<512x128xf32>
    %select_n3A_2024 = arith.select %le3A_2023, %select_n3A_1950, %select_n3A_1957 : vector<512x128xi1>, vector<512x128xf32>
    %select_n3A_2025 = arith.select %le3A_2023, %select_n3A_1955, %select_n3A_1962 : vector<512x128xi1>, vector<512x128xf32>
    %le3A_2026 = arith.cmpf ole, %select_n3A_1964, %select_n3A_1971 : vector<512x128xf32>
    %select_n3A_2027 = arith.select %le3A_2026, %select_n3A_1964, %select_n3A_1971 : vector<512x128xi1>, vector<512x128xf32>
    %select_n3A_2028 = arith.select %le3A_2026, %select_n3A_1969, %select_n3A_1976 : vector<512x128xi1>, vector<512x128xf32>
    %le3A_2029 = arith.cmpf ole, %select_n3A_1978, %select_n3A_1985 : vector<512x128xf32>
    %select_n3A_2030 = arith.select %le3A_2029, %select_n3A_1978, %select_n3A_1985 : vector<512x128xi1>, vector<512x128xf32>
    %select_n3A_2031 = arith.select %le3A_2029, %select_n3A_1983, %select_n3A_1990 : vector<512x128xi1>, vector<512x128xf32>
    %le3A_2032 = arith.cmpf ole, %select_n3A_1992, %select_n3A_1999 : vector<512x128xf32>
    %select_n3A_2033 = arith.select %le3A_2032, %select_n3A_1992, %select_n3A_1999 : vector<512x128xi1>, vector<512x128xf32>
    %select_n3A_2034 = arith.select %le3A_2032, %select_n3A_1997, %select_n3A_2004 : vector<512x128xi1>, vector<512x128xf32>
    %le3A_2035 = arith.cmpf ole, %select_n3A_2006, %select_n3A_2009 : vector<512x128xf32>
    %select_n3A_2036 = arith.select %le3A_2035, %select_n3A_2006, %select_n3A_2009 : vector<512x128xi1>, vector<512x128xf32>
    %select_n3A_2037 = arith.select %le3A_2035, %select_n3A_2007, %select_n3A_2010 : vector<512x128xi1>, vector<512x128xf32>
    %le3A_2038 = arith.cmpf ole, %select_n3A_2012, %select_n3A_2015 : vector<512x128xf32>
    %select_n3A_2039 = arith.select %le3A_2038, %select_n3A_2012, %select_n3A_2015 : vector<512x128xi1>, vector<512x128xf32>
    %select_n3A_2040 = arith.select %le3A_2038, %select_n3A_2013, %select_n3A_2016 : vector<512x128xi1>, vector<512x128xf32>
    %le3A_2041 = arith.cmpf ole, %select_n3A_2018, %select_n3A_2021 : vector<512x128xf32>
    %select_n3A_2042 = arith.select %le3A_2041, %select_n3A_2018, %select_n3A_2021 : vector<512x128xi1>, vector<512x128xf32>
    %select_n3A_2043 = arith.select %le3A_2041, %select_n3A_2019, %select_n3A_2022 : vector<512x128xi1>, vector<512x128xf32>
    %le3A_2044 = arith.cmpf ole, %select_n3A_2024, %select_n3A_2027 : vector<512x128xf32>
    %select_n3A_2045 = arith.select %le3A_2044, %select_n3A_2024, %select_n3A_2027 : vector<512x128xi1>, vector<512x128xf32>
    %select_n3A_2046 = arith.select %le3A_2044, %select_n3A_2025, %select_n3A_2028 : vector<512x128xi1>, vector<512x128xf32>
    %le3A_2047 = arith.cmpf ole, %select_n3A_2030, %select_n3A_2033 : vector<512x128xf32>
    %select_n3A_2048 = arith.select %le3A_2047, %select_n3A_2030, %select_n3A_2033 : vector<512x128xi1>, vector<512x128xf32>
    %select_n3A_2049 = arith.select %le3A_2047, %select_n3A_2031, %select_n3A_2034 : vector<512x128xi1>, vector<512x128xf32>
    %le3A_2050 = arith.cmpf ole, %select_n3A_2036, %select_n3A_2039 : vector<512x128xf32>
    %select_n3A_2051 = arith.select %le3A_2050, %select_n3A_2036, %select_n3A_2039 : vector<512x128xi1>, vector<512x128xf32>
    %select_n3A_2052 = arith.select %le3A_2050, %select_n3A_2037, %select_n3A_2040 : vector<512x128xi1>, vector<512x128xf32>
    %le3A_2053 = arith.cmpf ole, %select_n3A_2042, %select_n3A_2045 : vector<512x128xf32>
    %select_n3A_2054 = arith.select %le3A_2053, %select_n3A_2042, %select_n3A_2045 : vector<512x128xi1>, vector<512x128xf32>
    %select_n3A_2055 = arith.select %le3A_2053, %select_n3A_2043, %select_n3A_2046 : vector<512x128xi1>, vector<512x128xf32>
    %le3A_2056 = arith.cmpf ole, %select_n3A_2048, %select_n3A_1864 : vector<512x128xf32>
    %select_n3A_2057 = arith.select %le3A_2056, %select_n3A_2048, %select_n3A_1864 : vector<512x128xi1>, vector<512x128xf32>
    %jit3A_2058 = arith.constant 4.000000e+01 : f32
    %broadcast_in_dim3A_2059 = vector.broadcast %jit3A_2058 : f32 to vector<512x128xf32>
    %select_n3A_2060 = arith.select %le3A_2056, %select_n3A_2049, %broadcast_in_dim3A_2059 : vector<512x128xi1>, vector<512x128xf32>
    %le3A_2061 = arith.cmpf ole, %select_n3A_2051, %select_n3A_2054 : vector<512x128xf32>
    %select_n3A_2062 = arith.select %le3A_2061, %select_n3A_2051, %select_n3A_2054 : vector<512x128xi1>, vector<512x128xf32>
    %select_n3A_2063 = arith.select %le3A_2061, %select_n3A_2052, %select_n3A_2055 : vector<512x128xi1>, vector<512x128xf32>
    %le3A_2064 = arith.cmpf ole, %select_n3A_2062, %select_n3A_2057 : vector<512x128xf32>
    %select_n3A_2065 = arith.select %le3A_2064, %select_n3A_2062, %select_n3A_2057 : vector<512x128xi1>, vector<512x128xf32>
    %select_n3A_2066 = arith.select %le3A_2064, %select_n3A_2063, %select_n3A_2060 : vector<512x128xi1>, vector<512x128xf32>
    %mul3A_2067 = arith.constant 1.280000e+02 : f32
    %mul3A_2068 = vector.broadcast %mul3A_2067 : f32 to vector<512x128xf32>
    %mul3A_2069 = arith.mulf %select_n3A_2066, %mul3A_2068 : vector<512x128xf32>
    %add3A_2070 = vector.broadcast %convert_element_type3A : vector<1x128xf32> to vector<512x128xf32>
    %add3A_2071 = arith.addf %mul3A_2069, %add3A_2070 : vector<512x128xf32>
    %min3A = arith.minimumf %select_n3A_254, %select_n3A_706 : vector<512x128xf32>
    %min3A_2072 = arith.minimumf %min3A, %select_n3A_1159 : vector<512x128xf32>
    %min3A_2073 = arith.minimumf %min3A_2072, %select_n3A_1612 : vector<512x128xf32>
    %min3A_2074 = arith.minimumf %min3A_2073, %select_n3A_2065 : vector<512x128xf32>
    %reduce_min3A = arith.constant dense<0x7F800000> : vector<512xf32>
    %reduce_min3A_2075 = vector.multi_reduction <minimumf>, %min3A_2074, %reduce_min3A [1] : vector<512x128xf32> to vector<512xf32>
    %broadcast_in_dim3A_2076 = vector.shape_cast %reduce_min3A_2075 : vector<512xf32> to vector<512x1xf32>
    %eq3A_2077 = vector.broadcast %broadcast_in_dim3A_2076 : vector<512x1xf32> to vector<512x128xf32>
    %eq3A_2078 = arith.cmpf oeq, %select_n3A_254, %eq3A_2077 : vector<512x128xf32>
    %jit3A_2079 = arith.constant 1.000000e+09 : f32
    %broadcast_in_dim3A_2080 = vector.broadcast %jit3A_2079 : f32 to vector<512x128xf32>
    %select_n3A_2081 = arith.select %eq3A_2078, %add3A_260, %broadcast_in_dim3A_2080 : vector<512x128xi1>, vector<512x128xf32>
    %eq3A_2082 = vector.broadcast %broadcast_in_dim3A_2076 : vector<512x1xf32> to vector<512x128xf32>
    %eq3A_2083 = arith.cmpf oeq, %select_n3A_706, %eq3A_2082 : vector<512x128xf32>
    %jit3A_2084 = arith.constant 1.000000e+09 : f32
    %broadcast_in_dim3A_2085 = vector.broadcast %jit3A_2084 : f32 to vector<512x128xf32>
    %select_n3A_2086 = arith.select %eq3A_2083, %add3A_712, %broadcast_in_dim3A_2085 : vector<512x128xi1>, vector<512x128xf32>
    %eq3A_2087 = vector.broadcast %broadcast_in_dim3A_2076 : vector<512x1xf32> to vector<512x128xf32>
    %eq3A_2088 = arith.cmpf oeq, %select_n3A_1159, %eq3A_2087 : vector<512x128xf32>
    %jit3A_2089 = arith.constant 1.000000e+09 : f32
    %broadcast_in_dim3A_2090 = vector.broadcast %jit3A_2089 : f32 to vector<512x128xf32>
    %select_n3A_2091 = arith.select %eq3A_2088, %add3A_1165, %broadcast_in_dim3A_2090 : vector<512x128xi1>, vector<512x128xf32>
    %eq3A_2092 = vector.broadcast %broadcast_in_dim3A_2076 : vector<512x1xf32> to vector<512x128xf32>
    %eq3A_2093 = arith.cmpf oeq, %select_n3A_1612, %eq3A_2092 : vector<512x128xf32>
    %jit3A_2094 = arith.constant 1.000000e+09 : f32
    %broadcast_in_dim3A_2095 = vector.broadcast %jit3A_2094 : f32 to vector<512x128xf32>
    %select_n3A_2096 = arith.select %eq3A_2093, %add3A_1618, %broadcast_in_dim3A_2095 : vector<512x128xi1>, vector<512x128xf32>
    %eq3A_2097 = vector.broadcast %broadcast_in_dim3A_2076 : vector<512x1xf32> to vector<512x128xf32>
    %eq3A_2098 = arith.cmpf oeq, %select_n3A_2065, %eq3A_2097 : vector<512x128xf32>
    %jit3A_2099 = arith.constant 1.000000e+09 : f32
    %broadcast_in_dim3A_2100 = vector.broadcast %jit3A_2099 : f32 to vector<512x128xf32>
    %select_n3A_2101 = arith.select %eq3A_2098, %add3A_2071, %broadcast_in_dim3A_2100 : vector<512x128xi1>, vector<512x128xf32>
    %min3A_2102 = arith.minimumf %select_n3A_2081, %select_n3A_2086 : vector<512x128xf32>
    %min3A_2103 = arith.minimumf %min3A_2102, %select_n3A_2091 : vector<512x128xf32>
    %min3A_2104 = arith.minimumf %min3A_2103, %select_n3A_2096 : vector<512x128xf32>
    %min3A_2105 = arith.minimumf %min3A_2104, %select_n3A_2101 : vector<512x128xf32>
    %reduce_min3A_2106 = arith.constant dense<0x7F800000> : vector<512xf32>
    %reduce_min3A_2107 = vector.multi_reduction <minimumf>, %min3A_2105, %reduce_min3A_2106 [1] : vector<512x128xf32> to vector<512xf32>
    %broadcast_in_dim3A_2108 = vector.shape_cast %reduce_min3A_2107 : vector<512xf32> to vector<512x1xf32>
    %eq3A_2109 = vector.broadcast %broadcast_in_dim3A_2108 : vector<512x1xf32> to vector<512x128xf32>
    %eq3A_2110 = arith.cmpf oeq, %add3A_260, %eq3A_2109 : vector<512x128xf32>
    %jit3A_2111 = arith.constant 0x7F800000 : f32
    %broadcast_in_dim3A_2112 = vector.broadcast %jit3A_2111 : f32 to vector<512x128xf32>
    %select_n3A_2113 = arith.select %eq3A_2110, %broadcast_in_dim3A_2112, %select_n3A_254 : vector<512x128xi1>, vector<512x128xf32>
    %eq3A_2114 = vector.broadcast %broadcast_in_dim3A_2108 : vector<512x1xf32> to vector<512x128xf32>
    %eq3A_2115 = arith.cmpf oeq, %add3A_712, %eq3A_2114 : vector<512x128xf32>
    %jit3A_2116 = arith.constant 0x7F800000 : f32
    %broadcast_in_dim3A_2117 = vector.broadcast %jit3A_2116 : f32 to vector<512x128xf32>
    %select_n3A_2118 = arith.select %eq3A_2115, %broadcast_in_dim3A_2117, %select_n3A_706 : vector<512x128xi1>, vector<512x128xf32>
    %eq3A_2119 = vector.broadcast %broadcast_in_dim3A_2108 : vector<512x1xf32> to vector<512x128xf32>
    %eq3A_2120 = arith.cmpf oeq, %add3A_1165, %eq3A_2119 : vector<512x128xf32>
    %jit3A_2121 = arith.constant 0x7F800000 : f32
    %broadcast_in_dim3A_2122 = vector.broadcast %jit3A_2121 : f32 to vector<512x128xf32>
    %select_n3A_2123 = arith.select %eq3A_2120, %broadcast_in_dim3A_2122, %select_n3A_1159 : vector<512x128xi1>, vector<512x128xf32>
    %eq3A_2124 = vector.broadcast %broadcast_in_dim3A_2108 : vector<512x1xf32> to vector<512x128xf32>
    %eq3A_2125 = arith.cmpf oeq, %add3A_1618, %eq3A_2124 : vector<512x128xf32>
    %jit3A_2126 = arith.constant 0x7F800000 : f32
    %broadcast_in_dim3A_2127 = vector.broadcast %jit3A_2126 : f32 to vector<512x128xf32>
    %select_n3A_2128 = arith.select %eq3A_2125, %broadcast_in_dim3A_2127, %select_n3A_1612 : vector<512x128xi1>, vector<512x128xf32>
    %eq3A_2129 = vector.broadcast %broadcast_in_dim3A_2108 : vector<512x1xf32> to vector<512x128xf32>
    %eq3A_2130 = arith.cmpf oeq, %add3A_2071, %eq3A_2129 : vector<512x128xf32>
    %jit3A_2131 = arith.constant 0x7F800000 : f32
    %broadcast_in_dim3A_2132 = vector.broadcast %jit3A_2131 : f32 to vector<512x128xf32>
    %select_n3A_2133 = arith.select %eq3A_2130, %broadcast_in_dim3A_2132, %select_n3A_2065 : vector<512x128xi1>, vector<512x128xf32>
    %min3A_2134 = arith.minimumf %select_n3A_2113, %select_n3A_2118 : vector<512x128xf32>
    %min3A_2135 = arith.minimumf %min3A_2134, %select_n3A_2123 : vector<512x128xf32>
    %min3A_2136 = arith.minimumf %min3A_2135, %select_n3A_2128 : vector<512x128xf32>
    %min3A_2137 = arith.minimumf %min3A_2136, %select_n3A_2133 : vector<512x128xf32>
    %reduce_min3A_2138 = arith.constant dense<0x7F800000> : vector<512xf32>
    %reduce_min3A_2139 = vector.multi_reduction <minimumf>, %min3A_2137, %reduce_min3A_2138 [1] : vector<512x128xf32> to vector<512xf32>
    %broadcast_in_dim3A_2140 = vector.shape_cast %reduce_min3A_2139 : vector<512xf32> to vector<512x1xf32>
    %eq3A_2141 = vector.broadcast %broadcast_in_dim3A_2140 : vector<512x1xf32> to vector<512x128xf32>
    %eq3A_2142 = arith.cmpf oeq, %select_n3A_2113, %eq3A_2141 : vector<512x128xf32>
    %jit3A_2143 = arith.constant 1.000000e+09 : f32
    %broadcast_in_dim3A_2144 = vector.broadcast %jit3A_2143 : f32 to vector<512x128xf32>
    %select_n3A_2145 = arith.select %eq3A_2142, %add3A_260, %broadcast_in_dim3A_2144 : vector<512x128xi1>, vector<512x128xf32>
    %eq3A_2146 = vector.broadcast %broadcast_in_dim3A_2140 : vector<512x1xf32> to vector<512x128xf32>
    %eq3A_2147 = arith.cmpf oeq, %select_n3A_2118, %eq3A_2146 : vector<512x128xf32>
    %jit3A_2148 = arith.constant 1.000000e+09 : f32
    %broadcast_in_dim3A_2149 = vector.broadcast %jit3A_2148 : f32 to vector<512x128xf32>
    %select_n3A_2150 = arith.select %eq3A_2147, %add3A_712, %broadcast_in_dim3A_2149 : vector<512x128xi1>, vector<512x128xf32>
    %eq3A_2151 = vector.broadcast %broadcast_in_dim3A_2140 : vector<512x1xf32> to vector<512x128xf32>
    %eq3A_2152 = arith.cmpf oeq, %select_n3A_2123, %eq3A_2151 : vector<512x128xf32>
    %jit3A_2153 = arith.constant 1.000000e+09 : f32
    %broadcast_in_dim3A_2154 = vector.broadcast %jit3A_2153 : f32 to vector<512x128xf32>
    %select_n3A_2155 = arith.select %eq3A_2152, %add3A_1165, %broadcast_in_dim3A_2154 : vector<512x128xi1>, vector<512x128xf32>
    %eq3A_2156 = vector.broadcast %broadcast_in_dim3A_2140 : vector<512x1xf32> to vector<512x128xf32>
    %eq3A_2157 = arith.cmpf oeq, %select_n3A_2128, %eq3A_2156 : vector<512x128xf32>
    %jit3A_2158 = arith.constant 1.000000e+09 : f32
    %broadcast_in_dim3A_2159 = vector.broadcast %jit3A_2158 : f32 to vector<512x128xf32>
    %select_n3A_2160 = arith.select %eq3A_2157, %add3A_1618, %broadcast_in_dim3A_2159 : vector<512x128xi1>, vector<512x128xf32>
    %eq3A_2161 = vector.broadcast %broadcast_in_dim3A_2140 : vector<512x1xf32> to vector<512x128xf32>
    %eq3A_2162 = arith.cmpf oeq, %select_n3A_2133, %eq3A_2161 : vector<512x128xf32>
    %jit3A_2163 = arith.constant 1.000000e+09 : f32
    %broadcast_in_dim3A_2164 = vector.broadcast %jit3A_2163 : f32 to vector<512x128xf32>
    %select_n3A_2165 = arith.select %eq3A_2162, %add3A_2071, %broadcast_in_dim3A_2164 : vector<512x128xi1>, vector<512x128xf32>
    %min3A_2166 = arith.minimumf %select_n3A_2145, %select_n3A_2150 : vector<512x128xf32>
    %min3A_2167 = arith.minimumf %min3A_2166, %select_n3A_2155 : vector<512x128xf32>
    %min3A_2168 = arith.minimumf %min3A_2167, %select_n3A_2160 : vector<512x128xf32>
    %min3A_2169 = arith.minimumf %min3A_2168, %select_n3A_2165 : vector<512x128xf32>
    %reduce_min3A_2170 = arith.constant dense<0x7F800000> : vector<512xf32>
    %reduce_min3A_2171 = vector.multi_reduction <minimumf>, %min3A_2169, %reduce_min3A_2170 [1] : vector<512x128xf32> to vector<512xf32>
    %broadcast_in_dim3A_2172 = vector.shape_cast %reduce_min3A_2171 : vector<512xf32> to vector<512x1xf32>
    %eq3A_2173 = vector.broadcast %broadcast_in_dim3A_2172 : vector<512x1xf32> to vector<512x128xf32>
    %eq3A_2174 = arith.cmpf oeq, %add3A_260, %eq3A_2173 : vector<512x128xf32>
    %jit3A_2175 = arith.constant 0x7F800000 : f32
    %broadcast_in_dim3A_2176 = vector.broadcast %jit3A_2175 : f32 to vector<512x128xf32>
    %select_n3A_2177 = arith.select %eq3A_2174, %broadcast_in_dim3A_2176, %select_n3A_2113 : vector<512x128xi1>, vector<512x128xf32>
    %eq3A_2178 = vector.broadcast %broadcast_in_dim3A_2172 : vector<512x1xf32> to vector<512x128xf32>
    %eq3A_2179 = arith.cmpf oeq, %add3A_712, %eq3A_2178 : vector<512x128xf32>
    %jit3A_2180 = arith.constant 0x7F800000 : f32
    %broadcast_in_dim3A_2181 = vector.broadcast %jit3A_2180 : f32 to vector<512x128xf32>
    %select_n3A_2182 = arith.select %eq3A_2179, %broadcast_in_dim3A_2181, %select_n3A_2118 : vector<512x128xi1>, vector<512x128xf32>
    %eq3A_2183 = vector.broadcast %broadcast_in_dim3A_2172 : vector<512x1xf32> to vector<512x128xf32>
    %eq3A_2184 = arith.cmpf oeq, %add3A_1165, %eq3A_2183 : vector<512x128xf32>
    %jit3A_2185 = arith.constant 0x7F800000 : f32
    %broadcast_in_dim3A_2186 = vector.broadcast %jit3A_2185 : f32 to vector<512x128xf32>
    %select_n3A_2187 = arith.select %eq3A_2184, %broadcast_in_dim3A_2186, %select_n3A_2123 : vector<512x128xi1>, vector<512x128xf32>
    %eq3A_2188 = vector.broadcast %broadcast_in_dim3A_2172 : vector<512x1xf32> to vector<512x128xf32>
    %eq3A_2189 = arith.cmpf oeq, %add3A_1618, %eq3A_2188 : vector<512x128xf32>
    %jit3A_2190 = arith.constant 0x7F800000 : f32
    %broadcast_in_dim3A_2191 = vector.broadcast %jit3A_2190 : f32 to vector<512x128xf32>
    %select_n3A_2192 = arith.select %eq3A_2189, %broadcast_in_dim3A_2191, %select_n3A_2128 : vector<512x128xi1>, vector<512x128xf32>
    %eq3A_2193 = vector.broadcast %broadcast_in_dim3A_2172 : vector<512x1xf32> to vector<512x128xf32>
    %eq3A_2194 = arith.cmpf oeq, %add3A_2071, %eq3A_2193 : vector<512x128xf32>
    %jit3A_2195 = arith.constant 0x7F800000 : f32
    %broadcast_in_dim3A_2196 = vector.broadcast %jit3A_2195 : f32 to vector<512x128xf32>
    %select_n3A_2197 = arith.select %eq3A_2194, %broadcast_in_dim3A_2196, %select_n3A_2133 : vector<512x128xi1>, vector<512x128xf32>
    %min3A_2198 = arith.minimumf %select_n3A_2177, %select_n3A_2182 : vector<512x128xf32>
    %min3A_2199 = arith.minimumf %min3A_2198, %select_n3A_2187 : vector<512x128xf32>
    %min3A_2200 = arith.minimumf %min3A_2199, %select_n3A_2192 : vector<512x128xf32>
    %min3A_2201 = arith.minimumf %min3A_2200, %select_n3A_2197 : vector<512x128xf32>
    %reduce_min3A_2202 = arith.constant dense<0x7F800000> : vector<512xf32>
    %reduce_min3A_2203 = vector.multi_reduction <minimumf>, %min3A_2201, %reduce_min3A_2202 [1] : vector<512x128xf32> to vector<512xf32>
    %broadcast_in_dim3A_2204 = vector.shape_cast %reduce_min3A_2203 : vector<512xf32> to vector<512x1xf32>
    %eq3A_2205 = vector.broadcast %broadcast_in_dim3A_2204 : vector<512x1xf32> to vector<512x128xf32>
    %eq3A_2206 = arith.cmpf oeq, %select_n3A_2177, %eq3A_2205 : vector<512x128xf32>
    %jit3A_2207 = arith.constant 1.000000e+09 : f32
    %broadcast_in_dim3A_2208 = vector.broadcast %jit3A_2207 : f32 to vector<512x128xf32>
    %select_n3A_2209 = arith.select %eq3A_2206, %add3A_260, %broadcast_in_dim3A_2208 : vector<512x128xi1>, vector<512x128xf32>
    %eq3A_2210 = vector.broadcast %broadcast_in_dim3A_2204 : vector<512x1xf32> to vector<512x128xf32>
    %eq3A_2211 = arith.cmpf oeq, %select_n3A_2182, %eq3A_2210 : vector<512x128xf32>
    %jit3A_2212 = arith.constant 1.000000e+09 : f32
    %broadcast_in_dim3A_2213 = vector.broadcast %jit3A_2212 : f32 to vector<512x128xf32>
    %select_n3A_2214 = arith.select %eq3A_2211, %add3A_712, %broadcast_in_dim3A_2213 : vector<512x128xi1>, vector<512x128xf32>
    %eq3A_2215 = vector.broadcast %broadcast_in_dim3A_2204 : vector<512x1xf32> to vector<512x128xf32>
    %eq3A_2216 = arith.cmpf oeq, %select_n3A_2187, %eq3A_2215 : vector<512x128xf32>
    %jit3A_2217 = arith.constant 1.000000e+09 : f32
    %broadcast_in_dim3A_2218 = vector.broadcast %jit3A_2217 : f32 to vector<512x128xf32>
    %select_n3A_2219 = arith.select %eq3A_2216, %add3A_1165, %broadcast_in_dim3A_2218 : vector<512x128xi1>, vector<512x128xf32>
    %eq3A_2220 = vector.broadcast %broadcast_in_dim3A_2204 : vector<512x1xf32> to vector<512x128xf32>
    %eq3A_2221 = arith.cmpf oeq, %select_n3A_2192, %eq3A_2220 : vector<512x128xf32>
    %jit3A_2222 = arith.constant 1.000000e+09 : f32
    %broadcast_in_dim3A_2223 = vector.broadcast %jit3A_2222 : f32 to vector<512x128xf32>
    %select_n3A_2224 = arith.select %eq3A_2221, %add3A_1618, %broadcast_in_dim3A_2223 : vector<512x128xi1>, vector<512x128xf32>
    %eq3A_2225 = vector.broadcast %broadcast_in_dim3A_2204 : vector<512x1xf32> to vector<512x128xf32>
    %eq3A_2226 = arith.cmpf oeq, %select_n3A_2197, %eq3A_2225 : vector<512x128xf32>
    %jit3A_2227 = arith.constant 1.000000e+09 : f32
    %broadcast_in_dim3A_2228 = vector.broadcast %jit3A_2227 : f32 to vector<512x128xf32>
    %select_n3A_2229 = arith.select %eq3A_2226, %add3A_2071, %broadcast_in_dim3A_2228 : vector<512x128xi1>, vector<512x128xf32>
    %min3A_2230 = arith.minimumf %select_n3A_2209, %select_n3A_2214 : vector<512x128xf32>
    %min3A_2231 = arith.minimumf %min3A_2230, %select_n3A_2219 : vector<512x128xf32>
    %min3A_2232 = arith.minimumf %min3A_2231, %select_n3A_2224 : vector<512x128xf32>
    %min3A_2233 = arith.minimumf %min3A_2232, %select_n3A_2229 : vector<512x128xf32>
    %reduce_min3A_2234 = arith.constant dense<0x7F800000> : vector<512xf32>
    %reduce_min3A_2235 = vector.multi_reduction <minimumf>, %min3A_2233, %reduce_min3A_2234 [1] : vector<512x128xf32> to vector<512xf32>
    %broadcast_in_dim3A_2236 = vector.shape_cast %reduce_min3A_2235 : vector<512xf32> to vector<512x1xf32>
    %eq3A_2237 = vector.broadcast %broadcast_in_dim3A_2236 : vector<512x1xf32> to vector<512x128xf32>
    %eq3A_2238 = arith.cmpf oeq, %add3A_260, %eq3A_2237 : vector<512x128xf32>
    %jit3A_2239 = arith.constant 0x7F800000 : f32
    %broadcast_in_dim3A_2240 = vector.broadcast %jit3A_2239 : f32 to vector<512x128xf32>
    %select_n3A_2241 = arith.select %eq3A_2238, %broadcast_in_dim3A_2240, %select_n3A_2177 : vector<512x128xi1>, vector<512x128xf32>
    %eq3A_2242 = vector.broadcast %broadcast_in_dim3A_2236 : vector<512x1xf32> to vector<512x128xf32>
    %eq3A_2243 = arith.cmpf oeq, %add3A_712, %eq3A_2242 : vector<512x128xf32>
    %jit3A_2244 = arith.constant 0x7F800000 : f32
    %broadcast_in_dim3A_2245 = vector.broadcast %jit3A_2244 : f32 to vector<512x128xf32>
    %select_n3A_2246 = arith.select %eq3A_2243, %broadcast_in_dim3A_2245, %select_n3A_2182 : vector<512x128xi1>, vector<512x128xf32>
    %eq3A_2247 = vector.broadcast %broadcast_in_dim3A_2236 : vector<512x1xf32> to vector<512x128xf32>
    %eq3A_2248 = arith.cmpf oeq, %add3A_1165, %eq3A_2247 : vector<512x128xf32>
    %jit3A_2249 = arith.constant 0x7F800000 : f32
    %broadcast_in_dim3A_2250 = vector.broadcast %jit3A_2249 : f32 to vector<512x128xf32>
    %select_n3A_2251 = arith.select %eq3A_2248, %broadcast_in_dim3A_2250, %select_n3A_2187 : vector<512x128xi1>, vector<512x128xf32>
    %eq3A_2252 = vector.broadcast %broadcast_in_dim3A_2236 : vector<512x1xf32> to vector<512x128xf32>
    %eq3A_2253 = arith.cmpf oeq, %add3A_1618, %eq3A_2252 : vector<512x128xf32>
    %jit3A_2254 = arith.constant 0x7F800000 : f32
    %broadcast_in_dim3A_2255 = vector.broadcast %jit3A_2254 : f32 to vector<512x128xf32>
    %select_n3A_2256 = arith.select %eq3A_2253, %broadcast_in_dim3A_2255, %select_n3A_2192 : vector<512x128xi1>, vector<512x128xf32>
    %eq3A_2257 = vector.broadcast %broadcast_in_dim3A_2236 : vector<512x1xf32> to vector<512x128xf32>
    %eq3A_2258 = arith.cmpf oeq, %add3A_2071, %eq3A_2257 : vector<512x128xf32>
    %jit3A_2259 = arith.constant 0x7F800000 : f32
    %broadcast_in_dim3A_2260 = vector.broadcast %jit3A_2259 : f32 to vector<512x128xf32>
    %select_n3A_2261 = arith.select %eq3A_2258, %broadcast_in_dim3A_2260, %select_n3A_2197 : vector<512x128xi1>, vector<512x128xf32>
    %min3A_2262 = arith.minimumf %select_n3A_2241, %select_n3A_2246 : vector<512x128xf32>
    %min3A_2263 = arith.minimumf %min3A_2262, %select_n3A_2251 : vector<512x128xf32>
    %min3A_2264 = arith.minimumf %min3A_2263, %select_n3A_2256 : vector<512x128xf32>
    %min3A_2265 = arith.minimumf %min3A_2264, %select_n3A_2261 : vector<512x128xf32>
    %reduce_min3A_2266 = arith.constant dense<0x7F800000> : vector<512xf32>
    %reduce_min3A_2267 = vector.multi_reduction <minimumf>, %min3A_2265, %reduce_min3A_2266 [1] : vector<512x128xf32> to vector<512xf32>
    %broadcast_in_dim3A_2268 = vector.shape_cast %reduce_min3A_2267 : vector<512xf32> to vector<512x1xf32>
    %eq3A_2269 = vector.broadcast %broadcast_in_dim3A_2268 : vector<512x1xf32> to vector<512x128xf32>
    %eq3A_2270 = arith.cmpf oeq, %select_n3A_2241, %eq3A_2269 : vector<512x128xf32>
    %jit3A_2271 = arith.constant 1.000000e+09 : f32
    %broadcast_in_dim3A_2272 = vector.broadcast %jit3A_2271 : f32 to vector<512x128xf32>
    %select_n3A_2273 = arith.select %eq3A_2270, %add3A_260, %broadcast_in_dim3A_2272 : vector<512x128xi1>, vector<512x128xf32>
    %eq3A_2274 = vector.broadcast %broadcast_in_dim3A_2268 : vector<512x1xf32> to vector<512x128xf32>
    %eq3A_2275 = arith.cmpf oeq, %select_n3A_2246, %eq3A_2274 : vector<512x128xf32>
    %jit3A_2276 = arith.constant 1.000000e+09 : f32
    %broadcast_in_dim3A_2277 = vector.broadcast %jit3A_2276 : f32 to vector<512x128xf32>
    %select_n3A_2278 = arith.select %eq3A_2275, %add3A_712, %broadcast_in_dim3A_2277 : vector<512x128xi1>, vector<512x128xf32>
    %eq3A_2279 = vector.broadcast %broadcast_in_dim3A_2268 : vector<512x1xf32> to vector<512x128xf32>
    %eq3A_2280 = arith.cmpf oeq, %select_n3A_2251, %eq3A_2279 : vector<512x128xf32>
    %jit3A_2281 = arith.constant 1.000000e+09 : f32
    %broadcast_in_dim3A_2282 = vector.broadcast %jit3A_2281 : f32 to vector<512x128xf32>
    %select_n3A_2283 = arith.select %eq3A_2280, %add3A_1165, %broadcast_in_dim3A_2282 : vector<512x128xi1>, vector<512x128xf32>
    %eq3A_2284 = vector.broadcast %broadcast_in_dim3A_2268 : vector<512x1xf32> to vector<512x128xf32>
    %eq3A_2285 = arith.cmpf oeq, %select_n3A_2256, %eq3A_2284 : vector<512x128xf32>
    %jit3A_2286 = arith.constant 1.000000e+09 : f32
    %broadcast_in_dim3A_2287 = vector.broadcast %jit3A_2286 : f32 to vector<512x128xf32>
    %select_n3A_2288 = arith.select %eq3A_2285, %add3A_1618, %broadcast_in_dim3A_2287 : vector<512x128xi1>, vector<512x128xf32>
    %eq3A_2289 = vector.broadcast %broadcast_in_dim3A_2268 : vector<512x1xf32> to vector<512x128xf32>
    %eq3A_2290 = arith.cmpf oeq, %select_n3A_2261, %eq3A_2289 : vector<512x128xf32>
    %jit3A_2291 = arith.constant 1.000000e+09 : f32
    %broadcast_in_dim3A_2292 = vector.broadcast %jit3A_2291 : f32 to vector<512x128xf32>
    %select_n3A_2293 = arith.select %eq3A_2290, %add3A_2071, %broadcast_in_dim3A_2292 : vector<512x128xi1>, vector<512x128xf32>
    %min3A_2294 = arith.minimumf %select_n3A_2273, %select_n3A_2278 : vector<512x128xf32>
    %min3A_2295 = arith.minimumf %min3A_2294, %select_n3A_2283 : vector<512x128xf32>
    %min3A_2296 = arith.minimumf %min3A_2295, %select_n3A_2288 : vector<512x128xf32>
    %min3A_2297 = arith.minimumf %min3A_2296, %select_n3A_2293 : vector<512x128xf32>
    %reduce_min3A_2298 = arith.constant dense<0x7F800000> : vector<512xf32>
    %reduce_min3A_2299 = vector.multi_reduction <minimumf>, %min3A_2297, %reduce_min3A_2298 [1] : vector<512x128xf32> to vector<512xf32>
    %broadcast_in_dim3A_2300 = vector.shape_cast %reduce_min3A_2299 : vector<512xf32> to vector<512x1xf32>
    %eq3A_2301 = vector.broadcast %broadcast_in_dim3A_2300 : vector<512x1xf32> to vector<512x128xf32>
    %eq3A_2302 = arith.cmpf oeq, %add3A_260, %eq3A_2301 : vector<512x128xf32>
    %jit3A_2303 = arith.constant 0x7F800000 : f32
    %broadcast_in_dim3A_2304 = vector.broadcast %jit3A_2303 : f32 to vector<512x128xf32>
    %select_n3A_2305 = arith.select %eq3A_2302, %broadcast_in_dim3A_2304, %select_n3A_2241 : vector<512x128xi1>, vector<512x128xf32>
    %eq3A_2306 = vector.broadcast %broadcast_in_dim3A_2300 : vector<512x1xf32> to vector<512x128xf32>
    %eq3A_2307 = arith.cmpf oeq, %add3A_712, %eq3A_2306 : vector<512x128xf32>
    %jit3A_2308 = arith.constant 0x7F800000 : f32
    %broadcast_in_dim3A_2309 = vector.broadcast %jit3A_2308 : f32 to vector<512x128xf32>
    %select_n3A_2310 = arith.select %eq3A_2307, %broadcast_in_dim3A_2309, %select_n3A_2246 : vector<512x128xi1>, vector<512x128xf32>
    %eq3A_2311 = vector.broadcast %broadcast_in_dim3A_2300 : vector<512x1xf32> to vector<512x128xf32>
    %eq3A_2312 = arith.cmpf oeq, %add3A_1165, %eq3A_2311 : vector<512x128xf32>
    %jit3A_2313 = arith.constant 0x7F800000 : f32
    %broadcast_in_dim3A_2314 = vector.broadcast %jit3A_2313 : f32 to vector<512x128xf32>
    %select_n3A_2315 = arith.select %eq3A_2312, %broadcast_in_dim3A_2314, %select_n3A_2251 : vector<512x128xi1>, vector<512x128xf32>
    %eq3A_2316 = vector.broadcast %broadcast_in_dim3A_2300 : vector<512x1xf32> to vector<512x128xf32>
    %eq3A_2317 = arith.cmpf oeq, %add3A_1618, %eq3A_2316 : vector<512x128xf32>
    %jit3A_2318 = arith.constant 0x7F800000 : f32
    %broadcast_in_dim3A_2319 = vector.broadcast %jit3A_2318 : f32 to vector<512x128xf32>
    %select_n3A_2320 = arith.select %eq3A_2317, %broadcast_in_dim3A_2319, %select_n3A_2256 : vector<512x128xi1>, vector<512x128xf32>
    %eq3A_2321 = vector.broadcast %broadcast_in_dim3A_2300 : vector<512x1xf32> to vector<512x128xf32>
    %eq3A_2322 = arith.cmpf oeq, %add3A_2071, %eq3A_2321 : vector<512x128xf32>
    %jit3A_2323 = arith.constant 0x7F800000 : f32
    %broadcast_in_dim3A_2324 = vector.broadcast %jit3A_2323 : f32 to vector<512x128xf32>
    %select_n3A_2325 = arith.select %eq3A_2322, %broadcast_in_dim3A_2324, %select_n3A_2261 : vector<512x128xi1>, vector<512x128xf32>
    %min3A_2326 = arith.minimumf %select_n3A_2305, %select_n3A_2310 : vector<512x128xf32>
    %min3A_2327 = arith.minimumf %min3A_2326, %select_n3A_2315 : vector<512x128xf32>
    %min3A_2328 = arith.minimumf %min3A_2327, %select_n3A_2320 : vector<512x128xf32>
    %min3A_2329 = arith.minimumf %min3A_2328, %select_n3A_2325 : vector<512x128xf32>
    %reduce_min3A_2330 = arith.constant dense<0x7F800000> : vector<512xf32>
    %reduce_min3A_2331 = vector.multi_reduction <minimumf>, %min3A_2329, %reduce_min3A_2330 [1] : vector<512x128xf32> to vector<512xf32>
    %broadcast_in_dim3A_2332 = vector.shape_cast %reduce_min3A_2331 : vector<512xf32> to vector<512x1xf32>
    %eq3A_2333 = vector.broadcast %broadcast_in_dim3A_2332 : vector<512x1xf32> to vector<512x128xf32>
    %eq3A_2334 = arith.cmpf oeq, %select_n3A_2305, %eq3A_2333 : vector<512x128xf32>
    %jit3A_2335 = arith.constant 1.000000e+09 : f32
    %broadcast_in_dim3A_2336 = vector.broadcast %jit3A_2335 : f32 to vector<512x128xf32>
    %select_n3A_2337 = arith.select %eq3A_2334, %add3A_260, %broadcast_in_dim3A_2336 : vector<512x128xi1>, vector<512x128xf32>
    %eq3A_2338 = vector.broadcast %broadcast_in_dim3A_2332 : vector<512x1xf32> to vector<512x128xf32>
    %eq3A_2339 = arith.cmpf oeq, %select_n3A_2310, %eq3A_2338 : vector<512x128xf32>
    %jit3A_2340 = arith.constant 1.000000e+09 : f32
    %broadcast_in_dim3A_2341 = vector.broadcast %jit3A_2340 : f32 to vector<512x128xf32>
    %select_n3A_2342 = arith.select %eq3A_2339, %add3A_712, %broadcast_in_dim3A_2341 : vector<512x128xi1>, vector<512x128xf32>
    %eq3A_2343 = vector.broadcast %broadcast_in_dim3A_2332 : vector<512x1xf32> to vector<512x128xf32>
    %eq3A_2344 = arith.cmpf oeq, %select_n3A_2315, %eq3A_2343 : vector<512x128xf32>
    %jit3A_2345 = arith.constant 1.000000e+09 : f32
    %broadcast_in_dim3A_2346 = vector.broadcast %jit3A_2345 : f32 to vector<512x128xf32>
    %select_n3A_2347 = arith.select %eq3A_2344, %add3A_1165, %broadcast_in_dim3A_2346 : vector<512x128xi1>, vector<512x128xf32>
    %eq3A_2348 = vector.broadcast %broadcast_in_dim3A_2332 : vector<512x1xf32> to vector<512x128xf32>
    %eq3A_2349 = arith.cmpf oeq, %select_n3A_2320, %eq3A_2348 : vector<512x128xf32>
    %jit3A_2350 = arith.constant 1.000000e+09 : f32
    %broadcast_in_dim3A_2351 = vector.broadcast %jit3A_2350 : f32 to vector<512x128xf32>
    %select_n3A_2352 = arith.select %eq3A_2349, %add3A_1618, %broadcast_in_dim3A_2351 : vector<512x128xi1>, vector<512x128xf32>
    %eq3A_2353 = vector.broadcast %broadcast_in_dim3A_2332 : vector<512x1xf32> to vector<512x128xf32>
    %eq3A_2354 = arith.cmpf oeq, %select_n3A_2325, %eq3A_2353 : vector<512x128xf32>
    %jit3A_2355 = arith.constant 1.000000e+09 : f32
    %broadcast_in_dim3A_2356 = vector.broadcast %jit3A_2355 : f32 to vector<512x128xf32>
    %select_n3A_2357 = arith.select %eq3A_2354, %add3A_2071, %broadcast_in_dim3A_2356 : vector<512x128xi1>, vector<512x128xf32>
    %min3A_2358 = arith.minimumf %select_n3A_2337, %select_n3A_2342 : vector<512x128xf32>
    %min3A_2359 = arith.minimumf %min3A_2358, %select_n3A_2347 : vector<512x128xf32>
    %min3A_2360 = arith.minimumf %min3A_2359, %select_n3A_2352 : vector<512x128xf32>
    %min3A_2361 = arith.minimumf %min3A_2360, %select_n3A_2357 : vector<512x128xf32>
    %reduce_min3A_2362 = arith.constant dense<0x7F800000> : vector<512xf32>
    %reduce_min3A_2363 = vector.multi_reduction <minimumf>, %min3A_2361, %reduce_min3A_2362 [1] : vector<512x128xf32> to vector<512xf32>
    %broadcast_in_dim3A_2364 = vector.shape_cast %reduce_min3A_2363 : vector<512xf32> to vector<512x1xf32>
    %eq3A_2365 = vector.broadcast %broadcast_in_dim3A_2364 : vector<512x1xf32> to vector<512x128xf32>
    %eq3A_2366 = arith.cmpf oeq, %add3A_260, %eq3A_2365 : vector<512x128xf32>
    %jit3A_2367 = arith.constant 0x7F800000 : f32
    %broadcast_in_dim3A_2368 = vector.broadcast %jit3A_2367 : f32 to vector<512x128xf32>
    %select_n3A_2369 = arith.select %eq3A_2366, %broadcast_in_dim3A_2368, %select_n3A_2305 : vector<512x128xi1>, vector<512x128xf32>
    %eq3A_2370 = vector.broadcast %broadcast_in_dim3A_2364 : vector<512x1xf32> to vector<512x128xf32>
    %eq3A_2371 = arith.cmpf oeq, %add3A_712, %eq3A_2370 : vector<512x128xf32>
    %jit3A_2372 = arith.constant 0x7F800000 : f32
    %broadcast_in_dim3A_2373 = vector.broadcast %jit3A_2372 : f32 to vector<512x128xf32>
    %select_n3A_2374 = arith.select %eq3A_2371, %broadcast_in_dim3A_2373, %select_n3A_2310 : vector<512x128xi1>, vector<512x128xf32>
    %eq3A_2375 = vector.broadcast %broadcast_in_dim3A_2364 : vector<512x1xf32> to vector<512x128xf32>
    %eq3A_2376 = arith.cmpf oeq, %add3A_1165, %eq3A_2375 : vector<512x128xf32>
    %jit3A_2377 = arith.constant 0x7F800000 : f32
    %broadcast_in_dim3A_2378 = vector.broadcast %jit3A_2377 : f32 to vector<512x128xf32>
    %select_n3A_2379 = arith.select %eq3A_2376, %broadcast_in_dim3A_2378, %select_n3A_2315 : vector<512x128xi1>, vector<512x128xf32>
    %eq3A_2380 = vector.broadcast %broadcast_in_dim3A_2364 : vector<512x1xf32> to vector<512x128xf32>
    %eq3A_2381 = arith.cmpf oeq, %add3A_1618, %eq3A_2380 : vector<512x128xf32>
    %jit3A_2382 = arith.constant 0x7F800000 : f32
    %broadcast_in_dim3A_2383 = vector.broadcast %jit3A_2382 : f32 to vector<512x128xf32>
    %select_n3A_2384 = arith.select %eq3A_2381, %broadcast_in_dim3A_2383, %select_n3A_2320 : vector<512x128xi1>, vector<512x128xf32>
    %eq3A_2385 = vector.broadcast %broadcast_in_dim3A_2364 : vector<512x1xf32> to vector<512x128xf32>
    %eq3A_2386 = arith.cmpf oeq, %add3A_2071, %eq3A_2385 : vector<512x128xf32>
    %jit3A_2387 = arith.constant 0x7F800000 : f32
    %broadcast_in_dim3A_2388 = vector.broadcast %jit3A_2387 : f32 to vector<512x128xf32>
    %select_n3A_2389 = arith.select %eq3A_2386, %broadcast_in_dim3A_2388, %select_n3A_2325 : vector<512x128xi1>, vector<512x128xf32>
    %min3A_2390 = arith.minimumf %select_n3A_2369, %select_n3A_2374 : vector<512x128xf32>
    %min3A_2391 = arith.minimumf %min3A_2390, %select_n3A_2379 : vector<512x128xf32>
    %min3A_2392 = arith.minimumf %min3A_2391, %select_n3A_2384 : vector<512x128xf32>
    %min3A_2393 = arith.minimumf %min3A_2392, %select_n3A_2389 : vector<512x128xf32>
    %reduce_min3A_2394 = arith.constant dense<0x7F800000> : vector<512xf32>
    %reduce_min3A_2395 = vector.multi_reduction <minimumf>, %min3A_2393, %reduce_min3A_2394 [1] : vector<512x128xf32> to vector<512xf32>
    %broadcast_in_dim3A_2396 = vector.shape_cast %reduce_min3A_2395 : vector<512xf32> to vector<512x1xf32>
    %eq3A_2397 = vector.broadcast %broadcast_in_dim3A_2396 : vector<512x1xf32> to vector<512x128xf32>
    %eq3A_2398 = arith.cmpf oeq, %select_n3A_2369, %eq3A_2397 : vector<512x128xf32>
    %jit3A_2399 = arith.constant 1.000000e+09 : f32
    %broadcast_in_dim3A_2400 = vector.broadcast %jit3A_2399 : f32 to vector<512x128xf32>
    %select_n3A_2401 = arith.select %eq3A_2398, %add3A_260, %broadcast_in_dim3A_2400 : vector<512x128xi1>, vector<512x128xf32>
    %eq3A_2402 = vector.broadcast %broadcast_in_dim3A_2396 : vector<512x1xf32> to vector<512x128xf32>
    %eq3A_2403 = arith.cmpf oeq, %select_n3A_2374, %eq3A_2402 : vector<512x128xf32>
    %jit3A_2404 = arith.constant 1.000000e+09 : f32
    %broadcast_in_dim3A_2405 = vector.broadcast %jit3A_2404 : f32 to vector<512x128xf32>
    %select_n3A_2406 = arith.select %eq3A_2403, %add3A_712, %broadcast_in_dim3A_2405 : vector<512x128xi1>, vector<512x128xf32>
    %eq3A_2407 = vector.broadcast %broadcast_in_dim3A_2396 : vector<512x1xf32> to vector<512x128xf32>
    %eq3A_2408 = arith.cmpf oeq, %select_n3A_2379, %eq3A_2407 : vector<512x128xf32>
    %jit3A_2409 = arith.constant 1.000000e+09 : f32
    %broadcast_in_dim3A_2410 = vector.broadcast %jit3A_2409 : f32 to vector<512x128xf32>
    %select_n3A_2411 = arith.select %eq3A_2408, %add3A_1165, %broadcast_in_dim3A_2410 : vector<512x128xi1>, vector<512x128xf32>
    %eq3A_2412 = vector.broadcast %broadcast_in_dim3A_2396 : vector<512x1xf32> to vector<512x128xf32>
    %eq3A_2413 = arith.cmpf oeq, %select_n3A_2384, %eq3A_2412 : vector<512x128xf32>
    %jit3A_2414 = arith.constant 1.000000e+09 : f32
    %broadcast_in_dim3A_2415 = vector.broadcast %jit3A_2414 : f32 to vector<512x128xf32>
    %select_n3A_2416 = arith.select %eq3A_2413, %add3A_1618, %broadcast_in_dim3A_2415 : vector<512x128xi1>, vector<512x128xf32>
    %eq3A_2417 = vector.broadcast %broadcast_in_dim3A_2396 : vector<512x1xf32> to vector<512x128xf32>
    %eq3A_2418 = arith.cmpf oeq, %select_n3A_2389, %eq3A_2417 : vector<512x128xf32>
    %jit3A_2419 = arith.constant 1.000000e+09 : f32
    %broadcast_in_dim3A_2420 = vector.broadcast %jit3A_2419 : f32 to vector<512x128xf32>
    %select_n3A_2421 = arith.select %eq3A_2418, %add3A_2071, %broadcast_in_dim3A_2420 : vector<512x128xi1>, vector<512x128xf32>
    %min3A_2422 = arith.minimumf %select_n3A_2401, %select_n3A_2406 : vector<512x128xf32>
    %min3A_2423 = arith.minimumf %min3A_2422, %select_n3A_2411 : vector<512x128xf32>
    %min3A_2424 = arith.minimumf %min3A_2423, %select_n3A_2416 : vector<512x128xf32>
    %min3A_2425 = arith.minimumf %min3A_2424, %select_n3A_2421 : vector<512x128xf32>
    %reduce_min3A_2426 = arith.constant dense<0x7F800000> : vector<512xf32>
    %reduce_min3A_2427 = vector.multi_reduction <minimumf>, %min3A_2425, %reduce_min3A_2426 [1] : vector<512x128xf32> to vector<512xf32>
    %broadcast_in_dim3A_2428 = vector.shape_cast %reduce_min3A_2427 : vector<512xf32> to vector<512x1xf32>
    %eq3A_2429 = vector.broadcast %broadcast_in_dim3A_2428 : vector<512x1xf32> to vector<512x128xf32>
    %eq3A_2430 = arith.cmpf oeq, %add3A_260, %eq3A_2429 : vector<512x128xf32>
    %jit3A_2431 = arith.constant 0x7F800000 : f32
    %broadcast_in_dim3A_2432 = vector.broadcast %jit3A_2431 : f32 to vector<512x128xf32>
    %select_n3A_2433 = arith.select %eq3A_2430, %broadcast_in_dim3A_2432, %select_n3A_2369 : vector<512x128xi1>, vector<512x128xf32>
    %eq3A_2434 = vector.broadcast %broadcast_in_dim3A_2428 : vector<512x1xf32> to vector<512x128xf32>
    %eq3A_2435 = arith.cmpf oeq, %add3A_712, %eq3A_2434 : vector<512x128xf32>
    %jit3A_2436 = arith.constant 0x7F800000 : f32
    %broadcast_in_dim3A_2437 = vector.broadcast %jit3A_2436 : f32 to vector<512x128xf32>
    %select_n3A_2438 = arith.select %eq3A_2435, %broadcast_in_dim3A_2437, %select_n3A_2374 : vector<512x128xi1>, vector<512x128xf32>
    %eq3A_2439 = vector.broadcast %broadcast_in_dim3A_2428 : vector<512x1xf32> to vector<512x128xf32>
    %eq3A_2440 = arith.cmpf oeq, %add3A_1165, %eq3A_2439 : vector<512x128xf32>
    %jit3A_2441 = arith.constant 0x7F800000 : f32
    %broadcast_in_dim3A_2442 = vector.broadcast %jit3A_2441 : f32 to vector<512x128xf32>
    %select_n3A_2443 = arith.select %eq3A_2440, %broadcast_in_dim3A_2442, %select_n3A_2379 : vector<512x128xi1>, vector<512x128xf32>
    %eq3A_2444 = vector.broadcast %broadcast_in_dim3A_2428 : vector<512x1xf32> to vector<512x128xf32>
    %eq3A_2445 = arith.cmpf oeq, %add3A_1618, %eq3A_2444 : vector<512x128xf32>
    %jit3A_2446 = arith.constant 0x7F800000 : f32
    %broadcast_in_dim3A_2447 = vector.broadcast %jit3A_2446 : f32 to vector<512x128xf32>
    %select_n3A_2448 = arith.select %eq3A_2445, %broadcast_in_dim3A_2447, %select_n3A_2384 : vector<512x128xi1>, vector<512x128xf32>
    %eq3A_2449 = vector.broadcast %broadcast_in_dim3A_2428 : vector<512x1xf32> to vector<512x128xf32>
    %eq3A_2450 = arith.cmpf oeq, %add3A_2071, %eq3A_2449 : vector<512x128xf32>
    %jit3A_2451 = arith.constant 0x7F800000 : f32
    %broadcast_in_dim3A_2452 = vector.broadcast %jit3A_2451 : f32 to vector<512x128xf32>
    %select_n3A_2453 = arith.select %eq3A_2450, %broadcast_in_dim3A_2452, %select_n3A_2389 : vector<512x128xi1>, vector<512x128xf32>
    %min3A_2454 = arith.minimumf %select_n3A_2433, %select_n3A_2438 : vector<512x128xf32>
    %min3A_2455 = arith.minimumf %min3A_2454, %select_n3A_2443 : vector<512x128xf32>
    %min3A_2456 = arith.minimumf %min3A_2455, %select_n3A_2448 : vector<512x128xf32>
    %min3A_2457 = arith.minimumf %min3A_2456, %select_n3A_2453 : vector<512x128xf32>
    %reduce_min3A_2458 = arith.constant dense<0x7F800000> : vector<512xf32>
    %reduce_min3A_2459 = vector.multi_reduction <minimumf>, %min3A_2457, %reduce_min3A_2458 [1] : vector<512x128xf32> to vector<512xf32>
    %broadcast_in_dim3A_2460 = vector.shape_cast %reduce_min3A_2459 : vector<512xf32> to vector<512x1xf32>
    %eq3A_2461 = vector.broadcast %broadcast_in_dim3A_2460 : vector<512x1xf32> to vector<512x128xf32>
    %eq3A_2462 = arith.cmpf oeq, %select_n3A_2433, %eq3A_2461 : vector<512x128xf32>
    %jit3A_2463 = arith.constant 1.000000e+09 : f32
    %broadcast_in_dim3A_2464 = vector.broadcast %jit3A_2463 : f32 to vector<512x128xf32>
    %select_n3A_2465 = arith.select %eq3A_2462, %add3A_260, %broadcast_in_dim3A_2464 : vector<512x128xi1>, vector<512x128xf32>
    %eq3A_2466 = vector.broadcast %broadcast_in_dim3A_2460 : vector<512x1xf32> to vector<512x128xf32>
    %eq3A_2467 = arith.cmpf oeq, %select_n3A_2438, %eq3A_2466 : vector<512x128xf32>
    %jit3A_2468 = arith.constant 1.000000e+09 : f32
    %broadcast_in_dim3A_2469 = vector.broadcast %jit3A_2468 : f32 to vector<512x128xf32>
    %select_n3A_2470 = arith.select %eq3A_2467, %add3A_712, %broadcast_in_dim3A_2469 : vector<512x128xi1>, vector<512x128xf32>
    %eq3A_2471 = vector.broadcast %broadcast_in_dim3A_2460 : vector<512x1xf32> to vector<512x128xf32>
    %eq3A_2472 = arith.cmpf oeq, %select_n3A_2443, %eq3A_2471 : vector<512x128xf32>
    %jit3A_2473 = arith.constant 1.000000e+09 : f32
    %broadcast_in_dim3A_2474 = vector.broadcast %jit3A_2473 : f32 to vector<512x128xf32>
    %select_n3A_2475 = arith.select %eq3A_2472, %add3A_1165, %broadcast_in_dim3A_2474 : vector<512x128xi1>, vector<512x128xf32>
    %eq3A_2476 = vector.broadcast %broadcast_in_dim3A_2460 : vector<512x1xf32> to vector<512x128xf32>
    %eq3A_2477 = arith.cmpf oeq, %select_n3A_2448, %eq3A_2476 : vector<512x128xf32>
    %jit3A_2478 = arith.constant 1.000000e+09 : f32
    %broadcast_in_dim3A_2479 = vector.broadcast %jit3A_2478 : f32 to vector<512x128xf32>
    %select_n3A_2480 = arith.select %eq3A_2477, %add3A_1618, %broadcast_in_dim3A_2479 : vector<512x128xi1>, vector<512x128xf32>
    %eq3A_2481 = vector.broadcast %broadcast_in_dim3A_2460 : vector<512x1xf32> to vector<512x128xf32>
    %eq3A_2482 = arith.cmpf oeq, %select_n3A_2453, %eq3A_2481 : vector<512x128xf32>
    %jit3A_2483 = arith.constant 1.000000e+09 : f32
    %broadcast_in_dim3A_2484 = vector.broadcast %jit3A_2483 : f32 to vector<512x128xf32>
    %select_n3A_2485 = arith.select %eq3A_2482, %add3A_2071, %broadcast_in_dim3A_2484 : vector<512x128xi1>, vector<512x128xf32>
    %min3A_2486 = arith.minimumf %select_n3A_2465, %select_n3A_2470 : vector<512x128xf32>
    %min3A_2487 = arith.minimumf %min3A_2486, %select_n3A_2475 : vector<512x128xf32>
    %min3A_2488 = arith.minimumf %min3A_2487, %select_n3A_2480 : vector<512x128xf32>
    %min3A_2489 = arith.minimumf %min3A_2488, %select_n3A_2485 : vector<512x128xf32>
    %reduce_min3A_2490 = arith.constant dense<0x7F800000> : vector<512xf32>
    %reduce_min3A_2491 = vector.multi_reduction <minimumf>, %min3A_2489, %reduce_min3A_2490 [1] : vector<512x128xf32> to vector<512xf32>
    %broadcast_in_dim3A_2492 = vector.shape_cast %reduce_min3A_2491 : vector<512xf32> to vector<512x1xf32>
    %eq3A_2493 = vector.broadcast %broadcast_in_dim3A_2492 : vector<512x1xf32> to vector<512x128xf32>
    %eq3A_2494 = arith.cmpf oeq, %add3A_260, %eq3A_2493 : vector<512x128xf32>
    %jit3A_2495 = arith.constant 0x7F800000 : f32
    %broadcast_in_dim3A_2496 = vector.broadcast %jit3A_2495 : f32 to vector<512x128xf32>
    %select_n3A_2497 = arith.select %eq3A_2494, %broadcast_in_dim3A_2496, %select_n3A_2433 : vector<512x128xi1>, vector<512x128xf32>
    %eq3A_2498 = vector.broadcast %broadcast_in_dim3A_2492 : vector<512x1xf32> to vector<512x128xf32>
    %eq3A_2499 = arith.cmpf oeq, %add3A_712, %eq3A_2498 : vector<512x128xf32>
    %jit3A_2500 = arith.constant 0x7F800000 : f32
    %broadcast_in_dim3A_2501 = vector.broadcast %jit3A_2500 : f32 to vector<512x128xf32>
    %select_n3A_2502 = arith.select %eq3A_2499, %broadcast_in_dim3A_2501, %select_n3A_2438 : vector<512x128xi1>, vector<512x128xf32>
    %eq3A_2503 = vector.broadcast %broadcast_in_dim3A_2492 : vector<512x1xf32> to vector<512x128xf32>
    %eq3A_2504 = arith.cmpf oeq, %add3A_1165, %eq3A_2503 : vector<512x128xf32>
    %jit3A_2505 = arith.constant 0x7F800000 : f32
    %broadcast_in_dim3A_2506 = vector.broadcast %jit3A_2505 : f32 to vector<512x128xf32>
    %select_n3A_2507 = arith.select %eq3A_2504, %broadcast_in_dim3A_2506, %select_n3A_2443 : vector<512x128xi1>, vector<512x128xf32>
    %eq3A_2508 = vector.broadcast %broadcast_in_dim3A_2492 : vector<512x1xf32> to vector<512x128xf32>
    %eq3A_2509 = arith.cmpf oeq, %add3A_1618, %eq3A_2508 : vector<512x128xf32>
    %jit3A_2510 = arith.constant 0x7F800000 : f32
    %broadcast_in_dim3A_2511 = vector.broadcast %jit3A_2510 : f32 to vector<512x128xf32>
    %select_n3A_2512 = arith.select %eq3A_2509, %broadcast_in_dim3A_2511, %select_n3A_2448 : vector<512x128xi1>, vector<512x128xf32>
    %eq3A_2513 = vector.broadcast %broadcast_in_dim3A_2492 : vector<512x1xf32> to vector<512x128xf32>
    %eq3A_2514 = arith.cmpf oeq, %add3A_2071, %eq3A_2513 : vector<512x128xf32>
    %jit3A_2515 = arith.constant 0x7F800000 : f32
    %broadcast_in_dim3A_2516 = vector.broadcast %jit3A_2515 : f32 to vector<512x128xf32>
    %select_n3A_2517 = arith.select %eq3A_2514, %broadcast_in_dim3A_2516, %select_n3A_2453 : vector<512x128xi1>, vector<512x128xf32>
    %min3A_2518 = arith.minimumf %select_n3A_2497, %select_n3A_2502 : vector<512x128xf32>
    %min3A_2519 = arith.minimumf %min3A_2518, %select_n3A_2507 : vector<512x128xf32>
    %min3A_2520 = arith.minimumf %min3A_2519, %select_n3A_2512 : vector<512x128xf32>
    %min3A_2521 = arith.minimumf %min3A_2520, %select_n3A_2517 : vector<512x128xf32>
    %reduce_min3A_2522 = arith.constant dense<0x7F800000> : vector<512xf32>
    %reduce_min3A_2523 = vector.multi_reduction <minimumf>, %min3A_2521, %reduce_min3A_2522 [1] : vector<512x128xf32> to vector<512xf32>
    %broadcast_in_dim3A_2524 = vector.shape_cast %reduce_min3A_2523 : vector<512xf32> to vector<512x1xf32>
    %eq3A_2525 = vector.broadcast %broadcast_in_dim3A_2524 : vector<512x1xf32> to vector<512x128xf32>
    %eq3A_2526 = arith.cmpf oeq, %select_n3A_2497, %eq3A_2525 : vector<512x128xf32>
    %jit3A_2527 = arith.constant 1.000000e+09 : f32
    %broadcast_in_dim3A_2528 = vector.broadcast %jit3A_2527 : f32 to vector<512x128xf32>
    %select_n3A_2529 = arith.select %eq3A_2526, %add3A_260, %broadcast_in_dim3A_2528 : vector<512x128xi1>, vector<512x128xf32>
    %eq3A_2530 = vector.broadcast %broadcast_in_dim3A_2524 : vector<512x1xf32> to vector<512x128xf32>
    %eq3A_2531 = arith.cmpf oeq, %select_n3A_2502, %eq3A_2530 : vector<512x128xf32>
    %jit3A_2532 = arith.constant 1.000000e+09 : f32
    %broadcast_in_dim3A_2533 = vector.broadcast %jit3A_2532 : f32 to vector<512x128xf32>
    %select_n3A_2534 = arith.select %eq3A_2531, %add3A_712, %broadcast_in_dim3A_2533 : vector<512x128xi1>, vector<512x128xf32>
    %eq3A_2535 = vector.broadcast %broadcast_in_dim3A_2524 : vector<512x1xf32> to vector<512x128xf32>
    %eq3A_2536 = arith.cmpf oeq, %select_n3A_2507, %eq3A_2535 : vector<512x128xf32>
    %jit3A_2537 = arith.constant 1.000000e+09 : f32
    %broadcast_in_dim3A_2538 = vector.broadcast %jit3A_2537 : f32 to vector<512x128xf32>
    %select_n3A_2539 = arith.select %eq3A_2536, %add3A_1165, %broadcast_in_dim3A_2538 : vector<512x128xi1>, vector<512x128xf32>
    %eq3A_2540 = vector.broadcast %broadcast_in_dim3A_2524 : vector<512x1xf32> to vector<512x128xf32>
    %eq3A_2541 = arith.cmpf oeq, %select_n3A_2512, %eq3A_2540 : vector<512x128xf32>
    %jit3A_2542 = arith.constant 1.000000e+09 : f32
    %broadcast_in_dim3A_2543 = vector.broadcast %jit3A_2542 : f32 to vector<512x128xf32>
    %select_n3A_2544 = arith.select %eq3A_2541, %add3A_1618, %broadcast_in_dim3A_2543 : vector<512x128xi1>, vector<512x128xf32>
    %eq3A_2545 = vector.broadcast %broadcast_in_dim3A_2524 : vector<512x1xf32> to vector<512x128xf32>
    %eq3A_2546 = arith.cmpf oeq, %select_n3A_2517, %eq3A_2545 : vector<512x128xf32>
    %jit3A_2547 = arith.constant 1.000000e+09 : f32
    %broadcast_in_dim3A_2548 = vector.broadcast %jit3A_2547 : f32 to vector<512x128xf32>
    %select_n3A_2549 = arith.select %eq3A_2546, %add3A_2071, %broadcast_in_dim3A_2548 : vector<512x128xi1>, vector<512x128xf32>
    %min3A_2550 = arith.minimumf %select_n3A_2529, %select_n3A_2534 : vector<512x128xf32>
    %min3A_2551 = arith.minimumf %min3A_2550, %select_n3A_2539 : vector<512x128xf32>
    %min3A_2552 = arith.minimumf %min3A_2551, %select_n3A_2544 : vector<512x128xf32>
    %min3A_2553 = arith.minimumf %min3A_2552, %select_n3A_2549 : vector<512x128xf32>
    %reduce_min3A_2554 = arith.constant dense<0x7F800000> : vector<512xf32>
    %reduce_min3A_2555 = vector.multi_reduction <minimumf>, %min3A_2553, %reduce_min3A_2554 [1] : vector<512x128xf32> to vector<512xf32>
    %broadcast_in_dim3A_2556 = vector.shape_cast %reduce_min3A_2555 : vector<512xf32> to vector<512x1xf32>
    %eq3A_2557 = vector.broadcast %broadcast_in_dim3A_2556 : vector<512x1xf32> to vector<512x128xf32>
    %eq3A_2558 = arith.cmpf oeq, %add3A_260, %eq3A_2557 : vector<512x128xf32>
    %jit3A_2559 = arith.constant 0x7F800000 : f32
    %broadcast_in_dim3A_2560 = vector.broadcast %jit3A_2559 : f32 to vector<512x128xf32>
    %select_n3A_2561 = arith.select %eq3A_2558, %broadcast_in_dim3A_2560, %select_n3A_2497 : vector<512x128xi1>, vector<512x128xf32>
    %eq3A_2562 = vector.broadcast %broadcast_in_dim3A_2556 : vector<512x1xf32> to vector<512x128xf32>
    %eq3A_2563 = arith.cmpf oeq, %add3A_712, %eq3A_2562 : vector<512x128xf32>
    %jit3A_2564 = arith.constant 0x7F800000 : f32
    %broadcast_in_dim3A_2565 = vector.broadcast %jit3A_2564 : f32 to vector<512x128xf32>
    %select_n3A_2566 = arith.select %eq3A_2563, %broadcast_in_dim3A_2565, %select_n3A_2502 : vector<512x128xi1>, vector<512x128xf32>
    %eq3A_2567 = vector.broadcast %broadcast_in_dim3A_2556 : vector<512x1xf32> to vector<512x128xf32>
    %eq3A_2568 = arith.cmpf oeq, %add3A_1165, %eq3A_2567 : vector<512x128xf32>
    %jit3A_2569 = arith.constant 0x7F800000 : f32
    %broadcast_in_dim3A_2570 = vector.broadcast %jit3A_2569 : f32 to vector<512x128xf32>
    %select_n3A_2571 = arith.select %eq3A_2568, %broadcast_in_dim3A_2570, %select_n3A_2507 : vector<512x128xi1>, vector<512x128xf32>
    %eq3A_2572 = vector.broadcast %broadcast_in_dim3A_2556 : vector<512x1xf32> to vector<512x128xf32>
    %eq3A_2573 = arith.cmpf oeq, %add3A_1618, %eq3A_2572 : vector<512x128xf32>
    %jit3A_2574 = arith.constant 0x7F800000 : f32
    %broadcast_in_dim3A_2575 = vector.broadcast %jit3A_2574 : f32 to vector<512x128xf32>
    %select_n3A_2576 = arith.select %eq3A_2573, %broadcast_in_dim3A_2575, %select_n3A_2512 : vector<512x128xi1>, vector<512x128xf32>
    %eq3A_2577 = vector.broadcast %broadcast_in_dim3A_2556 : vector<512x1xf32> to vector<512x128xf32>
    %eq3A_2578 = arith.cmpf oeq, %add3A_2071, %eq3A_2577 : vector<512x128xf32>
    %jit3A_2579 = arith.constant 0x7F800000 : f32
    %broadcast_in_dim3A_2580 = vector.broadcast %jit3A_2579 : f32 to vector<512x128xf32>
    %select_n3A_2581 = arith.select %eq3A_2578, %broadcast_in_dim3A_2580, %select_n3A_2517 : vector<512x128xi1>, vector<512x128xf32>
    %min3A_2582 = arith.minimumf %select_n3A_2561, %select_n3A_2566 : vector<512x128xf32>
    %min3A_2583 = arith.minimumf %min3A_2582, %select_n3A_2571 : vector<512x128xf32>
    %min3A_2584 = arith.minimumf %min3A_2583, %select_n3A_2576 : vector<512x128xf32>
    %min3A_2585 = arith.minimumf %min3A_2584, %select_n3A_2581 : vector<512x128xf32>
    %reduce_min3A_2586 = arith.constant dense<0x7F800000> : vector<512xf32>
    %reduce_min3A_2587 = vector.multi_reduction <minimumf>, %min3A_2585, %reduce_min3A_2586 [1] : vector<512x128xf32> to vector<512xf32>
    %broadcast_in_dim3A_2588 = vector.shape_cast %reduce_min3A_2587 : vector<512xf32> to vector<512x1xf32>
    %eq3A_2589 = vector.broadcast %broadcast_in_dim3A_2588 : vector<512x1xf32> to vector<512x128xf32>
    %eq3A_2590 = arith.cmpf oeq, %select_n3A_2561, %eq3A_2589 : vector<512x128xf32>
    %jit3A_2591 = arith.constant 1.000000e+09 : f32
    %broadcast_in_dim3A_2592 = vector.broadcast %jit3A_2591 : f32 to vector<512x128xf32>
    %select_n3A_2593 = arith.select %eq3A_2590, %add3A_260, %broadcast_in_dim3A_2592 : vector<512x128xi1>, vector<512x128xf32>
    %eq3A_2594 = vector.broadcast %broadcast_in_dim3A_2588 : vector<512x1xf32> to vector<512x128xf32>
    %eq3A_2595 = arith.cmpf oeq, %select_n3A_2566, %eq3A_2594 : vector<512x128xf32>
    %jit3A_2596 = arith.constant 1.000000e+09 : f32
    %broadcast_in_dim3A_2597 = vector.broadcast %jit3A_2596 : f32 to vector<512x128xf32>
    %select_n3A_2598 = arith.select %eq3A_2595, %add3A_712, %broadcast_in_dim3A_2597 : vector<512x128xi1>, vector<512x128xf32>
    %eq3A_2599 = vector.broadcast %broadcast_in_dim3A_2588 : vector<512x1xf32> to vector<512x128xf32>
    %eq3A_2600 = arith.cmpf oeq, %select_n3A_2571, %eq3A_2599 : vector<512x128xf32>
    %jit3A_2601 = arith.constant 1.000000e+09 : f32
    %broadcast_in_dim3A_2602 = vector.broadcast %jit3A_2601 : f32 to vector<512x128xf32>
    %select_n3A_2603 = arith.select %eq3A_2600, %add3A_1165, %broadcast_in_dim3A_2602 : vector<512x128xi1>, vector<512x128xf32>
    %eq3A_2604 = vector.broadcast %broadcast_in_dim3A_2588 : vector<512x1xf32> to vector<512x128xf32>
    %eq3A_2605 = arith.cmpf oeq, %select_n3A_2576, %eq3A_2604 : vector<512x128xf32>
    %jit3A_2606 = arith.constant 1.000000e+09 : f32
    %broadcast_in_dim3A_2607 = vector.broadcast %jit3A_2606 : f32 to vector<512x128xf32>
    %select_n3A_2608 = arith.select %eq3A_2605, %add3A_1618, %broadcast_in_dim3A_2607 : vector<512x128xi1>, vector<512x128xf32>
    %eq3A_2609 = vector.broadcast %broadcast_in_dim3A_2588 : vector<512x1xf32> to vector<512x128xf32>
    %eq3A_2610 = arith.cmpf oeq, %select_n3A_2581, %eq3A_2609 : vector<512x128xf32>
    %jit3A_2611 = arith.constant 1.000000e+09 : f32
    %broadcast_in_dim3A_2612 = vector.broadcast %jit3A_2611 : f32 to vector<512x128xf32>
    %select_n3A_2613 = arith.select %eq3A_2610, %add3A_2071, %broadcast_in_dim3A_2612 : vector<512x128xi1>, vector<512x128xf32>
    %min3A_2614 = arith.minimumf %select_n3A_2593, %select_n3A_2598 : vector<512x128xf32>
    %min3A_2615 = arith.minimumf %min3A_2614, %select_n3A_2603 : vector<512x128xf32>
    %min3A_2616 = arith.minimumf %min3A_2615, %select_n3A_2608 : vector<512x128xf32>
    %min3A_2617 = arith.minimumf %min3A_2616, %select_n3A_2613 : vector<512x128xf32>
    %reduce_min3A_2618 = arith.constant dense<0x7F800000> : vector<512xf32>
    %reduce_min3A_2619 = vector.multi_reduction <minimumf>, %min3A_2617, %reduce_min3A_2618 [1] : vector<512x128xf32> to vector<512xf32>
    %broadcast_in_dim3A_2620 = vector.shape_cast %reduce_min3A_2619 : vector<512xf32> to vector<512x1xf32>
    %concatenate3A = tpu.concatenate %broadcast_in_dim3A_2108, %broadcast_in_dim3A_2172, %broadcast_in_dim3A_2236, %broadcast_in_dim3A_2300, %broadcast_in_dim3A_2364, %broadcast_in_dim3A_2428, %broadcast_in_dim3A_2492, %broadcast_in_dim3A_2556, %broadcast_in_dim3A_2620 in 1 : vector<512x1xf32>, vector<512x1xf32>, vector<512x1xf32>, vector<512x1xf32>, vector<512x1xf32>, vector<512x1xf32>, vector<512x1xf32>, vector<512x1xf32>, vector<512x1xf32> -> vector<512x9xf32>
    %convert_element_type3A_2621 = arith.fptosi %concatenate3A : vector<512x9xf32> to vector<512x9xi32>
    %swap3A = arith.constant 0 : index
    %swap3A_2622 = arith.constant 0 : index
    %swap3A_2623 = vector.load %arg3[%swap3A, %swap3A_2622] : memref<512x9xi32, #tpu.memory_space<vmem>>, vector<512x9xi32>
    tpu.vector_store %arg3[%swap3A, %swap3A_2622], %convert_element_type3A_2621 {strides = array<i32>} : memref<512x9xi32, #tpu.memory_space<vmem>>, vector<512x9xi32>,
    return
  }
  func.func @transform_0(%arg0: i32) -> (i32, i32) {
    %c0_i32 = arith.constant 0 : i32
    %c0_i32_0 = arith.constant 0 : i32
    %c0_i32_1 = arith.constant 0 : i32
    return %c0_i32, %c0_i32_0 : i32, i32
  }
  func.func @transform_1(%arg0: i32) -> (i32, i32) {
    %c0_i32 = arith.constant 0 : i32
    %c0_i32_0 = arith.constant 0 : i32
    return %arg0, %c0_i32 : i32, i32
  }
  func.func @transform_2(%arg0: i32) -> (i32, i32) {
    %c0_i32 = arith.constant 0 : i32
    %c0_i32_0 = arith.constant 0 : i32
    return %arg0, %c0_i32 : i32, i32
  }
}

module attributes {stable_mosaic.version = 14 : i64} {
  func.func @_sqrt_body(%arg0: i32, %arg1: memref<3516x128xf32, #tpu.memory_space<vmem>>, %arg2: memref<3516x128xf32, #tpu.memory_space<vmem>>) attributes {dimension_semantics = [#tpu.dimension_semantics<arbitrary>], iteration_bounds = array<i64: 1>, scalar_prefetch = 0 : i64, scratch_operands = 0 : i64, tpu.core_type = #tpu.core_type<tc>, window_params = [{pipeline_mode = #tpu.pipeline_mode<synchronous>, transform_indices = @transform_0, window_bounds = array<i64: 3516, 128>}, {pipeline_mode = #tpu.pipeline_mode<synchronous>, transform_indices = @transform_1, window_bounds = array<i64: 3516, 128>}]} {
    %get3A = arith.constant 0 : index
    %get3A_0 = arith.constant 0 : index
    %get3A_1 = vector.load %arg1[%get3A, %get3A_0] : memref<3516x128xf32, #tpu.memory_space<vmem>>, vector<3516x128xf32>
    %add3A = arith.constant 9.99999996E-13 : f32
    %add3A_2 = vector.broadcast %add3A : f32 to vector<3516x128xf32>
    %add3A_3 = arith.addf %get3A_1, %add3A_2 : vector<3516x128xf32>
    %sqrt3A = math.sqrt %add3A_3 : vector<3516x128xf32>
    %swap3A = arith.constant 0 : index
    %swap3A_4 = arith.constant 0 : index
    %swap3A_5 = vector.load %arg2[%swap3A, %swap3A_4] : memref<3516x128xf32, #tpu.memory_space<vmem>>, vector<3516x128xf32>
    tpu.vector_store %arg2[%swap3A, %swap3A_4], %sqrt3A {strides = array<i32>} : memref<3516x128xf32, #tpu.memory_space<vmem>>, vector<3516x128xf32>,
    return
  }
  func.func @transform_0(%arg0: i32) -> (i32, i32) {
    %c0_i32 = arith.constant 0 : i32
    %c0_i32_0 = arith.constant 0 : i32
    %c0_i32_1 = arith.constant 0 : i32
    return %c0_i32, %c0_i32_0 : i32, i32
  }
  func.func @transform_1(%arg0: i32) -> (i32, i32) {
    %c0_i32 = arith.constant 0 : i32
    %c0_i32_0 = arith.constant 0 : i32
    %c0_i32_1 = arith.constant 0 : i32
    return %c0_i32, %c0_i32_0 : i32, i32
  }
}

</mosaic_0001>

<sc_bundles>
// kernel: kernel.5.cloned.1.call-start
scs
__scs_entry_jumppad:
0x0: {  	(pc) =	sbr.rel $0x88, $3  }
0x1: {  	(tag) =	ssettag $0x0;
	lr =	simm.s32 $0x1  }
0x2: {  	[smem:$0x3F9D] =	sst lr;
	_ =	strace $0xD0000000  }
0x3: {  	_ = 	snop  }
0x4: {  	_ = 	snop  }
0x5: {  	_ = 	snop  }
0x6: {  	_ = 	snop  }
0x7: {  	_ = 	snop  }
__scs_overlays_trampoline_lowered:
0x8: {  	[smem:$0x3FAC] =	sst s0  }
0x9: {  	[smem:$0x3FAD] =	sst s1  }
0xa: {  	[smem:$0x3FAE] =	sst s2  }
0xb: {  	[smem:$0x3FAF] =	sst s3  }
0xc: {  	[smem:$0x3FB0] =	sst s4  }
0xd: {  	[smem:$0x3FB1] =	sst s5  }
0xe: {  	[smem:$0x3FB2] =	sst s6  }
0xf: {  	[smem:$0x3FB3] =	sst s7  }
0x10: {  	[smem:$0x3FB4] =	sst s8  }
0x11: {  	[smem:$0x3FB5] =	sst s9;
	s0 =	simm.s32 @!p0 $0x0  }
0x12: {  	s1 =	sld [smem:$0x3F9B];
	s0 =	simm.s32 @p0 $0x1  }
0x13: {  	[smem:$0x3FB6] =	sst s0;
	s0 =	simm.s32 @!p1 $0x0  }
0x14: {  	s2 =	sld [smem:$0x3F9A];
	s0 =	simm.s32 @p1 $0x1  }
0x15: {  	[smem:$0x3FB7] =	sst s0;
	s0 =	simm.s32 @!p2 $0x0  }
0x16: {  	s3 =	sld [smem:$0x3FDB];
	s0 =	simm.s32 @p2 $0x1  }
0x17: {  	s4 =	simm.s32 $0x1BF5;
	[smem:$0x3FB9] =	sst s0  }
0x18: {  	s0 =	sld [smem:$0x3F9C];
	_ =	swait.ge [sflag:s4], $0x0  }
0x19: {  	s7 =	sld [smem:$0x3F9D]  }
0x1a: {  	s8 =	sadd.s32 $0xFFFFE003, lr  }
0x1b: {  	s9 =	sadd.s32 $0xFFFFFEF7, lr;
	s5 =	simm.s32 $0xFFFFFFFF;
	p2 =	slt.u32 s8, $0xFFFFF086  }
0x1c: {  	p1 =	slt.u32 s9, $0xF7A;
	s5 =	simm.s32 @!p2 $0x0  }
0x1d: {  	s5 =	simm.s32 @p1 $0x1;
	p0 =	seq.s32 s7, s2  }
0x1e: {  	s7 =	smul.u32 @!p0 $0xF7A, s2;
	p2 =	seq.s32 @!p0 s5, $0x0  }
0x1f: {  	s9 =	smul.u32 $0xF7A, s1;
	s8 =	simm.s32 @!p0 $0x1BF5;
	p2 =	por !p2, p0  }
0x20: {  	[sflag:s8] =	ssyncset.s32 @!p0 $0xFFFFF086;
	s6 =	sadd.s32 @!p0 s3, s7;
	s7 =	simm.s32 @!p0 $0x108  }
0x21: {  	s3 =	sadd.s32 s3, s9;
	s6 =	sadd.s32 @!p0 $0x88, s6;
	s7 =	simm.s32 @p2 $0x1082  }
0x22: {  	[simem:s7], [sflag:s8] =	dma.local @!p0 [hbm:s6], $0xF7A  }
0x23: {  	s9 =	sor.u32 $0xD0000000, s2;
	s6 =	simm.s32 $0x108;
	_ =	swait.ge @!p0 [sflag:s8], $0x0  }
0x24: {  	s3 =	sadd.s32 $0x88, s3;
	s6 =	simm.s32 @!p1 $0x1082;
	[sflag:s4] =	ssyncset.s32 $0xFFFFF086  }
0x25: {  	[simem:s6], [sflag:s4] =	dma.local [hbm:s3], $0xF7A  }
0x26: {  	[smem:$0x3F9D] =	sst s1;
	(tag) =	ssettag s2;
	_ =	strace s9  }
0x27: {  	s1 =	sld [smem:$0x3FAD]  }
0x28: {  	s2 =	sld [smem:$0x3FAE]  }
0x29: {  	s4 =	sld [smem:$0x3FB0]  }
0x2a: {  	p0 =	seq.s32 s5, $0x0;
	s5 =	sld [smem:$0x3FB1]  }
0x2b: {  	s6 =	sld [smem:$0x3FB2]  }
0x2c: {  	s7 =	sld [smem:$0x3FB3]  }
0x2d: {  	s3 =	simm.s32 $0x108;
	s8 =	sld [smem:$0x3FB4]  }
0x2e: {  	s3 =	simm.s32 @!p0 $0x1082;
	s9 =	sld [smem:$0x3FB5]  }
0x2f: {  	lr =	sadd.s32 s0, s3;
	s0 =	sld [smem:$0x3FAC]  }
0x30: {  	s3 =	sld [smem:$0x3FAF]  }
0x31: {  	[smem:$0x3FB8] =	sst s10  }
0x32: {  	s10 =	sld [smem:$0x3FB6];
	_ =	sdelay $0x3  }
0x33: {  	p0 =	seq.s32 s10, $0x1;
	s10 =	sld [smem:$0x3FB8];
	_ =	sdelay $0x3  }
0x34: {  	[smem:$0x3FB8] =	sst s10  }
0x35: {  	s10 =	sld [smem:$0x3FB7];
	_ =	sdelay $0x3  }
0x36: {  	p1 =	seq.s32 s10, $0x1;
	s10 =	sld [smem:$0x3FB8];
	_ =	sdelay $0x3  }
0x37: {  	[smem:$0x3FB8] =	sst s10  }
0x38: {  	s10 =	sld [smem:$0x3FB9]  }
0x39: {  	_ = 	snop;
	(pc) =	sbr.ind lr, $3  }
0x3a: {  	_ = 	snop  }
0x3b: {  	_ = 	snop  }
0x3c: {  	p2 =	seq.s32 s10, $0x1;
	s10 =	sld [smem:$0x3FB8]  }
0x3d: {  	_ =	shalt  }
0x3e: {  	_ =	shalt  }
0x3f: {  	_ =	shalt  }
0x40: {  	_ =	shalt  }
0x41: {  	_ =	shalt  }
0x42: {  	_ =	shalt  }
0x43: {  	_ =	shalt  }
0x44: {  	_ =	shalt  }
0x45: {  	_ =	shalt  }
0x46: {  	_ =	shalt  }
0x47: {  	_ =	shalt  }
0x48: {  	_ =	shalt  }
0x49: {  	_ =	shalt  }
0x4a: {  	_ =	shalt  }
0x4b: {  	_ =	shalt  }
0x4c: {  	_ =	shalt  }
0x4d: {  	_ =	shalt  }
0x4e: {  	_ =	shalt  }
0x4f: {  	_ =	shalt  }
0x50: {  	_ =	shalt  }
0x51: {  	_ =	shalt  }
0x52: {  	_ =	shalt  }
0x53: {  	_ =	shalt  }
0x54: {  	_ =	shalt  }
0x55: {  	_ =	shalt  }
0x56: {  	_ =	shalt  }
0x57: {  	_ =	shalt  }
0x58: {  	_ =	shalt  }
0x59: {  	_ =	shalt  }
0x5a: {  	_ =	shalt  }
0x5b: {  	_ =	shalt  }
0x5c: {  	_ =	shalt  }
0x5d: {  	_ =	shalt  }
0x5e: {  	_ =	shalt  }
0x5f: {  	_ =	shalt  }
0x60: {  	_ =	shalt  }
0x61: {  	_ =	shalt  }
0x62: {  	_ =	shalt  }
0x63: {  	_ =	shalt  }
0x64: {  	_ =	shalt  }
0x65: {  	_ =	shalt  }
0x66: {  	_ =	shalt  }
0x67: {  	_ =	shalt  }
0x68: {  	_ =	shalt  }
0x69: {  	_ =	shalt  }
0x6a: {  	_ =	shalt  }
0x6b: {  	_ =	shalt  }
0x6c: {  	_ =	shalt  }
0x6d: {  	_ =	shalt  }
0x6e: {  	_ =	shalt  }
0x6f: {  	_ =	shalt  }
0x70: {  	_ =	shalt  }
0x71: {  	_ =	shalt  }
0x72: {  	_ =	shalt  }
0x73: {  	_ =	shalt  }
0x74: {  	_ =	shalt  }
0x75: {  	_ =	shalt  }
0x76: {  	_ =	shalt  }
0x77: {  	_ =	shalt  }
0x78: {  	_ =	shalt  }
0x79: {  	_ =	shalt  }
0x7a: {  	_ =	shalt  }
0x7b: {  	_ =	shalt  }
0x7c: {  	_ =	shalt  }
0x7d: {  	_ =	shalt  }
0x7e: {  	_ =	shalt  }
0x7f: {  	_ =	shalt  }
0x80: {  	_ =	shalt  }
0x81: {  	_ =	shalt  }
0x82: {  	_ =	shalt  }
0x83: {  	_ =	shalt  }
0x84: {  	_ =	shalt  }
0x85: {  	_ =	shalt  }
0x86: {  	_ =	shalt  }
0x87: {  	_ =	shalt  }
.Lfunc_end0:
.L_simem_size_0:
called_computation.2_lowered:
.L_overlay_start_0:
0x88: {  	s2 =	sld [smem:$0x3FD9]  }
0x89: {  	s3 =	sld [smem:$0x3FFE];
	_ =	sdelay $0x1  }
0x8a: {  	s1 =	srdreg.scid  }
0x8b: {  	s0 =	sand.u32 $0x1, s1  }
0x8c: {  	s14 =	sshll.u32 s0, $0xA;
	s2 =	sadd.s32 s3, s2  }
0x8d: {  	s2 =	sadd.s32 s2, s14  }
0x8e: {  	[smem:$0x3FC4] =	sst s2  }
0x8f: {  	_ = 	snop  }
0x90: {  	s2 =	sld [smem:$0x3FD0];
	_ =	sdelay $0x2  }
0x91: {  	s15 =	simm.s32 $0xB;
	s4 =	simm.s32 $0x10  }
0x92: {  	[smem:s4], [sflag:s15] =	dma.local [hbm:s2], $0x1  }
0x93: {  	_ =	swait.eq [sflag:s15], $0x1  }
0x94: {  	s16 =	sld [smem:$0x10];
	[sflag:s15] =	ssyncset.done $0x0  }
0x95: {  	s17 =	sld [smem:$0x11];
	[sflag:s15] =	ssyncadd.s32 $0xFFFFFFFF  }
0x96: {  	s18 =	sld [smem:$0x12];
	(tm) =	ssettm $0x1  }
0x97: {  	s5 =	sld [smem:$0x3FFB];
	_ =	sdelay $0x3  }
0x98: {  	_ =	strace s5  }
0x99: {  	s5 =	sld [smem:$0x3FFC];
	_ =	sdelay $0x3  }
0x9a: {  	_ =	strace s5  }
0x9b: {  	s5 =	sld [smem:$0x3FFD];
	_ =	sdelay $0x3  }
0x9c: {  	_ =	strace s5  }
0x9d: {  	_ =	strace $0x8FFFFFFF  }
0x9e: {  	s19 =	sld [smem:$0x3FDB];
	_ =	sdelay $0x1  }
0x9f: {  	s6 =	simm.s32 $_scs_section_size  }
0xa0: {  	s7 =	simm.s32 $_size__tile_overlayer_lowered;
	s8 =	simm.s32 $_tile_overlayer_lowered  }
0xa1: {  	s22 =	simm.s32 $0x1BFF;
	s21 =	sshll.u32 s8, $0x1;
	s5 =	sadd.s32 s6, s19  }
0xa2: {  	s9 =	simm.s32 $0x0;
	s20 =	sshll.u32 s7, $0x1;
	s7 =	sadd.s32 s21, s5  }
0xa3: {  	[timem:s9], [sflag:s22] =	dma.local [hbm:s7], s20  }
0xa4: {  	_ =	swait.ge [sflag:s22], s20  }
0xa5: {  	s6 =	ssub.s32 $0x0, s20;
	[sflag:s22] =	ssyncset.done $0x0  }
0xa6: {  	[sflag:s22] =	ssyncadd.s32 s6;
	_ =	sdelay $0x1  }
0xa7: {  	s23 =	simm.s32 $0x1B8B  }
0xa8: {  	_ =	swait.ge [sflag:s23], $0x1  }
0xa9: {  	[sflag:s23] =	ssyncset.done $0x0  }
0xaa: {  	s25 =	simm.s32 $0x1B8E;
	s24 =	sld [smem:$0x3FFE];
	[sflag:s23] =	ssyncadd.s32 $0xFFFFFFFF  }
0xab: {  	s26 =	simm.s32 $execute0_lowered;
	[smem:$0x3FD2] =	sst s25  }
0xac: {  	s7 =	sshll.u32 s26, $0x1;
	_ =	strace $0x80000046;
	[dreg:$0x1] =	wrdreg $0xFFFFFFFF  }
0xad: {  	s28 =	simm.s32 $_size_execute0_lowered;
	s5 =	sadd.s32 s5, s7;
	[dreg:$0x0] =	wrdreg $0x0  }
0xae: {  	s7 =	sshll.u32 s28, $0x1;
	[dreg:$0x2] =	wrdreg s5  }
0xaf: {  	[dreg:$0x3] =	wrdreg s7  }
0xb0: {  	[dreg:$0x4] =	wrdreg $0xC0  }
0xb1: {  	_ =	task [dreg:s9], $0x5FFFF  }
0xb2: {  	[dreg:$0x1] =	wrdreg $0xFFFFFFFF  }
0xb3: {  	[dreg:$0x0] =	wrdreg $0x60  }
0xb4: {  	[dreg:$0x2] =	wrdreg s24  }
0xb5: {  	[dreg:$0x3] =	wrdreg s18  }
0xb6: {  	[dreg:$0x4] =	wrdreg s16  }
0xb7: {  	[dreg:$0x5] =	wrdreg s17  }
0xb8: {  	[dreg:$0x6] =	wrdreg $0x9  }
0xb9: {  	_ =	task.clear_ibuf [dreg:s9], $0x7FFFF;
	_ =	strace $0x90000046  }
0xba: {  	s29 =	simm.s32 $0x9;
	_ =	strace $0x80000048  }
0xbb: {  	_ =	swait.ge [sflag:s29], $0x1  }
0xbc: {  	[sflag:s29] =	ssyncadd.s32 $0xFFFFFFFF  }
0xbd: {  	_ =	strace $0x90000048  }
0xbe: {  	_ =	sfence  }
0xbf: {  	s30 =	sld [smem:$0x0];
	_ =	sdelay $0x2  }
0xc0: {  	s31 =	sshll.u32 s1, $0xD;
	s1 =	sshrl.u32 s1, $0x2  }
0xc1: {  	s3 =	sand.u32 $0x4000, s31;
	s1 =	sadd.s32 s1, s30  }
0xc2: {  	s0 =	sor.u32 s3, s0;
	s1 =	sshll.u32 s1, $0x11  }
0xc3: {  	s0 =	sor.u32 s1, s0  }
0xc4: {  	s0 =	sadd.s32 $0x8F2B, s0  }
0xc5: {  	[sflag:s0] =	ssyncadd.remote.s32 $0x1  }
0xc6: {  	_ =	sfence.sel $0xFFFF  }
0xc7: {  	[dreg:$0x0] =	wrdreg $0xFFFFFFFF;
	(pc) =	sbr.abs _section_cstart, $3  }
0xc8: {  	[dreg:$0x1] =	wrdreg $0xFFFFFFFF  }
0xc9: {  	_ =	task.clear_ibuf [dreg:s9], $0x2FFFF;
	_ =	strace $0x9FFFFFFF  }
0xca: {  	(tm) =	ssettm $0x7FFFFFFF  }
0xcb: {  	_ =	shalt  }
tec
execute0_lowered:
.L_overlay_start_1:
0x0: {  	(tag) =	ssettag $0x1  }
0x1: {  	s0 =	rddreg [dreg:$0x0]  }
0x2: {  	s3 =	rddreg [dreg:$0x1]  }
0x3: {  	s9 =	rddreg [dreg:$0x2]  }
0x4: {  	s14 =	rddreg [dreg:$0x3];
	s4 =	simm.s32 $0x0;
	s1 =	srdreg.scid  }
0x5: {  	s13 =	stileid.u32;
	s21 =	simm.s32 $0x5;
	s31 =	simm.s32 $0x100  }
0x6: {  	s15 =	simm.s32 $0x200;
	s19 =	simm.s32 $0x280;
	s16 =	simm.s32 $0x300  }
0x7: {  	s18 =	simm.s32 $0x380;
	s17 =	simm.s32 $0x1;
	s28 =	simm.s32 $0x2  }
0x8: {  	s29 =	simm.s32 $0x3;
	[smem:$0x7FF] =	sst s4;
	s5 =	sadd.s32 $0x1A200, s0  }
0x9: {  	s6 =	sadd.s32 $0x2000, s0;
	s7 =	sadd.s32 $0xFC00, s0;
	s8 =	sand.u32 $0x1, s1  }
0xa: {  	s10 =	sadd.s32 $0x15000, s0;
	s11 =	sadd.s32 $0x13A00, s0;
	s22 =	sadd.s32 $0x27D80, s0  }
0xb: {  	s23 =	sadd.s32 $0xFB80, s0;
	_ =	strace $0x80000047;
	[dreg:$0x5] =	wrdreg s22  }
0xc: {  	s12 =	sadd.s32 $0x27E00, s0;
	s24 =	sadd.s32 $0xC318, s3;
	[dreg:$0x6] =	wrdreg s23  }
0xd: {  	s13 =	sshll.u32 s13, $0x1;
	s25 =	sadd.s32 $0x149400, s9;
	[dreg:$0x7] =	wrdreg s24  }
0xe: {  	s26 =	sadd.s32 $0x1B7000, s14;
	s0 =	sadd.s32 $0x35980, s0;
	[dreg:$0x8] =	wrdreg s25  }
.Ltmp0:
0xf: {  	s1 =	ssub.s32 $0x2, s8;
	[dreg:$0x9] =	wrdreg s26;
	(pc) =	sbr.rel .LBB2_1-.Ltmp0, $4  }
0x10: {  	[dreg:$0xa] =	wrdreg s0;
	s22 =	simm.s32 $0x10800;
	s2 =	sshrl.u32 s1, $0x1  }
0x11: {  	s23 =	simm.s32 $0x80;
	s24 =	simm.s32 $0x800;
	s1 =	ssub.s32 s1, s2  }
0x12: {  	v0 =	vlaneseq.u32;
	s25 =	simm.s32 $0x6800;
	s26 =	simm.s32 $0xE800;
	s30 =	smax.u32 s1, $0x1  }
0x13: {  	v0 =	vmul.u32 $0x8, v0;
	s2 =	simm.s32 $0x0;
	s1 =	simm.s32 $0x180;
	[dreg:$0xb] =	wrdreg s30  }
.LBB2_11:
0x14: {  	s2 =	rddreg [dreg:$0xc]  }
0x15: {  	s0 =	rddreg [dreg:$0xb];
	s2 =	sadd.s32 $0x1, s2  }
0x16: {  	p0 =	sne.s32 s2, s0  }
.Ltmp1:
0x17: {  	_ = 	snop;
	(pc) =	sbr.rel @!p0 .LBB2_12-.Ltmp1, $1  }
0x18: {  	_ =	sdelay $0x3  }
.LBB2_1:
.Ltmp2:
0x19: {  	(pc) =	sbr.rel .LBB2_2-.Ltmp2, $2  }
0x1a: {  	_ =	sdelay $0x2  }
0x1b: {  	[dreg:$0xc] =	wrdreg s2;
	s9 =	simm.s32 $0x0  }
.LBB2_9:
0x1c: {  	v2 =	vmov s14;
	v1 =	vshll.u32 v1, $0x3  }
0x1d: {  	v2 =	vshll.u32 v2, $0x3;
	v4 =	vor.u32 $0x1, v1  }
0x1e: {  	v2 =	vor.u32 v0, v2  }
0x1f: {  	v3 =	vor.u32 $0x1, v2  }
0x20: {  	v7 =	vor.u32 $0x2, v1  }
0x21: {  	v5 =	vor.u32 $0x2, v2;
	v9 =	vld.idx.msk [tilespmem:v1+s22+$0x0], $0xffff  }
0x22: {  	v10 =	vor.u32 $0x3, v1;
	v4 =	vld.idx.msk [tilespmem:v4+s22+$0x0], $0xffff  }
0x23: {  	v8 =	vor.u32 $0x3, v2;
	v6 =	vld.idx.msk [tilespmem:v2+s26+$0x0], $0xffff  }
0x24: {  	v12 =	vor.u32 $0x4, v1;
	v3 =	vld.idx.msk [tilespmem:v3+s26+$0x0], $0xffff  }
0x25: {  	v11 =	vor.u32 $0x4, v2;
	v7 =	vld.idx.msk [tilespmem:v7+s22+$0x0], $0xffff  }
0x26: {  	v14 =	vor.u32 $0x5, v1;
	v5 =	vld.idx.msk [tilespmem:v5+s26+$0x0], $0xffff  }
0x27: {  	v13 =	vor.u32 $0x5, v2;
	v10 =	vld.idx.msk [tilespmem:v10+s22+$0x0], $0xffff  }
0x28: {  	v16 =	vor.u32 $0x6, v1;
	v8 =	vld.idx.msk [tilespmem:v8+s26+$0x0], $0xffff  }
0x29: {  	v15 =	vor.u32 $0x6, v2;
	v53 =	vld.idx.msk [tilespmem:v12+s22+$0x0], $0xffff;
	v6 =	vsub.f32 v9, v6;
	v3 =	vsub.f32 v4, v3  }
0x2a: {  	v1 =	vor.u32 $0x7, v1;
	v2 =	vor.u32 $0x7, v2;
	v11 =	vld.idx.msk [tilespmem:v11+s26+$0x0], $0xffff  }
0x2b: {  	v55 =	vld.idx.msk [tilespmem:v14+s22+$0x0], $0xffff;
	v5 =	vsub.f32 v7, v5;
	v6 =	vmul.f32 v6, v6;
	v3 =	vmul.f32 v3, v3  }
0x2c: {  	v54 =	vld.idx.msk [tilespmem:v13+s26+$0x0], $0xffff  }
0x2d: {  	v58 =	vld.idx.msk [tilespmem:v16+s22+$0x0], $0xffff;
	v57 =	vsub.f32 v10, v8;
	v5 =	vmul.f32 v5, v5;
	v3 =	vadd.f32 v3, v6  }
0x2e: {  	v56 =	vld.idx.msk [tilespmem:v15+s26+$0x0], $0xffff  }
0x2f: {  	v1 =	vld.idx.msk [tilespmem:v1+s22+$0x0], $0xffff;
	v4 =	vsub.f32 v53, v11;
	v59 =	vmul.f32 v57, v57;
	v3 =	vadd.f32 v5, v3  }
0x30: {  	v2 =	vld.idx.msk [tilespmem:v2+s26+$0x0], $0xffff  }
0x31: {  	v60 =	vsub.f32 v55, v54;
	v4 =	vmul.f32 v4, v4;
	v3 =	vadd.f32 v59, v3;
	_ =	sdelay $0x1  }
0x32: {  	v62 =	vsub.f32 v58, v56;
	v61 =	vmul.f32 v60, v60;
	v3 =	vadd.f32 v4, v3;
	_ =	sdelay $0x1  }
0x33: {  	v63 =	vmul.f32 v62, v62;
	v1 =	vsub.f32 v1, v2;
	v3 =	vadd.f32 v61, v3;
	_ =	sdelay $0x1  }
0x34: {  	v1 =	vmul.f32 v1, v1;
	v2 =	vadd.f32 v63, v3;
	_ =	sdelay $0x1  }
0x35: {  	v1 =	vadd.f32 v1, v2  }
0x36: {  	s0 =	sadd.s32 $0x10, s2  }
0x37: {  	s2 =	rddreg [dreg:$0x8];
	[tilespmem:s0+$0x0] =	vst v1  }
0x38: {  	[hbm4b:s2+s4] =	stream.linear.scatter [tilespmem:s24], [sflag:$0x5], $0x2B80, $0x38;
	[tilespmem:$0x11000] =	vst v63  }
0x39: {  	_ =	swait.ge [sflag:s21], $0x2B80  }
0x3a: {  	[sflag:s21] =	ssyncset.done $0x0  }
0x3b: {  	s3 =	rddreg [dreg:$0x9];
	[sflag:s21] =	ssyncadd.s32 $0xFFFFD480  }
0x3c: {  	[hbm4b:s3+s4] =	stream.linear.scatter [tilespmem:s25], [sflag:$0x5], $0x3A00, $0x38;
	[tilespmem:$0x11000] =	vst v63  }
0x3d: {  	_ =	swait.ge [sflag:s21], $0x3A00  }
0x3e: {  	s20 =	simm.s32 $0x10C00;
	[sflag:s21] =	ssyncset.done $0x0  }
0x3f: {  	s30 =	simm.s32 $0x4;
	s14 =	rddreg [dreg:$0xa];
	[sflag:s21] =	ssyncadd.s32 $0xFFFFC600  }
0x40: {  	[hbm4b:s14+s4] =	stream.linear.scatter [tilespmem:s20], [sflag:$0x4], $0x1D0, $0x38;
	[tilespmem:$0x11000] =	vst v63  }
0x41: {  	_ =	swait.ge [sflag:s30], $0x1D0  }
0x42: {  	[sflag:s30] =	ssyncset.done $0x0  }
0x43: {  	[sflag:s30] =	ssyncadd.s32 $0xFFFFFE30  }
.LBB2_10:
0x44: {  	s9 =	sadd.s32 $0x1, s9  }
0x45: {  	p0 =	sne.s32 s9, $0xE  }
.Ltmp3:
0x46: {  	_ = 	snop;
	(pc) =	sbr.rel @!p0 .LBB2_11-.Ltmp3, $1  }
0x47: {  	_ =	sdelay $0x3  }
.LBB2_2:
0x48: {  	s0 =	sshll.u32 s9, $0x5  }
0x49: {  	s0 =	sor.u32 s0, s13  }
0x4a: {  	s2 =	sor.u32 s8, s0  }
0x4b: {  	p0 =	sgt.u32 s2, $0x1B6  }
.Ltmp4:
0x4c: {  	_ = 	snop;
	(pc) =	sbr.rel @p0 .LBB2_6-.Ltmp4, $1  }
0x4d: {  	_ =	sdelay $0x3  }
0x4e: {  	s20 =	sshll.u32 s2, $0x7  }
0x4f: {  	s3 =	simm.s32 $0x0;
	s0 =	sadd.s32 s5, s20  }
0x50: {  	[tilespmem:s3], [sflag:$0x5] =	stream.linear.gather [hbm4b:s0+s3], $0x400, $0x38;
	[tilespmem:$0x11000] =	vst v63  }
0x51: {  	_ =	swait.ge [sflag:s21], $0x400  }
0x52: {  	s14 =	simm.s32 $0x400;
	[sflag:s21] =	ssyncset.done $0x0  }
0x53: {  	s30 =	sadd.s32 s6, s20;
	s0 =	sshll.u32 s2, $0xA;
	[sflag:s21] =	ssyncadd.s32 $0xFFFFFC00  }
0x54: {  	[tilespmem:s14], [sflag:$0x5] =	stream.linear.gather [hbm4b:s30+s3], $0x400, $0x38;
	[tilespmem:$0x11000] =	vst v63  }
0x55: {  	s0 =	smulhi.u32 $0x38E38E39, s0;
	_ =	swait.ge [sflag:s21], $0x400  }
0x56: {  	[sflag:s21] =	ssyncset.done $0x0  }
0x57: {  	s0 =	sshrl.u32 s0, $0x1;
	[sflag:s21] =	ssyncadd.s32 $0xFFFFFC00  }
0x58: {  	s0 =	sand.u32 $0xFFF8, s0;
	s30 =	rddreg [dreg:$0x1]  }
0x59: {  	s0 =	sadd.s32 s30, s0  }
0x5a: {  	[tilespmem:s22], [sflag:$0x5] =	stream.linear.gather [hbm4b:s0+s3], $0x400, $0x38;
	[tilespmem:$0x11000] =	vst v63  }
0x5b: {  	_ =	swait.ge [sflag:s21], $0x400  }
0x5c: {  	[sflag:s21] =	ssyncset.done $0x0  }
0x5d: {  	[sflag:s21] =	ssyncadd.s32 $0xFFFFFC00  }
0x5e: {  	[tilespmem:s24], [sflag:$0x1] =	stream.indirect.gather [hbm4b:s7+s23], $0x18, s3, s23, $0xb8;
	[tilespmem:$0x11000] =	vst v63  }
0x5f: {  	_ = 	snop  }
0x60: {  	[tilespmem:s25], [sflag:$0x2] =	stream.indirect.gather [hbm4b:s10+s23], $0x20, s3, s23, $0xb8;
	[tilespmem:$0x11000] =	vst v63  }
0x61: {  	_ = 	snop  }
0x62: {  	[tilespmem:s26], [sflag:$0x3] =	stream.indirect.gather [hbm4b:s11+s23], $0x8, s3, s23, $0xb8;
	[tilespmem:$0x11000] =	vst v63  }
0x63: {  	s0 =	simm.s32 $0x1400  }
0x64: {  	[tilespmem:s0], [sflag:$0x1] =	stream.indirect.gather [hbm4b:s7+s23], $0x18, s23, s23, $0xb8;
	[tilespmem:$0x11000] =	vst v63  }
0x65: {  	s0 =	simm.s32 $0x7800  }
0x66: {  	[tilespmem:s0], [sflag:$0x2] =	stream.indirect.gather [hbm4b:s10+s23], $0x20, s23, s23, $0xb8;
	[tilespmem:$0x11000] =	vst v63  }
0x67: {  	s0 =	simm.s32 $0xEC00  }
0x68: {  	[tilespmem:s0], [sflag:$0x3] =	stream.indirect.gather [hbm4b:s11+s23], $0x8, s23, s23, $0xb8;
	[tilespmem:$0x11000] =	vst v63  }
0x69: {  	s0 =	simm.s32 $0x2000  }
0x6a: {  	[tilespmem:s0], [sflag:$0x1] =	stream.indirect.gather [hbm4b:s7+s23], $0x18, s31, s23, $0xb8;
	[tilespmem:$0x11000] =	vst v63  }
0x6b: {  	s0 =	simm.s32 $0x8800  }
0x6c: {  	[tilespmem:s0], [sflag:$0x2] =	stream.indirect.gather [hbm4b:s10+s23], $0x20, s31, s23, $0xb8;
	[tilespmem:$0x11000] =	vst v63  }
0x6d: {  	s0 =	simm.s32 $0xF000  }
0x6e: {  	[tilespmem:s0], [sflag:$0x3] =	stream.indirect.gather [hbm4b:s11+s23], $0x8, s31, s23, $0xb8;
	[tilespmem:$0x11000] =	vst v63  }
0x6f: {  	s0 =	simm.s32 $0x2C00  }
0x70: {  	[tilespmem:s0], [sflag:$0x1] =	stream.indirect.gather [hbm4b:s7+s23], $0x18, s1, s23, $0xb8;
	[tilespmem:$0x11000] =	vst v63  }
0x71: {  	s0 =	simm.s32 $0x9800  }
0x72: {  	[tilespmem:s0], [sflag:$0x2] =	stream.indirect.gather [hbm4b:s10+s23], $0x20, s1, s23, $0xb8;
	[tilespmem:$0x11000] =	vst v63  }
0x73: {  	s0 =	simm.s32 $0xF400  }
0x74: {  	[tilespmem:s0], [sflag:$0x3] =	stream.indirect.gather [hbm4b:s11+s23], $0x8, s1, s23, $0xb8;
	[tilespmem:$0x11000] =	vst v63  }
0x75: {  	s0 =	simm.s32 $0x3800  }
0x76: {  	[tilespmem:s0], [sflag:$0x1] =	stream.indirect.gather [hbm4b:s7+s23], $0x18, s15, s23, $0xb8;
	[tilespmem:$0x11000] =	vst v63  }
0x77: {  	s0 =	simm.s32 $0xA800  }
0x78: {  	[tilespmem:s0], [sflag:$0x2] =	stream.indirect.gather [hbm4b:s10+s23], $0x20, s15, s23, $0xb8;
	[tilespmem:$0x11000] =	vst v63  }
0x79: {  	s0 =	simm.s32 $0xF800  }
0x7a: {  	[tilespmem:s0], [sflag:$0x3] =	stream.indirect.gather [hbm4b:s11+s23], $0x8, s15, s23, $0xb8;
	[tilespmem:$0x11000] =	vst v63  }
0x7b: {  	s0 =	simm.s32 $0x4400  }
0x7c: {  	[tilespmem:s0], [sflag:$0x1] =	stream.indirect.gather [hbm4b:s7+s23], $0x18, s19, s23, $0xb8;
	[tilespmem:$0x11000] =	vst v63  }
0x7d: {  	s0 =	simm.s32 $0xB800  }
0x7e: {  	[tilespmem:s0], [sflag:$0x2] =	stream.indirect.gather [hbm4b:s10+s23], $0x20, s19, s23, $0xb8;
	[tilespmem:$0x11000] =	vst v63  }
0x7f: {  	s0 =	simm.s32 $0xFC00  }
0x80: {  	[tilespmem:s0], [sflag:$0x3] =	stream.indirect.gather [hbm4b:s11+s23], $0x8, s19, s23, $0xb8;
	[tilespmem:$0x11000] =	vst v63  }
0x81: {  	s0 =	simm.s32 $0x5000  }
0x82: {  	[tilespmem:s0], [sflag:$0x1] =	stream.indirect.gather [hbm4b:s7+s23], $0x18, s16, s23, $0xb8;
	[tilespmem:$0x11000] =	vst v63  }
0x83: {  	s0 =	simm.s32 $0xC800  }
0x84: {  	[tilespmem:s0], [sflag:$0x2] =	stream.indirect.gather [hbm4b:s10+s23], $0x20, s16, s23, $0xb8;
	[tilespmem:$0x11000] =	vst v63  }
0x85: {  	s0 =	simm.s32 $0x10000  }
0x86: {  	[tilespmem:s0], [sflag:$0x3] =	stream.indirect.gather [hbm4b:s11+s23], $0x8, s16, s23, $0xb8;
	[tilespmem:$0x11000] =	vst v63  }
0x87: {  	s0 =	simm.s32 $0x5C00  }
0x88: {  	[tilespmem:s0], [sflag:$0x1] =	stream.indirect.gather [hbm4b:s7+s23], $0x18, s18, s23, $0xb8;
	[tilespmem:$0x11000] =	vst v63  }
0x89: {  	s0 =	simm.s32 $0xD800  }
0x8a: {  	[tilespmem:s0], [sflag:$0x2] =	stream.indirect.gather [hbm4b:s10+s23], $0x20, s18, s23, $0xb8;
	[tilespmem:$0x11000] =	vst v63  }
0x8b: {  	s0 =	simm.s32 $0x10400  }
0x8c: {  	[tilespmem:s0], [sflag:$0x3] =	stream.indirect.gather [hbm4b:s11+s23], $0x8, s18, s23, $0xb8;
	[tilespmem:$0x11000] =	vst v63  }
0x8d: {  	_ =	swait.ge [sflag:s17], $0xC00  }
0x8e: {  	[sflag:s17] =	ssyncset.done $0x0  }
0x8f: {  	[sflag:s17] =	ssyncadd.s32 $0xFFFFF400  }
0x90: {  	_ =	swait.ge [sflag:s28], $0x1000  }
0x91: {  	[sflag:s28] =	ssyncset.done $0x0  }
0x92: {  	[sflag:s28] =	ssyncadd.s32 $0xFFFFF000  }
0x93: {  	_ =	swait.ge [sflag:s29], $0x400  }
0x94: {  	[sflag:s29] =	ssyncset.done $0x0  }
0x95: {  	[sflag:s29] =	ssyncadd.s32 $0xFFFFFC00  }
0x96: {  	_ =	swait.ge [sflag:s17], $0xC00  }
0x97: {  	[sflag:s17] =	ssyncset.done $0x0  }
0x98: {  	[sflag:s17] =	ssyncadd.s32 $0xFFFFF400  }
0x99: {  	_ =	swait.ge [sflag:s28], $0x1000  }
0x9a: {  	[sflag:s28] =	ssyncset.done $0x0  }
0x9b: {  	[sflag:s28] =	ssyncadd.s32 $0xFFFFF000  }
0x9c: {  	_ =	swait.ge [sflag:s29], $0x400  }
0x9d: {  	[sflag:s29] =	ssyncset.done $0x0  }
0x9e: {  	[sflag:s29] =	ssyncadd.s32 $0xFFFFFC00  }
0x9f: {  	_ =	swait.ge [sflag:s17], $0xC00  }
0xa0: {  	[sflag:s17] =	ssyncset.done $0x0  }
0xa1: {  	[sflag:s17] =	ssyncadd.s32 $0xFFFFF400  }
0xa2: {  	_ =	swait.ge [sflag:s28], $0x1000  }
0xa3: {  	[sflag:s28] =	ssyncset.done $0x0  }
0xa4: {  	[sflag:s28] =	ssyncadd.s32 $0xFFFFF000  }
0xa5: {  	_ =	swait.ge [sflag:s29], $0x400  }
0xa6: {  	[sflag:s29] =	ssyncset.done $0x0  }
0xa7: {  	[sflag:s29] =	ssyncadd.s32 $0xFFFFFC00  }
0xa8: {  	_ =	swait.ge [sflag:s17], $0xC00  }
0xa9: {  	[sflag:s17] =	ssyncset.done $0x0  }
0xaa: {  	[sflag:s17] =	ssyncadd.s32 $0xFFFFF400  }
0xab: {  	_ =	swait.ge [sflag:s28], $0x1000  }
0xac: {  	[sflag:s28] =	ssyncset.done $0x0  }
0xad: {  	[sflag:s28] =	ssyncadd.s32 $0xFFFFF000  }
0xae: {  	_ =	swait.ge [sflag:s29], $0x400  }
0xaf: {  	[sflag:s29] =	ssyncset.done $0x0  }
0xb0: {  	[sflag:s29] =	ssyncadd.s32 $0xFFFFFC00  }
0xb1: {  	_ =	swait.ge [sflag:s17], $0xC00  }
0xb2: {  	[sflag:s17] =	ssyncset.done $0x0  }
0xb3: {  	[sflag:s17] =	ssyncadd.s32 $0xFFFFF400  }
0xb4: {  	_ =	swait.ge [sflag:s28], $0x1000  }
0xb5: {  	[sflag:s28] =	ssyncset.done $0x0  }
0xb6: {  	[sflag:s28] =	ssyncadd.s32 $0xFFFFF000  }
0xb7: {  	_ =	swait.ge [sflag:s29], $0x400  }
0xb8: {  	[sflag:s29] =	ssyncset.done $0x0  }
0xb9: {  	[sflag:s29] =	ssyncadd.s32 $0xFFFFFC00  }
0xba: {  	_ =	swait.ge [sflag:s17], $0xC00  }
0xbb: {  	[sflag:s17] =	ssyncset.done $0x0  }
0xbc: {  	[sflag:s17] =	ssyncadd.s32 $0xFFFFF400  }
0xbd: {  	_ =	swait.ge [sflag:s28], $0x1000  }
0xbe: {  	[sflag:s28] =	ssyncset.done $0x0  }
0xbf: {  	[sflag:s28] =	ssyncadd.s32 $0xFFFFF000  }
0xc0: {  	_ =	swait.ge [sflag:s29], $0x400  }
0xc1: {  	[sflag:s29] =	ssyncset.done $0x0  }
0xc2: {  	[sflag:s29] =	ssyncadd.s32 $0xFFFFFC00  }
0xc3: {  	_ =	swait.ge [sflag:s17], $0xC00  }
0xc4: {  	[sflag:s17] =	ssyncset.done $0x0  }
0xc5: {  	[sflag:s17] =	ssyncadd.s32 $0xFFFFF400  }
0xc6: {  	_ =	swait.ge [sflag:s28], $0x1000  }
0xc7: {  	[sflag:s28] =	ssyncset.done $0x0  }
0xc8: {  	[sflag:s28] =	ssyncadd.s32 $0xFFFFF000  }
0xc9: {  	_ =	swait.ge [sflag:s29], $0x400  }
0xca: {  	[sflag:s29] =	ssyncset.done $0x0  }
0xcb: {  	[sflag:s29] =	ssyncadd.s32 $0xFFFFFC00  }
0xcc: {  	_ =	swait.ge [sflag:s17], $0xC00  }
0xcd: {  	[sflag:s17] =	ssyncset.done $0x0  }
0xce: {  	[sflag:s17] =	ssyncadd.s32 $0xFFFFF400  }
0xcf: {  	_ =	swait.ge [sflag:s28], $0x1000  }
0xd0: {  	[sflag:s28] =	ssyncset.done $0x0  }
0xd1: {  	[sflag:s28] =	ssyncadd.s32 $0xFFFFF000  }
0xd2: {  	_ =	swait.ge [sflag:s29], $0x400  }
0xd3: {  	[sflag:s29] =	ssyncset.done $0x0  }
0xd4: {  	[sflag:s29] =	ssyncadd.s32 $0xFFFFFC00  }
0xd5: {  	v1 =	vld [tilespmem:s14+$0x0]  }
0xd6: {  	v2 =	vmov s3  }
0xd7: {  	v2 =	vshll.u32 v2, $0x3  }
0xd8: {  	v2 =	vor.u32 v0, v2  }
0xd9: {  	v3 =	vor.u32 $0x1, v2  }
0xda: {  	v1 =	vshll.u32 v1, $0x3  }
0xdb: {  	v4 =	vor.u32 $0x1, v1  }
0xdc: {  	v5 =	vor.u32 $0x2, v2  }
0xdd: {  	v6 =	vld.idx.msk [tilespmem:v2+s26+$0x0], $0xffff;
	v7 =	vor.u32 $0x2, v1  }
0xde: {  	v8 =	vor.u32 $0x3, v2;
	v3 =	vld.idx.msk [tilespmem:v3+s26+$0x0], $0xffff  }
0xdf: {  	v10 =	vor.u32 $0x3, v1;
	v9 =	vld.idx.msk [tilespmem:v1+s22+$0x0], $0xffff  }
0xe0: {  	v11 =	vor.u32 $0x4, v2;
	v4 =	vld.idx.msk [tilespmem:v4+s22+$0x0], $0xffff  }
0xe1: {  	v5 =	vld.idx.msk [tilespmem:v5+s26+$0x0], $0xffff;
	v12 =	vor.u32 $0x4, v1  }
0xe2: {  	v13 =	vor.u32 $0x5, v2;
	v7 =	vld.idx.msk [tilespmem:v7+s22+$0x0], $0xffff  }
0xe3: {  	v8 =	vld.idx.msk [tilespmem:v8+s26+$0x0], $0xffff;
	v14 =	vor.u32 $0x5, v1  }
0xe4: {  	v15 =	vor.u32 $0x6, v2;
	v10 =	vld.idx.msk [tilespmem:v10+s22+$0x0], $0xffff  }
0xe5: {  	v11 =	vld.idx.msk [tilespmem:v11+s26+$0x0], $0xffff;
	v16 =	vor.u32 $0x6, v1;
	v6 =	vsub.f32 v9, v6;
	v3 =	vsub.f32 v4, v3  }
0xe6: {  	v2 =	vor.u32 $0x7, v2;
	v1 =	vor.u32 $0x7, v1;
	v53 =	vld.idx.msk [tilespmem:v12+s22+$0x0], $0xffff  }
0xe7: {  	v54 =	vld.idx.msk [tilespmem:v13+s26+$0x0], $0xffff;
	v5 =	vsub.f32 v7, v5;
	v6 =	vmul.f32 v6, v6;
	v3 =	vmul.f32 v3, v3  }
0xe8: {  	v55 =	vld.idx.msk [tilespmem:v14+s22+$0x0], $0xffff  }
0xe9: {  	v56 =	vld.idx.msk [tilespmem:v15+s26+$0x0], $0xffff;
	v57 =	vsub.f32 v10, v8;
	v5 =	vmul.f32 v5, v5;
	v3 =	vadd.f32 v3, v6  }
0xea: {  	v58 =	vld.idx.msk [tilespmem:v16+s22+$0x0], $0xffff  }
0xeb: {  	v2 =	vld.idx.msk [tilespmem:v2+s26+$0x0], $0xffff;
	v4 =	vsub.f32 v53, v11;
	v59 =	vmul.f32 v57, v57;
	v3 =	vadd.f32 v5, v3  }
0xec: {  	v1 =	vld.idx.msk [tilespmem:v1+s22+$0x0], $0xffff  }
0xed: {  	v60 =	vsub.f32 v55, v54;
	v4 =	vmul.f32 v4, v4;
	v3 =	vadd.f32 v59, v3;
	_ =	sdelay $0x1  }
0xee: {  	v62 =	vsub.f32 v58, v56;
	v61 =	vmul.f32 v60, v60;
	v3 =	vadd.f32 v4, v3;
	_ =	sdelay $0x1  }
0xef: {  	v63 =	vmul.f32 v62, v62;
	v1 =	vsub.f32 v1, v2;
	v3 =	vadd.f32 v61, v3;
	_ =	sdelay $0x1  }
0xf0: {  	v1 =	vmul.f32 v1, v1;
	v2 =	vadd.f32 v63, v3;
	_ =	sdelay $0x1  }
0xf1: {  	v1 =	vadd.f32 v1, v2  }
0xf2: {  	s3 =	simm.s32 $0x10C00  }
0xf3: {  	s14 =	simm.s32 $0x410;
	[tilespmem:s3+$0x0] =	vst v1  }
0xf4: {  	s30 =	simm.s32 $0x10;
	s0 =	simm.s32 $0x20;
	v1 =	vld [tilespmem:s14+$0x0]  }
.LBB2_4:
0xf5: {  	p0 =	sne.s32 s0, $0x3F0;
	v2 =	vmov s30;
	s30 =	smov.u32 s0  }
0xf6: {  	v2 =	vshll.u32 v2, $0x3  }
0xf7: {  	v2 =	vor.u32 v0, v2  }
0xf8: {  	v3 =	vor.u32 $0x1, v2  }
0xf9: {  	v1 =	vshll.u32 v1, $0x3  }
0xfa: {  	v4 =	vor.u32 $0x1, v1  }
0xfb: {  	v5 =	vor.u32 $0x2, v2  }
0xfc: {  	v7 =	vor.u32 $0x2, v1;
	v6 =	vld.idx.msk [tilespmem:v2+s26+$0x0], $0xffff  }
0xfd: {  	v8 =	vor.u32 $0x3, v2;
	v3 =	vld.idx.msk [tilespmem:v3+s26+$0x0], $0xffff  }
0xfe: {  	v10 =	vor.u32 $0x3, v1;
	v9 =	vld.idx.msk [tilespmem:v1+s22+$0x0], $0xffff  }
0xff: {  	v11 =	vor.u32 $0x4, v2;
	v4 =	vld.idx.msk [tilespmem:v4+s22+$0x0], $0xffff  }
0x100: {  	v12 =	vor.u32 $0x4, v1;
	v5 =	vld.idx.msk [tilespmem:v5+s26+$0x0], $0xffff  }
0x101: {  	v13 =	vor.u32 $0x5, v2;
	v7 =	vld.idx.msk [tilespmem:v7+s22+$0x0], $0xffff  }
0x102: {  	v14 =	vor.u32 $0x5, v1;
	v8 =	vld.idx.msk [tilespmem:v8+s26+$0x0], $0xffff  }
0x103: {  	v15 =	vor.u32 $0x6, v2;
	v10 =	vld.idx.msk [tilespmem:v10+s22+$0x0], $0xffff  }
0x104: {  	v16 =	vor.u32 $0x6, v1;
	v11 =	vld.idx.msk [tilespmem:v11+s26+$0x0], $0xffff  }
0x105: {  	v2 =	vor.u32 $0x7, v2;
	v6 =	vsub.f32 v9, v6;
	v3 =	vsub.f32 v4, v3;
	v4 =	vld.idx.msk [tilespmem:v12+s22+$0x0], $0xffff  }
0x106: {  	v1 =	vor.u32 $0x7, v1;
	v9 =	vld.idx.msk [tilespmem:v13+s26+$0x0], $0xffff  }
0x107: {  	v6 =	vmul.f32 v6, v6;
	v3 =	vmul.f32 v3, v3;
	v5 =	vsub.f32 v7, v5;
	v7 =	vld.idx.msk [tilespmem:v14+s22+$0x0], $0xffff  }
0x108: {  	v12 =	vld.idx.msk [tilespmem:v15+s26+$0x0], $0xffff  }
0x109: {  	v3 =	vadd.f32 v3, v6;
	v5 =	vmul.f32 v5, v5;
	v6 =	vsub.f32 v10, v8;
	v8 =	vld.idx.msk [tilespmem:v16+s22+$0x0], $0xffff  }
0x10a: {  	v2 =	vld.idx.msk [tilespmem:v2+s26+$0x0], $0xffff  }
0x10b: {  	v3 =	vadd.f32 v5, v3;
	v5 =	vmul.f32 v6, v6;
	v4 =	vsub.f32 v4, v11;
	v1 =	vld.idx.msk [tilespmem:v1+s22+$0x0], $0xffff;
	_ =	sdelay $0x1  }
0x10c: {  	v3 =	vadd.f32 v5, v3;
	v4 =	vmul.f32 v4, v4;
	v5 =	vsub.f32 v7, v9;
	_ =	sdelay $0x1  }
0x10d: {  	v3 =	vadd.f32 v4, v3;
	v4 =	vmul.f32 v5, v5;
	v5 =	vsub.f32 v8, v12;
	_ =	sdelay $0x1  }
0x10e: {  	v3 =	vadd.f32 v4, v3;
	v4 =	vmul.f32 v5, v5;
	v1 =	vsub.f32 v1, v2;
	_ =	sdelay $0x1  }
0x10f: {  	v2 =	vadd.f32 v4, v3;
	v1 =	vmul.f32 v1, v1  }
.Ltmp5:
0x110: {  	(pc) =	sbr.rel @p0 .LBB2_4-.Ltmp5, $4  }
0x111: {  	v1 =	vadd.f32 v1, v2  }
0x112: {  	s3 =	sadd.s32 $0x10, s3  }
0x113: {  	s14 =	sadd.s32 $0x10, s14;
	[tilespmem:s3+$0x0] =	vst v1  }
0x114: {  	s0 =	sadd.s32 $0x10, s0;
	v1 =	vld [tilespmem:s14+$0x0]  }
0x115: {  	v2 =	vmov s30  }
0x116: {  	v2 =	vshll.u32 v2, $0x3  }
0x117: {  	v2 =	vor.u32 v0, v2  }
0x118: {  	v3 =	vor.u32 $0x1, v2  }
0x119: {  	v1 =	vshll.u32 v1, $0x3  }
0x11a: {  	v4 =	vor.u32 $0x1, v1  }
0x11b: {  	v5 =	vor.u32 $0x2, v2  }
0x11c: {  	v7 =	vor.u32 $0x2, v1;
	v6 =	vld.idx.msk [tilespmem:v2+s26+$0x0], $0xffff  }
0x11d: {  	v8 =	vor.u32 $0x3, v2;
	v3 =	vld.idx.msk [tilespmem:v3+s26+$0x0], $0xffff  }
0x11e: {  	v10 =	vor.u32 $0x3, v1;
	v9 =	vld.idx.msk [tilespmem:v1+s22+$0x0], $0xffff  }
0x11f: {  	v11 =	vor.u32 $0x4, v2;
	v4 =	vld.idx.msk [tilespmem:v4+s22+$0x0], $0xffff  }
0x120: {  	v12 =	vor.u32 $0x4, v1;
	v5 =	vld.idx.msk [tilespmem:v5+s26+$0x0], $0xffff  }
0x121: {  	v13 =	vor.u32 $0x5, v2;
	v7 =	vld.idx.msk [tilespmem:v7+s22+$0x0], $0xffff  }
0x122: {  	v14 =	vor.u32 $0x5, v1;
	v8 =	vld.idx.msk [tilespmem:v8+s26+$0x0], $0xffff  }
0x123: {  	v15 =	vor.u32 $0x6, v2;
	v10 =	vld.idx.msk [tilespmem:v10+s22+$0x0], $0xffff  }
0x124: {  	v16 =	vor.u32 $0x6, v1;
	v11 =	vld.idx.msk [tilespmem:v11+s26+$0x0], $0xffff;
	v6 =	vsub.f32 v9, v6;
	v3 =	vsub.f32 v4, v3  }
0x125: {  	v2 =	vor.u32 $0x7, v2;
	v1 =	vor.u32 $0x7, v1;
	v53 =	vld.idx.msk [tilespmem:v12+s22+$0x0], $0xffff  }
0x126: {  	v54 =	vld.idx.msk [tilespmem:v13+s26+$0x0], $0xffff;
	v5 =	vsub.f32 v7, v5;
	v6 =	vmul.f32 v6, v6;
	v3 =	vmul.f32 v3, v3  }
0x127: {  	v55 =	vld.idx.msk [tilespmem:v14+s22+$0x0], $0xffff  }
0x128: {  	v56 =	vld.idx.msk [tilespmem:v15+s26+$0x0], $0xffff;
	v57 =	vsub.f32 v10, v8;
	v5 =	vmul.f32 v5, v5;
	v3 =	vadd.f32 v3, v6  }
0x129: {  	v58 =	vld.idx.msk [tilespmem:v16+s22+$0x0], $0xffff  }
0x12a: {  	v2 =	vld.idx.msk [tilespmem:v2+s26+$0x0], $0xffff;
	v4 =	vsub.f32 v53, v11;
	v59 =	vmul.f32 v57, v57;
	v3 =	vadd.f32 v5, v3  }
0x12b: {  	v1 =	vld.idx.msk [tilespmem:v1+s22+$0x0], $0xffff  }
0x12c: {  	v60 =	vsub.f32 v55, v54;
	v4 =	vmul.f32 v4, v4;
	v3 =	vadd.f32 v59, v3;
	_ =	sdelay $0x1  }
0x12d: {  	v62 =	vsub.f32 v58, v56;
	v61 =	vmul.f32 v60, v60;
	v3 =	vadd.f32 v4, v3;
	_ =	sdelay $0x1  }
0x12e: {  	v63 =	vmul.f32 v62, v62;
	v1 =	vsub.f32 v1, v2;
	v3 =	vadd.f32 v61, v3;
	_ =	sdelay $0x1  }
0x12f: {  	v1 =	vmul.f32 v1, v1;
	v2 =	vadd.f32 v63, v3;
	_ =	sdelay $0x1  }
0x130: {  	s0 =	smul.u32 $0xC00, s2;
	v1 =	vadd.f32 v1, v2  }
0x131: {  	s3 =	sadd.s32 $0x10, s3;
	s30 =	rddreg [dreg:$0x2]  }
0x132: {  	s0 =	sadd.s32 s30, s0;
	[tilespmem:s3+$0x0] =	vst v1  }
0x133: {  	[hbm4b:s0+s4] =	stream.linear.scatter [tilespmem:s24], [sflag:$0x5], $0x6000, $0x38;
	[tilespmem:$0x11000] =	vst v63  }
0x134: {  	_ =	swait.ge [sflag:s21], $0x6000  }
0x135: {  	[sflag:s21] =	ssyncset.done $0x0  }
0x136: {  	[sflag:s21] =	ssyncadd.s32 $0xFFFFA000  }
0x137: {  	s3 =	sshll.u32 s2, $0xC;
	s14 =	rddreg [dreg:$0x3]  }
0x138: {  	s0 =	sadd.s32 s14, s3  }
0x139: {  	[hbm4b:s0+s4] =	stream.linear.scatter [tilespmem:s25], [sflag:$0x5], $0x8000, $0x38;
	[tilespmem:$0x11000] =	vst v63  }
0x13a: {  	_ =	swait.ge [sflag:s21], $0x8000  }
0x13b: {  	s20 =	sadd.s32 s12, s20;
	[sflag:s21] =	ssyncset.done $0x0  }
.Ltmp6:
0x13c: {  	s30 =	simm.s32 $0x10C00;
	[sflag:s21] =	ssyncadd.s32 $0xFFFF8000;
	(pc) =	sbr.rel .LBB2_10-.Ltmp6, $4  }
0x13d: {  	[hbm4b:s20+s4] =	stream.linear.scatter [tilespmem:s30], [sflag:$0x5], $0x400, $0x38;
	[tilespmem:$0x11000] =	vst v63  }
0x13e: {  	_ =	swait.ge [sflag:s21], $0x400  }
0x13f: {  	[sflag:s21] =	ssyncset.done $0x0  }
0x140: {  	[sflag:s21] =	ssyncadd.s32 $0xFFFFFC00  }
.LBB2_6:
0x141: {  	p0 =	sne.s32 s2, $0x1B7  }
.Ltmp7:
0x142: {  	_ = 	snop;
	(pc) =	sbr.rel @p0 .LBB2_10-.Ltmp7, $1  }
0x143: {  	_ =	sdelay $0x3  }
0x144: {  	s0 =	simm.s32 $0x0;
	s2 =	rddreg [dreg:$0x5]  }
0x145: {  	[tilespmem:s0], [sflag:$0x5] =	stream.linear.gather [hbm4b:s2+s0], $0x200, $0x38;
	[tilespmem:$0x11000] =	vst v63  }
0x146: {  	_ =	swait.ge [sflag:s21], $0x200  }
0x147: {  	[sflag:s21] =	ssyncset.done $0x0  }
0x148: {  	s2 =	simm.s32 $0x400;
	s3 =	rddreg [dreg:$0x6];
	[sflag:s21] =	ssyncadd.s32 $0xFFFFFE00  }
0x149: {  	[tilespmem:s2], [sflag:$0x5] =	stream.linear.gather [hbm4b:s3+s0], $0x400, $0x38;
	[tilespmem:$0x11000] =	vst v63  }
0x14a: {  	_ =	swait.ge [sflag:s21], $0x400  }
0x14b: {  	[sflag:s21] =	ssyncset.done $0x0  }
0x14c: {  	s30 =	rddreg [dreg:$0x7];
	[sflag:s21] =	ssyncadd.s32 $0xFFFFFC00  }
0x14d: {  	[tilespmem:s22], [sflag:$0x5] =	stream.linear.gather [hbm4b:s30+s0], $0x400, $0x38;
	[tilespmem:$0x11000] =	vst v63  }
0x14e: {  	_ =	swait.ge [sflag:s21], $0x400  }
0x14f: {  	[sflag:s21] =	ssyncset.done $0x0  }
0x150: {  	[sflag:s21] =	ssyncadd.s32 $0xFFFFFC00  }
0x151: {  	[tilespmem:s24], [sflag:$0x1] =	stream.indirect.gather [hbm4b:s7+s23], $0x18, s0, s23, $0xb8;
	[tilespmem:$0x11000] =	vst v63  }
0x152: {  	_ = 	snop  }
0x153: {  	[tilespmem:s25], [sflag:$0x2] =	stream.indirect.gather [hbm4b:s10+s23], $0x20, s0, s23, $0xb8;
	[tilespmem:$0x11000] =	vst v63  }
0x154: {  	_ = 	snop  }
0x155: {  	[tilespmem:s26], [sflag:$0x3] =	stream.indirect.gather [hbm4b:s11+s23], $0x8, s0, s23, $0xb8;
	[tilespmem:$0x11000] =	vst v63  }
0x156: {  	s14 =	simm.s32 $0x1400  }
0x157: {  	[tilespmem:s14], [sflag:$0x1] =	stream.indirect.gather [hbm4b:s7+s23], $0x18, s23, s23, $0xb8;
	[tilespmem:$0x11000] =	vst v63  }
0x158: {  	s20 =	simm.s32 $0x7800  }
0x159: {  	[tilespmem:s20], [sflag:$0x2] =	stream.indirect.gather [hbm4b:s10+s23], $0x20, s23, s23, $0xb8;
	[tilespmem:$0x11000] =	vst v63  }
0x15a: {  	s30 =	simm.s32 $0xEC00  }
0x15b: {  	[tilespmem:s30], [sflag:$0x3] =	stream.indirect.gather [hbm4b:s11+s23], $0x8, s23, s23, $0xb8;
	[tilespmem:$0x11000] =	vst v63  }
0x15c: {  	s14 =	simm.s32 $0x2000  }
0x15d: {  	[tilespmem:s14], [sflag:$0x1] =	stream.indirect.gather [hbm4b:s7+s23], $0x18, s31, s23, $0xb8;
	[tilespmem:$0x11000] =	vst v63  }
0x15e: {  	s20 =	simm.s32 $0x8800  }
0x15f: {  	[tilespmem:s20], [sflag:$0x2] =	stream.indirect.gather [hbm4b:s10+s23], $0x20, s31, s23, $0xb8;
	[tilespmem:$0x11000] =	vst v63  }
0x160: {  	s30 =	simm.s32 $0xF000  }
0x161: {  	[tilespmem:s30], [sflag:$0x3] =	stream.indirect.gather [hbm4b:s11+s23], $0x8, s31, s23, $0xb8;
	[tilespmem:$0x11000] =	vst v63  }
0x162: {  	s14 =	simm.s32 $0x2C00  }
0x163: {  	[tilespmem:s14], [sflag:$0x1] =	stream.indirect.gather [hbm4b:s7+s23], $0x18, s1, s23, $0xb8;
	[tilespmem:$0x11000] =	vst v63  }
0x164: {  	s20 =	simm.s32 $0x9800  }
0x165: {  	[tilespmem:s20], [sflag:$0x2] =	stream.indirect.gather [hbm4b:s10+s23], $0x20, s1, s23, $0xb8;
	[tilespmem:$0x11000] =	vst v63  }
0x166: {  	s30 =	simm.s32 $0xF400  }
0x167: {  	[tilespmem:s30], [sflag:$0x3] =	stream.indirect.gather [hbm4b:s11+s23], $0x8, s1, s23, $0xb8;
	[tilespmem:$0x11000] =	vst v63  }
0x168: {  	_ =	swait.ge [sflag:s17], $0xC00  }
0x169: {  	[sflag:s17] =	ssyncset.done $0x0  }
0x16a: {  	[sflag:s17] =	ssyncadd.s32 $0xFFFFF400  }
0x16b: {  	_ =	swait.ge [sflag:s28], $0x1000  }
0x16c: {  	[sflag:s28] =	ssyncset.done $0x0  }
0x16d: {  	[sflag:s28] =	ssyncadd.s32 $0xFFFFF000  }
0x16e: {  	_ =	swait.ge [sflag:s29], $0x400  }
0x16f: {  	[sflag:s29] =	ssyncset.done $0x0  }
0x170: {  	[sflag:s29] =	ssyncadd.s32 $0xFFFFFC00  }
0x171: {  	_ =	swait.ge [sflag:s17], $0xC00  }
0x172: {  	[sflag:s17] =	ssyncset.done $0x0  }
0x173: {  	[sflag:s17] =	ssyncadd.s32 $0xFFFFF400  }
0x174: {  	_ =	swait.ge [sflag:s28], $0x1000  }
0x175: {  	[sflag:s28] =	ssyncset.done $0x0  }
0x176: {  	[sflag:s28] =	ssyncadd.s32 $0xFFFFF000  }
0x177: {  	_ =	swait.ge [sflag:s29], $0x400  }
0x178: {  	[sflag:s29] =	ssyncset.done $0x0  }
0x179: {  	[sflag:s29] =	ssyncadd.s32 $0xFFFFFC00  }
0x17a: {  	_ =	swait.ge [sflag:s17], $0xC00  }
0x17b: {  	[sflag:s17] =	ssyncset.done $0x0  }
0x17c: {  	[sflag:s17] =	ssyncadd.s32 $0xFFFFF400  }
0x17d: {  	_ =	swait.ge [sflag:s28], $0x1000  }
0x17e: {  	[sflag:s28] =	ssyncset.done $0x0  }
0x17f: {  	[sflag:s28] =	ssyncadd.s32 $0xFFFFF000  }
0x180: {  	_ =	swait.ge [sflag:s29], $0x400  }
0x181: {  	[sflag:s29] =	ssyncset.done $0x0  }
0x182: {  	[sflag:s29] =	ssyncadd.s32 $0xFFFFFC00  }
0x183: {  	_ =	swait.ge [sflag:s17], $0xC00  }
0x184: {  	[sflag:s17] =	ssyncset.done $0x0  }
0x185: {  	[sflag:s17] =	ssyncadd.s32 $0xFFFFF400  }
0x186: {  	_ =	swait.ge [sflag:s28], $0x1000  }
0x187: {  	[sflag:s28] =	ssyncset.done $0x0  }
0x188: {  	[sflag:s28] =	ssyncadd.s32 $0xFFFFF000  }
0x189: {  	_ =	swait.ge [sflag:s29], $0x400  }
0x18a: {  	[sflag:s29] =	ssyncset.done $0x0  }
0x18b: {  	[sflag:s29] =	ssyncadd.s32 $0xFFFFFC00  }
0x18c: {  	v1 =	vld [tilespmem:s2+$0x0]  }
0x18d: {  	v2 =	vmov s0  }
0x18e: {  	v2 =	vshll.u32 v2, $0x3  }
0x18f: {  	v2 =	vor.u32 v0, v2  }
0x190: {  	v3 =	vor.u32 $0x1, v2  }
0x191: {  	v1 =	vshll.u32 v1, $0x3  }
0x192: {  	v4 =	vor.u32 $0x1, v1  }
0x193: {  	v5 =	vor.u32 $0x2, v2  }
0x194: {  	v6 =	vld.idx.msk [tilespmem:v2+s26+$0x0], $0xffff;
	v7 =	vor.u32 $0x2, v1  }
0x195: {  	v8 =	vor.u32 $0x3, v2;
	v3 =	vld.idx.msk [tilespmem:v3+s26+$0x0], $0xffff  }
0x196: {  	v10 =	vor.u32 $0x3, v1;
	v9 =	vld.idx.msk [tilespmem:v1+s22+$0x0], $0xffff  }
0x197: {  	v11 =	vor.u32 $0x4, v2;
	v4 =	vld.idx.msk [tilespmem:v4+s22+$0x0], $0xffff  }
0x198: {  	v5 =	vld.idx.msk [tilespmem:v5+s26+$0x0], $0xffff;
	v12 =	vor.u32 $0x4, v1  }
0x199: {  	v13 =	vor.u32 $0x5, v2;
	v7 =	vld.idx.msk [tilespmem:v7+s22+$0x0], $0xffff  }
0x19a: {  	v8 =	vld.idx.msk [tilespmem:v8+s26+$0x0], $0xffff;
	v14 =	vor.u32 $0x5, v1  }
0x19b: {  	v15 =	vor.u32 $0x6, v2;
	v10 =	vld.idx.msk [tilespmem:v10+s22+$0x0], $0xffff  }
0x19c: {  	v11 =	vld.idx.msk [tilespmem:v11+s26+$0x0], $0xffff;
	v16 =	vor.u32 $0x6, v1;
	v6 =	vsub.f32 v9, v6;
	v3 =	vsub.f32 v4, v3  }
0x19d: {  	v2 =	vor.u32 $0x7, v2;
	v1 =	vor.u32 $0x7, v1;
	v53 =	vld.idx.msk [tilespmem:v12+s22+$0x0], $0xffff  }
0x19e: {  	v54 =	vld.idx.msk [tilespmem:v13+s26+$0x0], $0xffff;
	v5 =	vsub.f32 v7, v5;
	v6 =	vmul.f32 v6, v6;
	v3 =	vmul.f32 v3, v3  }
0x19f: {  	v55 =	vld.idx.msk [tilespmem:v14+s22+$0x0], $0xffff  }
0x1a0: {  	v56 =	vld.idx.msk [tilespmem:v15+s26+$0x0], $0xffff;
	v57 =	vsub.f32 v10, v8;
	v5 =	vmul.f32 v5, v5;
	v3 =	vadd.f32 v3, v6  }
0x1a1: {  	v58 =	vld.idx.msk [tilespmem:v16+s22+$0x0], $0xffff  }
0x1a2: {  	v2 =	vld.idx.msk [tilespmem:v2+s26+$0x0], $0xffff;
	v4 =	vsub.f32 v53, v11;
	v59 =	vmul.f32 v57, v57;
	v3 =	vadd.f32 v5, v3  }
0x1a3: {  	v1 =	vld.idx.msk [tilespmem:v1+s22+$0x0], $0xffff  }
0x1a4: {  	v60 =	vsub.f32 v55, v54;
	v4 =	vmul.f32 v4, v4;
	v3 =	vadd.f32 v59, v3;
	_ =	sdelay $0x1  }
0x1a5: {  	v62 =	vsub.f32 v58, v56;
	v61 =	vmul.f32 v60, v60;
	v3 =	vadd.f32 v4, v3;
	_ =	sdelay $0x1  }
0x1a6: {  	v63 =	vmul.f32 v62, v62;
	v1 =	vsub.f32 v1, v2;
	v3 =	vadd.f32 v61, v3;
	_ =	sdelay $0x1  }
0x1a7: {  	v1 =	vmul.f32 v1, v1;
	v2 =	vadd.f32 v63, v3;
	_ =	sdelay $0x1  }
0x1a8: {  	v1 =	vadd.f32 v1, v2  }
0x1a9: {  	s2 =	simm.s32 $0x10C00  }
0x1aa: {  	s3 =	simm.s32 $0x410;
	[tilespmem:s2+$0x0] =	vst v1  }
0x1ab: {  	s0 =	simm.s32 $0x20;
	s14 =	simm.s32 $0x10;
	v1 =	vld [tilespmem:s3+$0x0]  }
.LBB2_8:
0x1ac: {  	p0 =	sne.s32 s0, $0x1C0;
	v2 =	vmov s14;
	s14 =	smov.u32 s0  }
0x1ad: {  	v2 =	vshll.u32 v2, $0x3  }
0x1ae: {  	v2 =	vor.u32 v0, v2  }
0x1af: {  	v3 =	vor.u32 $0x1, v2  }
0x1b0: {  	v1 =	vshll.u32 v1, $0x3  }
0x1b1: {  	v4 =	vor.u32 $0x1, v1  }
0x1b2: {  	v5 =	vor.u32 $0x2, v2  }
0x1b3: {  	v7 =	vor.u32 $0x2, v1;
	v6 =	vld.idx.msk [tilespmem:v2+s26+$0x0], $0xffff  }
0x1b4: {  	v8 =	vor.u32 $0x3, v2;
	v3 =	vld.idx.msk [tilespmem:v3+s26+$0x0], $0xffff  }
0x1b5: {  	v10 =	vor.u32 $0x3, v1;
	v9 =	vld.idx.msk [tilespmem:v1+s22+$0x0], $0xffff  }
0x1b6: {  	v11 =	vor.u32 $0x4, v2;
	v4 =	vld.idx.msk [tilespmem:v4+s22+$0x0], $0xffff  }
0x1b7: {  	v12 =	vor.u32 $0x4, v1;
	v5 =	vld.idx.msk [tilespmem:v5+s26+$0x0], $0xffff  }
0x1b8: {  	v13 =	vor.u32 $0x5, v2;
	v7 =	vld.idx.msk [tilespmem:v7+s22+$0x0], $0xffff  }
0x1b9: {  	v14 =	vor.u32 $0x5, v1;
	v8 =	vld.idx.msk [tilespmem:v8+s26+$0x0], $0xffff  }
0x1ba: {  	v15 =	vor.u32 $0x6, v2;
	v10 =	vld.idx.msk [tilespmem:v10+s22+$0x0], $0xffff  }
0x1bb: {  	v16 =	vor.u32 $0x6, v1;
	v11 =	vld.idx.msk [tilespmem:v11+s26+$0x0], $0xffff  }
0x1bc: {  	v2 =	vor.u32 $0x7, v2;
	v6 =	vsub.f32 v9, v6;
	v3 =	vsub.f32 v4, v3;
	v4 =	vld.idx.msk [tilespmem:v12+s22+$0x0], $0xffff  }
0x1bd: {  	v1 =	vor.u32 $0x7, v1;
	v9 =	vld.idx.msk [tilespmem:v13+s26+$0x0], $0xffff  }
0x1be: {  	v6 =	vmul.f32 v6, v6;
	v3 =	vmul.f32 v3, v3;
	v5 =	vsub.f32 v7, v5;
	v7 =	vld.idx.msk [tilespmem:v14+s22+$0x0], $0xffff  }
0x1bf: {  	v12 =	vld.idx.msk [tilespmem:v15+s26+$0x0], $0xffff  }
0x1c0: {  	v3 =	vadd.f32 v3, v6;
	v5 =	vmul.f32 v5, v5;
	v6 =	vsub.f32 v10, v8;
	v8 =	vld.idx.msk [tilespmem:v16+s22+$0x0], $0xffff  }
0x1c1: {  	v2 =	vld.idx.msk [tilespmem:v2+s26+$0x0], $0xffff  }
0x1c2: {  	v3 =	vadd.f32 v5, v3;
	v5 =	vmul.f32 v6, v6;
	v4 =	vsub.f32 v4, v11;
	v1 =	vld.idx.msk [tilespmem:v1+s22+$0x0], $0xffff;
	_ =	sdelay $0x1  }
0x1c3: {  	v3 =	vadd.f32 v5, v3;
	v4 =	vmul.f32 v4, v4;
	v5 =	vsub.f32 v7, v9;
	_ =	sdelay $0x1  }
0x1c4: {  	v3 =	vadd.f32 v4, v3;
	v4 =	vmul.f32 v5, v5;
	v5 =	vsub.f32 v8, v12;
	_ =	sdelay $0x1  }
0x1c5: {  	v3 =	vadd.f32 v4, v3;
	v4 =	vmul.f32 v5, v5;
	v1 =	vsub.f32 v1, v2;
	_ =	sdelay $0x1  }
0x1c6: {  	v2 =	vadd.f32 v4, v3;
	v1 =	vmul.f32 v1, v1  }
.Ltmp8:
0x1c7: {  	(pc) =	sbr.rel @p0 .LBB2_8-.Ltmp8, $4  }
0x1c8: {  	v1 =	vadd.f32 v1, v2  }
0x1c9: {  	s2 =	sadd.s32 $0x10, s2  }
0x1ca: {  	s3 =	sadd.s32 $0x10, s3;
	[tilespmem:s2+$0x0] =	vst v1  }
0x1cb: {  	s0 =	sadd.s32 $0x10, s0;
	v1 =	vld [tilespmem:s3+$0x0]  }
.Ltmp9:
0x1cc: {  	_ = 	snop;
	(pc) =	sbr.rel .LBB2_9-.Ltmp9, $1  }
0x1cd: {  	_ =	sdelay $0x3  }
.LBB2_12:
0x1ce: {  	_ =	sfence.sel $0x180000  }
0x1cf: {  	[bflag:$0x0] =	sbarrier.arrive $0xFFFF  }
0x1d0: {  	_ =	strace $0x90000047  }
0x1d1: {  	s0 =	stileid.u32;
	[bflag:$0x2] =	sbarrier.arrive $0xFFFF  }
0x1d2: {  	p0 =	sne.s32 s0, $0x0;
	s0 =	rddreg [dreg:$0x4]  }
0x1d3: {  	s0 =	sadd.s32 @!p0 $0x100000, s0  }
0x1d4: {  	[sflag:s0] =	ssyncadd.tile.s32 @!p0 $0x1;
	_ =	shalt  }
.Lfunc_end2:
_tile_overlayer_lowered:
.L_overlay_start_2:
0x1d5: {  	(tag) =	ssettag $0x2  }
0x1d6: {  	s0 =	rddreg [dreg:$0x0];
	s2 =	stileid.u32  }
0x1d7: {  	s1 =	rddreg [dreg:$0x1];
	p0 =	sne.s32 s2, $0x0  }
0x1d8: {  	s3 =	rddreg [dreg:$0x2];
	[bflag:$0x3] =	sbarrier.arrive $0xFFFF;
	s2 =	simm.s32 @!p0 $0x1C04  }
0x1d9: {  	[timem:s3], [sflag:s2] =	dma.local @!p0 [hbm:s0], s1  }
0x1da: {  	s0 =	simm.s32 @!p0 $0x4  }
0x1db: {  	_ =	swait.ge @!p0 [sflag:s0], s1  }
0x1dc: {  	s1 =	ssub.s32 @!p0 $0x0, s1;
	[sflag:s0] =	ssyncset.done @!p0 $0x0  }
0x1dd: {  	[sflag:s0] =	ssyncadd.s32 @!p0 s1  }
0x1de: {  	[bflag:$0x3] =	sbarrier.arrive $0xFFFF  }
0x1df: {  	_ =	shalt  }

// kernel: sparse-core-data-format-call.1.cloned.1.call-start
scs
called_computation.1_lowered:
.L_overlay_start_0:
0x0: {  	s2 =	sld [smem:$0x3FD9]  }
0x1: {  	s3 =	sld [smem:$0x3FFE];
	_ =	sdelay $0x1  }
0x2: {  	s1 =	srdreg.scid  }
0x3: {  	s0 =	sand.u32 $0x1, s1  }
0x4: {  	s15 =	sshll.u32 s0, $0xA;
	s2 =	sadd.s32 s3, s2  }
0x5: {  	s2 =	sadd.s32 s2, s15  }
0x6: {  	[smem:$0x3FC4] =	sst s2  }
0x7: {  	_ = 	snop  }
0x8: {  	s2 =	sld [smem:$0x3FD0];
	_ =	sdelay $0x2  }
0x9: {  	s16 =	simm.s32 $0xB;
	s4 =	simm.s32 $0x10  }
0xa: {  	[smem:s4], [sflag:s16] =	dma.local [hbm:s2], $0x1  }
0xb: {  	_ =	swait.eq [sflag:s16], $0x1  }
0xc: {  	[sflag:s16] =	ssyncset.done $0x0  }
0xd: {  	[sflag:s16] =	ssyncadd.s32 $0xFFFFFFFF  }
0xe: {  	s17 =	sld [smem:$0x10];
	(tm) =	ssettm $0x1  }
0xf: {  	s18 =	sld [smem:$0x3FFB];
	_ =	sdelay $0x3  }
0x10: {  	_ =	strace s18  }
0x11: {  	s3 =	sld [smem:$0x3FFC];
	_ =	sdelay $0x3  }
0x12: {  	_ =	strace s3  }
0x13: {  	s3 =	sld [smem:$0x3FFD];
	_ =	sdelay $0x3  }
0x14: {  	_ =	strace s3  }
0x15: {  	_ =	strace $0x8FFFFFFF  }
0x16: {  	s19 =	sld [smem:$0x3FDB];
	_ =	sdelay $0x1  }
0x17: {  	s20 =	simm.s32 $_scs_section_size  }
0x18: {  	s5 =	simm.s32 $_size__tile_overlayer_lowered;
	s6 =	simm.s32 $_tile_overlayer_lowered  }
0x19: {  	s23 =	simm.s32 $0x1BFF;
	s22 =	sshll.u32 s6, $0x1;
	s3 =	sadd.s32 s20, s19  }
0x1a: {  	s7 =	simm.s32 $0x0;
	s21 =	sshll.u32 s5, $0x1;
	s5 =	sadd.s32 s22, s3  }
0x1b: {  	[timem:s7], [sflag:s23] =	dma.local [hbm:s5], s21  }
0x1c: {  	_ =	swait.ge [sflag:s23], s21  }
0x1d: {  	s4 =	ssub.s32 $0x0, s21;
	[sflag:s23] =	ssyncset.done $0x0  }
0x1e: {  	[sflag:s23] =	ssyncadd.s32 s4;
	_ =	sdelay $0x1  }
0x1f: {  	s24 =	simm.s32 $0x1B8B  }
0x20: {  	_ =	swait.ge [sflag:s24], $0x1  }
0x21: {  	[sflag:s24] =	ssyncset.done $0x0  }
0x22: {  	s26 =	simm.s32 $0x1B8E;
	s25 =	sld [smem:$0x3FFE];
	[sflag:s24] =	ssyncadd.s32 $0xFFFFFFFF  }
0x23: {  	s27 =	simm.s32 $execute0_lowered;
	[smem:$0x3FD2] =	sst s26  }
0x24: {  	s5 =	sshll.u32 s27, $0x1;
	_ =	strace $0x80000049;
	[dreg:$0x1] =	wrdreg $0xFFFFFFFF  }
0x25: {  	s28 =	simm.s32 $_size_execute0_lowered;
	s3 =	sadd.s32 s3, s5;
	[dreg:$0x0] =	wrdreg $0x0  }
0x26: {  	s5 =	sshll.u32 s28, $0x1;
	[dreg:$0x2] =	wrdreg s3  }
0x27: {  	[dreg:$0x3] =	wrdreg s5  }
0x28: {  	[dreg:$0x4] =	wrdreg $0xC0  }
0x29: {  	_ =	task [dreg:s7], $0x5FFFF  }
0x2a: {  	[dreg:$0x1] =	wrdreg $0xFFFFFFFF  }
0x2b: {  	[dreg:$0x0] =	wrdreg $0x60  }
0x2c: {  	[dreg:$0x2] =	wrdreg s25  }
0x2d: {  	[dreg:$0x3] =	wrdreg s17  }
0x2e: {  	[dreg:$0x4] =	wrdreg $0xA  }
0x2f: {  	_ =	task.clear_ibuf [dreg:s7], $0x5FFFF;
	_ =	strace $0x90000049  }
0x30: {  	s29 =	simm.s32 $0xA;
	_ =	strace $0x8000004B  }
0x31: {  	_ =	swait.ge [sflag:s29], $0x1  }
0x32: {  	[sflag:s29] =	ssyncadd.s32 $0xFFFFFFFF  }
0x33: {  	_ =	strace $0x9000004B  }
0x34: {  	_ =	sfence  }
0x35: {  	s30 =	sld [smem:$0x0];
	_ =	sdelay $0x2  }
0x36: {  	s31 =	sshll.u32 s1, $0xD;
	s1 =	sshrl.u32 s1, $0x2  }
0x37: {  	s3 =	sand.u32 $0x4000, s31;
	s1 =	sadd.s32 s1, s30  }
0x38: {  	s0 =	sor.u32 s3, s0;
	s1 =	sshll.u32 s1, $0x11  }
0x39: {  	s0 =	sor.u32 s1, s0  }
0x3a: {  	s0 =	sadd.s32 $0x8F2B, s0  }
0x3b: {  	[sflag:s0] =	ssyncadd.remote.s32 $0x1  }
0x3c: {  	_ =	sfence.sel $0xFFFF  }
0x3d: {  	[dreg:$0x0] =	wrdreg $0xFFFFFFFF;
	(pc) =	sbr.abs _section_cstart, $3  }
0x3e: {  	[dreg:$0x1] =	wrdreg $0xFFFFFFFF  }
0x3f: {  	_ =	task.clear_ibuf [dreg:s7], $0x2FFFF;
	_ =	strace $0x9FFFFFFF  }
0x40: {  	(tm) =	ssettm $0x7FFFFFFF  }
0x41: {  	_ =	shalt  }
tec
execute0_lowered:
.L_overlay_start_1:
0x0: {  	(tag) =	ssettag $0x1  }
0x1: {  	s5 =	rddreg [dreg:$0x0]  }
0x2: {  	s0 =	srdreg.scid;
	s3 =	rddreg [dreg:$0x1];
	s31 =	simm.s32 $0x2  }
0x3: {  	s15 =	simm.s32 $0x0;
	p0 =	por $0x0, $0x0;
	s1 =	sshll.u32 s0, $0x4  }
0x4: {  	s8 =	simm.s32 $0x61C00;
	s0 =	stileid.u32;
	s1 =	sand.u32 $0x10, s1  }
0x5: {  	s14 =	simm.s32 $0x0;
	s9 =	simm.s32 $0x0;
	s1 =	sor.u32 s0, s1  }
0x6: {  	s10 =	simm.s32 $0x0;
	s11 =	simm.s32 $0x0;
	s2 =	sshll.u32 s1, $0x7  }
.Ltmp0:
0x7: {  	s13 =	simm.s32 $0x0;
	s4 =	ssub.s32 $0xC300, s2;
	(pc) =	sbr.rel .LBB1_1-.Ltmp0, $4  }
0x8: {  	s23 =	simm.s32 $0x0;
	s1 =	rddreg [dreg:$0x2];
	s6 =	sshrl.u32 s4, $0xC  }
0x9: {  	_ =	strace $0x8000004A;
	s4 =	simm.s32 $0x1;
	s7 =	smul.u32 $0x9, s6  }
0xa: {  	s5 =	sadd.s32 $0x35A00, s5;
	s12 =	smov.u32 s2;
	[sflag:s4] =	ssyncpa.u1 $0x0  }
0xb: {  	[sflag:s31] =	ssyncpa.u1 $0x0;
	s6 =	sadd.s32 $0x9, s7;
	s7 =	sadd.s32 $0xA, s7  }
.LBB1_11:
0xc: {  	p1 =	sgt.s32 s9, $0x8;
	s19 =	smov.u32 s9;
	s20 =	sand.u32 $0x7F, s10  }
0xd: {  	s21 =	smov.u32 s10;
	s31 =	sshll.u32 s10, $0x3;
	s19 =	simm.s32 @!p1 $0x8  }
0xe: {  	s18 =	smul.u32 $0x1020, s18;
	p1 =	sgt.s32 s10, $0xC300;
	s17 =	sadd.s32 s17, s19  }
0xf: {  	s21 =	simm.s32 @!p1 $0xC300;
	s19 =	sand.u32 $0xFFFFFC00, s31;
	s22 =	ssub.s32 $0x9, s17  }
0x10: {  	s20 =	sor.u32 s20, s19;
	s17 =	sadd.s32 $0xFFFFFFF8, s17;
	s19 =	smulhi.u32 $0xA79C7B17, s19  }
0x11: {  	s16 =	sadd.s32 s16, s21;
	s21 =	smul.u32 $0x18, s22;
	p1 =	sgt.s32 s17, $0x0  }
0x12: {  	s24 =	sadd.s32 $0xFFFF3D00, s16;
	s16 =	ssub.s32 $0xC380, s16;
	s25 =	smulhi.u32 $0xA79C7B17, s20  }
0x13: {  	s19 =	sshrl.u32 s19, $0xF;
	s21 =	simm.s32 @p1 $0x0;
	p1 =	sgt.s32 s24, $0x7F  }
0x14: {  	s26 =	smulhi.u32 $0xAAAAAAB, s19;
	s16 =	simm.s32 @p1 $0x0  }
0x15: {  	s16 =	smul.u32 s16, s21  }
0x16: {  	s17 =	sshrl.u32 s25, $0xF;
	s21 =	smul.u32 $0x18, s26  }
0x17: {  	s17 =	smul.u32 $0xC380, s17  }
0x18: {  	s27 =	smul.u32 $0x24A80, s9;
	s19 =	ssub.s32 s19, s21  }
0x19: {  	s17 =	ssub.s32 s20, s17;
	s19 =	smul.u32 $0x1870, s19  }
0x1a: {  	s28 =	sadd.s32 s3, s27;
	s18 =	sor.u32 $0x2000, s18;
	s29 =	sand.u32 $0x7, s17  }
0x1b: {  	s17 =	sshrl.u32 s17, $0x3;
	s30 =	sshll.u32 s29, $0x12;
	s19 =	sadd.s32 s19, s28  }
0x1c: {  	s16 =	sand.u32 $0x3FFFFFF8, s16;
	s31 =	sor.u32 $0x400, s30;
	s17 =	sadd.s32 s17, s19  }
0x1d: {  	[hbm4b:s17+s31] =	stream.strided.scatter [tilespmem:s18], [sflag:$0x2], s16, s8, s31, $0x20;
	[tilespmem:$0x4040] =	vst v63  }
.LBB1_12:
0x1e: {  	p1 =	slt.u32 s13, $0x2  }
0x1f: {  	s17 =	smov.u32 s15;
	p2 =	sgt.s32 @!p1 s15, $0x8;
	s16 =	sshra.s32 @!p1 s15, $0x1F  }
0x20: {  	p3 =	sgt.s32 @!p1 s14, $0xC300;
	s18 =	sshra.s32 @!p1 s14, $0x1F;
	p2 =	por !p2, p1  }
0x21: {  	s15 =	sand.u32 @!p1 s16, s15;
	p3 =	por !p3, p1;
	s16 =	smov.u32 s14  }
0x22: {  	s14 =	sand.u32 @!p1 s18, s14;
	s17 =	simm.s32 @p2 $0x8;
	s16 =	simm.s32 @p3 $0xC300  }
0x23: {  	s18 =	smov.u32 s12;
	s15 =	ssub.s32 @!p1 s17, s15;
	s14 =	ssub.s32 @!p1 s16, s14  }
0x24: {  	s16 =	sadd.s32 @!p1 $0xFFFFFFF8, s15;
	s15 =	ssub.s32 @!p1 $0x9, s15;
	s17 =	sadd.s32 @!p1 $0xFFFF3D00, s14  }
0x25: {  	p2 =	sgt.s32 @!p1 s16, $0x0;
	s15 =	smul.u32 @!p1 $0x18, s15;
	p3 =	sgt.s32 @!p1 s17, $0x7F  }
0x26: {  	s14 =	ssub.s32 @!p1 $0xC380, s14;
	p2 =	por !p2, p1;
	p3 =	por !p3, p1  }
0x27: {  	s16 =	sadd.s32 $0x1, s11;
	s15 =	simm.s32 @!p2 $0x0;
	s14 =	simm.s32 @!p3 $0x0  }
0x28: {  	p2 =	sgt.s32 s16, $0x8;
	s14 =	smul.u32 @!p1 s14, s15;
	s15 =	sadd.s32 $0x1000, s12  }
0x29: {  	s18 =	smov.u32 @p2 s15  }
0x2a: {  	s16 =	simm.s32 @p2 $0x0;
	p2 =	sgt.s32 s18, $0xC34F  }
0x2b: {  	s18 =	smov.u32 @p2 s2;
	p2 =	sne.s32 s13, s7  }
.Ltmp1:
0x2c: {  	p0 =	por !p0, !p0;
	s17 =	simm.s32 @!p1 $0x2;
	(pc) =	sbr.rel @!p2 .LBB1_13-.Ltmp1, $4  }
0x2d: {  	s15 =	smov.u32 s9;
	s9 =	smov.u32 s11;
	s14 =	sand.u32 @!p1 $0x3FFFFFF8, s14  }
0x2e: {  	s11 =	smov.u32 s16;
	_ =	swait.ge @!p1 [sflag:s17], s14;
	s19 =	ssub.s32 @!p1 $0x0, s14  }
0x2f: {  	s14 =	smov.u32 s10;
	s13 =	sadd.s32 $0x1, s13;
	[sflag:s17] =	ssyncset.done @!p1 $0x0  }
0x30: {  	s10 =	smov.u32 s12;
	s12 =	smov.u32 s18;
	[sflag:s17] =	ssyncadd.s32 @!p1 s19  }
.LBB1_1:
0x31: {  	p1 =	sge.u32 s13, s6  }
0x32: {  	p2 =	sgt.s32 @!p1 s12, $0xC2D0  }
0x33: {  	s16 =	smov.u32 s12;
	s18 =	smov.u32 s11;
	p2 =	por !p2, p1  }
0x34: {  	s17 =	sshra.s32 @!p1 s12, $0x1F;
	s16 =	simm.s32 @p2 $0xC2D0;
	p2 =	sgt.s32 @!p1 s11, $0xF  }
0x35: {  	s19 =	sshra.s32 @!p1 s11, $0x1F;
	s17 =	sand.u32 @!p1 s17, s12;
	p2 =	por !p2, p1  }
0x36: {  	s16 =	ssub.s32 @!p1 s16, s17;
	s17 =	sand.u32 @!p1 s19, s11;
	s18 =	simm.s32 @p2 $0xF  }
0x37: {  	s19 =	sshll.u32 @!p1 s11, $0x4;
	s16 =	sadd.s32 @!p1 $0xFFFF3D30, s16;
	s17 =	ssub.s32 @!p1 s18, s17  }
0x38: {  	p2 =	sgt.s32 @!p1 s16, $0x7F;
	s16 =	sshll.u32 @!p1 s16, $0x5;
	s18 =	sadd.s32 @!p1 $0xFFFFFFF1, s17  }
0x39: {  	s17 =	ssub.s32 @!p1 $0x10, s17;
	s16 =	ssub.s32 @!p1 $0x1000, s16;
	p3 =	sgt.s32 @!p1 s18, $0x0  }
0x3a: {  	p2 =	por !p2, p1;
	s18 =	sxor.u32 @!p1 $0xFFFFFFFF, s13;
	p3 =	por !p3, p1  }
0x3b: {  	s16 =	simm.s32 @!p2 $0x0;
	s18 =	sshll.u32 @!p1 s18, $0xC;
	s17 =	simm.s32 @!p3 $0x0  }
0x3c: {  	s16 =	smul.u32 @!p1 s17, s16;
	s17 =	sand.u32 @!p1 $0x1000, s18;
	s18 =	sshll.u32 @!p1 s12, $0x8  }
0x3d: {  	s20 =	simm.s32 @!p1 $0x800;
	s19 =	sand.u32 @!p1 $0xF0, s19;
	s18 =	sadd.s32 @!p1 s5, s18  }
0x3e: {  	s16 =	sand.u32 @!p1 $0x3FFFFFE0, s16;
	s18 =	sadd.s32 @!p1 s19, s18;
	s19 =	simm.s32 @!p1 $0x20  }
0x3f: {  	[tilespmem:s17], [sflag:$0x1] =	stream.strided.gather @!p1 [hbm4b:s18+s19], s16, s20, s19, $0x38;
	[tilespmem:$0x4040] =	vst v63  }
0x40: {  	p1 =	seq.s32 s13, $0x0  }
0x41: {  	p2 =	sge.u32 @!p1 s13, s7  }
0x42: {  	p1 =	por p1, p2  }
.Ltmp2:
0x43: {  	_ = 	snop;
	(pc) =	sbr.rel @p1 .LBB1_12-.Ltmp2, $1  }
0x44: {  	_ =	sdelay $0x3  }
0x45: {  	s16 =	ssub.s32 $0x0, s10  }
0x46: {  	s17 =	sshra.s32 s10, $0x1F;
	p1 =	sgt.s32 s10, $0xC2D0;
	s18 =	smov.u32 s10  }
0x47: {  	s30 =	ssub.s32 $0x0, s9;
	s19 =	sshra.s32 s9, $0x1F;
	s20 =	smov.u32 s9  }
0x48: {  	s16 =	sand.u32 s16, s17;
	s18 =	simm.s32 @!p1 $0xC2D0;
	p1 =	sgt.s32 s9, $0xF  }
0x49: {  	s17 =	sand.u32 s30, s19;
	s18 =	sadd.s32 s16, s18;
	s20 =	simm.s32 @!p1 $0xF  }
0x4a: {  	s21 =	sadd.s32 $0x1, s9;
	s18 =	sadd.s32 $0xFFFF3D30, s18;
	s19 =	sadd.s32 s17, s20  }
0x4b: {  	p1 =	sgt.s32 s18, $0x7F;
	s20 =	sadd.s32 $0xFFFFFFF1, s19;
	s18 =	sshll.u32 s18, $0x5  }
0x4c: {  	p2 =	sgt.s32 s20, $0x0;
	s18 =	ssub.s32 $0x1000, s18;
	s20 =	sadd.s32 $0x80, s10  }
0x4d: {  	s19 =	ssub.s32 $0x10, s19;
	s18 =	simm.s32 @p1 $0x0;
	p1 =	slt.s32 s20, $0xC350  }
0x4e: {  	s19 =	simm.s32 @p2 $0x0;
	s20 =	simm.s32 @!p1 $0xC350;
	p1 =	slt.s32 s21, $0x9  }
0x4f: {  	s18 =	smul.u32 s19, s18;
	s19 =	ssub.s32 s20, s10;
	s21 =	simm.s32 @!p1 $0x9  }
0x50: {  	s20 =	ssub.s32 s21, s9;
	p1 =	slt.s32 s19, $0x1  }
0x51: {  	p2 =	slt.s32 @!p1 s20, $0x1  }
0x52: {  	p2 =	por p1, p2  }
.Ltmp3:
0x53: {  	_ = 	snop;
	(pc) =	sbr.rel @p2 .LBB1_11-.Ltmp3, $4  }
0x54: {  	s18 =	sand.u32 $0x3FFFFFE0, s18  }
0x55: {  	_ =	swait.ge [sflag:s4], s18  }
0x56: {  	s31 =	ssub.s32 $0x0, s18;
	[sflag:s4] =	ssyncset.done $0x0  }
0x57: {  	s18 =	sand.u32 $0x1, s13;
	[sflag:s4] =	ssyncadd.s32 s31  }
0x58: {  	s21 =	simm.s32 $0x1  }
0x59: {  	s21 =	simm.s32 @!p0 $0x0  }
0x5a: {  	s21 =	smul.u32 $0x4080, s21;
	_ =	sdelay $0x1  }
0x5b: {  	s24 =	simm.s32 $0x0;
	s22 =	sshrl.u32 s21, $0x2  }
0x5c: {  	s25 =	simm.s32 $0x0;
	s21 =	sshll.u32 @!p1 s18, $0xC;
	s22 =	sor.u32 $0x2000, s22  }
.LBB1_4:
0x5d: {  	s26 =	sshll.u32 s25, $0x7  }
0x5e: {  	s27 =	sshrl.u32 s25, $0x7;
	s28 =	sshrl.u32 s25, $0x4;
	s26 =	sshra.s32 s26, $0x2  }
0x5f: {  	s27 =	sand.u32 $0x3, s27;
	s28 =	sand.u32 $0x18, s28;
	s26 =	sadd.s32 s26, s21  }
0x60: {  	s27 =	smul.u32 $0x1020, s27;
	s28 =	sxor.u32 $0x10, s28;
	v0 =	vmov s26  }
0x61: {  	s31 =	sshll.u32 s24, $0x2;
	p2 =	sne.s32 s20, $0x1;
	s28 =	smul.u32 $0x204, s28  }
.Ltmp4:
0x62: {  	s26 =	sand.u32 $0x1FC, s31;
	(pc) =	sbr.rel @!p2 .LBB1_5-.Ltmp4, $4  }
0x63: {  	s27 =	sadd.s32 s26, s27  }
0x64: {  	s29 =	sand.u32 $0xE0, s23;
	s26 =	sadd.s32 s26, s28;
	s27 =	sshrl.u32 s27, $0x2  }
0x65: {  	p1 =	por $0x0, $0x0;
	s28 =	sshrl.u32 s26, $0x2;
	s26 =	sadd.s32 s27, s22;
	v3 =	vld.idx.msk [tilespmem:v0+s29+$0x10 ss:$0x1], $0xffff  }
0x66: {  	s27 =	sadd.s32 s28, s22;
	s28 =	sadd.s32 $0xFFFFFFFF, s20;
	v4 =	vld.idx.msk [tilespmem:v0+s29+$0x0 ss:$0x1], $0xffff;
	s29 =	simm.s32 $0x20  }
0x67: {  	_ =	sdelay $0x1  }
0x68: {  	p2 =	sne.s32 s28, $0x1  }
.Ltmp5:
0x69: {  	s30 =	sand.u32 $0xE0, s29;
	(pc) =	sbr.rel @!p2 .LBB1_7-.Ltmp5, $4  }
0x6a: {  	v2 =	vld.idx.msk [tilespmem:v0+s30+$0x10 ss:$0x1], $0xffff  }
0x6b: {  	v1 =	vld.idx.msk [tilespmem:v0+s30+$0x0 ss:$0x1], $0xffff  }
0x6c: {  	s29 =	sadd.s32 $0xFFFFFFFF, s28;
	p1 =	por $0x1, $0x1;
	[tilespmem:s27+$0x0 ss:$0x81] =	vst.msk $0xffff, v3  }
0x6d: {  	s28 =	smov.u32 s26;
	s30 =	simm.s32 $0x40;
	s27 =	sadd.s32 $0x1020, s27;
	[tilespmem:s26+$0x0 ss:$0x81] =	vst.msk $0xffff, v4  }
.LBB1_8:
0x6e: {  	s31 =	sand.u32 $0xE0, s30;
	p2 =	sne.s32 s29, $0x1;
	s29 =	sadd.s32 $0xFFFFFFFF, s29  }
.Ltmp6:
0x6f: {  	s28 =	sadd.s32 $0x1020, s28;
	[tilespmem:s27+$0x0 ss:$0x81] =	vst.msk $0xffff, v2;
	v2 =	vld.idx.msk [tilespmem:v0+s31+$0x10 ss:$0x1], $0xffff;
	(pc) =	sbr.rel @p2 .LBB1_8-.Ltmp6, $2  }
0x70: {  	[tilespmem:s28+$0x0 ss:$0x81] =	vst.msk $0xffff, v1;
	v1 =	vld.idx.msk [tilespmem:v0+s31+$0x0 ss:$0x1], $0xffff;
	_ =	sdelay $0x2  }
0x71: {  	s30 =	sadd.s32 $0x20, s30;
	s27 =	sadd.s32 $0x1020, s27  }
0x72: {  	_ = 	snop  }
0x73: {  	v3 =	vmov v2;
	v4 =	vmov v1  }
.LBB1_10:
0x74: {  	s28 =	sadd.s32 @p1 $0x1020, s28;
	s25 =	sadd.s32 $0x1, s25  }
0x75: {  	s26 =	smov.u32 @p1 s28;
	p1 =	sne.s32 s25, s19  }
.Ltmp7:
0x76: {  	_ = 	snop;
	(pc) =	sbr.rel @p1 .LBB1_4-.Ltmp7, $4  }
.Ltmp8:
0x77: {  	_ = 	snop;
	(pc) =	sbr.rel @!p1 .LBB1_11-.Ltmp8, $4  }
0x78: {  	_ = 	snop  }
0x79: {  	[tilespmem:s27+$0x0 ss:$0x81] =	vst.msk $0xffff, v3  }
0x7a: {  	s24 =	sadd.s32 $0x1, s24;
	[tilespmem:s26+$0x0 ss:$0x81] =	vst.msk $0xffff, v4  }
0x7b: {  	_ = 	snop  }
.LBB1_5:
.Ltmp9:
0x7c: {  	(pc) =	sbr.rel .LBB1_10-.Ltmp9, $2  }
0x7d: {  	_ =	sdelay $0x2  }
0x7e: {  	s28 =	smov.u32 s26  }
.LBB1_7:
.Ltmp10:
0x7f: {  	(pc) =	sbr.rel .LBB1_10-.Ltmp10, $2  }
0x80: {  	_ =	sdelay $0x2  }
0x81: {  	s28 =	smov.u32 s26;
	v3 =	vmov v2;
	v4 =	vmov v1  }
.LBB1_13:
0x82: {  	_ =	sfence.sel $0x180000  }
0x83: {  	s2 =	simm.s32 $0x1;
	[bflag:$0x0] =	sbarrier.arrive $0xFFFF  }
0x84: {  	s31 =	simm.s32 $0x2;
	[sflag:s2] =	ssyncpa.u1 $0x1  }
0x85: {  	[sflag:s31] =	ssyncpa.u1 $0x1  }
0x86: {  	p0 =	sne.s32 s0, $0x0;
	_ =	strace $0x9000004A  }
0x87: {  	s0 =	sadd.s32 @!p0 $0x100000, s1;
	[bflag:$0x2] =	sbarrier.arrive $0xFFFF  }
0x88: {  	[sflag:s0] =	ssyncadd.tile.s32 @!p0 $0x1;
	_ =	shalt  }
.Lfunc_end1:
_tile_overlayer_lowered:
.L_overlay_start_2:
0x89: {  	(tag) =	ssettag $0x2  }
0x8a: {  	s0 =	rddreg [dreg:$0x0];
	s2 =	stileid.u32  }
0x8b: {  	s1 =	rddreg [dreg:$0x1];
	p0 =	sne.s32 s2, $0x0  }
0x8c: {  	s3 =	rddreg [dreg:$0x2];
	[bflag:$0x3] =	sbarrier.arrive $0xFFFF;
	s2 =	simm.s32 @!p0 $0x1C01  }
0x8d: {  	[timem:s3], [sflag:s2] =	dma.local @!p0 [hbm:s0], s1  }
0x8e: {  	s0 =	simm.s32 @!p0 $0x1  }
0x8f: {  	_ =	swait.ge @!p0 [sflag:s0], s1  }
0x90: {  	s1 =	ssub.s32 @!p0 $0x0, s1;
	[sflag:s0] =	ssyncset.done @!p0 $0x0  }
0x91: {  	[sflag:s0] =	ssyncadd.s32 @!p0 s1  }
0x92: {  	[bflag:$0x3] =	sbarrier.arrive $0xFFFF  }
0x93: {  	_ =	shalt  }

// kernel: sparse-core-data-format-call.cloned.1.call-start
scs
called_computation_lowered:
.L_overlay_start_0:
0x0: {  	s2 =	sld [smem:$0x3FD9]  }
0x1: {  	s3 =	sld [smem:$0x3FFE];
	_ =	sdelay $0x1  }
0x2: {  	s1 =	srdreg.scid  }
0x3: {  	s0 =	sand.u32 $0x1, s1  }
0x4: {  	s16 =	sshll.u32 s0, $0xA;
	s2 =	sadd.s32 s3, s2  }
0x5: {  	s2 =	sadd.s32 s2, s16  }
0x6: {  	[smem:$0x3FC4] =	sst s2  }
0x7: {  	_ = 	snop  }
0x8: {  	s2 =	sld [smem:$0x3FD0];
	_ =	sdelay $0x2  }
0x9: {  	s17 =	simm.s32 $0xB;
	s4 =	simm.s32 $0x10  }
0xa: {  	[smem:s4], [sflag:s17] =	dma.local [hbm:s2], $0x1  }
0xb: {  	_ =	swait.eq [sflag:s17], $0x1  }
0xc: {  	[sflag:s17] =	ssyncset.done $0x0  }
0xd: {  	[sflag:s17] =	ssyncadd.s32 $0xFFFFFFFF  }
0xe: {  	s18 =	sld [smem:$0x11];
	(tm) =	ssettm $0x1  }
0xf: {  	s19 =	sld [smem:$0x3FFB];
	_ =	sdelay $0x3  }
0x10: {  	_ =	strace s19  }
0x11: {  	s2 =	sld [smem:$0x3FFC];
	_ =	sdelay $0x3  }
0x12: {  	_ =	strace s2  }
0x13: {  	s2 =	sld [smem:$0x3FFD];
	_ =	sdelay $0x3  }
0x14: {  	_ =	strace s2  }
0x15: {  	_ =	strace $0x8FFFFFFF  }
0x16: {  	s20 =	sld [smem:$0x3FDB];
	_ =	sdelay $0x1  }
0x17: {  	s21 =	simm.s32 $_scs_section_size  }
0x18: {  	s5 =	simm.s32 $_size__tile_overlayer_lowered;
	s6 =	simm.s32 $_tile_overlayer_lowered  }
0x19: {  	s7 =	simm.s32 $0x1BFF;
	s22 =	sshll.u32 s6, $0x1;
	s4 =	sadd.s32 s21, s20  }
0x1a: {  	s23 =	simm.s32 $0x0;
	s5 =	sshll.u32 s5, $0x1;
	s6 =	sadd.s32 s22, s4  }
0x1b: {  	[timem:s23], [sflag:s7] =	dma.local [hbm:s6], s5  }
0x1c: {  	_ =	swait.ge [sflag:s7], s5  }
0x1d: {  	s5 =	ssub.s32 $0x0, s5;
	[sflag:s7] =	ssyncset.done $0x0  }
0x1e: {  	[sflag:s7] =	ssyncadd.s32 s5;
	_ =	sdelay $0x1  }
0x1f: {  	s24 =	simm.s32 $0x1B8B  }
0x20: {  	_ =	swait.ge [sflag:s24], $0x1  }
0x21: {  	[sflag:s24] =	ssyncset.done $0x0  }
0x22: {  	[sflag:s24] =	ssyncadd.s32 $0xFFFFFFFF  }
0x23: {  	s5 =	sld [smem:$0x0]  }
0x24: {  	s6 =	sand.u32 $0xFFFFFFFE, s1  }
0x25: {  	p0 =	sne.s32 s1, s6  }
0x26: {  	s6 =	sshll.u32 @p0 s6, $0xE  }
0x27: {  	s6 =	sadd.s32 @p0 $0x11B8D, s6;
	s7 =	sshll.u32 @p0 s5, $0x11  }
0x28: {  	s6 =	sor.u32 @p0 s7, s6  }
0x29: {  	[sflag:s6] =	ssyncadd.remote.s32 @p0 $0x1;
	_ =	sdelay $0x1  }
0x2a: {  	s6 =	simm.s32 @p0 $0x1B8D  }
0x2b: {  	_ =	swait.eq @p0 [sflag:s6], $0x1  }
0x2c: {  	[sflag:s6] =	ssyncadd.s32 @p0 $0xFFFFFFFF  }
0x2d: {  	s7 =	sshll.u32 @!p0 s1, $0xE  }
0x2e: {  	s7 =	sor.u32 @!p0 $0x4000, s7;
	s6 =	simm.s32 @!p0 $0x1B8D  }
0x2f: {  	s5 =	sshll.u32 @!p0 s5, $0x11;
	s7 =	sadd.s32 @!p0 $0x11B8D, s7;
	_ =	swait.eq @!p0 [sflag:s6], $0x1  }
0x30: {  	s5 =	sor.u32 @!p0 s5, s7;
	[sflag:s6] =	ssyncadd.s32 @!p0 $0xFFFFFFFF  }
0x31: {  	s26 =	simm.s32 $0x1B8E;
	s25 =	sld [smem:$0x3FFE];
	[sflag:s5] =	ssyncadd.remote.s32 @!p0 $0x1  }
0x32: {  	s27 =	simm.s32 $execute0_lowered;
	[smem:$0x3FD2] =	sst s26  }
0x33: {  	s6 =	sshll.u32 s27, $0x1;
	_ =	strace $0x8000004C;
	[dreg:$0x1] =	wrdreg $0xFFFFFFFF  }
0x34: {  	s28 =	simm.s32 $_size_execute0_lowered;
	s4 =	sadd.s32 s4, s6;
	[dreg:$0x0] =	wrdreg $0x0  }
0x35: {  	s6 =	sshll.u32 s28, $0x1;
	[dreg:$0x2] =	wrdreg s4  }
0x36: {  	[dreg:$0x3] =	wrdreg s6  }
0x37: {  	[dreg:$0x4] =	wrdreg $0xC0  }
0x38: {  	_ =	task [dreg:s23], $0x5FFFF  }
0x39: {  	[dreg:$0x1] =	wrdreg $0xFFFFFFFF  }
0x3a: {  	[dreg:$0x0] =	wrdreg $0x60  }
0x3b: {  	[dreg:$0x2] =	wrdreg s25  }
0x3c: {  	[dreg:$0x3] =	wrdreg s18  }
0x3d: {  	[dreg:$0x4] =	wrdreg $0x9  }
0x3e: {  	_ =	task.clear_ibuf [dreg:s23], $0x5FFFF;
	_ =	strace $0x9000004C  }
0x3f: {  	s29 =	simm.s32 $0x9;
	_ =	strace $0x8000004E  }
0x40: {  	_ =	swait.ge [sflag:s29], $0x1  }
0x41: {  	[sflag:s29] =	ssyncadd.s32 $0xFFFFFFFF  }
0x42: {  	_ =	strace $0x9000004E  }
0x43: {  	_ =	sfence  }
0x44: {  	s30 =	sld [smem:$0x0];
	_ =	sdelay $0x2  }
0x45: {  	s31 =	sshll.u32 s1, $0xD;
	s1 =	sshrl.u32 s1, $0x2  }
0x46: {  	s4 =	sand.u32 $0x4000, s31;
	s1 =	sadd.s32 s1, s30  }
0x47: {  	s0 =	sor.u32 s4, s0;
	s1 =	sshll.u32 s1, $0x11  }
0x48: {  	s0 =	sor.u32 s1, s0  }
0x49: {  	s0 =	sadd.s32 $0x8F2B, s0  }
0x4a: {  	[sflag:s0] =	ssyncadd.remote.s32 $0x1  }
0x4b: {  	_ =	sfence.sel $0xFFFF  }
0x4c: {  	[dreg:$0x0] =	wrdreg $0xFFFFFFFF;
	(pc) =	sbr.abs _section_cstart, $3  }
0x4d: {  	[dreg:$0x1] =	wrdreg $0xFFFFFFFF  }
0x4e: {  	_ =	task.clear_ibuf [dreg:s23], $0x2FFFF;
	_ =	strace $0x9FFFFFFF  }
0x4f: {  	(tm) =	ssettm $0x7FFFFFFF  }
tec
execute0_lowered:
.L_overlay_start_1:
0x0: {  	(tag) =	ssettag $0x1  }
0x1: {  	s0 =	srdreg.scid;
	s5 =	rddreg [dreg:$0x0]  }
0x2: {  	s3 =	rddreg [dreg:$0x1];
	s1 =	sshll.u32 s0, $0x4  }
0x3: {  	s31 =	simm.s32 $0x2;
	s0 =	stileid.u32;
	s1 =	sand.u32 $0x10, s1  }
0x4: {  	s12 =	simm.s32 $0x0;
	p0 =	por $0x0, $0x0;
	s1 =	sor.u32 s0, s1  }
0x5: {  	s8 =	simm.s32 $0x61C00;
	s13 =	simm.s32 $0x0;
	s2 =	sshll.u32 s1, $0x7  }
.Ltmp0:
0x6: {  	s9 =	simm.s32 $0x0;
	s4 =	ssub.s32 $0xC300, s2;
	(pc) =	sbr.rel .LBB1_1-.Ltmp0, $4  }
0x7: {  	s11 =	simm.s32 $0x0;
	s1 =	rddreg [dreg:$0x2];
	s6 =	sshrl.u32 s4, $0xC  }
0x8: {  	_ =	strace $0x8000004D;
	s4 =	simm.s32 $0x1;
	s7 =	smul.u32 $0x9, s6  }
0x9: {  	s5 =	sadd.s32 $0xC6AA00, s5;
	s10 =	smov.u32 s2;
	[sflag:s4] =	ssyncpa.u1 $0x0  }
0xa: {  	[sflag:s31] =	ssyncpa.u1 $0x0;
	s6 =	sadd.s32 $0x9, s7;
	s7 =	sadd.s32 $0xA, s7  }
.LBB1_5:
0xb: {  	s14 =	sadd.s32 $0x1, s9  }
0xc: {  	s12 =	sadd.s32 $0x1000, s10;
	s16 =	smov.u32 s10;
	p2 =	sgt.s32 s14, $0x8  }
0xd: {  	s16 =	smov.u32 @p2 s12  }
0xe: {  	s14 =	simm.s32 @p2 $0x0;
	p2 =	sgt.s32 s16, $0xC34F  }
0xf: {  	s16 =	smov.u32 @p2 s2;
	p2 =	sne.s32 s11, s7  }
.Ltmp1:
0x10: {  	p1 =	slt.u32 s11, $0x2;
	(pc) =	sbr.rel @!p2 .LBB1_6-.Ltmp1, $4  }
0x11: {  	s15 =	simm.s32 @!p1 $0x2  }
0x12: {  	s13 =	smov.u32 s10;
	p0 =	por !p0, !p0;
	_ =	swait.ge @!p1 [sflag:s15], $0x1000  }
0x13: {  	s12 =	smov.u32 s9;
	[sflag:s15] =	ssyncset.done @!p1 $0x0;
	s9 =	smov.u32 s14  }
0x14: {  	s11 =	sadd.s32 $0x1, s11;
	[sflag:s15] =	ssyncadd.s32 @!p1 $0xFFFFF000;
	s10 =	smov.u32 s16  }
.LBB1_1:
0x15: {  	p1 =	sge.u32 s11, s6  }
0x16: {  	p2 =	sgt.s32 @!p1 s10, $0xC2D0  }
0x17: {  	s14 =	smov.u32 s10;
	s16 =	smov.u32 s9;
	p2 =	por !p2, p1  }
0x18: {  	s15 =	sshra.s32 @!p1 s10, $0x1F;
	s14 =	simm.s32 @p2 $0xC2D0;
	p2 =	sgt.s32 @!p1 s9, $0xF  }
0x19: {  	s17 =	sshra.s32 @!p1 s9, $0x1F;
	s15 =	sand.u32 @!p1 s15, s10;
	p2 =	por !p2, p1  }
0x1a: {  	s14 =	ssub.s32 @!p1 s14, s15;
	s15 =	sand.u32 @!p1 s17, s9;
	s16 =	simm.s32 @p2 $0xF  }
0x1b: {  	s17 =	sshll.u32 @!p1 s9, $0x4;
	s14 =	sadd.s32 @!p1 $0xFFFF3D30, s14;
	s15 =	ssub.s32 @!p1 s16, s15  }
0x1c: {  	p2 =	sgt.s32 @!p1 s14, $0x7F;
	s14 =	sshll.u32 @!p1 s14, $0x5;
	s16 =	sadd.s32 @!p1 $0xFFFFFFF1, s15  }
0x1d: {  	s15 =	ssub.s32 @!p1 $0x10, s15;
	s14 =	ssub.s32 @!p1 $0x1000, s14;
	p3 =	sgt.s32 @!p1 s16, $0x0  }
0x1e: {  	p2 =	por !p2, p1;
	s16 =	sxor.u32 @!p1 $0xFFFFFFFF, s11;
	p3 =	por !p3, p1  }
0x1f: {  	s14 =	simm.s32 @!p2 $0x0;
	s16 =	sshll.u32 @!p1 s16, $0xC;
	s15 =	simm.s32 @!p3 $0x0  }
0x20: {  	s14 =	smul.u32 @!p1 s15, s14;
	s15 =	sand.u32 @!p1 $0x1000, s16;
	s16 =	sshll.u32 @!p1 s10, $0x8  }
0x21: {  	s18 =	simm.s32 @!p1 $0x800;
	s17 =	sand.u32 @!p1 $0xF0, s17;
	s16 =	sadd.s32 @!p1 s5, s16  }
0x22: {  	s14 =	sand.u32 @!p1 $0x3FFFFFE0, s14;
	s16 =	sadd.s32 @!p1 s17, s16;
	s17 =	simm.s32 @!p1 $0x20  }
0x23: {  	[tilespmem:s15], [sflag:$0x1] =	stream.strided.gather @!p1 [hbm4b:s16+s17], s14, s18, s17, $0x38;
	[tilespmem:$0x4040] =	vst v63  }
0x24: {  	p1 =	seq.s32 s11, $0x0  }
0x25: {  	p2 =	sge.u32 @!p1 s11, s7  }
0x26: {  	p1 =	por p1, p2  }
.Ltmp2:
0x27: {  	_ = 	snop;
	(pc) =	sbr.rel @p1 .LBB1_5-.Ltmp2, $1  }
0x28: {  	_ =	sdelay $0x3  }
0x29: {  	p1 =	sgt.s32 s13, $0xC2D0;
	s14 =	smov.u32 s13  }
0x2a: {  	s15 =	sshra.s32 s13, $0x1F;
	s16 =	smov.u32 s12;
	s17 =	sshra.s32 s12, $0x1F  }
0x2b: {  	s14 =	simm.s32 @!p1 $0xC2D0;
	s15 =	sand.u32 s15, s13;
	p1 =	sgt.s32 s12, $0xF  }
0x2c: {  	s27 =	sand.u32 s17, s12;
	s14 =	ssub.s32 s14, s15;
	s16 =	simm.s32 @!p1 $0xF  }
0x2d: {  	s14 =	sadd.s32 $0xFFFF3D30, s14;
	s15 =	ssub.s32 s16, s27  }
0x2e: {  	p1 =	sgt.s32 s14, $0x7F;
	s16 =	sadd.s32 $0xFFFFFFF1, s15;
	s14 =	sshll.u32 s14, $0x5  }
0x2f: {  	s15 =	ssub.s32 $0x10, s15;
	p2 =	sgt.s32 s16, $0x0;
	s14 =	ssub.s32 $0x1000, s14  }
0x30: {  	s15 =	simm.s32 @p2 $0x0;
	s14 =	simm.s32 @p1 $0x0  }
0x31: {  	s14 =	smul.u32 s15, s14;
	_ =	sdelay $0x1  }
0x32: {  	s15 =	simm.s32 $0x1;
	s14 =	sand.u32 $0x3FFFFFE0, s14  }
0x33: {  	s15 =	simm.s32 @!p0 $0x0;
	_ =	swait.ge [sflag:s4], s14  }
0x34: {  	s28 =	sshll.u32 s15, $0xC;
	s14 =	ssub.s32 $0x0, s14;
	[sflag:s4] =	ssyncset.done $0x0  }
0x35: {  	s18 =	sor.u32 $0x10, s28;
	[sflag:s4] =	ssyncadd.s32 s14  }
0x36: {  	s29 =	smul.u32 $0x4080, s15;
	v1 =	vld [tilespmem:s18+$0x0]  }
0x37: {  	s30 =	sand.u32 $0x1, s11;
	v0 =	vld [tilespmem:s18+$0xFFFFFFF0]  }
0x38: {  	s15 =	smul.u32 $0x4080, s30;
	s14 =	sshrl.u32 s29, $0x2  }
0x39: {  	s16 =	sor.u32 $0x2000, s14  }
0x3a: {  	s31 =	sshrl.u32 s15, $0x2;
	s15 =	sadd.s32 $0x0, s16  }
0x3b: {  	s17 =	simm.s32 $0x4;
	s14 =	sor.u32 $0x2000, s31;
	s18 =	sadd.s32 $0x20, s18;
	[tilespmem:s15+$0x810 ss:$0x81] =	vst.msk $0xffff, v1  }
.LBB1_3:
0x3c: {  	v1 =	vld [tilespmem:s18+$0x0];
	p1 =	sne.s32 s17, $0x1FC;
	[tilespmem:s15+$0x0 ss:$0x81] =	vst.msk $0xffff, v0;
	s15 =	smov.u32 s17;
	s17 =	sadd.s32 $0x4, s17  }
.Ltmp3:
0x3d: {  	v0 =	vld [tilespmem:s18+$0xFFFFFFF0];
	(pc) =	sbr.rel @p1 .LBB1_3-.Ltmp3, $4  }
0x3e: {  	_ = 	snop  }
0x3f: {  	s15 =	sshra.s32 s15, $0x2  }
0x40: {  	s15 =	sadd.s32 s15, s16  }
0x41: {  	s18 =	sadd.s32 $0x20, s18;
	[tilespmem:s15+$0x810 ss:$0x81] =	vst.msk $0xffff, v1  }
0x42: {  	s16 =	sshll.u32 s13, $0x3  }
0x43: {  	s29 =	sand.u32 $0x7F, s13;
	s16 =	sand.u32 $0xFFFFFC00, s16  }
0x44: {  	s13 =	sor.u32 s29, s16;
	s16 =	smulhi.u32 $0xA79C7B17, s16  }
0x45: {  	s17 =	smulhi.u32 $0xA79C7B17, s13;
	_ =	sdelay $0x1  }
0x46: {  	s12 =	smul.u32 $0x30E00, s12;
	s16 =	sshrl.u32 s16, $0xF;
	s17 =	sshrl.u32 s17, $0xF  }
0x47: {  	s16 =	sand.u32 $0x1F, s16;
	s17 =	smul.u32 $0xC380, s17  }
0x48: {  	s16 =	smul.u32 $0x1870, s16  }
.Ltmp4:
0x49: {  	s13 =	ssub.s32 s13, s17;
	(pc) =	sbr.rel .LBB1_5-.Ltmp4, $4  }
0x4a: {  	s12 =	sadd.s32 s3, s12;
	s17 =	sand.u32 $0x7, s13  }
0x4b: {  	s12 =	sadd.s32 s16, s12;
	s13 =	sshrl.u32 s13, $0x3;
	s30 =	sshll.u32 s17, $0x12  }
0x4c: {  	[tilespmem:s15+$0x0 ss:$0x81] =	vst.msk $0xffff, v0;
	s12 =	sadd.s32 s13, s12;
	s31 =	sor.u32 $0x400, s30  }
0x4d: {  	[hbm4b:s12+s31] =	stream.strided.scatter [tilespmem:s14], [sflag:$0x2], $0x1000, s8, s31, $0x20;
	[tilespmem:$0x4040] =	vst v63  }
.LBB1_6:
0x4e: {  	_ =	sfence.sel $0x180000  }
0x4f: {  	s2 =	simm.s32 $0x1;
	[bflag:$0x0] =	sbarrier.arrive $0xFFFF  }
0x50: {  	s31 =	simm.s32 $0x2;
	[sflag:s2] =	ssyncpa.u1 $0x1  }
0x51: {  	[sflag:s31] =	ssyncpa.u1 $0x1  }
0x52: {  	p0 =	sne.s32 s0, $0x0;
	_ =	strace $0x9000004D  }
0x53: {  	s0 =	sadd.s32 @!p0 $0x100000, s1;
	[bflag:$0x2] =	sbarrier.arrive $0xFFFF  }
0x54: {  	[sflag:s0] =	ssyncadd.tile.s32 @!p0 $0x1;
	_ =	shalt  }
.Lfunc_end1:
_tile_overlayer_lowered:
.L_overlay_start_2:
0x55: {  	(tag) =	ssettag $0x2  }
0x56: {  	s0 =	rddreg [dreg:$0x0];
	s2 =	stileid.u32  }
0x57: {  	s1 =	rddreg [dreg:$0x1];
	p0 =	sne.s32 s2, $0x0  }
0x58: {  	s3 =	rddreg [dreg:$0x2];
	[bflag:$0x3] =	sbarrier.arrive $0xFFFF;
	s2 =	simm.s32 @!p0 $0x1C01  }
0x59: {  	[timem:s3], [sflag:s2] =	dma.local @!p0 [hbm:s0], s1  }
0x5a: {  	s0 =	simm.s32 @!p0 $0x1  }
0x5b: {  	_ =	swait.ge @!p0 [sflag:s0], s1  }
0x5c: {  	s1 =	ssub.s32 @!p0 $0x0, s1;
	[sflag:s0] =	ssyncset.done @!p0 $0x0  }
0x5d: {  	[sflag:s0] =	ssyncadd.s32 @!p0 s1  }
0x5e: {  	[bflag:$0x3] =	sbarrier.arrive $0xFFFF  }
0x5f: {  	_ =	shalt  }

</sc_bundles>
